<compile_context>
chip_gen: v7x
topology: tpu7x:2x2x1
jax: 0.10.2.dev20260603
libtpu: 0.0.44.dev20260713+nightly
codegen_flags: <defaults>
</compile_context>

<pallas_src>
import jax
import jax.numpy as jnp
from jax import lax
from jax.experimental import pallas as pl
from jax.experimental.pallas import tpu as pltpu
from jax.experimental.pallas import tpu_sc as plsc

D = 64
NC, NS = 2, 16
NW = NC * NS
BB = 128
S = 200


def _gather_kernel(idx_hbm, table_hbm, out_hbm,
                   idx_t, rows0, rows1, tr0, tr1, gs0, gs1, ws0, ws1):
    wid = lax.axis_index("s") * NC + lax.axis_index("c")
    b0 = wid * BB
    rows = (rows0, rows1)
    trs = (tr0, tr1)
    g_sem = (gs0, gs1)
    w_sem = (ws0, ws1)

    pltpu.sync_copy(idx_hbm.at[:, pl.ds(b0, BB)], idx_t)

    lanes = lax.iota(jnp.int32, 16)
    diag = [(lanes + d) & 15 for d in range(16)]
    lcc = [lanes + cc0 for cc0 in range(0, D, 16)]
    rct = [(lanes >> 3) + cc0 // 8 for cc0 in range(0, D, 16)]
    colbase = (lanes & 7) << 7

    def fire_gather(s, b):
        pltpu.async_copy(table_hbm.at[idx_t.at[s]], rows[b], g_sem[b])

    def drain_gather(b):
        pltpu.make_async_copy(table_hbm.at[idx_t.at[0]], rows[b],
                              g_sem[b]).wait()

    def transpose(b):
        @plsc.parallel_loop(0, 16, 1, unroll=8)
        def _t(d):
            diag_d = (lanes + d) & 15
            for bl0 in range(0, BB, 16):
                v1 = diag_d + bl0
                vc = colbase + v1
                for ci in range(D // 16):
                    v = plsc.load_gather(rows[b], [v1, lcc[ci]])
                    plsc.store_scatter(trs[b], [rct[ci], vc], v)

    def fire_wb(s, b):
        pltpu.async_copy(trs[b], out_hbm.at[s, pl.ds(0, 8), wid], w_sem[b])

    def drain_wb(b):
        pltpu.make_async_copy(trs[b], out_hbm.at[0, pl.ds(0, 8), wid],
                              w_sem[b]).wait()

    fire_gather(0, 0)
    fire_gather(1, 1)

    def pair_body(p, carry):
        for b in (0, 1):
            s = 2 * p + b
            drain_gather(b)

            @pl.when(p >= 1)
            def _():
                drain_wb(b)

            transpose(b)

            @pl.when(p <= S // 2 - 2)
            def _():
                fire_gather(s + 2, b)

            fire_wb(s, b)
        return carry

    lax.fori_loop(0, S // 2, pair_body, 0, unroll=False)

    for b in (0, 1):
        drain_wb(b)


NRT = 7812
RT_PER_W = 245


def _detile_kernel(wt_hbm, wtail_hbm, lin_hbm,
                   t0, t1, r0, r1, is0, is1, os0, os1):
    wid = lax.axis_index("s") * NC + lax.axis_index("c")
    tiles = (t0, t1)
    rls = (r0, r1)
    i_sem = (is0, is1)
    o_sem = (os0, os1)
    start = wid * RT_PER_W
    count = jnp.maximum(jnp.minimum(NRT - start, RT_PER_W), 0)

    lanes = lax.iota(jnp.int32, 16)
    diag = [(lanes + d) & 15 for d in range(16)]
    lcc = [lanes + cc0 for cc0 in range(0, D, 16)]

    @pl.when(wid == NW - 1)
    def _():
        pltpu.sync_copy(wtail_hbm, t0.at[pl.ds(0, 32)])
        pltpu.sync_copy(t0.at[pl.ds(0, 32)],
                        lin_hbm.at[pl.ds(NRT * D, 32)])

    def fire_in(i, b):
        rt = start + i
        pltpu.async_copy(wt_hbm.at[:, pl.ds(rt * 128, 128)], tiles[b],
                         i_sem[b])

    def drain_in(b):
        pltpu.make_async_copy(wt_hbm.at[:, pl.ds(0, 128)], tiles[b],
                              i_sem[b]).wait()

    def fire_out(i, b):
        rt = start + i
        pltpu.async_copy(rls[b], lin_hbm.at[pl.ds(rt * D, D)], o_sem[b])

    def drain_out(b):
        pltpu.make_async_copy(rls[b], lin_hbm.at[pl.ds(0, D)],
                              o_sem[b]).wait()

    def transpose(b):
        @plsc.parallel_loop(0, 16, 1, unroll=8)
        def _t(d):
            diag_d = (lanes + d) & 15
            for l0 in range(0, 128, 16):
                vl = diag_d + l0
                dr = vl >> 1
                dc0 = (vl & 1) << 6
                for ci in range(D // 16):
                    v = plsc.load_gather(tiles[b], [lcc[ci], vl])
                    plsc.store_scatter(rls[b], [dr, dc0 + lcc[ci]], v)

    fire_in(0, 0)
    fire_in(1, 1)

    def pair_body(p, carry):
        for b in (0, 1):
            i = 2 * p + b

            @pl.when(i < count)
            def _():
                drain_in(b)

                @pl.when(p >= 1)
                def _():
                    drain_out(b)

                transpose(b)

                @pl.when(i + 2 < count)
                def _():
                    fire_in(i + 2, b)

                fire_out(i, b)
        return carry

    lax.fori_loop(0, (RT_PER_W + 1) // 2, pair_body, 0, unroll=False)
    for b in (0, 1):
        drain_out(b)


def _detile_table(weight):
    V = weight.shape[0]
    wtail = lax.slice(weight, (NRT * 128, 0), (V, D)).reshape(32, 128)
    mesh = plsc.VectorSubcoreMesh(core_axis_name="c", subcore_axis_name="s")
    k = pl.kernel(
        _detile_kernel,
        out_type=jax.ShapeDtypeStruct((V // 2, 128), jnp.float32),
        mesh=mesh,
        scratch_types=[
            pltpu.VMEM((D, 128), jnp.float32),
            pltpu.VMEM((D, 128), jnp.float32),
            pltpu.VMEM((D, 128), jnp.float32),
            pltpu.VMEM((D, 128), jnp.float32),
            pltpu.SemaphoreType.DMA,
            pltpu.SemaphoreType.DMA,
            pltpu.SemaphoreType.DMA,
            pltpu.SemaphoreType.DMA,
        ],
        compiler_params=pltpu.CompilerParams(use_tc_tiling_on_sc=True,
                                             needs_layout_passes=False),
    )
    lin = k(weight.T, wtail)
    return lin.reshape(V, D)


def kernel(inputs, weight):
    idx_t = inputs.T.astype(jnp.int32)
    table = _detile_table(weight)

    mesh = plsc.VectorSubcoreMesh(core_axis_name="c", subcore_axis_name="s")
    k = pl.kernel(
        _gather_kernel,
        out_type=jax.ShapeDtypeStruct((S, 8, NW, 1024), jnp.float32),
        mesh=mesh,
        scratch_types=[
            pltpu.VMEM((S, BB), jnp.int32),
            pltpu.VMEM((BB, D), jnp.float32),
            pltpu.VMEM((BB, D), jnp.float32),
            pltpu.VMEM((8, 1024), jnp.float32),
            pltpu.VMEM((8, 1024), jnp.float32),
            pltpu.SemaphoreType.DMA,
            pltpu.SemaphoreType.DMA,
            pltpu.SemaphoreType.DMA,
            pltpu.SemaphoreType.DMA,
        ],
        compiler_params=pltpu.CompilerParams(use_tc_tiling_on_sc=False,
                                             needs_layout_passes=False),
    )
    out4 = k(idx_t, table)
    out5 = out4.reshape(S, 8, NW, 8, BB)
    return out5.transpose(2, 4, 0, 1, 3).reshape(
        inputs.shape[0], inputs.shape[1], D)

# --- scband reference (transcript-rebuilt; emitter-appended) ---
"""Pipeline reference for scband-tfshared-embeddings-18159121727582 (READ-ONLY COPY).

The authoritative reference and input builder live on the scoring server;
editing this copy changes nothing except your own understanding.
"""

import jax, jax.numpy as jnp
import numpy as np

VOCAB_SIZE = 1000000
HIDDEN_SIZE = 64

def setup_inputs(seed: int = 0) -> dict:
    key = jax.random.key(seed)
    k1, k2 = jax.random.split(key)
    inputs = jax.random.randint(k1, (4096, 200), 0, VOCAB_SIZE, dtype=jnp.int64 if jax.config.jax_enable_x64 else jnp.int32)
    # truncated-normal-ish init with stddev = hidden_size**-0.5
    stddev = HIDDEN_SIZE ** (-0.5)
    weight = jax.random.truncated_normal(k2, -2.0, 2.0, (VOCAB_SIZE, HIDDEN_SIZE), dtype=jnp.float32) * stddev
    return {"inputs": inputs, "weight": weight}

def reference(inputs, weight):
    # TFSharedEmbeddings.call(inputs, mode='embedding') -> tf.gather(weight, input_ids)
    return jnp.take(weight, inputs, axis=0)

if __name__ == "__main__":
    import jax
    _d = setup_inputs()
    print(jax.jit(kernel)(*tuple(_d.values())))

</pallas_src>

<mosaic_0001>
#map = affine_map<(d0, d1) -> (0, 0)>
module attributes {stable_mosaic.version = 14 : i64} {
  func.func @_detile_kernel(%arg0: i32, %arg1: i32, %arg2: memref<64x1000000xf32, #tpu.memory_space<hbm>>, %arg3: memref<32x128xf32, #tpu.memory_space<hbm>>, %arg4: memref<500000x128xf32, #tpu.memory_space<hbm>>, %arg5: memref<64x128xf32, #tpu.memory_space<vmem>>, %arg6: memref<64x128xf32, #tpu.memory_space<vmem>>, %arg7: memref<64x128xf32, #tpu.memory_space<vmem>>, %arg8: memref<64x128xf32, #tpu.memory_space<vmem>>, %arg9: memref<!tpu.dma_semaphore, #tpu.memory_space<semaphore_mem>>, %arg10: memref<!tpu.dma_semaphore, #tpu.memory_space<semaphore_mem>>, %arg11: memref<!tpu.dma_semaphore, #tpu.memory_space<semaphore_mem>>, %arg12: memref<!tpu.dma_semaphore, #tpu.memory_space<semaphore_mem>>) attributes {dimension_semantics = [#tpu.dimension_semantics<core_parallel>, #tpu.dimension_semantics<subcore_parallel>], iteration_bounds = array<i64: 2, 16>, scalar_prefetch = 0 : i64, scratch_operands = 8 : i64, tpu.core_type = #tpu.core_type<sc_vector_subcore>, window_params = [{transform_indices = #map}, {transform_indices = #map}, {transform_indices = #map}]} {
    %mul3A = arith.constant 2 : i32
    %mul3A_0 = arith.muli %arg1, %mul3A : i32
    %add3A = arith.addi %mul3A_0, %arg0 : i32
    %mul3A_1 = arith.constant 245 : i32
    %mul3A_2 = arith.muli %add3A, %mul3A_1 : i32
    %sub3A = arith.constant 7812 : i32
    %sub3A_3 = arith.subi %sub3A, %mul3A_2 : i32
    %min3A = arith.constant 245 : i32
    %min3A_4 = arith.minsi %sub3A_3, %min3A : i32
    %max3A = arith.constant 0 : i32
    %max3A_5 = arith.maxsi %min3A_4, %max3A : i32
    %iota3A = tpu.iota {dimensions = array<i32: 0>} : vector<16xi32>
    %add3A_6 = arith.constant 0 : i32
    %add3A_7 = vector.broadcast %add3A_6 : i32 to vector<16xi32>
    %add3A_8 = arith.addi %iota3A, %add3A_7 : vector<16xi32>
    %and3A = arith.constant 15 : i32
    %and3A_9 = vector.broadcast %and3A : i32 to vector<16xi32>
    %and3A_10 = arith.andi %add3A_8, %and3A_9 : vector<16xi32>
    %add3A_11 = arith.constant 1 : i32
    %add3A_12 = vector.broadcast %add3A_11 : i32 to vector<16xi32>
    %add3A_13 = arith.addi %iota3A, %add3A_12 : vector<16xi32>
    %and3A_14 = arith.constant 15 : i32
    %and3A_15 = vector.broadcast %and3A_14 : i32 to vector<16xi32>
    %and3A_16 = arith.andi %add3A_13, %and3A_15 : vector<16xi32>
    %add3A_17 = arith.constant 2 : i32
    %add3A_18 = vector.broadcast %add3A_17 : i32 to vector<16xi32>
    %add3A_19 = arith.addi %iota3A, %add3A_18 : vector<16xi32>
    %and3A_20 = arith.constant 15 : i32
    %and3A_21 = vector.broadcast %and3A_20 : i32 to vector<16xi32>
    %and3A_22 = arith.andi %add3A_19, %and3A_21 : vector<16xi32>
    %add3A_23 = arith.constant 3 : i32
    %add3A_24 = vector.broadcast %add3A_23 : i32 to vector<16xi32>
    %add3A_25 = arith.addi %iota3A, %add3A_24 : vector<16xi32>
    %and3A_26 = arith.constant 15 : i32
    %and3A_27 = vector.broadcast %and3A_26 : i32 to vector<16xi32>
    %and3A_28 = arith.andi %add3A_25, %and3A_27 : vector<16xi32>
    %add3A_29 = arith.constant 4 : i32
    %add3A_30 = vector.broadcast %add3A_29 : i32 to vector<16xi32>
    %add3A_31 = arith.addi %iota3A, %add3A_30 : vector<16xi32>
    %and3A_32 = arith.constant 15 : i32
    %and3A_33 = vector.broadcast %and3A_32 : i32 to vector<16xi32>
    %and3A_34 = arith.andi %add3A_31, %and3A_33 : vector<16xi32>
    %add3A_35 = arith.constant 5 : i32
    %add3A_36 = vector.broadcast %add3A_35 : i32 to vector<16xi32>
    %add3A_37 = arith.addi %iota3A, %add3A_36 : vector<16xi32>
    %and3A_38 = arith.constant 15 : i32
    %and3A_39 = vector.broadcast %and3A_38 : i32 to vector<16xi32>
    %and3A_40 = arith.andi %add3A_37, %and3A_39 : vector<16xi32>
    %add3A_41 = arith.constant 6 : i32
    %add3A_42 = vector.broadcast %add3A_41 : i32 to vector<16xi32>
    %add3A_43 = arith.addi %iota3A, %add3A_42 : vector<16xi32>
    %and3A_44 = arith.constant 15 : i32
    %and3A_45 = vector.broadcast %and3A_44 : i32 to vector<16xi32>
    %and3A_46 = arith.andi %add3A_43, %and3A_45 : vector<16xi32>
    %add3A_47 = arith.constant 7 : i32
    %add3A_48 = vector.broadcast %add3A_47 : i32 to vector<16xi32>
    %add3A_49 = arith.addi %iota3A, %add3A_48 : vector<16xi32>
    %and3A_50 = arith.constant 15 : i32
    %and3A_51 = vector.broadcast %and3A_50 : i32 to vector<16xi32>
    %and3A_52 = arith.andi %add3A_49, %and3A_51 : vector<16xi32>
    %add3A_53 = arith.constant 8 : i32
    %add3A_54 = vector.broadcast %add3A_53 : i32 to vector<16xi32>
    %add3A_55 = arith.addi %iota3A, %add3A_54 : vector<16xi32>
    %and3A_56 = arith.constant 15 : i32
    %and3A_57 = vector.broadcast %and3A_56 : i32 to vector<16xi32>
    %and3A_58 = arith.andi %add3A_55, %and3A_57 : vector<16xi32>
    %add3A_59 = arith.constant 9 : i32
    %add3A_60 = vector.broadcast %add3A_59 : i32 to vector<16xi32>
    %add3A_61 = arith.addi %iota3A, %add3A_60 : vector<16xi32>
    %and3A_62 = arith.constant 15 : i32
    %and3A_63 = vector.broadcast %and3A_62 : i32 to vector<16xi32>
    %and3A_64 = arith.andi %add3A_61, %and3A_63 : vector<16xi32>
    %add3A_65 = arith.constant 10 : i32
    %add3A_66 = vector.broadcast %add3A_65 : i32 to vector<16xi32>
    %add3A_67 = arith.addi %iota3A, %add3A_66 : vector<16xi32>
    %and3A_68 = arith.constant 15 : i32
    %and3A_69 = vector.broadcast %and3A_68 : i32 to vector<16xi32>
    %and3A_70 = arith.andi %add3A_67, %and3A_69 : vector<16xi32>
    %add3A_71 = arith.constant 11 : i32
    %add3A_72 = vector.broadcast %add3A_71 : i32 to vector<16xi32>
    %add3A_73 = arith.addi %iota3A, %add3A_72 : vector<16xi32>
    %and3A_74 = arith.constant 15 : i32
    %and3A_75 = vector.broadcast %and3A_74 : i32 to vector<16xi32>
    %and3A_76 = arith.andi %add3A_73, %and3A_75 : vector<16xi32>
    %add3A_77 = arith.constant 12 : i32
    %add3A_78 = vector.broadcast %add3A_77 : i32 to vector<16xi32>
    %add3A_79 = arith.addi %iota3A, %add3A_78 : vector<16xi32>
    %and3A_80 = arith.constant 15 : i32
    %and3A_81 = vector.broadcast %and3A_80 : i32 to vector<16xi32>
    %and3A_82 = arith.andi %add3A_79, %and3A_81 : vector<16xi32>
    %add3A_83 = arith.constant 13 : i32
    %add3A_84 = vector.broadcast %add3A_83 : i32 to vector<16xi32>
    %add3A_85 = arith.addi %iota3A, %add3A_84 : vector<16xi32>
    %and3A_86 = arith.constant 15 : i32
    %and3A_87 = vector.broadcast %and3A_86 : i32 to vector<16xi32>
    %and3A_88 = arith.andi %add3A_85, %and3A_87 : vector<16xi32>
    %add3A_89 = arith.constant 14 : i32
    %add3A_90 = vector.broadcast %add3A_89 : i32 to vector<16xi32>
    %add3A_91 = arith.addi %iota3A, %add3A_90 : vector<16xi32>
    %and3A_92 = arith.constant 15 : i32
    %and3A_93 = vector.broadcast %and3A_92 : i32 to vector<16xi32>
    %and3A_94 = arith.andi %add3A_91, %and3A_93 : vector<16xi32>
    %add3A_95 = arith.constant 15 : i32
    %add3A_96 = vector.broadcast %add3A_95 : i32 to vector<16xi32>
    %add3A_97 = arith.addi %iota3A, %add3A_96 : vector<16xi32>
    %and3A_98 = arith.constant 15 : i32
    %and3A_99 = vector.broadcast %and3A_98 : i32 to vector<16xi32>
    %and3A_100 = arith.andi %add3A_97, %and3A_99 : vector<16xi32>
    %add3A_101 = arith.constant 0 : i32
    %add3A_102 = vector.broadcast %add3A_101 : i32 to vector<16xi32>
    %add3A_103 = arith.addi %iota3A, %add3A_102 : vector<16xi32>
    %add3A_104 = arith.constant 16 : i32
    %add3A_105 = vector.broadcast %add3A_104 : i32 to vector<16xi32>
    %add3A_106 = arith.addi %iota3A, %add3A_105 : vector<16xi32>
    %add3A_107 = arith.constant 32 : i32
    %add3A_108 = vector.broadcast %add3A_107 : i32 to vector<16xi32>
    %add3A_109 = arith.addi %iota3A, %add3A_108 : vector<16xi32>
    %add3A_110 = arith.constant 48 : i32
    %add3A_111 = vector.broadcast %add3A_110 : i32 to vector<16xi32>
    %add3A_112 = arith.addi %iota3A, %add3A_111 : vector<16xi32>
    %eq3A = arith.constant 31 : i32
    %eq3A_113 = arith.cmpi eq, %add3A, %eq3A : i32
    %convert_element_type3A = arith.extui %eq3A_113 : i1 to i32
    %cond3A = arith.constant 0 : i32
    %cond3A_114 = arith.cmpi ne, %convert_element_type3A, %cond3A : i32
    scf.if %cond3A_114 {
      "tpu.region"() ({
        %run_scoped3A = tpu.sem_alloc : memref<!tpu.dma_semaphore, #tpu.memory_space<semaphore_mem>>
        %dma_start3A_146 = arith.constant 0 : i32
        %dma_start3A_147 = arith.constant 0 : i32
        %dma_start3A_148 = tpu.memref_slice %arg5[%dma_start3A_146, %dma_start3A_147] : memref<64x128xf32, #tpu.memory_space<vmem>> -> memref<32x128xf32, #tpu.memory_space<vmem>>
        %dma_start3A_149 = arith.constant 0 : i32
        %dma_start3A_150 = arith.constant 0 : i32
        %dma_start3A_151 = tpu.memref_slice %arg5[%dma_start3A_149, %dma_start3A_150] : memref<64x128xf32, #tpu.memory_space<vmem>> -> memref<32x128xf32, #tpu.memory_space<vmem>>
        tpu.enqueue_dma source(%arg3 : memref<32x128xf32, #tpu.memory_space<hbm>>) target(%dma_start3A_151 : memref<32x128xf32, #tpu.memory_space<vmem>>) target_semaphore(%run_scoped3A : memref<!tpu.dma_semaphore, #tpu.memory_space<semaphore_mem>>)
        %dma_wait3A_152 = arith.constant 0 : i32
        %dma_wait3A_153 = arith.constant 0 : i32
        %dma_wait3A_154 = tpu.memref_slice %arg5[%dma_wait3A_152, %dma_wait3A_153] : memref<64x128xf32, #tpu.memory_space<vmem>> -> memref<32x128xf32, #tpu.memory_space<vmem>>
        %dma_wait3A_155 = arith.constant 0 : i32
        %dma_wait3A_156 = arith.constant 0 : i32
        %dma_wait3A_157 = tpu.memref_slice %arg5[%dma_wait3A_155, %dma_wait3A_156] : memref<64x128xf32, #tpu.memory_space<vmem>> -> memref<32x128xf32, #tpu.memory_space<vmem>>
        tpu.wait_dma2 semaphore(%run_scoped3A : memref<!tpu.dma_semaphore, #tpu.memory_space<semaphore_mem>>) src(%arg3 : memref<32x128xf32, #tpu.memory_space<hbm>>) dst(%dma_wait3A_157 : memref<32x128xf32, #tpu.memory_space<vmem>>)
        tpu.yield
      }) : () -> ()
      "tpu.region"() ({
        %run_scoped3A = tpu.sem_alloc : memref<!tpu.dma_semaphore, #tpu.memory_space<semaphore_mem>>
        %dma_start3A_146 = arith.constant 0 : i32
        %dma_start3A_147 = arith.constant 0 : i32
        %dma_start3A_148 = tpu.memref_slice %arg5[%dma_start3A_146, %dma_start3A_147] : memref<64x128xf32, #tpu.memory_space<vmem>> -> memref<32x128xf32, #tpu.memory_space<vmem>>
        %dma_start3A_149 = arith.constant 499968 : i32
        %dma_start3A_150 = arith.constant 0 : i32
        %dma_start3A_151 = tpu.memref_slice %arg4[%dma_start3A_149, %dma_start3A_150] : memref<500000x128xf32, #tpu.memory_space<hbm>> -> memref<32x128xf32, #tpu.memory_space<hbm>>
        %dma_start3A_152 = arith.constant 499968 : i32
        %dma_start3A_153 = arith.constant 0 : i32
        %dma_start3A_154 = tpu.memref_slice %arg4[%dma_start3A_152, %dma_start3A_153] : memref<500000x128xf32, #tpu.memory_space<hbm>> -> memref<32x128xf32, #tpu.memory_space<hbm>>
        %dma_start3A_155 = arith.constant 0 : i32
        %dma_start3A_156 = arith.constant 0 : i32
        %dma_start3A_157 = tpu.memref_slice %arg5[%dma_start3A_155, %dma_start3A_156] : memref<64x128xf32, #tpu.memory_space<vmem>> -> memref<32x128xf32, #tpu.memory_space<vmem>>
        tpu.enqueue_dma source(%dma_start3A_157 : memref<32x128xf32, #tpu.memory_space<vmem>>) target(%dma_start3A_154 : memref<32x128xf32, #tpu.memory_space<hbm>>) target_semaphore(%run_scoped3A : memref<!tpu.dma_semaphore, #tpu.memory_space<semaphore_mem>>)
        %dma_wait3A_158 = arith.constant 0 : i32
        %dma_wait3A_159 = arith.constant 0 : i32
        %dma_wait3A_160 = tpu.memref_slice %arg5[%dma_wait3A_158, %dma_wait3A_159] : memref<64x128xf32, #tpu.memory_space<vmem>> -> memref<32x128xf32, #tpu.memory_space<vmem>>
        %dma_wait3A_161 = arith.constant 499968 : i32
        %dma_wait3A_162 = arith.constant 0 : i32
        %dma_wait3A_163 = tpu.memref_slice %arg4[%dma_wait3A_161, %dma_wait3A_162] : memref<500000x128xf32, #tpu.memory_space<hbm>> -> memref<32x128xf32, #tpu.memory_space<hbm>>
        %dma_wait3A_164 = arith.constant 499968 : i32
        %dma_wait3A_165 = arith.constant 0 : i32
        %dma_wait3A_166 = tpu.memref_slice %arg4[%dma_wait3A_164, %dma_wait3A_165] : memref<500000x128xf32, #tpu.memory_space<hbm>> -> memref<32x128xf32, #tpu.memory_space<hbm>>
        %dma_wait3A_167 = arith.constant 0 : i32
        %dma_wait3A_168 = arith.constant 0 : i32
        %dma_wait3A_169 = tpu.memref_slice %arg5[%dma_wait3A_167, %dma_wait3A_168] : memref<64x128xf32, #tpu.memory_space<vmem>> -> memref<32x128xf32, #tpu.memory_space<vmem>>
        tpu.wait_dma2 semaphore(%run_scoped3A : memref<!tpu.dma_semaphore, #tpu.memory_space<semaphore_mem>>) src(%dma_wait3A_169 : memref<32x128xf32, #tpu.memory_space<vmem>>) dst(%dma_wait3A_166 : memref<32x128xf32, #tpu.memory_space<hbm>>)
        tpu.yield
      }) : () -> ()
    } else {
    }
    %add3A_115 = arith.constant 0 : i32
    %add3A_116 = arith.addi %mul3A_2, %add3A_115 : i32
    %mul3A_117 = arith.constant 128 : i32
    %mul3A_118 = arith.muli %add3A_116, %mul3A_117 : i32
    %dma_start3A = arith.constant 0 : i32
    %dma_start3A_119 = tpu.memref_slice %arg2[%dma_start3A, %mul3A_118] : memref<64x1000000xf32, #tpu.memory_space<hbm>> -> memref<64x128xf32, #tpu.memory_space<hbm>>
    %dma_start3A_120 = arith.constant 0 : i32
    %dma_start3A_121 = tpu.memref_slice %arg2[%dma_start3A_120, %mul3A_118] : memref<64x1000000xf32, #tpu.memory_space<hbm>> -> memref<64x128xf32, #tpu.memory_space<hbm>>
    tpu.enqueue_dma source(%dma_start3A_121 : memref<64x128xf32, #tpu.memory_space<hbm>>) target(%arg5 : memref<64x128xf32, #tpu.memory_space<vmem>>) target_semaphore(%arg9 : memref<!tpu.dma_semaphore, #tpu.memory_space<semaphore_mem>>)
    %add3A_122 = arith.constant 1 : i32
    %add3A_123 = arith.addi %mul3A_2, %add3A_122 : i32
    %mul3A_124 = arith.constant 128 : i32
    %mul3A_125 = arith.muli %add3A_123, %mul3A_124 : i32
    %dma_start3A_126 = arith.constant 0 : i32
    %dma_start3A_127 = tpu.memref_slice %arg2[%dma_start3A_126, %mul3A_125] : memref<64x1000000xf32, #tpu.memory_space<hbm>> -> memref<64x128xf32, #tpu.memory_space<hbm>>
    %dma_start3A_128 = arith.constant 0 : i32
    %dma_start3A_129 = tpu.memref_slice %arg2[%dma_start3A_128, %mul3A_125] : memref<64x1000000xf32, #tpu.memory_space<hbm>> -> memref<64x128xf32, #tpu.memory_space<hbm>>
    tpu.enqueue_dma source(%dma_start3A_129 : memref<64x128xf32, #tpu.memory_space<hbm>>) target(%arg6 : memref<64x128xf32, #tpu.memory_space<vmem>>) target_semaphore(%arg10 : memref<!tpu.dma_semaphore, #tpu.memory_space<semaphore_mem>>)
    %scan3A = arith.constant 0 : i32
    %scan3A_130 = arith.constant 0 : i32
    %scan3A_131 = arith.constant 123 : i32
    %scan3A_132 = arith.addi %scan3A_130, %scan3A_131 : i32
    %scan3A_133 = arith.constant 1 : i32
    scf.for %scan3A_146 = %scan3A_130 to %scan3A_132 step %scan3A_133  : i32 {
      %mul3A_147 = arith.constant 2 : i32
      %mul3A_148 = arith.muli %mul3A_147, %scan3A_146 : i32
      %add3A_149 = arith.constant 0 : i32
      %add3A_150 = arith.addi %mul3A_148, %add3A_149 : i32
      %lt3A = arith.cmpi slt, %add3A_150, %max3A_5 : i32
      %convert_element_type3A_151 = arith.extui %lt3A : i1 to i32
      %cond3A_152 = arith.constant 0 : i32
      %cond3A_153 = arith.cmpi ne, %convert_element_type3A_151, %cond3A_152 : i32
      scf.if %cond3A_153 {
        %dma_wait3A_162 = arith.constant 0 : i32
        %dma_wait3A_163 = arith.constant 0 : i32
        %dma_wait3A_164 = tpu.memref_slice %arg2[%dma_wait3A_162, %dma_wait3A_163] : memref<64x1000000xf32, #tpu.memory_space<hbm>> -> memref<64x128xf32, #tpu.memory_space<hbm>>
        %dma_wait3A_165 = arith.constant 0 : i32
        %dma_wait3A_166 = arith.constant 0 : i32
        %dma_wait3A_167 = tpu.memref_slice %arg2[%dma_wait3A_165, %dma_wait3A_166] : memref<64x1000000xf32, #tpu.memory_space<hbm>> -> memref<64x128xf32, #tpu.memory_space<hbm>>
        tpu.wait_dma2 semaphore(%arg9 : memref<!tpu.dma_semaphore, #tpu.memory_space<semaphore_mem>>) src(%dma_wait3A_167 : memref<64x128xf32, #tpu.memory_space<hbm>>) dst(%arg5 : memref<64x128xf32, #tpu.memory_space<vmem>>)
        %ge3A = arith.constant 1 : i32
        %ge3A_168 = arith.cmpi sge, %scan3A_146, %ge3A : i32
        %convert_element_type3A_169 = arith.extui %ge3A_168 : i1 to i32
        %cond3A_170 = arith.constant 0 : i32
        %cond3A_171 = arith.cmpi ne, %convert_element_type3A_169, %cond3A_170 : i32
        scf.if %cond3A_171 {
          %dma_wait3A_187 = arith.constant 0 : i32
          %dma_wait3A_188 = arith.constant 0 : i32
          %dma_wait3A_189 = tpu.memref_slice %arg4[%dma_wait3A_187, %dma_wait3A_188] : memref<500000x128xf32, #tpu.memory_space<hbm>> -> memref<64x128xf32, #tpu.memory_space<hbm>>
          %dma_wait3A_190 = arith.constant 0 : i32
          %dma_wait3A_191 = arith.constant 0 : i32
          %dma_wait3A_192 = tpu.memref_slice %arg4[%dma_wait3A_190, %dma_wait3A_191] : memref<500000x128xf32, #tpu.memory_space<hbm>> -> memref<64x128xf32, #tpu.memory_space<hbm>>
          tpu.wait_dma2 semaphore(%arg11 : memref<!tpu.dma_semaphore, #tpu.memory_space<semaphore_mem>>) src(%arg7 : memref<64x128xf32, #tpu.memory_space<vmem>>) dst(%dma_wait3A_192 : memref<64x128xf32, #tpu.memory_space<hbm>>)
        } else {
        }
        %parallel_loop3A = arith.constant 0 : i32
        %parallel_loop3A_172 = arith.constant 16 : i32
        %parallel_loop3A_173 = arith.constant 1 : i32
        scf.for %parallel_loop3A_187 = %parallel_loop3A to %parallel_loop3A_172 step %parallel_loop3A_173  : i32 {
          %parallel_loop3A_188 = vector.broadcast %parallel_loop3A_187 : i32 to vector<16xi32>
          %parallel_loop3A_189 = arith.addi %iota3A, %parallel_loop3A_188 : vector<16xi32>
          %parallel_loop3A_190 = arith.constant 15 : i32
          %parallel_loop3A_191 = vector.broadcast %parallel_loop3A_190 : i32 to vector<16xi32>
          %parallel_loop3A_192 = arith.andi %parallel_loop3A_189, %parallel_loop3A_191 : vector<16xi32>
          %parallel_loop3A_193 = arith.constant 0 : i32
          %parallel_loop3A_194 = vector.broadcast %parallel_loop3A_193 : i32 to vector<16xi32>
          %parallel_loop3A_195 = arith.addi %parallel_loop3A_192, %parallel_loop3A_194 : vector<16xi32>
          %parallel_loop3A_196 = arith.constant 1 : i32
          %parallel_loop3A_197 = vector.broadcast %parallel_loop3A_196 : i32 to vector<16xi32>
          %parallel_loop3A_198 = arith.shrsi %parallel_loop3A_195, %parallel_loop3A_197 : vector<16xi32>
          %parallel_loop3A_199 = arith.constant 1 : i32
          %parallel_loop3A_200 = vector.broadcast %parallel_loop3A_199 : i32 to vector<16xi32>
          %parallel_loop3A_201 = arith.andi %parallel_loop3A_195, %parallel_loop3A_200 : vector<16xi32>
          %parallel_loop3A_202 = arith.constant 6 : i32
          %parallel_loop3A_203 = vector.broadcast %parallel_loop3A_202 : i32 to vector<16xi32>
          %parallel_loop3A_204 = arith.shli %parallel_loop3A_201, %parallel_loop3A_203 : vector<16xi32>
          %parallel_loop3A_205 = tpu.vector_load_idx %arg5[%add3A_103, %parallel_loop3A_195] : memref<64x128xf32, #tpu.memory_space<vmem>>[vector<16xi32>, vector<16xi32>], vector<16xf32>,
          %parallel_loop3A_206 = arith.addi %parallel_loop3A_204, %add3A_103 : vector<16xi32>
          tpu.vector_store_idx %arg7[%parallel_loop3A_198, %parallel_loop3A_206], %parallel_loop3A_205 : memref<64x128xf32, #tpu.memory_space<vmem>>[vector<16xi32>, vector<16xi32>], vector<16xf32>,
          %parallel_loop3A_207 = tpu.vector_load_idx %arg5[%add3A_106, %parallel_loop3A_195] : memref<64x128xf32, #tpu.memory_space<vmem>>[vector<16xi32>, vector<16xi32>], vector<16xf32>,
          %parallel_loop3A_208 = arith.addi %parallel_loop3A_204, %add3A_106 : vector<16xi32>
          tpu.vector_store_idx %arg7[%parallel_loop3A_198, %parallel_loop3A_208], %parallel_loop3A_207 : memref<64x128xf32, #tpu.memory_space<vmem>>[vector<16xi32>, vector<16xi32>], vector<16xf32>,
          %parallel_loop3A_209 = tpu.vector_load_idx %arg5[%add3A_109, %parallel_loop3A_195] : memref<64x128xf32, #tpu.memory_space<vmem>>[vector<16xi32>, vector<16xi32>], vector<16xf32>,
          %parallel_loop3A_210 = arith.addi %parallel_loop3A_204, %add3A_109 : vector<16xi32>
          tpu.vector_store_idx %arg7[%parallel_loop3A_198, %parallel_loop3A_210], %parallel_loop3A_209 : memref<64x128xf32, #tpu.memory_space<vmem>>[vector<16xi32>, vector<16xi32>], vector<16xf32>,
          %parallel_loop3A_211 = tpu.vector_load_idx %arg5[%add3A_112, %parallel_loop3A_195] : memref<64x128xf32, #tpu.memory_space<vmem>>[vector<16xi32>, vector<16xi32>], vector<16xf32>,
          %parallel_loop3A_212 = arith.addi %parallel_loop3A_204, %add3A_112 : vector<16xi32>
          tpu.vector_store_idx %arg7[%parallel_loop3A_198, %parallel_loop3A_212], %parallel_loop3A_211 : memref<64x128xf32, #tpu.memory_space<vmem>>[vector<16xi32>, vector<16xi32>], vector<16xf32>,
          %parallel_loop3A_213 = arith.constant 16 : i32
          %parallel_loop3A_214 = vector.broadcast %parallel_loop3A_213 : i32 to vector<16xi32>
          %parallel_loop3A_215 = arith.addi %parallel_loop3A_192, %parallel_loop3A_214 : vector<16xi32>
          %parallel_loop3A_216 = arith.constant 1 : i32
          %parallel_loop3A_217 = vector.broadcast %parallel_loop3A_216 : i32 to vector<16xi32>
          %parallel_loop3A_218 = arith.shrsi %parallel_loop3A_215, %parallel_loop3A_217 : vector<16xi32>
          %parallel_loop3A_219 = arith.constant 1 : i32
          %parallel_loop3A_220 = vector.broadcast %parallel_loop3A_219 : i32 to vector<16xi32>
          %parallel_loop3A_221 = arith.andi %parallel_loop3A_215, %parallel_loop3A_220 : vector<16xi32>
          %parallel_loop3A_222 = arith.constant 6 : i32
          %parallel_loop3A_223 = vector.broadcast %parallel_loop3A_222 : i32 to vector<16xi32>
          %parallel_loop3A_224 = arith.shli %parallel_loop3A_221, %parallel_loop3A_223 : vector<16xi32>
          %parallel_loop3A_225 = tpu.vector_load_idx %arg5[%add3A_103, %parallel_loop3A_215] : memref<64x128xf32, #tpu.memory_space<vmem>>[vector<16xi32>, vector<16xi32>], vector<16xf32>,
          %parallel_loop3A_226 = arith.addi %parallel_loop3A_224, %add3A_103 : vector<16xi32>
          tpu.vector_store_idx %arg7[%parallel_loop3A_218, %parallel_loop3A_226], %parallel_loop3A_225 : memref<64x128xf32, #tpu.memory_space<vmem>>[vector<16xi32>, vector<16xi32>], vector<16xf32>,
          %parallel_loop3A_227 = tpu.vector_load_idx %arg5[%add3A_106, %parallel_loop3A_215] : memref<64x128xf32, #tpu.memory_space<vmem>>[vector<16xi32>, vector<16xi32>], vector<16xf32>,
          %parallel_loop3A_228 = arith.addi %parallel_loop3A_224, %add3A_106 : vector<16xi32>
          tpu.vector_store_idx %arg7[%parallel_loop3A_218, %parallel_loop3A_228], %parallel_loop3A_227 : memref<64x128xf32, #tpu.memory_space<vmem>>[vector<16xi32>, vector<16xi32>], vector<16xf32>,
          %parallel_loop3A_229 = tpu.vector_load_idx %arg5[%add3A_109, %parallel_loop3A_215] : memref<64x128xf32, #tpu.memory_space<vmem>>[vector<16xi32>, vector<16xi32>], vector<16xf32>,
          %parallel_loop3A_230 = arith.addi %parallel_loop3A_224, %add3A_109 : vector<16xi32>
          tpu.vector_store_idx %arg7[%parallel_loop3A_218, %parallel_loop3A_230], %parallel_loop3A_229 : memref<64x128xf32, #tpu.memory_space<vmem>>[vector<16xi32>, vector<16xi32>], vector<16xf32>,
          %parallel_loop3A_231 = tpu.vector_load_idx %arg5[%add3A_112, %parallel_loop3A_215] : memref<64x128xf32, #tpu.memory_space<vmem>>[vector<16xi32>, vector<16xi32>], vector<16xf32>,
          %parallel_loop3A_232 = arith.addi %parallel_loop3A_224, %add3A_112 : vector<16xi32>
          tpu.vector_store_idx %arg7[%parallel_loop3A_218, %parallel_loop3A_232], %parallel_loop3A_231 : memref<64x128xf32, #tpu.memory_space<vmem>>[vector<16xi32>, vector<16xi32>], vector<16xf32>,
          %parallel_loop3A_233 = arith.constant 32 : i32
          %parallel_loop3A_234 = vector.broadcast %parallel_loop3A_233 : i32 to vector<16xi32>
          %parallel_loop3A_235 = arith.addi %parallel_loop3A_192, %parallel_loop3A_234 : vector<16xi32>
          %parallel_loop3A_236 = arith.constant 1 : i32
          %parallel_loop3A_237 = vector.broadcast %parallel_loop3A_236 : i32 to vector<16xi32>
          %parallel_loop3A_238 = arith.shrsi %parallel_loop3A_235, %parallel_loop3A_237 : vector<16xi32>
          %parallel_loop3A_239 = arith.constant 1 : i32
          %parallel_loop3A_240 = vector.broadcast %parallel_loop3A_239 : i32 to vector<16xi32>
          %parallel_loop3A_241 = arith.andi %parallel_loop3A_235, %parallel_loop3A_240 : vector<16xi32>
          %parallel_loop3A_242 = arith.constant 6 : i32
          %parallel_loop3A_243 = vector.broadcast %parallel_loop3A_242 : i32 to vector<16xi32>
          %parallel_loop3A_244 = arith.shli %parallel_loop3A_241, %parallel_loop3A_243 : vector<16xi32>
          %parallel_loop3A_245 = tpu.vector_load_idx %arg5[%add3A_103, %parallel_loop3A_235] : memref<64x128xf32, #tpu.memory_space<vmem>>[vector<16xi32>, vector<16xi32>], vector<16xf32>,
          %parallel_loop3A_246 = arith.addi %parallel_loop3A_244, %add3A_103 : vector<16xi32>
          tpu.vector_store_idx %arg7[%parallel_loop3A_238, %parallel_loop3A_246], %parallel_loop3A_245 : memref<64x128xf32, #tpu.memory_space<vmem>>[vector<16xi32>, vector<16xi32>], vector<16xf32>,
          %parallel_loop3A_247 = tpu.vector_load_idx %arg5[%add3A_106, %parallel_loop3A_235] : memref<64x128xf32, #tpu.memory_space<vmem>>[vector<16xi32>, vector<16xi32>], vector<16xf32>,
          %parallel_loop3A_248 = arith.addi %parallel_loop3A_244, %add3A_106 : vector<16xi32>
          tpu.vector_store_idx %arg7[%parallel_loop3A_238, %parallel_loop3A_248], %parallel_loop3A_247 : memref<64x128xf32, #tpu.memory_space<vmem>>[vector<16xi32>, vector<16xi32>], vector<16xf32>,
          %parallel_loop3A_249 = tpu.vector_load_idx %arg5[%add3A_109, %parallel_loop3A_235] : memref<64x128xf32, #tpu.memory_space<vmem>>[vector<16xi32>, vector<16xi32>], vector<16xf32>,
          %parallel_loop3A_250 = arith.addi %parallel_loop3A_244, %add3A_109 : vector<16xi32>
          tpu.vector_store_idx %arg7[%parallel_loop3A_238, %parallel_loop3A_250], %parallel_loop3A_249 : memref<64x128xf32, #tpu.memory_space<vmem>>[vector<16xi32>, vector<16xi32>], vector<16xf32>,
          %parallel_loop3A_251 = tpu.vector_load_idx %arg5[%add3A_112, %parallel_loop3A_235] : memref<64x128xf32, #tpu.memory_space<vmem>>[vector<16xi32>, vector<16xi32>], vector<16xf32>,
          %parallel_loop3A_252 = arith.addi %parallel_loop3A_244, %add3A_112 : vector<16xi32>
          tpu.vector_store_idx %arg7[%parallel_loop3A_238, %parallel_loop3A_252], %parallel_loop3A_251 : memref<64x128xf32, #tpu.memory_space<vmem>>[vector<16xi32>, vector<16xi32>], vector<16xf32>,
          %parallel_loop3A_253 = arith.constant 48 : i32
          %parallel_loop3A_254 = vector.broadcast %parallel_loop3A_253 : i32 to vector<16xi32>
          %parallel_loop3A_255 = arith.addi %parallel_loop3A_192, %parallel_loop3A_254 : vector<16xi32>
          %parallel_loop3A_256 = arith.constant 1 : i32
          %parallel_loop3A_257 = vector.broadcast %parallel_loop3A_256 : i32 to vector<16xi32>
          %parallel_loop3A_258 = arith.shrsi %parallel_loop3A_255, %parallel_loop3A_257 : vector<16xi32>
          %parallel_loop3A_259 = arith.constant 1 : i32
          %parallel_loop3A_260 = vector.broadcast %parallel_loop3A_259 : i32 to vector<16xi32>
          %parallel_loop3A_261 = arith.andi %parallel_loop3A_255, %parallel_loop3A_260 : vector<16xi32>
          %parallel_loop3A_262 = arith.constant 6 : i32
          %parallel_loop3A_263 = vector.broadcast %parallel_loop3A_262 : i32 to vector<16xi32>
          %parallel_loop3A_264 = arith.shli %parallel_loop3A_261, %parallel_loop3A_263 : vector<16xi32>
          %parallel_loop3A_265 = tpu.vector_load_idx %arg5[%add3A_103, %parallel_loop3A_255] : memref<64x128xf32, #tpu.memory_space<vmem>>[vector<16xi32>, vector<16xi32>], vector<16xf32>,
          %parallel_loop3A_266 = arith.addi %parallel_loop3A_264, %add3A_103 : vector<16xi32>
          tpu.vector_store_idx %arg7[%parallel_loop3A_258, %parallel_loop3A_266], %parallel_loop3A_265 : memref<64x128xf32, #tpu.memory_space<vmem>>[vector<16xi32>, vector<16xi32>], vector<16xf32>,
          %parallel_loop3A_267 = tpu.vector_load_idx %arg5[%add3A_106, %parallel_loop3A_255] : memref<64x128xf32, #tpu.memory_space<vmem>>[vector<16xi32>, vector<16xi32>], vector<16xf32>,
          %parallel_loop3A_268 = arith.addi %parallel_loop3A_264, %add3A_106 : vector<16xi32>
          tpu.vector_store_idx %arg7[%parallel_loop3A_258, %parallel_loop3A_268], %parallel_loop3A_267 : memref<64x128xf32, #tpu.memory_space<vmem>>[vector<16xi32>, vector<16xi32>], vector<16xf32>,
          %parallel_loop3A_269 = tpu.vector_load_idx %arg5[%add3A_109, %parallel_loop3A_255] : memref<64x128xf32, #tpu.memory_space<vmem>>[vector<16xi32>, vector<16xi32>], vector<16xf32>,
          %parallel_loop3A_270 = arith.addi %parallel_loop3A_264, %add3A_109 : vector<16xi32>
          tpu.vector_store_idx %arg7[%parallel_loop3A_258, %parallel_loop3A_270], %parallel_loop3A_269 : memref<64x128xf32, #tpu.memory_space<vmem>>[vector<16xi32>, vector<16xi32>], vector<16xf32>,
          %parallel_loop3A_271 = tpu.vector_load_idx %arg5[%add3A_112, %parallel_loop3A_255] : memref<64x128xf32, #tpu.memory_space<vmem>>[vector<16xi32>, vector<16xi32>], vector<16xf32>,
          %parallel_loop3A_272 = arith.addi %parallel_loop3A_264, %add3A_112 : vector<16xi32>
          tpu.vector_store_idx %arg7[%parallel_loop3A_258, %parallel_loop3A_272], %parallel_loop3A_271 : memref<64x128xf32, #tpu.memory_space<vmem>>[vector<16xi32>, vector<16xi32>], vector<16xf32>,
          %parallel_loop3A_273 = arith.constant 64 : i32
          %parallel_loop3A_274 = vector.broadcast %parallel_loop3A_273 : i32 to vector<16xi32>
          %parallel_loop3A_275 = arith.addi %parallel_loop3A_192, %parallel_loop3A_274 : vector<16xi32>
          %parallel_loop3A_276 = arith.constant 1 : i32
          %parallel_loop3A_277 = vector.broadcast %parallel_loop3A_276 : i32 to vector<16xi32>
          %parallel_loop3A_278 = arith.shrsi %parallel_loop3A_275, %parallel_loop3A_277 : vector<16xi32>
          %parallel_loop3A_279 = arith.constant 1 : i32
          %parallel_loop3A_280 = vector.broadcast %parallel_loop3A_279 : i32 to vector<16xi32>
          %parallel_loop3A_281 = arith.andi %parallel_loop3A_275, %parallel_loop3A_280 : vector<16xi32>
          %parallel_loop3A_282 = arith.constant 6 : i32
          %parallel_loop3A_283 = vector.broadcast %parallel_loop3A_282 : i32 to vector<16xi32>
          %parallel_loop3A_284 = arith.shli %parallel_loop3A_281, %parallel_loop3A_283 : vector<16xi32>
          %parallel_loop3A_285 = tpu.vector_load_idx %arg5[%add3A_103, %parallel_loop3A_275] : memref<64x128xf32, #tpu.memory_space<vmem>>[vector<16xi32>, vector<16xi32>], vector<16xf32>,
          %parallel_loop3A_286 = arith.addi %parallel_loop3A_284, %add3A_103 : vector<16xi32>
          tpu.vector_store_idx %arg7[%parallel_loop3A_278, %parallel_loop3A_286], %parallel_loop3A_285 : memref<64x128xf32, #tpu.memory_space<vmem>>[vector<16xi32>, vector<16xi32>], vector<16xf32>,
          %parallel_loop3A_287 = tpu.vector_load_idx %arg5[%add3A_106, %parallel_loop3A_275] : memref<64x128xf32, #tpu.memory_space<vmem>>[vector<16xi32>, vector<16xi32>], vector<16xf32>,
          %parallel_loop3A_288 = arith.addi %parallel_loop3A_284, %add3A_106 : vector<16xi32>
          tpu.vector_store_idx %arg7[%parallel_loop3A_278, %parallel_loop3A_288], %parallel_loop3A_287 : memref<64x128xf32, #tpu.memory_space<vmem>>[vector<16xi32>, vector<16xi32>], vector<16xf32>,
          %parallel_loop3A_289 = tpu.vector_load_idx %arg5[%add3A_109, %parallel_loop3A_275] : memref<64x128xf32, #tpu.memory_space<vmem>>[vector<16xi32>, vector<16xi32>], vector<16xf32>,
          %parallel_loop3A_290 = arith.addi %parallel_loop3A_284, %add3A_109 : vector<16xi32>
          tpu.vector_store_idx %arg7[%parallel_loop3A_278, %parallel_loop3A_290], %parallel_loop3A_289 : memref<64x128xf32, #tpu.memory_space<vmem>>[vector<16xi32>, vector<16xi32>], vector<16xf32>,
          %parallel_loop3A_291 = tpu.vector_load_idx %arg5[%add3A_112, %parallel_loop3A_275] : memref<64x128xf32, #tpu.memory_space<vmem>>[vector<16xi32>, vector<16xi32>], vector<16xf32>,
          %parallel_loop3A_292 = arith.addi %parallel_loop3A_284, %add3A_112 : vector<16xi32>
          tpu.vector_store_idx %arg7[%parallel_loop3A_278, %parallel_loop3A_292], %parallel_loop3A_291 : memref<64x128xf32, #tpu.memory_space<vmem>>[vector<16xi32>, vector<16xi32>], vector<16xf32>,
          %parallel_loop3A_293 = arith.constant 80 : i32
          %parallel_loop3A_294 = vector.broadcast %parallel_loop3A_293 : i32 to vector<16xi32>
          %parallel_loop3A_295 = arith.addi %parallel_loop3A_192, %parallel_loop3A_294 : vector<16xi32>
          %parallel_loop3A_296 = arith.constant 1 : i32
          %parallel_loop3A_297 = vector.broadcast %parallel_loop3A_296 : i32 to vector<16xi32>
          %parallel_loop3A_298 = arith.shrsi %parallel_loop3A_295, %parallel_loop3A_297 : vector<16xi32>
          %parallel_loop3A_299 = arith.constant 1 : i32
          %parallel_loop3A_300 = vector.broadcast %parallel_loop3A_299 : i32 to vector<16xi32>
          %parallel_loop3A_301 = arith.andi %parallel_loop3A_295, %parallel_loop3A_300 : vector<16xi32>
          %parallel_loop3A_302 = arith.constant 6 : i32
          %parallel_loop3A_303 = vector.broadcast %parallel_loop3A_302 : i32 to vector<16xi32>
          %parallel_loop3A_304 = arith.shli %parallel_loop3A_301, %parallel_loop3A_303 : vector<16xi32>
          %parallel_loop3A_305 = tpu.vector_load_idx %arg5[%add3A_103, %parallel_loop3A_295] : memref<64x128xf32, #tpu.memory_space<vmem>>[vector<16xi32>, vector<16xi32>], vector<16xf32>,
          %parallel_loop3A_306 = arith.addi %parallel_loop3A_304, %add3A_103 : vector<16xi32>
          tpu.vector_store_idx %arg7[%parallel_loop3A_298, %parallel_loop3A_306], %parallel_loop3A_305 : memref<64x128xf32, #tpu.memory_space<vmem>>[vector<16xi32>, vector<16xi32>], vector<16xf32>,
          %parallel_loop3A_307 = tpu.vector_load_idx %arg5[%add3A_106, %parallel_loop3A_295] : memref<64x128xf32, #tpu.memory_space<vmem>>[vector<16xi32>, vector<16xi32>], vector<16xf32>,
          %parallel_loop3A_308 = arith.addi %parallel_loop3A_304, %add3A_106 : vector<16xi32>
          tpu.vector_store_idx %arg7[%parallel_loop3A_298, %parallel_loop3A_308], %parallel_loop3A_307 : memref<64x128xf32, #tpu.memory_space<vmem>>[vector<16xi32>, vector<16xi32>], vector<16xf32>,
          %parallel_loop3A_309 = tpu.vector_load_idx %arg5[%add3A_109, %parallel_loop3A_295] : memref<64x128xf32, #tpu.memory_space<vmem>>[vector<16xi32>, vector<16xi32>], vector<16xf32>,
          %parallel_loop3A_310 = arith.addi %parallel_loop3A_304, %add3A_109 : vector<16xi32>
          tpu.vector_store_idx %arg7[%parallel_loop3A_298, %parallel_loop3A_310], %parallel_loop3A_309 : memref<64x128xf32, #tpu.memory_space<vmem>>[vector<16xi32>, vector<16xi32>], vector<16xf32>,
          %parallel_loop3A_311 = tpu.vector_load_idx %arg5[%add3A_112, %parallel_loop3A_295] : memref<64x128xf32, #tpu.memory_space<vmem>>[vector<16xi32>, vector<16xi32>], vector<16xf32>,
          %parallel_loop3A_312 = arith.addi %parallel_loop3A_304, %add3A_112 : vector<16xi32>
          tpu.vector_store_idx %arg7[%parallel_loop3A_298, %parallel_loop3A_312], %parallel_loop3A_311 : memref<64x128xf32, #tpu.memory_space<vmem>>[vector<16xi32>, vector<16xi32>], vector<16xf32>,
          %parallel_loop3A_313 = arith.constant 96 : i32
          %parallel_loop3A_314 = vector.broadcast %parallel_loop3A_313 : i32 to vector<16xi32>
          %parallel_loop3A_315 = arith.addi %parallel_loop3A_192, %parallel_loop3A_314 : vector<16xi32>
          %parallel_loop3A_316 = arith.constant 1 : i32
          %parallel_loop3A_317 = vector.broadcast %parallel_loop3A_316 : i32 to vector<16xi32>
          %parallel_loop3A_318 = arith.shrsi %parallel_loop3A_315, %parallel_loop3A_317 : vector<16xi32>
          %parallel_loop3A_319 = arith.constant 1 : i32
          %parallel_loop3A_320 = vector.broadcast %parallel_loop3A_319 : i32 to vector<16xi32>
          %parallel_loop3A_321 = arith.andi %parallel_loop3A_315, %parallel_loop3A_320 : vector<16xi32>
          %parallel_loop3A_322 = arith.constant 6 : i32
          %parallel_loop3A_323 = vector.broadcast %parallel_loop3A_322 : i32 to vector<16xi32>
          %parallel_loop3A_324 = arith.shli %parallel_loop3A_321, %parallel_loop3A_323 : vector<16xi32>
          %parallel_loop3A_325 = tpu.vector_load_idx %arg5[%add3A_103, %parallel_loop3A_315] : memref<64x128xf32, #tpu.memory_space<vmem>>[vector<16xi32>, vector<16xi32>], vector<16xf32>,
          %parallel_loop3A_326 = arith.addi %parallel_loop3A_324, %add3A_103 : vector<16xi32>
          tpu.vector_store_idx %arg7[%parallel_loop3A_318, %parallel_loop3A_326], %parallel_loop3A_325 : memref<64x128xf32, #tpu.memory_space<vmem>>[vector<16xi32>, vector<16xi32>], vector<16xf32>,
          %parallel_loop3A_327 = tpu.vector_load_idx %arg5[%add3A_106, %parallel_loop3A_315] : memref<64x128xf32, #tpu.memory_space<vmem>>[vector<16xi32>, vector<16xi32>], vector<16xf32>,
          %parallel_loop3A_328 = arith.addi %parallel_loop3A_324, %add3A_106 : vector<16xi32>
          tpu.vector_store_idx %arg7[%parallel_loop3A_318, %parallel_loop3A_328], %parallel_loop3A_327 : memref<64x128xf32, #tpu.memory_space<vmem>>[vector<16xi32>, vector<16xi32>], vector<16xf32>,
          %parallel_loop3A_329 = tpu.vector_load_idx %arg5[%add3A_109, %parallel_loop3A_315] : memref<64x128xf32, #tpu.memory_space<vmem>>[vector<16xi32>, vector<16xi32>], vector<16xf32>,
          %parallel_loop3A_330 = arith.addi %parallel_loop3A_324, %add3A_109 : vector<16xi32>
          tpu.vector_store_idx %arg7[%parallel_loop3A_318, %parallel_loop3A_330], %parallel_loop3A_329 : memref<64x128xf32, #tpu.memory_space<vmem>>[vector<16xi32>, vector<16xi32>], vector<16xf32>,
          %parallel_loop3A_331 = tpu.vector_load_idx %arg5[%add3A_112, %parallel_loop3A_315] : memref<64x128xf32, #tpu.memory_space<vmem>>[vector<16xi32>, vector<16xi32>], vector<16xf32>,
          %parallel_loop3A_332 = arith.addi %parallel_loop3A_324, %add3A_112 : vector<16xi32>
          tpu.vector_store_idx %arg7[%parallel_loop3A_318, %parallel_loop3A_332], %parallel_loop3A_331 : memref<64x128xf32, #tpu.memory_space<vmem>>[vector<16xi32>, vector<16xi32>], vector<16xf32>,
          %parallel_loop3A_333 = arith.constant 112 : i32
          %parallel_loop3A_334 = vector.broadcast %parallel_loop3A_333 : i32 to vector<16xi32>
          %parallel_loop3A_335 = arith.addi %parallel_loop3A_192, %parallel_loop3A_334 : vector<16xi32>
          %parallel_loop3A_336 = arith.constant 1 : i32
          %parallel_loop3A_337 = vector.broadcast %parallel_loop3A_336 : i32 to vector<16xi32>
          %parallel_loop3A_338 = arith.shrsi %parallel_loop3A_335, %parallel_loop3A_337 : vector<16xi32>
          %parallel_loop3A_339 = arith.constant 1 : i32
          %parallel_loop3A_340 = vector.broadcast %parallel_loop3A_339 : i32 to vector<16xi32>
          %parallel_loop3A_341 = arith.andi %parallel_loop3A_335, %parallel_loop3A_340 : vector<16xi32>
          %parallel_loop3A_342 = arith.constant 6 : i32
          %parallel_loop3A_343 = vector.broadcast %parallel_loop3A_342 : i32 to vector<16xi32>
          %parallel_loop3A_344 = arith.shli %parallel_loop3A_341, %parallel_loop3A_343 : vector<16xi32>
          %parallel_loop3A_345 = tpu.vector_load_idx %arg5[%add3A_103, %parallel_loop3A_335] : memref<64x128xf32, #tpu.memory_space<vmem>>[vector<16xi32>, vector<16xi32>], vector<16xf32>,
          %parallel_loop3A_346 = arith.addi %parallel_loop3A_344, %add3A_103 : vector<16xi32>
          tpu.vector_store_idx %arg7[%parallel_loop3A_338, %parallel_loop3A_346], %parallel_loop3A_345 : memref<64x128xf32, #tpu.memory_space<vmem>>[vector<16xi32>, vector<16xi32>], vector<16xf32>,
          %parallel_loop3A_347 = tpu.vector_load_idx %arg5[%add3A_106, %parallel_loop3A_335] : memref<64x128xf32, #tpu.memory_space<vmem>>[vector<16xi32>, vector<16xi32>], vector<16xf32>,
          %parallel_loop3A_348 = arith.addi %parallel_loop3A_344, %add3A_106 : vector<16xi32>
          tpu.vector_store_idx %arg7[%parallel_loop3A_338, %parallel_loop3A_348], %parallel_loop3A_347 : memref<64x128xf32, #tpu.memory_space<vmem>>[vector<16xi32>, vector<16xi32>], vector<16xf32>,
          %parallel_loop3A_349 = tpu.vector_load_idx %arg5[%add3A_109, %parallel_loop3A_335] : memref<64x128xf32, #tpu.memory_space<vmem>>[vector<16xi32>, vector<16xi32>], vector<16xf32>,
          %parallel_loop3A_350 = arith.addi %parallel_loop3A_344, %add3A_109 : vector<16xi32>
          tpu.vector_store_idx %arg7[%parallel_loop3A_338, %parallel_loop3A_350], %parallel_loop3A_349 : memref<64x128xf32, #tpu.memory_space<vmem>>[vector<16xi32>, vector<16xi32>], vector<16xf32>,
          %parallel_loop3A_351 = tpu.vector_load_idx %arg5[%add3A_112, %parallel_loop3A_335] : memref<64x128xf32, #tpu.memory_space<vmem>>[vector<16xi32>, vector<16xi32>], vector<16xf32>,
          %parallel_loop3A_352 = arith.addi %parallel_loop3A_344, %add3A_112 : vector<16xi32>
          tpu.vector_store_idx %arg7[%parallel_loop3A_338, %parallel_loop3A_352], %parallel_loop3A_351 : memref<64x128xf32, #tpu.memory_space<vmem>>[vector<16xi32>, vector<16xi32>], vector<16xf32>,
        } {sc.loop_unroll_factor = 8 : i64, sc.parallel_access}
        %add3A_174 = arith.constant 2 : i32
        %add3A_175 = arith.addi %add3A_150, %add3A_174 : i32
        %lt3A_176 = arith.cmpi slt, %add3A_175, %max3A_5 : i32
        %convert_element_type3A_177 = arith.extui %lt3A_176 : i1 to i32
        %cond3A_178 = arith.constant 0 : i32
        %cond3A_179 = arith.cmpi ne, %convert_element_type3A_177, %cond3A_178 : i32
        scf.if %cond3A_179 {
          %add3A_187 = arith.constant 2 : i32
          %add3A_188 = arith.addi %add3A_150, %add3A_187 : i32
          %add3A_189 = arith.addi %mul3A_2, %add3A_188 : i32
          %mul3A_190 = arith.constant 128 : i32
          %mul3A_191 = arith.muli %add3A_189, %mul3A_190 : i32
          %dma_start3A_192 = arith.constant 0 : i32
          %dma_start3A_193 = tpu.memref_slice %arg2[%dma_start3A_192, %mul3A_191] : memref<64x1000000xf32, #tpu.memory_space<hbm>> -> memref<64x128xf32, #tpu.memory_space<hbm>>
          %dma_start3A_194 = arith.constant 0 : i32
          %dma_start3A_195 = tpu.memref_slice %arg2[%dma_start3A_194, %mul3A_191] : memref<64x1000000xf32, #tpu.memory_space<hbm>> -> memref<64x128xf32, #tpu.memory_space<hbm>>
          tpu.enqueue_dma source(%dma_start3A_195 : memref<64x128xf32, #tpu.memory_space<hbm>>) target(%arg5 : memref<64x128xf32, #tpu.memory_space<vmem>>) target_semaphore(%arg9 : memref<!tpu.dma_semaphore, #tpu.memory_space<semaphore_mem>>)
        } else {
        }
        %add3A_180 = arith.addi %mul3A_2, %add3A_150 : i32
        %mul3A_181 = arith.constant 64 : i32
        %mul3A_182 = arith.muli %add3A_180, %mul3A_181 : i32
        %dma_start3A_183 = arith.constant 0 : i32
        %dma_start3A_184 = tpu.memref_slice %arg4[%mul3A_182, %dma_start3A_183] : memref<500000x128xf32, #tpu.memory_space<hbm>> -> memref<64x128xf32, #tpu.memory_space<hbm>>
        %dma_start3A_185 = arith.constant 0 : i32
        %dma_start3A_186 = tpu.memref_slice %arg4[%mul3A_182, %dma_start3A_185] : memref<500000x128xf32, #tpu.memory_space<hbm>> -> memref<64x128xf32, #tpu.memory_space<hbm>>
        tpu.enqueue_dma source(%arg7 : memref<64x128xf32, #tpu.memory_space<vmem>>) target(%dma_start3A_186 : memref<64x128xf32, #tpu.memory_space<hbm>>) target_semaphore(%arg11 : memref<!tpu.dma_semaphore, #tpu.memory_space<semaphore_mem>>)
      } else {
      }
      %mul3A_154 = arith.constant 2 : i32
      %mul3A_155 = arith.muli %mul3A_154, %scan3A_146 : i32
      %add3A_156 = arith.constant 1 : i32
      %add3A_157 = arith.addi %mul3A_155, %add3A_156 : i32
      %lt3A_158 = arith.cmpi slt, %add3A_157, %max3A_5 : i32
      %convert_element_type3A_159 = arith.extui %lt3A_158 : i1 to i32
      %cond3A_160 = arith.constant 0 : i32
      %cond3A_161 = arith.cmpi ne, %convert_element_type3A_159, %cond3A_160 : i32
      scf.if %cond3A_161 {
        %dma_wait3A_162 = arith.constant 0 : i32
        %dma_wait3A_163 = arith.constant 0 : i32
        %dma_wait3A_164 = tpu.memref_slice %arg2[%dma_wait3A_162, %dma_wait3A_163] : memref<64x1000000xf32, #tpu.memory_space<hbm>> -> memref<64x128xf32, #tpu.memory_space<hbm>>
        %dma_wait3A_165 = arith.constant 0 : i32
        %dma_wait3A_166 = arith.constant 0 : i32
        %dma_wait3A_167 = tpu.memref_slice %arg2[%dma_wait3A_165, %dma_wait3A_166] : memref<64x1000000xf32, #tpu.memory_space<hbm>> -> memref<64x128xf32, #tpu.memory_space<hbm>>
        tpu.wait_dma2 semaphore(%arg10 : memref<!tpu.dma_semaphore, #tpu.memory_space<semaphore_mem>>) src(%dma_wait3A_167 : memref<64x128xf32, #tpu.memory_space<hbm>>) dst(%arg6 : memref<64x128xf32, #tpu.memory_space<vmem>>)
        %ge3A = arith.constant 1 : i32
        %ge3A_168 = arith.cmpi sge, %scan3A_146, %ge3A : i32
        %convert_element_type3A_169 = arith.extui %ge3A_168 : i1 to i32
        %cond3A_170 = arith.constant 0 : i32
        %cond3A_171 = arith.cmpi ne, %convert_element_type3A_169, %cond3A_170 : i32
        scf.if %cond3A_171 {
          %dma_wait3A_187 = arith.constant 0 : i32
          %dma_wait3A_188 = arith.constant 0 : i32
          %dma_wait3A_189 = tpu.memref_slice %arg4[%dma_wait3A_187, %dma_wait3A_188] : memref<500000x128xf32, #tpu.memory_space<hbm>> -> memref<64x128xf32, #tpu.memory_space<hbm>>
          %dma_wait3A_190 = arith.constant 0 : i32
          %dma_wait3A_191 = arith.constant 0 : i32
          %dma_wait3A_192 = tpu.memref_slice %arg4[%dma_wait3A_190, %dma_wait3A_191] : memref<500000x128xf32, #tpu.memory_space<hbm>> -> memref<64x128xf32, #tpu.memory_space<hbm>>
          tpu.wait_dma2 semaphore(%arg12 : memref<!tpu.dma_semaphore, #tpu.memory_space<semaphore_mem>>) src(%arg8 : memref<64x128xf32, #tpu.memory_space<vmem>>) dst(%dma_wait3A_192 : memref<64x128xf32, #tpu.memory_space<hbm>>)
        } else {
        }
        %parallel_loop3A = arith.constant 0 : i32
        %parallel_loop3A_172 = arith.constant 16 : i32
        %parallel_loop3A_173 = arith.constant 1 : i32
        scf.for %parallel_loop3A_187 = %parallel_loop3A to %parallel_loop3A_172 step %parallel_loop3A_173  : i32 {
          %parallel_loop3A_188 = vector.broadcast %parallel_loop3A_187 : i32 to vector<16xi32>
          %parallel_loop3A_189 = arith.addi %iota3A, %parallel_loop3A_188 : vector<16xi32>
          %parallel_loop3A_190 = arith.constant 15 : i32
          %parallel_loop3A_191 = vector.broadcast %parallel_loop3A_190 : i32 to vector<16xi32>
          %parallel_loop3A_192 = arith.andi %parallel_loop3A_189, %parallel_loop3A_191 : vector<16xi32>
          %parallel_loop3A_193 = arith.constant 0 : i32
          %parallel_loop3A_194 = vector.broadcast %parallel_loop3A_193 : i32 to vector<16xi32>
          %parallel_loop3A_195 = arith.addi %parallel_loop3A_192, %parallel_loop3A_194 : vector<16xi32>
          %parallel_loop3A_196 = arith.constant 1 : i32
          %parallel_loop3A_197 = vector.broadcast %parallel_loop3A_196 : i32 to vector<16xi32>
          %parallel_loop3A_198 = arith.shrsi %parallel_loop3A_195, %parallel_loop3A_197 : vector<16xi32>
          %parallel_loop3A_199 = arith.constant 1 : i32
          %parallel_loop3A_200 = vector.broadcast %parallel_loop3A_199 : i32 to vector<16xi32>
          %parallel_loop3A_201 = arith.andi %parallel_loop3A_195, %parallel_loop3A_200 : vector<16xi32>
          %parallel_loop3A_202 = arith.constant 6 : i32
          %parallel_loop3A_203 = vector.broadcast %parallel_loop3A_202 : i32 to vector<16xi32>
          %parallel_loop3A_204 = arith.shli %parallel_loop3A_201, %parallel_loop3A_203 : vector<16xi32>
          %parallel_loop3A_205 = tpu.vector_load_idx %arg6[%add3A_103, %parallel_loop3A_195] : memref<64x128xf32, #tpu.memory_space<vmem>>[vector<16xi32>, vector<16xi32>], vector<16xf32>,
          %parallel_loop3A_206 = arith.addi %parallel_loop3A_204, %add3A_103 : vector<16xi32>
          tpu.vector_store_idx %arg8[%parallel_loop3A_198, %parallel_loop3A_206], %parallel_loop3A_205 : memref<64x128xf32, #tpu.memory_space<vmem>>[vector<16xi32>, vector<16xi32>], vector<16xf32>,
          %parallel_loop3A_207 = tpu.vector_load_idx %arg6[%add3A_106, %parallel_loop3A_195] : memref<64x128xf32, #tpu.memory_space<vmem>>[vector<16xi32>, vector<16xi32>], vector<16xf32>,
          %parallel_loop3A_208 = arith.addi %parallel_loop3A_204, %add3A_106 : vector<16xi32>
          tpu.vector_store_idx %arg8[%parallel_loop3A_198, %parallel_loop3A_208], %parallel_loop3A_207 : memref<64x128xf32, #tpu.memory_space<vmem>>[vector<16xi32>, vector<16xi32>], vector<16xf32>,
          %parallel_loop3A_209 = tpu.vector_load_idx %arg6[%add3A_109, %parallel_loop3A_195] : memref<64x128xf32, #tpu.memory_space<vmem>>[vector<16xi32>, vector<16xi32>], vector<16xf32>,
          %parallel_loop3A_210 = arith.addi %parallel_loop3A_204, %add3A_109 : vector<16xi32>
          tpu.vector_store_idx %arg8[%parallel_loop3A_198, %parallel_loop3A_210], %parallel_loop3A_209 : memref<64x128xf32, #tpu.memory_space<vmem>>[vector<16xi32>, vector<16xi32>], vector<16xf32>,
          %parallel_loop3A_211 = tpu.vector_load_idx %arg6[%add3A_112, %parallel_loop3A_195] : memref<64x128xf32, #tpu.memory_space<vmem>>[vector<16xi32>, vector<16xi32>], vector<16xf32>,
          %parallel_loop3A_212 = arith.addi %parallel_loop3A_204, %add3A_112 : vector<16xi32>
          tpu.vector_store_idx %arg8[%parallel_loop3A_198, %parallel_loop3A_212], %parallel_loop3A_211 : memref<64x128xf32, #tpu.memory_space<vmem>>[vector<16xi32>, vector<16xi32>], vector<16xf32>,
          %parallel_loop3A_213 = arith.constant 16 : i32
          %parallel_loop3A_214 = vector.broadcast %parallel_loop3A_213 : i32 to vector<16xi32>
          %parallel_loop3A_215 = arith.addi %parallel_loop3A_192, %parallel_loop3A_214 : vector<16xi32>
          %parallel_loop3A_216 = arith.constant 1 : i32
          %parallel_loop3A_217 = vector.broadcast %parallel_loop3A_216 : i32 to vector<16xi32>
          %parallel_loop3A_218 = arith.shrsi %parallel_loop3A_215, %parallel_loop3A_217 : vector<16xi32>
          %parallel_loop3A_219 = arith.constant 1 : i32
          %parallel_loop3A_220 = vector.broadcast %parallel_loop3A_219 : i32 to vector<16xi32>
          %parallel_loop3A_221 = arith.andi %parallel_loop3A_215, %parallel_loop3A_220 : vector<16xi32>
          %parallel_loop3A_222 = arith.constant 6 : i32
          %parallel_loop3A_223 = vector.broadcast %parallel_loop3A_222 : i32 to vector<16xi32>
          %parallel_loop3A_224 = arith.shli %parallel_loop3A_221, %parallel_loop3A_223 : vector<16xi32>
          %parallel_loop3A_225 = tpu.vector_load_idx %arg6[%add3A_103, %parallel_loop3A_215] : memref<64x128xf32, #tpu.memory_space<vmem>>[vector<16xi32>, vector<16xi32>], vector<16xf32>,
          %parallel_loop3A_226 = arith.addi %parallel_loop3A_224, %add3A_103 : vector<16xi32>
          tpu.vector_store_idx %arg8[%parallel_loop3A_218, %parallel_loop3A_226], %parallel_loop3A_225 : memref<64x128xf32, #tpu.memory_space<vmem>>[vector<16xi32>, vector<16xi32>], vector<16xf32>,
          %parallel_loop3A_227 = tpu.vector_load_idx %arg6[%add3A_106, %parallel_loop3A_215] : memref<64x128xf32, #tpu.memory_space<vmem>>[vector<16xi32>, vector<16xi32>], vector<16xf32>,
          %parallel_loop3A_228 = arith.addi %parallel_loop3A_224, %add3A_106 : vector<16xi32>
          tpu.vector_store_idx %arg8[%parallel_loop3A_218, %parallel_loop3A_228], %parallel_loop3A_227 : memref<64x128xf32, #tpu.memory_space<vmem>>[vector<16xi32>, vector<16xi32>], vector<16xf32>,
          %parallel_loop3A_229 = tpu.vector_load_idx %arg6[%add3A_109, %parallel_loop3A_215] : memref<64x128xf32, #tpu.memory_space<vmem>>[vector<16xi32>, vector<16xi32>], vector<16xf32>,
          %parallel_loop3A_230 = arith.addi %parallel_loop3A_224, %add3A_109 : vector<16xi32>
          tpu.vector_store_idx %arg8[%parallel_loop3A_218, %parallel_loop3A_230], %parallel_loop3A_229 : memref<64x128xf32, #tpu.memory_space<vmem>>[vector<16xi32>, vector<16xi32>], vector<16xf32>,
          %parallel_loop3A_231 = tpu.vector_load_idx %arg6[%add3A_112, %parallel_loop3A_215] : memref<64x128xf32, #tpu.memory_space<vmem>>[vector<16xi32>, vector<16xi32>], vector<16xf32>,
          %parallel_loop3A_232 = arith.addi %parallel_loop3A_224, %add3A_112 : vector<16xi32>
          tpu.vector_store_idx %arg8[%parallel_loop3A_218, %parallel_loop3A_232], %parallel_loop3A_231 : memref<64x128xf32, #tpu.memory_space<vmem>>[vector<16xi32>, vector<16xi32>], vector<16xf32>,
          %parallel_loop3A_233 = arith.constant 32 : i32
          %parallel_loop3A_234 = vector.broadcast %parallel_loop3A_233 : i32 to vector<16xi32>
          %parallel_loop3A_235 = arith.addi %parallel_loop3A_192, %parallel_loop3A_234 : vector<16xi32>
          %parallel_loop3A_236 = arith.constant 1 : i32
          %parallel_loop3A_237 = vector.broadcast %parallel_loop3A_236 : i32 to vector<16xi32>
          %parallel_loop3A_238 = arith.shrsi %parallel_loop3A_235, %parallel_loop3A_237 : vector<16xi32>
          %parallel_loop3A_239 = arith.constant 1 : i32
          %parallel_loop3A_240 = vector.broadcast %parallel_loop3A_239 : i32 to vector<16xi32>
          %parallel_loop3A_241 = arith.andi %parallel_loop3A_235, %parallel_loop3A_240 : vector<16xi32>
          %parallel_loop3A_242 = arith.constant 6 : i32
          %parallel_loop3A_243 = vector.broadcast %parallel_loop3A_242 : i32 to vector<16xi32>
          %parallel_loop3A_244 = arith.shli %parallel_loop3A_241, %parallel_loop3A_243 : vector<16xi32>
          %parallel_loop3A_245 = tpu.vector_load_idx %arg6[%add3A_103, %parallel_loop3A_235] : memref<64x128xf32, #tpu.memory_space<vmem>>[vector<16xi32>, vector<16xi32>], vector<16xf32>,
          %parallel_loop3A_246 = arith.addi %parallel_loop3A_244, %add3A_103 : vector<16xi32>
          tpu.vector_store_idx %arg8[%parallel_loop3A_238, %parallel_loop3A_246], %parallel_loop3A_245 : memref<64x128xf32, #tpu.memory_space<vmem>>[vector<16xi32>, vector<16xi32>], vector<16xf32>,
          %parallel_loop3A_247 = tpu.vector_load_idx %arg6[%add3A_106, %parallel_loop3A_235] : memref<64x128xf32, #tpu.memory_space<vmem>>[vector<16xi32>, vector<16xi32>], vector<16xf32>,
          %parallel_loop3A_248 = arith.addi %parallel_loop3A_244, %add3A_106 : vector<16xi32>
          tpu.vector_store_idx %arg8[%parallel_loop3A_238, %parallel_loop3A_248], %parallel_loop3A_247 : memref<64x128xf32, #tpu.memory_space<vmem>>[vector<16xi32>, vector<16xi32>], vector<16xf32>,
          %parallel_loop3A_249 = tpu.vector_load_idx %arg6[%add3A_109, %parallel_loop3A_235] : memref<64x128xf32, #tpu.memory_space<vmem>>[vector<16xi32>, vector<16xi32>], vector<16xf32>,
          %parallel_loop3A_250 = arith.addi %parallel_loop3A_244, %add3A_109 : vector<16xi32>
          tpu.vector_store_idx %arg8[%parallel_loop3A_238, %parallel_loop3A_250], %parallel_loop3A_249 : memref<64x128xf32, #tpu.memory_space<vmem>>[vector<16xi32>, vector<16xi32>], vector<16xf32>,
          %parallel_loop3A_251 = tpu.vector_load_idx %arg6[%add3A_112, %parallel_loop3A_235] : memref<64x128xf32, #tpu.memory_space<vmem>>[vector<16xi32>, vector<16xi32>], vector<16xf32>,
          %parallel_loop3A_252 = arith.addi %parallel_loop3A_244, %add3A_112 : vector<16xi32>
          tpu.vector_store_idx %arg8[%parallel_loop3A_238, %parallel_loop3A_252], %parallel_loop3A_251 : memref<64x128xf32, #tpu.memory_space<vmem>>[vector<16xi32>, vector<16xi32>], vector<16xf32>,
          %parallel_loop3A_253 = arith.constant 48 : i32
          %parallel_loop3A_254 = vector.broadcast %parallel_loop3A_253 : i32 to vector<16xi32>
          %parallel_loop3A_255 = arith.addi %parallel_loop3A_192, %parallel_loop3A_254 : vector<16xi32>
          %parallel_loop3A_256 = arith.constant 1 : i32
          %parallel_loop3A_257 = vector.broadcast %parallel_loop3A_256 : i32 to vector<16xi32>
          %parallel_loop3A_258 = arith.shrsi %parallel_loop3A_255, %parallel_loop3A_257 : vector<16xi32>
          %parallel_loop3A_259 = arith.constant 1 : i32
          %parallel_loop3A_260 = vector.broadcast %parallel_loop3A_259 : i32 to vector<16xi32>
          %parallel_loop3A_261 = arith.andi %parallel_loop3A_255, %parallel_loop3A_260 : vector<16xi32>
          %parallel_loop3A_262 = arith.constant 6 : i32
          %parallel_loop3A_263 = vector.broadcast %parallel_loop3A_262 : i32 to vector<16xi32>
          %parallel_loop3A_264 = arith.shli %parallel_loop3A_261, %parallel_loop3A_263 : vector<16xi32>
          %parallel_loop3A_265 = tpu.vector_load_idx %arg6[%add3A_103, %parallel_loop3A_255] : memref<64x128xf32, #tpu.memory_space<vmem>>[vector<16xi32>, vector<16xi32>], vector<16xf32>,
          %parallel_loop3A_266 = arith.addi %parallel_loop3A_264, %add3A_103 : vector<16xi32>
          tpu.vector_store_idx %arg8[%parallel_loop3A_258, %parallel_loop3A_266], %parallel_loop3A_265 : memref<64x128xf32, #tpu.memory_space<vmem>>[vector<16xi32>, vector<16xi32>], vector<16xf32>,
          %parallel_loop3A_267 = tpu.vector_load_idx %arg6[%add3A_106, %parallel_loop3A_255] : memref<64x128xf32, #tpu.memory_space<vmem>>[vector<16xi32>, vector<16xi32>], vector<16xf32>,
          %parallel_loop3A_268 = arith.addi %parallel_loop3A_264, %add3A_106 : vector<16xi32>
          tpu.vector_store_idx %arg8[%parallel_loop3A_258, %parallel_loop3A_268], %parallel_loop3A_267 : memref<64x128xf32, #tpu.memory_space<vmem>>[vector<16xi32>, vector<16xi32>], vector<16xf32>,
          %parallel_loop3A_269 = tpu.vector_load_idx %arg6[%add3A_109, %parallel_loop3A_255] : memref<64x128xf32, #tpu.memory_space<vmem>>[vector<16xi32>, vector<16xi32>], vector<16xf32>,
          %parallel_loop3A_270 = arith.addi %parallel_loop3A_264, %add3A_109 : vector<16xi32>
          tpu.vector_store_idx %arg8[%parallel_loop3A_258, %parallel_loop3A_270], %parallel_loop3A_269 : memref<64x128xf32, #tpu.memory_space<vmem>>[vector<16xi32>, vector<16xi32>], vector<16xf32>,
          %parallel_loop3A_271 = tpu.vector_load_idx %arg6[%add3A_112, %parallel_loop3A_255] : memref<64x128xf32, #tpu.memory_space<vmem>>[vector<16xi32>, vector<16xi32>], vector<16xf32>,
          %parallel_loop3A_272 = arith.addi %parallel_loop3A_264, %add3A_112 : vector<16xi32>
          tpu.vector_store_idx %arg8[%parallel_loop3A_258, %parallel_loop3A_272], %parallel_loop3A_271 : memref<64x128xf32, #tpu.memory_space<vmem>>[vector<16xi32>, vector<16xi32>], vector<16xf32>,
          %parallel_loop3A_273 = arith.constant 64 : i32
          %parallel_loop3A_274 = vector.broadcast %parallel_loop3A_273 : i32 to vector<16xi32>
          %parallel_loop3A_275 = arith.addi %parallel_loop3A_192, %parallel_loop3A_274 : vector<16xi32>
          %parallel_loop3A_276 = arith.constant 1 : i32
          %parallel_loop3A_277 = vector.broadcast %parallel_loop3A_276 : i32 to vector<16xi32>
          %parallel_loop3A_278 = arith.shrsi %parallel_loop3A_275, %parallel_loop3A_277 : vector<16xi32>
          %parallel_loop3A_279 = arith.constant 1 : i32
          %parallel_loop3A_280 = vector.broadcast %parallel_loop3A_279 : i32 to vector<16xi32>
          %parallel_loop3A_281 = arith.andi %parallel_loop3A_275, %parallel_loop3A_280 : vector<16xi32>
          %parallel_loop3A_282 = arith.constant 6 : i32
          %parallel_loop3A_283 = vector.broadcast %parallel_loop3A_282 : i32 to vector<16xi32>
          %parallel_loop3A_284 = arith.shli %parallel_loop3A_281, %parallel_loop3A_283 : vector<16xi32>
          %parallel_loop3A_285 = tpu.vector_load_idx %arg6[%add3A_103, %parallel_loop3A_275] : memref<64x128xf32, #tpu.memory_space<vmem>>[vector<16xi32>, vector<16xi32>], vector<16xf32>,
          %parallel_loop3A_286 = arith.addi %parallel_loop3A_284, %add3A_103 : vector<16xi32>
          tpu.vector_store_idx %arg8[%parallel_loop3A_278, %parallel_loop3A_286], %parallel_loop3A_285 : memref<64x128xf32, #tpu.memory_space<vmem>>[vector<16xi32>, vector<16xi32>], vector<16xf32>,
          %parallel_loop3A_287 = tpu.vector_load_idx %arg6[%add3A_106, %parallel_loop3A_275] : memref<64x128xf32, #tpu.memory_space<vmem>>[vector<16xi32>, vector<16xi32>], vector<16xf32>,
          %parallel_loop3A_288 = arith.addi %parallel_loop3A_284, %add3A_106 : vector<16xi32>
          tpu.vector_store_idx %arg8[%parallel_loop3A_278, %parallel_loop3A_288], %parallel_loop3A_287 : memref<64x128xf32, #tpu.memory_space<vmem>>[vector<16xi32>, vector<16xi32>], vector<16xf32>,
          %parallel_loop3A_289 = tpu.vector_load_idx %arg6[%add3A_109, %parallel_loop3A_275] : memref<64x128xf32, #tpu.memory_space<vmem>>[vector<16xi32>, vector<16xi32>], vector<16xf32>,
          %parallel_loop3A_290 = arith.addi %parallel_loop3A_284, %add3A_109 : vector<16xi32>
          tpu.vector_store_idx %arg8[%parallel_loop3A_278, %parallel_loop3A_290], %parallel_loop3A_289 : memref<64x128xf32, #tpu.memory_space<vmem>>[vector<16xi32>, vector<16xi32>], vector<16xf32>,
          %parallel_loop3A_291 = tpu.vector_load_idx %arg6[%add3A_112, %parallel_loop3A_275] : memref<64x128xf32, #tpu.memory_space<vmem>>[vector<16xi32>, vector<16xi32>], vector<16xf32>,
          %parallel_loop3A_292 = arith.addi %parallel_loop3A_284, %add3A_112 : vector<16xi32>
          tpu.vector_store_idx %arg8[%parallel_loop3A_278, %parallel_loop3A_292], %parallel_loop3A_291 : memref<64x128xf32, #tpu.memory_space<vmem>>[vector<16xi32>, vector<16xi32>], vector<16xf32>,
          %parallel_loop3A_293 = arith.constant 80 : i32
          %parallel_loop3A_294 = vector.broadcast %parallel_loop3A_293 : i32 to vector<16xi32>
          %parallel_loop3A_295 = arith.addi %parallel_loop3A_192, %parallel_loop3A_294 : vector<16xi32>
          %parallel_loop3A_296 = arith.constant 1 : i32
          %parallel_loop3A_297 = vector.broadcast %parallel_loop3A_296 : i32 to vector<16xi32>
          %parallel_loop3A_298 = arith.shrsi %parallel_loop3A_295, %parallel_loop3A_297 : vector<16xi32>
          %parallel_loop3A_299 = arith.constant 1 : i32
          %parallel_loop3A_300 = vector.broadcast %parallel_loop3A_299 : i32 to vector<16xi32>
          %parallel_loop3A_301 = arith.andi %parallel_loop3A_295, %parallel_loop3A_300 : vector<16xi32>
          %parallel_loop3A_302 = arith.constant 6 : i32
          %parallel_loop3A_303 = vector.broadcast %parallel_loop3A_302 : i32 to vector<16xi32>
          %parallel_loop3A_304 = arith.shli %parallel_loop3A_301, %parallel_loop3A_303 : vector<16xi32>
          %parallel_loop3A_305 = tpu.vector_load_idx %arg6[%add3A_103, %parallel_loop3A_295] : memref<64x128xf32, #tpu.memory_space<vmem>>[vector<16xi32>, vector<16xi32>], vector<16xf32>,
          %parallel_loop3A_306 = arith.addi %parallel_loop3A_304, %add3A_103 : vector<16xi32>
          tpu.vector_store_idx %arg8[%parallel_loop3A_298, %parallel_loop3A_306], %parallel_loop3A_305 : memref<64x128xf32, #tpu.memory_space<vmem>>[vector<16xi32>, vector<16xi32>], vector<16xf32>,
          %parallel_loop3A_307 = tpu.vector_load_idx %arg6[%add3A_106, %parallel_loop3A_295] : memref<64x128xf32, #tpu.memory_space<vmem>>[vector<16xi32>, vector<16xi32>], vector<16xf32>,
          %parallel_loop3A_308 = arith.addi %parallel_loop3A_304, %add3A_106 : vector<16xi32>
          tpu.vector_store_idx %arg8[%parallel_loop3A_298, %parallel_loop3A_308], %parallel_loop3A_307 : memref<64x128xf32, #tpu.memory_space<vmem>>[vector<16xi32>, vector<16xi32>], vector<16xf32>,
          %parallel_loop3A_309 = tpu.vector_load_idx %arg6[%add3A_109, %parallel_loop3A_295] : memref<64x128xf32, #tpu.memory_space<vmem>>[vector<16xi32>, vector<16xi32>], vector<16xf32>,
          %parallel_loop3A_310 = arith.addi %parallel_loop3A_304, %add3A_109 : vector<16xi32>
          tpu.vector_store_idx %arg8[%parallel_loop3A_298, %parallel_loop3A_310], %parallel_loop3A_309 : memref<64x128xf32, #tpu.memory_space<vmem>>[vector<16xi32>, vector<16xi32>], vector<16xf32>,
          %parallel_loop3A_311 = tpu.vector_load_idx %arg6[%add3A_112, %parallel_loop3A_295] : memref<64x128xf32, #tpu.memory_space<vmem>>[vector<16xi32>, vector<16xi32>], vector<16xf32>,
          %parallel_loop3A_312 = arith.addi %parallel_loop3A_304, %add3A_112 : vector<16xi32>
          tpu.vector_store_idx %arg8[%parallel_loop3A_298, %parallel_loop3A_312], %parallel_loop3A_311 : memref<64x128xf32, #tpu.memory_space<vmem>>[vector<16xi32>, vector<16xi32>], vector<16xf32>,
          %parallel_loop3A_313 = arith.constant 96 : i32
          %parallel_loop3A_314 = vector.broadcast %parallel_loop3A_313 : i32 to vector<16xi32>
          %parallel_loop3A_315 = arith.addi %parallel_loop3A_192, %parallel_loop3A_314 : vector<16xi32>
          %parallel_loop3A_316 = arith.constant 1 : i32
          %parallel_loop3A_317 = vector.broadcast %parallel_loop3A_316 : i32 to vector<16xi32>
          %parallel_loop3A_318 = arith.shrsi %parallel_loop3A_315, %parallel_loop3A_317 : vector<16xi32>
          %parallel_loop3A_319 = arith.constant 1 : i32
          %parallel_loop3A_320 = vector.broadcast %parallel_loop3A_319 : i32 to vector<16xi32>
          %parallel_loop3A_321 = arith.andi %parallel_loop3A_315, %parallel_loop3A_320 : vector<16xi32>
          %parallel_loop3A_322 = arith.constant 6 : i32
          %parallel_loop3A_323 = vector.broadcast %parallel_loop3A_322 : i32 to vector<16xi32>
          %parallel_loop3A_324 = arith.shli %parallel_loop3A_321, %parallel_loop3A_323 : vector<16xi32>
          %parallel_loop3A_325 = tpu.vector_load_idx %arg6[%add3A_103, %parallel_loop3A_315] : memref<64x128xf32, #tpu.memory_space<vmem>>[vector<16xi32>, vector<16xi32>], vector<16xf32>,
          %parallel_loop3A_326 = arith.addi %parallel_loop3A_324, %add3A_103 : vector<16xi32>
          tpu.vector_store_idx %arg8[%parallel_loop3A_318, %parallel_loop3A_326], %parallel_loop3A_325 : memref<64x128xf32, #tpu.memory_space<vmem>>[vector<16xi32>, vector<16xi32>], vector<16xf32>,
          %parallel_loop3A_327 = tpu.vector_load_idx %arg6[%add3A_106, %parallel_loop3A_315] : memref<64x128xf32, #tpu.memory_space<vmem>>[vector<16xi32>, vector<16xi32>], vector<16xf32>,
          %parallel_loop3A_328 = arith.addi %parallel_loop3A_324, %add3A_106 : vector<16xi32>
          tpu.vector_store_idx %arg8[%parallel_loop3A_318, %parallel_loop3A_328], %parallel_loop3A_327 : memref<64x128xf32, #tpu.memory_space<vmem>>[vector<16xi32>, vector<16xi32>], vector<16xf32>,
          %parallel_loop3A_329 = tpu.vector_load_idx %arg6[%add3A_109, %parallel_loop3A_315] : memref<64x128xf32, #tpu.memory_space<vmem>>[vector<16xi32>, vector<16xi32>], vector<16xf32>,
          %parallel_loop3A_330 = arith.addi %parallel_loop3A_324, %add3A_109 : vector<16xi32>
          tpu.vector_store_idx %arg8[%parallel_loop3A_318, %parallel_loop3A_330], %parallel_loop3A_329 : memref<64x128xf32, #tpu.memory_space<vmem>>[vector<16xi32>, vector<16xi32>], vector<16xf32>,
          %parallel_loop3A_331 = tpu.vector_load_idx %arg6[%add3A_112, %parallel_loop3A_315] : memref<64x128xf32, #tpu.memory_space<vmem>>[vector<16xi32>, vector<16xi32>], vector<16xf32>,
          %parallel_loop3A_332 = arith.addi %parallel_loop3A_324, %add3A_112 : vector<16xi32>
          tpu.vector_store_idx %arg8[%parallel_loop3A_318, %parallel_loop3A_332], %parallel_loop3A_331 : memref<64x128xf32, #tpu.memory_space<vmem>>[vector<16xi32>, vector<16xi32>], vector<16xf32>,
          %parallel_loop3A_333 = arith.constant 112 : i32
          %parallel_loop3A_334 = vector.broadcast %parallel_loop3A_333 : i32 to vector<16xi32>
          %parallel_loop3A_335 = arith.addi %parallel_loop3A_192, %parallel_loop3A_334 : vector<16xi32>
          %parallel_loop3A_336 = arith.constant 1 : i32
          %parallel_loop3A_337 = vector.broadcast %parallel_loop3A_336 : i32 to vector<16xi32>
          %parallel_loop3A_338 = arith.shrsi %parallel_loop3A_335, %parallel_loop3A_337 : vector<16xi32>
          %parallel_loop3A_339 = arith.constant 1 : i32
          %parallel_loop3A_340 = vector.broadcast %parallel_loop3A_339 : i32 to vector<16xi32>
          %parallel_loop3A_341 = arith.andi %parallel_loop3A_335, %parallel_loop3A_340 : vector<16xi32>
          %parallel_loop3A_342 = arith.constant 6 : i32
          %parallel_loop3A_343 = vector.broadcast %parallel_loop3A_342 : i32 to vector<16xi32>
          %parallel_loop3A_344 = arith.shli %parallel_loop3A_341, %parallel_loop3A_343 : vector<16xi32>
          %parallel_loop3A_345 = tpu.vector_load_idx %arg6[%add3A_103, %parallel_loop3A_335] : memref<64x128xf32, #tpu.memory_space<vmem>>[vector<16xi32>, vector<16xi32>], vector<16xf32>,
          %parallel_loop3A_346 = arith.addi %parallel_loop3A_344, %add3A_103 : vector<16xi32>
          tpu.vector_store_idx %arg8[%parallel_loop3A_338, %parallel_loop3A_346], %parallel_loop3A_345 : memref<64x128xf32, #tpu.memory_space<vmem>>[vector<16xi32>, vector<16xi32>], vector<16xf32>,
          %parallel_loop3A_347 = tpu.vector_load_idx %arg6[%add3A_106, %parallel_loop3A_335] : memref<64x128xf32, #tpu.memory_space<vmem>>[vector<16xi32>, vector<16xi32>], vector<16xf32>,
          %parallel_loop3A_348 = arith.addi %parallel_loop3A_344, %add3A_106 : vector<16xi32>
          tpu.vector_store_idx %arg8[%parallel_loop3A_338, %parallel_loop3A_348], %parallel_loop3A_347 : memref<64x128xf32, #tpu.memory_space<vmem>>[vector<16xi32>, vector<16xi32>], vector<16xf32>,
          %parallel_loop3A_349 = tpu.vector_load_idx %arg6[%add3A_109, %parallel_loop3A_335] : memref<64x128xf32, #tpu.memory_space<vmem>>[vector<16xi32>, vector<16xi32>], vector<16xf32>,
          %parallel_loop3A_350 = arith.addi %parallel_loop3A_344, %add3A_109 : vector<16xi32>
          tpu.vector_store_idx %arg8[%parallel_loop3A_338, %parallel_loop3A_350], %parallel_loop3A_349 : memref<64x128xf32, #tpu.memory_space<vmem>>[vector<16xi32>, vector<16xi32>], vector<16xf32>,
          %parallel_loop3A_351 = tpu.vector_load_idx %arg6[%add3A_112, %parallel_loop3A_335] : memref<64x128xf32, #tpu.memory_space<vmem>>[vector<16xi32>, vector<16xi32>], vector<16xf32>,
          %parallel_loop3A_352 = arith.addi %parallel_loop3A_344, %add3A_112 : vector<16xi32>
          tpu.vector_store_idx %arg8[%parallel_loop3A_338, %parallel_loop3A_352], %parallel_loop3A_351 : memref<64x128xf32, #tpu.memory_space<vmem>>[vector<16xi32>, vector<16xi32>], vector<16xf32>,
        } {sc.loop_unroll_factor = 8 : i64, sc.parallel_access}
        %add3A_174 = arith.constant 2 : i32
        %add3A_175 = arith.addi %add3A_157, %add3A_174 : i32
        %lt3A_176 = arith.cmpi slt, %add3A_175, %max3A_5 : i32
        %convert_element_type3A_177 = arith.extui %lt3A_176 : i1 to i32
        %cond3A_178 = arith.constant 0 : i32
        %cond3A_179 = arith.cmpi ne, %convert_element_type3A_177, %cond3A_178 : i32
        scf.if %cond3A_179 {
          %add3A_187 = arith.constant 2 : i32
          %add3A_188 = arith.addi %add3A_157, %add3A_187 : i32
          %add3A_189 = arith.addi %mul3A_2, %add3A_188 : i32
          %mul3A_190 = arith.constant 128 : i32
          %mul3A_191 = arith.muli %add3A_189, %mul3A_190 : i32
          %dma_start3A_192 = arith.constant 0 : i32
          %dma_start3A_193 = tpu.memref_slice %arg2[%dma_start3A_192, %mul3A_191] : memref<64x1000000xf32, #tpu.memory_space<hbm>> -> memref<64x128xf32, #tpu.memory_space<hbm>>
          %dma_start3A_194 = arith.constant 0 : i32
          %dma_start3A_195 = tpu.memref_slice %arg2[%dma_start3A_194, %mul3A_191] : memref<64x1000000xf32, #tpu.memory_space<hbm>> -> memref<64x128xf32, #tpu.memory_space<hbm>>
          tpu.enqueue_dma source(%dma_start3A_195 : memref<64x128xf32, #tpu.memory_space<hbm>>) target(%arg6 : memref<64x128xf32, #tpu.memory_space<vmem>>) target_semaphore(%arg10 : memref<!tpu.dma_semaphore, #tpu.memory_space<semaphore_mem>>)
        } else {
        }
        %add3A_180 = arith.addi %mul3A_2, %add3A_157 : i32
        %mul3A_181 = arith.constant 64 : i32
        %mul3A_182 = arith.muli %add3A_180, %mul3A_181 : i32
        %dma_start3A_183 = arith.constant 0 : i32
        %dma_start3A_184 = tpu.memref_slice %arg4[%mul3A_182, %dma_start3A_183] : memref<500000x128xf32, #tpu.memory_space<hbm>> -> memref<64x128xf32, #tpu.memory_space<hbm>>
        %dma_start3A_185 = arith.constant 0 : i32
        %dma_start3A_186 = tpu.memref_slice %arg4[%mul3A_182, %dma_start3A_185] : memref<500000x128xf32, #tpu.memory_space<hbm>> -> memref<64x128xf32, #tpu.memory_space<hbm>>
        tpu.enqueue_dma source(%arg8 : memref<64x128xf32, #tpu.memory_space<vmem>>) target(%dma_start3A_186 : memref<64x128xf32, #tpu.memory_space<hbm>>) target_semaphore(%arg12 : memref<!tpu.dma_semaphore, #tpu.memory_space<semaphore_mem>>)
      } else {
      }
    }
    %scan3A_134 = arith.constant 123 : i32
    %dma_wait3A = arith.constant 0 : i32
    %dma_wait3A_135 = arith.constant 0 : i32
    %dma_wait3A_136 = tpu.memref_slice %arg4[%dma_wait3A, %dma_wait3A_135] : memref<500000x128xf32, #tpu.memory_space<hbm>> -> memref<64x128xf32, #tpu.memory_space<hbm>>
    %dma_wait3A_137 = arith.constant 0 : i32
    %dma_wait3A_138 = arith.constant 0 : i32
    %dma_wait3A_139 = tpu.memref_slice %arg4[%dma_wait3A_137, %dma_wait3A_138] : memref<500000x128xf32, #tpu.memory_space<hbm>> -> memref<64x128xf32, #tpu.memory_space<hbm>>
    tpu.wait_dma2 semaphore(%arg11 : memref<!tpu.dma_semaphore, #tpu.memory_space<semaphore_mem>>) src(%arg7 : memref<64x128xf32, #tpu.memory_space<vmem>>) dst(%dma_wait3A_139 : memref<64x128xf32, #tpu.memory_space<hbm>>)
    %dma_wait3A_140 = arith.constant 0 : i32
    %dma_wait3A_141 = arith.constant 0 : i32
    %dma_wait3A_142 = tpu.memref_slice %arg4[%dma_wait3A_140, %dma_wait3A_141] : memref<500000x128xf32, #tpu.memory_space<hbm>> -> memref<64x128xf32, #tpu.memory_space<hbm>>
    %dma_wait3A_143 = arith.constant 0 : i32
    %dma_wait3A_144 = arith.constant 0 : i32
    %dma_wait3A_145 = tpu.memref_slice %arg4[%dma_wait3A_143, %dma_wait3A_144] : memref<500000x128xf32, #tpu.memory_space<hbm>> -> memref<64x128xf32, #tpu.memory_space<hbm>>
    tpu.wait_dma2 semaphore(%arg12 : memref<!tpu.dma_semaphore, #tpu.memory_space<semaphore_mem>>) src(%arg8 : memref<64x128xf32, #tpu.memory_space<vmem>>) dst(%dma_wait3A_145 : memref<64x128xf32, #tpu.memory_space<hbm>>)
    return
  }
}

#map = affine_map<(d0, d1) -> (0, 0)>
#map1 = affine_map<(d0, d1) -> (0, 0, 0, 0)>
module attributes {stable_mosaic.version = 14 : i64} {
  func.func @_gather_kernel(%arg0: i32, %arg1: i32, %arg2: memref<200x4096xi32, #tpu.memory_space<hbm>>, %arg3: memref<1000000x64xf32, #tpu.memory_space<hbm>>, %arg4: memref<200x8x32x1024xf32, #tpu.memory_space<hbm>>, %arg5: memref<200x128xi32, #tpu.memory_space<vmem>>, %arg6: memref<128x64xf32, #tpu.memory_space<vmem>>, %arg7: memref<128x64xf32, #tpu.memory_space<vmem>>, %arg8: memref<8x1024xf32, #tpu.memory_space<vmem>>, %arg9: memref<8x1024xf32, #tpu.memory_space<vmem>>, %arg10: memref<!tpu.dma_semaphore, #tpu.memory_space<semaphore_mem>>, %arg11: memref<!tpu.dma_semaphore, #tpu.memory_space<semaphore_mem>>, %arg12: memref<!tpu.dma_semaphore, #tpu.memory_space<semaphore_mem>>, %arg13: memref<!tpu.dma_semaphore, #tpu.memory_space<semaphore_mem>>) attributes {dimension_semantics = [#tpu.dimension_semantics<core_parallel>, #tpu.dimension_semantics<subcore_parallel>], iteration_bounds = array<i64: 2, 16>, scalar_prefetch = 0 : i64, scratch_operands = 9 : i64, tpu.core_type = #tpu.core_type<sc_vector_subcore>, window_params = [{transform_indices = #map}, {transform_indices = #map}, {transform_indices = #map1}]} {
    %mul3A = arith.constant 2 : i32
    %mul3A_0 = arith.muli %arg1, %mul3A : i32
    %add3A = arith.addi %mul3A_0, %arg0 : i32
    %mul3A_1 = arith.constant 128 : i32
    %mul3A_2 = arith.muli %add3A, %mul3A_1 : i32
    "tpu.region"() ({
      %run_scoped3A = tpu.sem_alloc : memref<!tpu.dma_semaphore, #tpu.memory_space<semaphore_mem>>
      %dma_start3A_173 = arith.constant 0 : i32
      %dma_start3A_174 = tpu.memref_slice %arg2[%dma_start3A_173, %mul3A_2] : memref<200x4096xi32, #tpu.memory_space<hbm>> -> memref<200x128xi32, #tpu.memory_space<hbm>>
      %dma_start3A_175 = arith.constant 0 : i32
      %dma_start3A_176 = tpu.memref_slice %arg2[%dma_start3A_175, %mul3A_2] : memref<200x4096xi32, #tpu.memory_space<hbm>> -> memref<200x128xi32, #tpu.memory_space<hbm>>
      tpu.enqueue_dma source(%dma_start3A_176 : memref<200x128xi32, #tpu.memory_space<hbm>>) target(%arg5 : memref<200x128xi32, #tpu.memory_space<vmem>>) target_semaphore(%run_scoped3A : memref<!tpu.dma_semaphore, #tpu.memory_space<semaphore_mem>>)
      %dma_wait3A_177 = arith.constant 0 : i32
      %dma_wait3A_178 = tpu.memref_slice %arg2[%dma_wait3A_177, %mul3A_2] : memref<200x4096xi32, #tpu.memory_space<hbm>> -> memref<200x128xi32, #tpu.memory_space<hbm>>
      %dma_wait3A_179 = arith.constant 0 : i32
      %dma_wait3A_180 = tpu.memref_slice %arg2[%dma_wait3A_179, %mul3A_2] : memref<200x4096xi32, #tpu.memory_space<hbm>> -> memref<200x128xi32, #tpu.memory_space<hbm>>
      tpu.wait_dma2 semaphore(%run_scoped3A : memref<!tpu.dma_semaphore, #tpu.memory_space<semaphore_mem>>) src(%dma_wait3A_180 : memref<200x128xi32, #tpu.memory_space<hbm>>) dst(%arg5 : memref<200x128xi32, #tpu.memory_space<vmem>>)
      tpu.yield
    }) : () -> ()
    %iota3A = tpu.iota {dimensions = array<i32: 0>} : vector<16xi32>
    %add3A_3 = arith.constant 0 : i32
    %add3A_4 = vector.broadcast %add3A_3 : i32 to vector<16xi32>
    %add3A_5 = arith.addi %iota3A, %add3A_4 : vector<16xi32>
    %and3A = arith.constant 15 : i32
    %and3A_6 = vector.broadcast %and3A : i32 to vector<16xi32>
    %and3A_7 = arith.andi %add3A_5, %and3A_6 : vector<16xi32>
    %add3A_8 = arith.constant 1 : i32
    %add3A_9 = vector.broadcast %add3A_8 : i32 to vector<16xi32>
    %add3A_10 = arith.addi %iota3A, %add3A_9 : vector<16xi32>
    %and3A_11 = arith.constant 15 : i32
    %and3A_12 = vector.broadcast %and3A_11 : i32 to vector<16xi32>
    %and3A_13 = arith.andi %add3A_10, %and3A_12 : vector<16xi32>
    %add3A_14 = arith.constant 2 : i32
    %add3A_15 = vector.broadcast %add3A_14 : i32 to vector<16xi32>
    %add3A_16 = arith.addi %iota3A, %add3A_15 : vector<16xi32>
    %and3A_17 = arith.constant 15 : i32
    %and3A_18 = vector.broadcast %and3A_17 : i32 to vector<16xi32>
    %and3A_19 = arith.andi %add3A_16, %and3A_18 : vector<16xi32>
    %add3A_20 = arith.constant 3 : i32
    %add3A_21 = vector.broadcast %add3A_20 : i32 to vector<16xi32>
    %add3A_22 = arith.addi %iota3A, %add3A_21 : vector<16xi32>
    %and3A_23 = arith.constant 15 : i32
    %and3A_24 = vector.broadcast %and3A_23 : i32 to vector<16xi32>
    %and3A_25 = arith.andi %add3A_22, %and3A_24 : vector<16xi32>
    %add3A_26 = arith.constant 4 : i32
    %add3A_27 = vector.broadcast %add3A_26 : i32 to vector<16xi32>
    %add3A_28 = arith.addi %iota3A, %add3A_27 : vector<16xi32>
    %and3A_29 = arith.constant 15 : i32
    %and3A_30 = vector.broadcast %and3A_29 : i32 to vector<16xi32>
    %and3A_31 = arith.andi %add3A_28, %and3A_30 : vector<16xi32>
    %add3A_32 = arith.constant 5 : i32
    %add3A_33 = vector.broadcast %add3A_32 : i32 to vector<16xi32>
    %add3A_34 = arith.addi %iota3A, %add3A_33 : vector<16xi32>
    %and3A_35 = arith.constant 15 : i32
    %and3A_36 = vector.broadcast %and3A_35 : i32 to vector<16xi32>
    %and3A_37 = arith.andi %add3A_34, %and3A_36 : vector<16xi32>
    %add3A_38 = arith.constant 6 : i32
    %add3A_39 = vector.broadcast %add3A_38 : i32 to vector<16xi32>
    %add3A_40 = arith.addi %iota3A, %add3A_39 : vector<16xi32>
    %and3A_41 = arith.constant 15 : i32
    %and3A_42 = vector.broadcast %and3A_41 : i32 to vector<16xi32>
    %and3A_43 = arith.andi %add3A_40, %and3A_42 : vector<16xi32>
    %add3A_44 = arith.constant 7 : i32
    %add3A_45 = vector.broadcast %add3A_44 : i32 to vector<16xi32>
    %add3A_46 = arith.addi %iota3A, %add3A_45 : vector<16xi32>
    %and3A_47 = arith.constant 15 : i32
    %and3A_48 = vector.broadcast %and3A_47 : i32 to vector<16xi32>
    %and3A_49 = arith.andi %add3A_46, %and3A_48 : vector<16xi32>
    %add3A_50 = arith.constant 8 : i32
    %add3A_51 = vector.broadcast %add3A_50 : i32 to vector<16xi32>
    %add3A_52 = arith.addi %iota3A, %add3A_51 : vector<16xi32>
    %and3A_53 = arith.constant 15 : i32
    %and3A_54 = vector.broadcast %and3A_53 : i32 to vector<16xi32>
    %and3A_55 = arith.andi %add3A_52, %and3A_54 : vector<16xi32>
    %add3A_56 = arith.constant 9 : i32
    %add3A_57 = vector.broadcast %add3A_56 : i32 to vector<16xi32>
    %add3A_58 = arith.addi %iota3A, %add3A_57 : vector<16xi32>
    %and3A_59 = arith.constant 15 : i32
    %and3A_60 = vector.broadcast %and3A_59 : i32 to vector<16xi32>
    %and3A_61 = arith.andi %add3A_58, %and3A_60 : vector<16xi32>
    %add3A_62 = arith.constant 10 : i32
    %add3A_63 = vector.broadcast %add3A_62 : i32 to vector<16xi32>
    %add3A_64 = arith.addi %iota3A, %add3A_63 : vector<16xi32>
    %and3A_65 = arith.constant 15 : i32
    %and3A_66 = vector.broadcast %and3A_65 : i32 to vector<16xi32>
    %and3A_67 = arith.andi %add3A_64, %and3A_66 : vector<16xi32>
    %add3A_68 = arith.constant 11 : i32
    %add3A_69 = vector.broadcast %add3A_68 : i32 to vector<16xi32>
    %add3A_70 = arith.addi %iota3A, %add3A_69 : vector<16xi32>
    %and3A_71 = arith.constant 15 : i32
    %and3A_72 = vector.broadcast %and3A_71 : i32 to vector<16xi32>
    %and3A_73 = arith.andi %add3A_70, %and3A_72 : vector<16xi32>
    %add3A_74 = arith.constant 12 : i32
    %add3A_75 = vector.broadcast %add3A_74 : i32 to vector<16xi32>
    %add3A_76 = arith.addi %iota3A, %add3A_75 : vector<16xi32>
    %and3A_77 = arith.constant 15 : i32
    %and3A_78 = vector.broadcast %and3A_77 : i32 to vector<16xi32>
    %and3A_79 = arith.andi %add3A_76, %and3A_78 : vector<16xi32>
    %add3A_80 = arith.constant 13 : i32
    %add3A_81 = vector.broadcast %add3A_80 : i32 to vector<16xi32>
    %add3A_82 = arith.addi %iota3A, %add3A_81 : vector<16xi32>
    %and3A_83 = arith.constant 15 : i32
    %and3A_84 = vector.broadcast %and3A_83 : i32 to vector<16xi32>
    %and3A_85 = arith.andi %add3A_82, %and3A_84 : vector<16xi32>
    %add3A_86 = arith.constant 14 : i32
    %add3A_87 = vector.broadcast %add3A_86 : i32 to vector<16xi32>
    %add3A_88 = arith.addi %iota3A, %add3A_87 : vector<16xi32>
    %and3A_89 = arith.constant 15 : i32
    %and3A_90 = vector.broadcast %and3A_89 : i32 to vector<16xi32>
    %and3A_91 = arith.andi %add3A_88, %and3A_90 : vector<16xi32>
    %add3A_92 = arith.constant 15 : i32
    %add3A_93 = vector.broadcast %add3A_92 : i32 to vector<16xi32>
    %add3A_94 = arith.addi %iota3A, %add3A_93 : vector<16xi32>
    %and3A_95 = arith.constant 15 : i32
    %and3A_96 = vector.broadcast %and3A_95 : i32 to vector<16xi32>
    %and3A_97 = arith.andi %add3A_94, %and3A_96 : vector<16xi32>
    %add3A_98 = arith.constant 0 : i32
    %add3A_99 = vector.broadcast %add3A_98 : i32 to vector<16xi32>
    %add3A_100 = arith.addi %iota3A, %add3A_99 : vector<16xi32>
    %add3A_101 = arith.constant 16 : i32
    %add3A_102 = vector.broadcast %add3A_101 : i32 to vector<16xi32>
    %add3A_103 = arith.addi %iota3A, %add3A_102 : vector<16xi32>
    %add3A_104 = arith.constant 32 : i32
    %add3A_105 = vector.broadcast %add3A_104 : i32 to vector<16xi32>
    %add3A_106 = arith.addi %iota3A, %add3A_105 : vector<16xi32>
    %add3A_107 = arith.constant 48 : i32
    %add3A_108 = vector.broadcast %add3A_107 : i32 to vector<16xi32>
    %add3A_109 = arith.addi %iota3A, %add3A_108 : vector<16xi32>
    %shift_right_arithmetic3A = arith.constant 3 : i32
    %shift_right_arithmetic3A_110 = vector.broadcast %shift_right_arithmetic3A : i32 to vector<16xi32>
    %shift_right_arithmetic3A_111 = arith.shrsi %iota3A, %shift_right_arithmetic3A_110 : vector<16xi32>
    %add3A_112 = arith.constant 0 : i32
    %add3A_113 = vector.broadcast %add3A_112 : i32 to vector<16xi32>
    %add3A_114 = arith.addi %shift_right_arithmetic3A_111, %add3A_113 : vector<16xi32>
    %shift_right_arithmetic3A_115 = arith.constant 3 : i32
    %shift_right_arithmetic3A_116 = vector.broadcast %shift_right_arithmetic3A_115 : i32 to vector<16xi32>
    %shift_right_arithmetic3A_117 = arith.shrsi %iota3A, %shift_right_arithmetic3A_116 : vector<16xi32>
    %add3A_118 = arith.constant 2 : i32
    %add3A_119 = vector.broadcast %add3A_118 : i32 to vector<16xi32>
    %add3A_120 = arith.addi %shift_right_arithmetic3A_117, %add3A_119 : vector<16xi32>
    %shift_right_arithmetic3A_121 = arith.constant 3 : i32
    %shift_right_arithmetic3A_122 = vector.broadcast %shift_right_arithmetic3A_121 : i32 to vector<16xi32>
    %shift_right_arithmetic3A_123 = arith.shrsi %iota3A, %shift_right_arithmetic3A_122 : vector<16xi32>
    %add3A_124 = arith.constant 4 : i32
    %add3A_125 = vector.broadcast %add3A_124 : i32 to vector<16xi32>
    %add3A_126 = arith.addi %shift_right_arithmetic3A_123, %add3A_125 : vector<16xi32>
    %shift_right_arithmetic3A_127 = arith.constant 3 : i32
    %shift_right_arithmetic3A_128 = vector.broadcast %shift_right_arithmetic3A_127 : i32 to vector<16xi32>
    %shift_right_arithmetic3A_129 = arith.shrsi %iota3A, %shift_right_arithmetic3A_128 : vector<16xi32>
    %add3A_130 = arith.constant 6 : i32
    %add3A_131 = vector.broadcast %add3A_130 : i32 to vector<16xi32>
    %add3A_132 = arith.addi %shift_right_arithmetic3A_129, %add3A_131 : vector<16xi32>
    %and3A_133 = arith.constant 7 : i32
    %and3A_134 = vector.broadcast %and3A_133 : i32 to vector<16xi32>
    %and3A_135 = arith.andi %iota3A, %and3A_134 : vector<16xi32>
    %shift_left3A = arith.constant 7 : i32
    %shift_left3A_136 = vector.broadcast %shift_left3A : i32 to vector<16xi32>
    %shift_left3A_137 = arith.shli %and3A_135, %shift_left3A_136 : vector<16xi32>
    %dma_start3A = arith.constant 0 : i32
    %dma_start3A_138 = arith.constant 0 : i32
    %dma_start3A_139 = tpu.memref_slice %arg5[%dma_start3A, %dma_start3A_138] : memref<200x128xi32, #tpu.memory_space<vmem>> -> memref<1x128xi32, #tpu.memory_space<vmem>>
    %dma_start3A_140 = tpu.memref_squeeze %dma_start3A_139 : memref<1x128xi32, #tpu.memory_space<vmem>> -> memref<128xi32, #tpu.memory_space<vmem>>
    %dma_start3A_141 = arith.constant 0 : i32
    %dma_start3A_142 = arith.constant 0 : i32
    %dma_start3A_143 = tpu.memref_slice %arg3[%dma_start3A_141, %dma_start3A_142] : memref<1000000x64xf32, #tpu.memory_space<hbm>> -> memref<1000000x64xf32, #tpu.memory_space<hbm>>
    tpu.enqueue_indirect_dma source(%dma_start3A_143 : memref<1000000x64xf32, #tpu.memory_space<hbm>>) target(%arg6 : memref<128x64xf32, #tpu.memory_space<vmem>>) offsets(%dma_start3A_140 : memref<128xi32, #tpu.memory_space<vmem>>) semaphore(%arg10 : memref<!tpu.dma_semaphore, #tpu.memory_space<semaphore_mem>>)
    %dma_start3A_144 = arith.constant 1 : i32
    %dma_start3A_145 = arith.constant 0 : i32
    %dma_start3A_146 = tpu.memref_slice %arg5[%dma_start3A_144, %dma_start3A_145] : memref<200x128xi32, #tpu.memory_space<vmem>> -> memref<1x128xi32, #tpu.memory_space<vmem>>
    %dma_start3A_147 = tpu.memref_squeeze %dma_start3A_146 : memref<1x128xi32, #tpu.memory_space<vmem>> -> memref<128xi32, #tpu.memory_space<vmem>>
    %dma_start3A_148 = arith.constant 0 : i32
    %dma_start3A_149 = arith.constant 0 : i32
    %dma_start3A_150 = tpu.memref_slice %arg3[%dma_start3A_148, %dma_start3A_149] : memref<1000000x64xf32, #tpu.memory_space<hbm>> -> memref<1000000x64xf32, #tpu.memory_space<hbm>>
    tpu.enqueue_indirect_dma source(%dma_start3A_150 : memref<1000000x64xf32, #tpu.memory_space<hbm>>) target(%arg7 : memref<128x64xf32, #tpu.memory_space<vmem>>) offsets(%dma_start3A_147 : memref<128xi32, #tpu.memory_space<vmem>>) semaphore(%arg11 : memref<!tpu.dma_semaphore, #tpu.memory_space<semaphore_mem>>)
    %scan3A = arith.constant 0 : i32
    %scan3A_151 = arith.constant 0 : i32
    %scan3A_152 = arith.constant 100 : i32
    %scan3A_153 = arith.addi %scan3A_151, %scan3A_152 : i32
    %scan3A_154 = arith.constant 1 : i32
    scf.for %scan3A_173 = %scan3A_151 to %scan3A_153 step %scan3A_154  : i32 {
      %mul3A_174 = arith.constant 2 : i32
      %mul3A_175 = arith.muli %mul3A_174, %scan3A_173 : i32
      %add3A_176 = arith.constant 0 : i32
      %add3A_177 = arith.addi %mul3A_175, %add3A_176 : i32
      %dma_wait3A_178 = arith.constant 0 : i32
      %dma_wait3A_179 = arith.constant 0 : i32
      %dma_wait3A_180 = tpu.memref_slice %arg5[%dma_wait3A_178, %dma_wait3A_179] : memref<200x128xi32, #tpu.memory_space<vmem>> -> memref<1x128xi32, #tpu.memory_space<vmem>>
      %dma_wait3A_181 = tpu.memref_squeeze %dma_wait3A_180 : memref<1x128xi32, #tpu.memory_space<vmem>> -> memref<128xi32, #tpu.memory_space<vmem>>
      %dma_wait3A_182 = arith.constant 0 : i32
      %dma_wait3A_183 = arith.constant 0 : i32
      %dma_wait3A_184 = tpu.memref_slice %arg3[%dma_wait3A_182, %dma_wait3A_183] : memref<1000000x64xf32, #tpu.memory_space<hbm>> -> memref<1000000x64xf32, #tpu.memory_space<hbm>>
      tpu.wait_indirect_dma semaphore(%arg10 : memref<!tpu.dma_semaphore, #tpu.memory_space<semaphore_mem>>) src(%dma_wait3A_184 : memref<1000000x64xf32, #tpu.memory_space<hbm>>) dst(%arg6 : memref<128x64xf32, #tpu.memory_space<vmem>>)
      %ge3A = arith.constant 1 : i32
      %ge3A_185 = arith.cmpi sge, %scan3A_173, %ge3A : i32
      %convert_element_type3A = arith.extui %ge3A_185 : i1 to i32
      %cond3A = arith.constant 0 : i32
      %cond3A_186 = arith.cmpi ne, %convert_element_type3A, %cond3A : i32
      scf.if %cond3A_186 {
        %dma_wait3A_233 = arith.constant 0 : i32
        %dma_wait3A_234 = arith.constant 0 : i32
        %dma_wait3A_235 = arith.constant 0 : i32
        %dma_wait3A_236 = tpu.memref_slice %arg4[%dma_wait3A_233, %dma_wait3A_234, %add3A, %dma_wait3A_235] : memref<200x8x32x1024xf32, #tpu.memory_space<hbm>> -> memref<1x8x1x1024xf32, #tpu.memory_space<hbm>>
        %dma_wait3A_237 = tpu.memref_squeeze %dma_wait3A_236 : memref<1x8x1x1024xf32, #tpu.memory_space<hbm>> -> memref<8x1024xf32, #tpu.memory_space<hbm>>
        %dma_wait3A_238 = arith.constant 0 : i32
        %dma_wait3A_239 = arith.constant 0 : i32
        %dma_wait3A_240 = tpu.memref_slice %arg4[%dma_wait3A_233, %dma_wait3A_238, %add3A, %dma_wait3A_239] : memref<200x8x32x1024xf32, #tpu.memory_space<hbm>> -> memref<1x8x1x1024xf32, #tpu.memory_space<hbm>>
        %dma_wait3A_241 = tpu.memref_squeeze %dma_wait3A_240 : memref<1x8x1x1024xf32, #tpu.memory_space<hbm>> -> memref<8x1024xf32, #tpu.memory_space<hbm>>
        tpu.wait_dma2 semaphore(%arg12 : memref<!tpu.dma_semaphore, #tpu.memory_space<semaphore_mem>>) src(%arg8 : memref<8x1024xf32, #tpu.memory_space<vmem>>) dst(%dma_wait3A_241 : memref<8x1024xf32, #tpu.memory_space<hbm>>)
      } else {
      }
      %parallel_loop3A = arith.constant 0 : i32
      %parallel_loop3A_187 = arith.constant 16 : i32
      %parallel_loop3A_188 = arith.constant 1 : i32
      scf.for %parallel_loop3A_233 = %parallel_loop3A to %parallel_loop3A_187 step %parallel_loop3A_188  : i32 {
        %parallel_loop3A_234 = vector.broadcast %parallel_loop3A_233 : i32 to vector<16xi32>
        %parallel_loop3A_235 = arith.addi %iota3A, %parallel_loop3A_234 : vector<16xi32>
        %parallel_loop3A_236 = arith.constant 15 : i32
        %parallel_loop3A_237 = vector.broadcast %parallel_loop3A_236 : i32 to vector<16xi32>
        %parallel_loop3A_238 = arith.andi %parallel_loop3A_235, %parallel_loop3A_237 : vector<16xi32>
        %parallel_loop3A_239 = arith.constant 0 : i32
        %parallel_loop3A_240 = vector.broadcast %parallel_loop3A_239 : i32 to vector<16xi32>
        %parallel_loop3A_241 = arith.addi %parallel_loop3A_238, %parallel_loop3A_240 : vector<16xi32>
        %parallel_loop3A_242 = arith.addi %shift_left3A_137, %parallel_loop3A_241 : vector<16xi32>
        %parallel_loop3A_243 = tpu.vector_load_idx %arg6[%parallel_loop3A_241, %add3A_100] : memref<128x64xf32, #tpu.memory_space<vmem>>[vector<16xi32>, vector<16xi32>], vector<16xf32>,
        tpu.vector_store_idx %arg8[%add3A_114, %parallel_loop3A_242], %parallel_loop3A_243 : memref<8x1024xf32, #tpu.memory_space<vmem>>[vector<16xi32>, vector<16xi32>], vector<16xf32>,
        %parallel_loop3A_244 = tpu.vector_load_idx %arg6[%parallel_loop3A_241, %add3A_103] : memref<128x64xf32, #tpu.memory_space<vmem>>[vector<16xi32>, vector<16xi32>], vector<16xf32>,
        tpu.vector_store_idx %arg8[%add3A_120, %parallel_loop3A_242], %parallel_loop3A_244 : memref<8x1024xf32, #tpu.memory_space<vmem>>[vector<16xi32>, vector<16xi32>], vector<16xf32>,
        %parallel_loop3A_245 = tpu.vector_load_idx %arg6[%parallel_loop3A_241, %add3A_106] : memref<128x64xf32, #tpu.memory_space<vmem>>[vector<16xi32>, vector<16xi32>], vector<16xf32>,
        tpu.vector_store_idx %arg8[%add3A_126, %parallel_loop3A_242], %parallel_loop3A_245 : memref<8x1024xf32, #tpu.memory_space<vmem>>[vector<16xi32>, vector<16xi32>], vector<16xf32>,
        %parallel_loop3A_246 = tpu.vector_load_idx %arg6[%parallel_loop3A_241, %add3A_109] : memref<128x64xf32, #tpu.memory_space<vmem>>[vector<16xi32>, vector<16xi32>], vector<16xf32>,
        tpu.vector_store_idx %arg8[%add3A_132, %parallel_loop3A_242], %parallel_loop3A_246 : memref<8x1024xf32, #tpu.memory_space<vmem>>[vector<16xi32>, vector<16xi32>], vector<16xf32>,
        %parallel_loop3A_247 = arith.constant 16 : i32
        %parallel_loop3A_248 = vector.broadcast %parallel_loop3A_247 : i32 to vector<16xi32>
        %parallel_loop3A_249 = arith.addi %parallel_loop3A_238, %parallel_loop3A_248 : vector<16xi32>
        %parallel_loop3A_250 = arith.addi %shift_left3A_137, %parallel_loop3A_249 : vector<16xi32>
        %parallel_loop3A_251 = tpu.vector_load_idx %arg6[%parallel_loop3A_249, %add3A_100] : memref<128x64xf32, #tpu.memory_space<vmem>>[vector<16xi32>, vector<16xi32>], vector<16xf32>,
        tpu.vector_store_idx %arg8[%add3A_114, %parallel_loop3A_250], %parallel_loop3A_251 : memref<8x1024xf32, #tpu.memory_space<vmem>>[vector<16xi32>, vector<16xi32>], vector<16xf32>,
        %parallel_loop3A_252 = tpu.vector_load_idx %arg6[%parallel_loop3A_249, %add3A_103] : memref<128x64xf32, #tpu.memory_space<vmem>>[vector<16xi32>, vector<16xi32>], vector<16xf32>,
        tpu.vector_store_idx %arg8[%add3A_120, %parallel_loop3A_250], %parallel_loop3A_252 : memref<8x1024xf32, #tpu.memory_space<vmem>>[vector<16xi32>, vector<16xi32>], vector<16xf32>,
        %parallel_loop3A_253 = tpu.vector_load_idx %arg6[%parallel_loop3A_249, %add3A_106] : memref<128x64xf32, #tpu.memory_space<vmem>>[vector<16xi32>, vector<16xi32>], vector<16xf32>,
        tpu.vector_store_idx %arg8[%add3A_126, %parallel_loop3A_250], %parallel_loop3A_253 : memref<8x1024xf32, #tpu.memory_space<vmem>>[vector<16xi32>, vector<16xi32>], vector<16xf32>,
        %parallel_loop3A_254 = tpu.vector_load_idx %arg6[%parallel_loop3A_249, %add3A_109] : memref<128x64xf32, #tpu.memory_space<vmem>>[vector<16xi32>, vector<16xi32>], vector<16xf32>,
        tpu.vector_store_idx %arg8[%add3A_132, %parallel_loop3A_250], %parallel_loop3A_254 : memref<8x1024xf32, #tpu.memory_space<vmem>>[vector<16xi32>, vector<16xi32>], vector<16xf32>,
        %parallel_loop3A_255 = arith.constant 32 : i32
        %parallel_loop3A_256 = vector.broadcast %parallel_loop3A_255 : i32 to vector<16xi32>
        %parallel_loop3A_257 = arith.addi %parallel_loop3A_238, %parallel_loop3A_256 : vector<16xi32>
        %parallel_loop3A_258 = arith.addi %shift_left3A_137, %parallel_loop3A_257 : vector<16xi32>
        %parallel_loop3A_259 = tpu.vector_load_idx %arg6[%parallel_loop3A_257, %add3A_100] : memref<128x64xf32, #tpu.memory_space<vmem>>[vector<16xi32>, vector<16xi32>], vector<16xf32>,
        tpu.vector_store_idx %arg8[%add3A_114, %parallel_loop3A_258], %parallel_loop3A_259 : memref<8x1024xf32, #tpu.memory_space<vmem>>[vector<16xi32>, vector<16xi32>], vector<16xf32>,
        %parallel_loop3A_260 = tpu.vector_load_idx %arg6[%parallel_loop3A_257, %add3A_103] : memref<128x64xf32, #tpu.memory_space<vmem>>[vector<16xi32>, vector<16xi32>], vector<16xf32>,
        tpu.vector_store_idx %arg8[%add3A_120, %parallel_loop3A_258], %parallel_loop3A_260 : memref<8x1024xf32, #tpu.memory_space<vmem>>[vector<16xi32>, vector<16xi32>], vector<16xf32>,
        %parallel_loop3A_261 = tpu.vector_load_idx %arg6[%parallel_loop3A_257, %add3A_106] : memref<128x64xf32, #tpu.memory_space<vmem>>[vector<16xi32>, vector<16xi32>], vector<16xf32>,
        tpu.vector_store_idx %arg8[%add3A_126, %parallel_loop3A_258], %parallel_loop3A_261 : memref<8x1024xf32, #tpu.memory_space<vmem>>[vector<16xi32>, vector<16xi32>], vector<16xf32>,
        %parallel_loop3A_262 = tpu.vector_load_idx %arg6[%parallel_loop3A_257, %add3A_109] : memref<128x64xf32, #tpu.memory_space<vmem>>[vector<16xi32>, vector<16xi32>], vector<16xf32>,
        tpu.vector_store_idx %arg8[%add3A_132, %parallel_loop3A_258], %parallel_loop3A_262 : memref<8x1024xf32, #tpu.memory_space<vmem>>[vector<16xi32>, vector<16xi32>], vector<16xf32>,
        %parallel_loop3A_263 = arith.constant 48 : i32
        %parallel_loop3A_264 = vector.broadcast %parallel_loop3A_263 : i32 to vector<16xi32>
        %parallel_loop3A_265 = arith.addi %parallel_loop3A_238, %parallel_loop3A_264 : vector<16xi32>
        %parallel_loop3A_266 = arith.addi %shift_left3A_137, %parallel_loop3A_265 : vector<16xi32>
        %parallel_loop3A_267 = tpu.vector_load_idx %arg6[%parallel_loop3A_265, %add3A_100] : memref<128x64xf32, #tpu.memory_space<vmem>>[vector<16xi32>, vector<16xi32>], vector<16xf32>,
        tpu.vector_store_idx %arg8[%add3A_114, %parallel_loop3A_266], %parallel_loop3A_267 : memref<8x1024xf32, #tpu.memory_space<vmem>>[vector<16xi32>, vector<16xi32>], vector<16xf32>,
        %parallel_loop3A_268 = tpu.vector_load_idx %arg6[%parallel_loop3A_265, %add3A_103] : memref<128x64xf32, #tpu.memory_space<vmem>>[vector<16xi32>, vector<16xi32>], vector<16xf32>,
        tpu.vector_store_idx %arg8[%add3A_120, %parallel_loop3A_266], %parallel_loop3A_268 : memref<8x1024xf32, #tpu.memory_space<vmem>>[vector<16xi32>, vector<16xi32>], vector<16xf32>,
        %parallel_loop3A_269 = tpu.vector_load_idx %arg6[%parallel_loop3A_265, %add3A_106] : memref<128x64xf32, #tpu.memory_space<vmem>>[vector<16xi32>, vector<16xi32>], vector<16xf32>,
        tpu.vector_store_idx %arg8[%add3A_126, %parallel_loop3A_266], %parallel_loop3A_269 : memref<8x1024xf32, #tpu.memory_space<vmem>>[vector<16xi32>, vector<16xi32>], vector<16xf32>,
        %parallel_loop3A_270 = tpu.vector_load_idx %arg6[%parallel_loop3A_265, %add3A_109] : memref<128x64xf32, #tpu.memory_space<vmem>>[vector<16xi32>, vector<16xi32>], vector<16xf32>,
        tpu.vector_store_idx %arg8[%add3A_132, %parallel_loop3A_266], %parallel_loop3A_270 : memref<8x1024xf32, #tpu.memory_space<vmem>>[vector<16xi32>, vector<16xi32>], vector<16xf32>,
        %parallel_loop3A_271 = arith.constant 64 : i32
        %parallel_loop3A_272 = vector.broadcast %parallel_loop3A_271 : i32 to vector<16xi32>
        %parallel_loop3A_273 = arith.addi %parallel_loop3A_238, %parallel_loop3A_272 : vector<16xi32>
        %parallel_loop3A_274 = arith.addi %shift_left3A_137, %parallel_loop3A_273 : vector<16xi32>
        %parallel_loop3A_275 = tpu.vector_load_idx %arg6[%parallel_loop3A_273, %add3A_100] : memref<128x64xf32, #tpu.memory_space<vmem>>[vector<16xi32>, vector<16xi32>], vector<16xf32>,
        tpu.vector_store_idx %arg8[%add3A_114, %parallel_loop3A_274], %parallel_loop3A_275 : memref<8x1024xf32, #tpu.memory_space<vmem>>[vector<16xi32>, vector<16xi32>], vector<16xf32>,
        %parallel_loop3A_276 = tpu.vector_load_idx %arg6[%parallel_loop3A_273, %add3A_103] : memref<128x64xf32, #tpu.memory_space<vmem>>[vector<16xi32>, vector<16xi32>], vector<16xf32>,
        tpu.vector_store_idx %arg8[%add3A_120, %parallel_loop3A_274], %parallel_loop3A_276 : memref<8x1024xf32, #tpu.memory_space<vmem>>[vector<16xi32>, vector<16xi32>], vector<16xf32>,
        %parallel_loop3A_277 = tpu.vector_load_idx %arg6[%parallel_loop3A_273, %add3A_106] : memref<128x64xf32, #tpu.memory_space<vmem>>[vector<16xi32>, vector<16xi32>], vector<16xf32>,
        tpu.vector_store_idx %arg8[%add3A_126, %parallel_loop3A_274], %parallel_loop3A_277 : memref<8x1024xf32, #tpu.memory_space<vmem>>[vector<16xi32>, vector<16xi32>], vector<16xf32>,
        %parallel_loop3A_278 = tpu.vector_load_idx %arg6[%parallel_loop3A_273, %add3A_109] : memref<128x64xf32, #tpu.memory_space<vmem>>[vector<16xi32>, vector<16xi32>], vector<16xf32>,
        tpu.vector_store_idx %arg8[%add3A_132, %parallel_loop3A_274], %parallel_loop3A_278 : memref<8x1024xf32, #tpu.memory_space<vmem>>[vector<16xi32>, vector<16xi32>], vector<16xf32>,
        %parallel_loop3A_279 = arith.constant 80 : i32
        %parallel_loop3A_280 = vector.broadcast %parallel_loop3A_279 : i32 to vector<16xi32>
        %parallel_loop3A_281 = arith.addi %parallel_loop3A_238, %parallel_loop3A_280 : vector<16xi32>
        %parallel_loop3A_282 = arith.addi %shift_left3A_137, %parallel_loop3A_281 : vector<16xi32>
        %parallel_loop3A_283 = tpu.vector_load_idx %arg6[%parallel_loop3A_281, %add3A_100] : memref<128x64xf32, #tpu.memory_space<vmem>>[vector<16xi32>, vector<16xi32>], vector<16xf32>,
        tpu.vector_store_idx %arg8[%add3A_114, %parallel_loop3A_282], %parallel_loop3A_283 : memref<8x1024xf32, #tpu.memory_space<vmem>>[vector<16xi32>, vector<16xi32>], vector<16xf32>,
        %parallel_loop3A_284 = tpu.vector_load_idx %arg6[%parallel_loop3A_281, %add3A_103] : memref<128x64xf32, #tpu.memory_space<vmem>>[vector<16xi32>, vector<16xi32>], vector<16xf32>,
        tpu.vector_store_idx %arg8[%add3A_120, %parallel_loop3A_282], %parallel_loop3A_284 : memref<8x1024xf32, #tpu.memory_space<vmem>>[vector<16xi32>, vector<16xi32>], vector<16xf32>,
        %parallel_loop3A_285 = tpu.vector_load_idx %arg6[%parallel_loop3A_281, %add3A_106] : memref<128x64xf32, #tpu.memory_space<vmem>>[vector<16xi32>, vector<16xi32>], vector<16xf32>,
        tpu.vector_store_idx %arg8[%add3A_126, %parallel_loop3A_282], %parallel_loop3A_285 : memref<8x1024xf32, #tpu.memory_space<vmem>>[vector<16xi32>, vector<16xi32>], vector<16xf32>,
        %parallel_loop3A_286 = tpu.vector_load_idx %arg6[%parallel_loop3A_281, %add3A_109] : memref<128x64xf32, #tpu.memory_space<vmem>>[vector<16xi32>, vector<16xi32>], vector<16xf32>,
        tpu.vector_store_idx %arg8[%add3A_132, %parallel_loop3A_282], %parallel_loop3A_286 : memref<8x1024xf32, #tpu.memory_space<vmem>>[vector<16xi32>, vector<16xi32>], vector<16xf32>,
        %parallel_loop3A_287 = arith.constant 96 : i32
        %parallel_loop3A_288 = vector.broadcast %parallel_loop3A_287 : i32 to vector<16xi32>
        %parallel_loop3A_289 = arith.addi %parallel_loop3A_238, %parallel_loop3A_288 : vector<16xi32>
        %parallel_loop3A_290 = arith.addi %shift_left3A_137, %parallel_loop3A_289 : vector<16xi32>
        %parallel_loop3A_291 = tpu.vector_load_idx %arg6[%parallel_loop3A_289, %add3A_100] : memref<128x64xf32, #tpu.memory_space<vmem>>[vector<16xi32>, vector<16xi32>], vector<16xf32>,
        tpu.vector_store_idx %arg8[%add3A_114, %parallel_loop3A_290], %parallel_loop3A_291 : memref<8x1024xf32, #tpu.memory_space<vmem>>[vector<16xi32>, vector<16xi32>], vector<16xf32>,
        %parallel_loop3A_292 = tpu.vector_load_idx %arg6[%parallel_loop3A_289, %add3A_103] : memref<128x64xf32, #tpu.memory_space<vmem>>[vector<16xi32>, vector<16xi32>], vector<16xf32>,
        tpu.vector_store_idx %arg8[%add3A_120, %parallel_loop3A_290], %parallel_loop3A_292 : memref<8x1024xf32, #tpu.memory_space<vmem>>[vector<16xi32>, vector<16xi32>], vector<16xf32>,
        %parallel_loop3A_293 = tpu.vector_load_idx %arg6[%parallel_loop3A_289, %add3A_106] : memref<128x64xf32, #tpu.memory_space<vmem>>[vector<16xi32>, vector<16xi32>], vector<16xf32>,
        tpu.vector_store_idx %arg8[%add3A_126, %parallel_loop3A_290], %parallel_loop3A_293 : memref<8x1024xf32, #tpu.memory_space<vmem>>[vector<16xi32>, vector<16xi32>], vector<16xf32>,
        %parallel_loop3A_294 = tpu.vector_load_idx %arg6[%parallel_loop3A_289, %add3A_109] : memref<128x64xf32, #tpu.memory_space<vmem>>[vector<16xi32>, vector<16xi32>], vector<16xf32>,
        tpu.vector_store_idx %arg8[%add3A_132, %parallel_loop3A_290], %parallel_loop3A_294 : memref<8x1024xf32, #tpu.memory_space<vmem>>[vector<16xi32>, vector<16xi32>], vector<16xf32>,
        %parallel_loop3A_295 = arith.constant 112 : i32
        %parallel_loop3A_296 = vector.broadcast %parallel_loop3A_295 : i32 to vector<16xi32>
        %parallel_loop3A_297 = arith.addi %parallel_loop3A_238, %parallel_loop3A_296 : vector<16xi32>
        %parallel_loop3A_298 = arith.addi %shift_left3A_137, %parallel_loop3A_297 : vector<16xi32>
        %parallel_loop3A_299 = tpu.vector_load_idx %arg6[%parallel_loop3A_297, %add3A_100] : memref<128x64xf32, #tpu.memory_space<vmem>>[vector<16xi32>, vector<16xi32>], vector<16xf32>,
        tpu.vector_store_idx %arg8[%add3A_114, %parallel_loop3A_298], %parallel_loop3A_299 : memref<8x1024xf32, #tpu.memory_space<vmem>>[vector<16xi32>, vector<16xi32>], vector<16xf32>,
        %parallel_loop3A_300 = tpu.vector_load_idx %arg6[%parallel_loop3A_297, %add3A_103] : memref<128x64xf32, #tpu.memory_space<vmem>>[vector<16xi32>, vector<16xi32>], vector<16xf32>,
        tpu.vector_store_idx %arg8[%add3A_120, %parallel_loop3A_298], %parallel_loop3A_300 : memref<8x1024xf32, #tpu.memory_space<vmem>>[vector<16xi32>, vector<16xi32>], vector<16xf32>,
        %parallel_loop3A_301 = tpu.vector_load_idx %arg6[%parallel_loop3A_297, %add3A_106] : memref<128x64xf32, #tpu.memory_space<vmem>>[vector<16xi32>, vector<16xi32>], vector<16xf32>,
        tpu.vector_store_idx %arg8[%add3A_126, %parallel_loop3A_298], %parallel_loop3A_301 : memref<8x1024xf32, #tpu.memory_space<vmem>>[vector<16xi32>, vector<16xi32>], vector<16xf32>,
        %parallel_loop3A_302 = tpu.vector_load_idx %arg6[%parallel_loop3A_297, %add3A_109] : memref<128x64xf32, #tpu.memory_space<vmem>>[vector<16xi32>, vector<16xi32>], vector<16xf32>,
        tpu.vector_store_idx %arg8[%add3A_132, %parallel_loop3A_298], %parallel_loop3A_302 : memref<8x1024xf32, #tpu.memory_space<vmem>>[vector<16xi32>, vector<16xi32>], vector<16xf32>,
      } {sc.loop_unroll_factor = 8 : i64, sc.parallel_access}
      %le3A = arith.constant 98 : i32
      %le3A_189 = arith.cmpi sle, %scan3A_173, %le3A : i32
      %convert_element_type3A_190 = arith.extui %le3A_189 : i1 to i32
      %cond3A_191 = arith.constant 0 : i32
      %cond3A_192 = arith.cmpi ne, %convert_element_type3A_190, %cond3A_191 : i32
      scf.if %cond3A_192 {
        %add3A_233 = arith.constant 2 : i32
        %add3A_234 = arith.addi %add3A_177, %add3A_233 : i32
        %dma_start3A_235 = arith.constant 0 : i32
        %dma_start3A_236 = tpu.memref_slice %arg5[%add3A_234, %dma_start3A_235] : memref<200x128xi32, #tpu.memory_space<vmem>> -> memref<1x128xi32, #tpu.memory_space<vmem>>
        %dma_start3A_237 = tpu.memref_squeeze %dma_start3A_236 : memref<1x128xi32, #tpu.memory_space<vmem>> -> memref<128xi32, #tpu.memory_space<vmem>>
        %dma_start3A_238 = arith.constant 0 : i32
        %dma_start3A_239 = arith.constant 0 : i32
        %dma_start3A_240 = tpu.memref_slice %arg3[%dma_start3A_238, %dma_start3A_239] : memref<1000000x64xf32, #tpu.memory_space<hbm>> -> memref<1000000x64xf32, #tpu.memory_space<hbm>>
        tpu.enqueue_indirect_dma source(%dma_start3A_240 : memref<1000000x64xf32, #tpu.memory_space<hbm>>) target(%arg6 : memref<128x64xf32, #tpu.memory_space<vmem>>) offsets(%dma_start3A_237 : memref<128xi32, #tpu.memory_space<vmem>>) semaphore(%arg10 : memref<!tpu.dma_semaphore, #tpu.memory_space<semaphore_mem>>)
      } else {
      }
      %dma_start3A_193 = arith.constant 0 : i32
      %dma_start3A_194 = arith.constant 0 : i32
      %dma_start3A_195 = tpu.memref_slice %arg4[%add3A_177, %dma_start3A_193, %add3A, %dma_start3A_194] : memref<200x8x32x1024xf32, #tpu.memory_space<hbm>> -> memref<1x8x1x1024xf32, #tpu.memory_space<hbm>>
      %dma_start3A_196 = tpu.memref_squeeze %dma_start3A_195 : memref<1x8x1x1024xf32, #tpu.memory_space<hbm>> -> memref<8x1024xf32, #tpu.memory_space<hbm>>
      %dma_start3A_197 = arith.constant 0 : i32
      %dma_start3A_198 = arith.constant 0 : i32
      %dma_start3A_199 = tpu.memref_slice %arg4[%add3A_177, %dma_start3A_197, %add3A, %dma_start3A_198] : memref<200x8x32x1024xf32, #tpu.memory_space<hbm>> -> memref<1x8x1x1024xf32, #tpu.memory_space<hbm>>
      %dma_start3A_200 = tpu.memref_squeeze %dma_start3A_199 : memref<1x8x1x1024xf32, #tpu.memory_space<hbm>> -> memref<8x1024xf32, #tpu.memory_space<hbm>>
      tpu.enqueue_dma source(%arg8 : memref<8x1024xf32, #tpu.memory_space<vmem>>) target(%dma_start3A_200 : memref<8x1024xf32, #tpu.memory_space<hbm>>) target_semaphore(%arg12 : memref<!tpu.dma_semaphore, #tpu.memory_space<semaphore_mem>>)
      %mul3A_201 = arith.constant 2 : i32
      %mul3A_202 = arith.muli %mul3A_201, %scan3A_173 : i32
      %add3A_203 = arith.constant 1 : i32
      %add3A_204 = arith.addi %mul3A_202, %add3A_203 : i32
      %dma_wait3A_205 = arith.constant 0 : i32
      %dma_wait3A_206 = arith.constant 0 : i32
      %dma_wait3A_207 = tpu.memref_slice %arg5[%dma_wait3A_205, %dma_wait3A_206] : memref<200x128xi32, #tpu.memory_space<vmem>> -> memref<1x128xi32, #tpu.memory_space<vmem>>
      %dma_wait3A_208 = tpu.memref_squeeze %dma_wait3A_207 : memref<1x128xi32, #tpu.memory_space<vmem>> -> memref<128xi32, #tpu.memory_space<vmem>>
      %dma_wait3A_209 = arith.constant 0 : i32
      %dma_wait3A_210 = arith.constant 0 : i32
      %dma_wait3A_211 = tpu.memref_slice %arg3[%dma_wait3A_209, %dma_wait3A_210] : memref<1000000x64xf32, #tpu.memory_space<hbm>> -> memref<1000000x64xf32, #tpu.memory_space<hbm>>
      tpu.wait_indirect_dma semaphore(%arg11 : memref<!tpu.dma_semaphore, #tpu.memory_space<semaphore_mem>>) src(%dma_wait3A_211 : memref<1000000x64xf32, #tpu.memory_space<hbm>>) dst(%arg7 : memref<128x64xf32, #tpu.memory_space<vmem>>)
      %ge3A_212 = arith.constant 1 : i32
      %ge3A_213 = arith.cmpi sge, %scan3A_173, %ge3A_212 : i32
      %convert_element_type3A_214 = arith.extui %ge3A_213 : i1 to i32
      %cond3A_215 = arith.constant 0 : i32
      %cond3A_216 = arith.cmpi ne, %convert_element_type3A_214, %cond3A_215 : i32
      scf.if %cond3A_216 {
        %dma_wait3A_233 = arith.constant 0 : i32
        %dma_wait3A_234 = arith.constant 0 : i32
        %dma_wait3A_235 = arith.constant 0 : i32
        %dma_wait3A_236 = tpu.memref_slice %arg4[%dma_wait3A_233, %dma_wait3A_234, %add3A, %dma_wait3A_235] : memref<200x8x32x1024xf32, #tpu.memory_space<hbm>> -> memref<1x8x1x1024xf32, #tpu.memory_space<hbm>>
        %dma_wait3A_237 = tpu.memref_squeeze %dma_wait3A_236 : memref<1x8x1x1024xf32, #tpu.memory_space<hbm>> -> memref<8x1024xf32, #tpu.memory_space<hbm>>
        %dma_wait3A_238 = arith.constant 0 : i32
        %dma_wait3A_239 = arith.constant 0 : i32
        %dma_wait3A_240 = tpu.memref_slice %arg4[%dma_wait3A_233, %dma_wait3A_238, %add3A, %dma_wait3A_239] : memref<200x8x32x1024xf32, #tpu.memory_space<hbm>> -> memref<1x8x1x1024xf32, #tpu.memory_space<hbm>>
        %dma_wait3A_241 = tpu.memref_squeeze %dma_wait3A_240 : memref<1x8x1x1024xf32, #tpu.memory_space<hbm>> -> memref<8x1024xf32, #tpu.memory_space<hbm>>
        tpu.wait_dma2 semaphore(%arg13 : memref<!tpu.dma_semaphore, #tpu.memory_space<semaphore_mem>>) src(%arg9 : memref<8x1024xf32, #tpu.memory_space<vmem>>) dst(%dma_wait3A_241 : memref<8x1024xf32, #tpu.memory_space<hbm>>)
      } else {
      }
      %parallel_loop3A_217 = arith.constant 0 : i32
      %parallel_loop3A_218 = arith.constant 16 : i32
      %parallel_loop3A_219 = arith.constant 1 : i32
      scf.for %parallel_loop3A_233 = %parallel_loop3A_217 to %parallel_loop3A_218 step %parallel_loop3A_219  : i32 {
        %parallel_loop3A_234 = vector.broadcast %parallel_loop3A_233 : i32 to vector<16xi32>
        %parallel_loop3A_235 = arith.addi %iota3A, %parallel_loop3A_234 : vector<16xi32>
        %parallel_loop3A_236 = arith.constant 15 : i32
        %parallel_loop3A_237 = vector.broadcast %parallel_loop3A_236 : i32 to vector<16xi32>
        %parallel_loop3A_238 = arith.andi %parallel_loop3A_235, %parallel_loop3A_237 : vector<16xi32>
        %parallel_loop3A_239 = arith.constant 0 : i32
        %parallel_loop3A_240 = vector.broadcast %parallel_loop3A_239 : i32 to vector<16xi32>
        %parallel_loop3A_241 = arith.addi %parallel_loop3A_238, %parallel_loop3A_240 : vector<16xi32>
        %parallel_loop3A_242 = arith.addi %shift_left3A_137, %parallel_loop3A_241 : vector<16xi32>
        %parallel_loop3A_243 = tpu.vector_load_idx %arg7[%parallel_loop3A_241, %add3A_100] : memref<128x64xf32, #tpu.memory_space<vmem>>[vector<16xi32>, vector<16xi32>], vector<16xf32>,
        tpu.vector_store_idx %arg9[%add3A_114, %parallel_loop3A_242], %parallel_loop3A_243 : memref<8x1024xf32, #tpu.memory_space<vmem>>[vector<16xi32>, vector<16xi32>], vector<16xf32>,
        %parallel_loop3A_244 = tpu.vector_load_idx %arg7[%parallel_loop3A_241, %add3A_103] : memref<128x64xf32, #tpu.memory_space<vmem>>[vector<16xi32>, vector<16xi32>], vector<16xf32>,
        tpu.vector_store_idx %arg9[%add3A_120, %parallel_loop3A_242], %parallel_loop3A_244 : memref<8x1024xf32, #tpu.memory_space<vmem>>[vector<16xi32>, vector<16xi32>], vector<16xf32>,
        %parallel_loop3A_245 = tpu.vector_load_idx %arg7[%parallel_loop3A_241, %add3A_106] : memref<128x64xf32, #tpu.memory_space<vmem>>[vector<16xi32>, vector<16xi32>], vector<16xf32>,
        tpu.vector_store_idx %arg9[%add3A_126, %parallel_loop3A_242], %parallel_loop3A_245 : memref<8x1024xf32, #tpu.memory_space<vmem>>[vector<16xi32>, vector<16xi32>], vector<16xf32>,
        %parallel_loop3A_246 = tpu.vector_load_idx %arg7[%parallel_loop3A_241, %add3A_109] : memref<128x64xf32, #tpu.memory_space<vmem>>[vector<16xi32>, vector<16xi32>], vector<16xf32>,
        tpu.vector_store_idx %arg9[%add3A_132, %parallel_loop3A_242], %parallel_loop3A_246 : memref<8x1024xf32, #tpu.memory_space<vmem>>[vector<16xi32>, vector<16xi32>], vector<16xf32>,
        %parallel_loop3A_247 = arith.constant 16 : i32
        %parallel_loop3A_248 = vector.broadcast %parallel_loop3A_247 : i32 to vector<16xi32>
        %parallel_loop3A_249 = arith.addi %parallel_loop3A_238, %parallel_loop3A_248 : vector<16xi32>
        %parallel_loop3A_250 = arith.addi %shift_left3A_137, %parallel_loop3A_249 : vector<16xi32>
        %parallel_loop3A_251 = tpu.vector_load_idx %arg7[%parallel_loop3A_249, %add3A_100] : memref<128x64xf32, #tpu.memory_space<vmem>>[vector<16xi32>, vector<16xi32>], vector<16xf32>,
        tpu.vector_store_idx %arg9[%add3A_114, %parallel_loop3A_250], %parallel_loop3A_251 : memref<8x1024xf32, #tpu.memory_space<vmem>>[vector<16xi32>, vector<16xi32>], vector<16xf32>,
        %parallel_loop3A_252 = tpu.vector_load_idx %arg7[%parallel_loop3A_249, %add3A_103] : memref<128x64xf32, #tpu.memory_space<vmem>>[vector<16xi32>, vector<16xi32>], vector<16xf32>,
        tpu.vector_store_idx %arg9[%add3A_120, %parallel_loop3A_250], %parallel_loop3A_252 : memref<8x1024xf32, #tpu.memory_space<vmem>>[vector<16xi32>, vector<16xi32>], vector<16xf32>,
        %parallel_loop3A_253 = tpu.vector_load_idx %arg7[%parallel_loop3A_249, %add3A_106] : memref<128x64xf32, #tpu.memory_space<vmem>>[vector<16xi32>, vector<16xi32>], vector<16xf32>,
        tpu.vector_store_idx %arg9[%add3A_126, %parallel_loop3A_250], %parallel_loop3A_253 : memref<8x1024xf32, #tpu.memory_space<vmem>>[vector<16xi32>, vector<16xi32>], vector<16xf32>,
        %parallel_loop3A_254 = tpu.vector_load_idx %arg7[%parallel_loop3A_249, %add3A_109] : memref<128x64xf32, #tpu.memory_space<vmem>>[vector<16xi32>, vector<16xi32>], vector<16xf32>,
        tpu.vector_store_idx %arg9[%add3A_132, %parallel_loop3A_250], %parallel_loop3A_254 : memref<8x1024xf32, #tpu.memory_space<vmem>>[vector<16xi32>, vector<16xi32>], vector<16xf32>,
        %parallel_loop3A_255 = arith.constant 32 : i32
        %parallel_loop3A_256 = vector.broadcast %parallel_loop3A_255 : i32 to vector<16xi32>
        %parallel_loop3A_257 = arith.addi %parallel_loop3A_238, %parallel_loop3A_256 : vector<16xi32>
        %parallel_loop3A_258 = arith.addi %shift_left3A_137, %parallel_loop3A_257 : vector<16xi32>
        %parallel_loop3A_259 = tpu.vector_load_idx %arg7[%parallel_loop3A_257, %add3A_100] : memref<128x64xf32, #tpu.memory_space<vmem>>[vector<16xi32>, vector<16xi32>], vector<16xf32>,
        tpu.vector_store_idx %arg9[%add3A_114, %parallel_loop3A_258], %parallel_loop3A_259 : memref<8x1024xf32, #tpu.memory_space<vmem>>[vector<16xi32>, vector<16xi32>], vector<16xf32>,
        %parallel_loop3A_260 = tpu.vector_load_idx %arg7[%parallel_loop3A_257, %add3A_103] : memref<128x64xf32, #tpu.memory_space<vmem>>[vector<16xi32>, vector<16xi32>], vector<16xf32>,
        tpu.vector_store_idx %arg9[%add3A_120, %parallel_loop3A_258], %parallel_loop3A_260 : memref<8x1024xf32, #tpu.memory_space<vmem>>[vector<16xi32>, vector<16xi32>], vector<16xf32>,
        %parallel_loop3A_261 = tpu.vector_load_idx %arg7[%parallel_loop3A_257, %add3A_106] : memref<128x64xf32, #tpu.memory_space<vmem>>[vector<16xi32>, vector<16xi32>], vector<16xf32>,
        tpu.vector_store_idx %arg9[%add3A_126, %parallel_loop3A_258], %parallel_loop3A_261 : memref<8x1024xf32, #tpu.memory_space<vmem>>[vector<16xi32>, vector<16xi32>], vector<16xf32>,
        %parallel_loop3A_262 = tpu.vector_load_idx %arg7[%parallel_loop3A_257, %add3A_109] : memref<128x64xf32, #tpu.memory_space<vmem>>[vector<16xi32>, vector<16xi32>], vector<16xf32>,
        tpu.vector_store_idx %arg9[%add3A_132, %parallel_loop3A_258], %parallel_loop3A_262 : memref<8x1024xf32, #tpu.memory_space<vmem>>[vector<16xi32>, vector<16xi32>], vector<16xf32>,
        %parallel_loop3A_263 = arith.constant 48 : i32
        %parallel_loop3A_264 = vector.broadcast %parallel_loop3A_263 : i32 to vector<16xi32>
        %parallel_loop3A_265 = arith.addi %parallel_loop3A_238, %parallel_loop3A_264 : vector<16xi32>
        %parallel_loop3A_266 = arith.addi %shift_left3A_137, %parallel_loop3A_265 : vector<16xi32>
        %parallel_loop3A_267 = tpu.vector_load_idx %arg7[%parallel_loop3A_265, %add3A_100] : memref<128x64xf32, #tpu.memory_space<vmem>>[vector<16xi32>, vector<16xi32>], vector<16xf32>,
        tpu.vector_store_idx %arg9[%add3A_114, %parallel_loop3A_266], %parallel_loop3A_267 : memref<8x1024xf32, #tpu.memory_space<vmem>>[vector<16xi32>, vector<16xi32>], vector<16xf32>,
        %parallel_loop3A_268 = tpu.vector_load_idx %arg7[%parallel_loop3A_265, %add3A_103] : memref<128x64xf32, #tpu.memory_space<vmem>>[vector<16xi32>, vector<16xi32>], vector<16xf32>,
        tpu.vector_store_idx %arg9[%add3A_120, %parallel_loop3A_266], %parallel_loop3A_268 : memref<8x1024xf32, #tpu.memory_space<vmem>>[vector<16xi32>, vector<16xi32>], vector<16xf32>,
        %parallel_loop3A_269 = tpu.vector_load_idx %arg7[%parallel_loop3A_265, %add3A_106] : memref<128x64xf32, #tpu.memory_space<vmem>>[vector<16xi32>, vector<16xi32>], vector<16xf32>,
        tpu.vector_store_idx %arg9[%add3A_126, %parallel_loop3A_266], %parallel_loop3A_269 : memref<8x1024xf32, #tpu.memory_space<vmem>>[vector<16xi32>, vector<16xi32>], vector<16xf32>,
        %parallel_loop3A_270 = tpu.vector_load_idx %arg7[%parallel_loop3A_265, %add3A_109] : memref<128x64xf32, #tpu.memory_space<vmem>>[vector<16xi32>, vector<16xi32>], vector<16xf32>,
        tpu.vector_store_idx %arg9[%add3A_132, %parallel_loop3A_266], %parallel_loop3A_270 : memref<8x1024xf32, #tpu.memory_space<vmem>>[vector<16xi32>, vector<16xi32>], vector<16xf32>,
        %parallel_loop3A_271 = arith.constant 64 : i32
        %parallel_loop3A_272 = vector.broadcast %parallel_loop3A_271 : i32 to vector<16xi32>
        %parallel_loop3A_273 = arith.addi %parallel_loop3A_238, %parallel_loop3A_272 : vector<16xi32>
        %parallel_loop3A_274 = arith.addi %shift_left3A_137, %parallel_loop3A_273 : vector<16xi32>
        %parallel_loop3A_275 = tpu.vector_load_idx %arg7[%parallel_loop3A_273, %add3A_100] : memref<128x64xf32, #tpu.memory_space<vmem>>[vector<16xi32>, vector<16xi32>], vector<16xf32>,
        tpu.vector_store_idx %arg9[%add3A_114, %parallel_loop3A_274], %parallel_loop3A_275 : memref<8x1024xf32, #tpu.memory_space<vmem>>[vector<16xi32>, vector<16xi32>], vector<16xf32>,
        %parallel_loop3A_276 = tpu.vector_load_idx %arg7[%parallel_loop3A_273, %add3A_103] : memref<128x64xf32, #tpu.memory_space<vmem>>[vector<16xi32>, vector<16xi32>], vector<16xf32>,
        tpu.vector_store_idx %arg9[%add3A_120, %parallel_loop3A_274], %parallel_loop3A_276 : memref<8x1024xf32, #tpu.memory_space<vmem>>[vector<16xi32>, vector<16xi32>], vector<16xf32>,
        %parallel_loop3A_277 = tpu.vector_load_idx %arg7[%parallel_loop3A_273, %add3A_106] : memref<128x64xf32, #tpu.memory_space<vmem>>[vector<16xi32>, vector<16xi32>], vector<16xf32>,
        tpu.vector_store_idx %arg9[%add3A_126, %parallel_loop3A_274], %parallel_loop3A_277 : memref<8x1024xf32, #tpu.memory_space<vmem>>[vector<16xi32>, vector<16xi32>], vector<16xf32>,
        %parallel_loop3A_278 = tpu.vector_load_idx %arg7[%parallel_loop3A_273, %add3A_109] : memref<128x64xf32, #tpu.memory_space<vmem>>[vector<16xi32>, vector<16xi32>], vector<16xf32>,
        tpu.vector_store_idx %arg9[%add3A_132, %parallel_loop3A_274], %parallel_loop3A_278 : memref<8x1024xf32, #tpu.memory_space<vmem>>[vector<16xi32>, vector<16xi32>], vector<16xf32>,
        %parallel_loop3A_279 = arith.constant 80 : i32
        %parallel_loop3A_280 = vector.broadcast %parallel_loop3A_279 : i32 to vector<16xi32>
        %parallel_loop3A_281 = arith.addi %parallel_loop3A_238, %parallel_loop3A_280 : vector<16xi32>
        %parallel_loop3A_282 = arith.addi %shift_left3A_137, %parallel_loop3A_281 : vector<16xi32>
        %parallel_loop3A_283 = tpu.vector_load_idx %arg7[%parallel_loop3A_281, %add3A_100] : memref<128x64xf32, #tpu.memory_space<vmem>>[vector<16xi32>, vector<16xi32>], vector<16xf32>,
        tpu.vector_store_idx %arg9[%add3A_114, %parallel_loop3A_282], %parallel_loop3A_283 : memref<8x1024xf32, #tpu.memory_space<vmem>>[vector<16xi32>, vector<16xi32>], vector<16xf32>,
        %parallel_loop3A_284 = tpu.vector_load_idx %arg7[%parallel_loop3A_281, %add3A_103] : memref<128x64xf32, #tpu.memory_space<vmem>>[vector<16xi32>, vector<16xi32>], vector<16xf32>,
        tpu.vector_store_idx %arg9[%add3A_120, %parallel_loop3A_282], %parallel_loop3A_284 : memref<8x1024xf32, #tpu.memory_space<vmem>>[vector<16xi32>, vector<16xi32>], vector<16xf32>,
        %parallel_loop3A_285 = tpu.vector_load_idx %arg7[%parallel_loop3A_281, %add3A_106] : memref<128x64xf32, #tpu.memory_space<vmem>>[vector<16xi32>, vector<16xi32>], vector<16xf32>,
        tpu.vector_store_idx %arg9[%add3A_126, %parallel_loop3A_282], %parallel_loop3A_285 : memref<8x1024xf32, #tpu.memory_space<vmem>>[vector<16xi32>, vector<16xi32>], vector<16xf32>,
        %parallel_loop3A_286 = tpu.vector_load_idx %arg7[%parallel_loop3A_281, %add3A_109] : memref<128x64xf32, #tpu.memory_space<vmem>>[vector<16xi32>, vector<16xi32>], vector<16xf32>,
        tpu.vector_store_idx %arg9[%add3A_132, %parallel_loop3A_282], %parallel_loop3A_286 : memref<8x1024xf32, #tpu.memory_space<vmem>>[vector<16xi32>, vector<16xi32>], vector<16xf32>,
        %parallel_loop3A_287 = arith.constant 96 : i32
        %parallel_loop3A_288 = vector.broadcast %parallel_loop3A_287 : i32 to vector<16xi32>
        %parallel_loop3A_289 = arith.addi %parallel_loop3A_238, %parallel_loop3A_288 : vector<16xi32>
        %parallel_loop3A_290 = arith.addi %shift_left3A_137, %parallel_loop3A_289 : vector<16xi32>
        %parallel_loop3A_291 = tpu.vector_load_idx %arg7[%parallel_loop3A_289, %add3A_100] : memref<128x64xf32, #tpu.memory_space<vmem>>[vector<16xi32>, vector<16xi32>], vector<16xf32>,
        tpu.vector_store_idx %arg9[%add3A_114, %parallel_loop3A_290], %parallel_loop3A_291 : memref<8x1024xf32, #tpu.memory_space<vmem>>[vector<16xi32>, vector<16xi32>], vector<16xf32>,
        %parallel_loop3A_292 = tpu.vector_load_idx %arg7[%parallel_loop3A_289, %add3A_103] : memref<128x64xf32, #tpu.memory_space<vmem>>[vector<16xi32>, vector<16xi32>], vector<16xf32>,
        tpu.vector_store_idx %arg9[%add3A_120, %parallel_loop3A_290], %parallel_loop3A_292 : memref<8x1024xf32, #tpu.memory_space<vmem>>[vector<16xi32>, vector<16xi32>], vector<16xf32>,
        %parallel_loop3A_293 = tpu.vector_load_idx %arg7[%parallel_loop3A_289, %add3A_106] : memref<128x64xf32, #tpu.memory_space<vmem>>[vector<16xi32>, vector<16xi32>], vector<16xf32>,
        tpu.vector_store_idx %arg9[%add3A_126, %parallel_loop3A_290], %parallel_loop3A_293 : memref<8x1024xf32, #tpu.memory_space<vmem>>[vector<16xi32>, vector<16xi32>], vector<16xf32>,
        %parallel_loop3A_294 = tpu.vector_load_idx %arg7[%parallel_loop3A_289, %add3A_109] : memref<128x64xf32, #tpu.memory_space<vmem>>[vector<16xi32>, vector<16xi32>], vector<16xf32>,
        tpu.vector_store_idx %arg9[%add3A_132, %parallel_loop3A_290], %parallel_loop3A_294 : memref<8x1024xf32, #tpu.memory_space<vmem>>[vector<16xi32>, vector<16xi32>], vector<16xf32>,
        %parallel_loop3A_295 = arith.constant 112 : i32
        %parallel_loop3A_296 = vector.broadcast %parallel_loop3A_295 : i32 to vector<16xi32>
        %parallel_loop3A_297 = arith.addi %parallel_loop3A_238, %parallel_loop3A_296 : vector<16xi32>
        %parallel_loop3A_298 = arith.addi %shift_left3A_137, %parallel_loop3A_297 : vector<16xi32>
        %parallel_loop3A_299 = tpu.vector_load_idx %arg7[%parallel_loop3A_297, %add3A_100] : memref<128x64xf32, #tpu.memory_space<vmem>>[vector<16xi32>, vector<16xi32>], vector<16xf32>,
        tpu.vector_store_idx %arg9[%add3A_114, %parallel_loop3A_298], %parallel_loop3A_299 : memref<8x1024xf32, #tpu.memory_space<vmem>>[vector<16xi32>, vector<16xi32>], vector<16xf32>,
        %parallel_loop3A_300 = tpu.vector_load_idx %arg7[%parallel_loop3A_297, %add3A_103] : memref<128x64xf32, #tpu.memory_space<vmem>>[vector<16xi32>, vector<16xi32>], vector<16xf32>,
        tpu.vector_store_idx %arg9[%add3A_120, %parallel_loop3A_298], %parallel_loop3A_300 : memref<8x1024xf32, #tpu.memory_space<vmem>>[vector<16xi32>, vector<16xi32>], vector<16xf32>,
        %parallel_loop3A_301 = tpu.vector_load_idx %arg7[%parallel_loop3A_297, %add3A_106] : memref<128x64xf32, #tpu.memory_space<vmem>>[vector<16xi32>, vector<16xi32>], vector<16xf32>,
        tpu.vector_store_idx %arg9[%add3A_126, %parallel_loop3A_298], %parallel_loop3A_301 : memref<8x1024xf32, #tpu.memory_space<vmem>>[vector<16xi32>, vector<16xi32>], vector<16xf32>,
        %parallel_loop3A_302 = tpu.vector_load_idx %arg7[%parallel_loop3A_297, %add3A_109] : memref<128x64xf32, #tpu.memory_space<vmem>>[vector<16xi32>, vector<16xi32>], vector<16xf32>,
        tpu.vector_store_idx %arg9[%add3A_132, %parallel_loop3A_298], %parallel_loop3A_302 : memref<8x1024xf32, #tpu.memory_space<vmem>>[vector<16xi32>, vector<16xi32>], vector<16xf32>,
      } {sc.loop_unroll_factor = 8 : i64, sc.parallel_access}
      %le3A_220 = arith.constant 98 : i32
      %le3A_221 = arith.cmpi sle, %scan3A_173, %le3A_220 : i32
      %convert_element_type3A_222 = arith.extui %le3A_221 : i1 to i32
      %cond3A_223 = arith.constant 0 : i32
      %cond3A_224 = arith.cmpi ne, %convert_element_type3A_222, %cond3A_223 : i32
      scf.if %cond3A_224 {
        %add3A_233 = arith.constant 2 : i32
        %add3A_234 = arith.addi %add3A_204, %add3A_233 : i32
        %dma_start3A_235 = arith.constant 0 : i32
        %dma_start3A_236 = tpu.memref_slice %arg5[%add3A_234, %dma_start3A_235] : memref<200x128xi32, #tpu.memory_space<vmem>> -> memref<1x128xi32, #tpu.memory_space<vmem>>
        %dma_start3A_237 = tpu.memref_squeeze %dma_start3A_236 : memref<1x128xi32, #tpu.memory_space<vmem>> -> memref<128xi32, #tpu.memory_space<vmem>>
        %dma_start3A_238 = arith.constant 0 : i32
        %dma_start3A_239 = arith.constant 0 : i32
        %dma_start3A_240 = tpu.memref_slice %arg3[%dma_start3A_238, %dma_start3A_239] : memref<1000000x64xf32, #tpu.memory_space<hbm>> -> memref<1000000x64xf32, #tpu.memory_space<hbm>>
        tpu.enqueue_indirect_dma source(%dma_start3A_240 : memref<1000000x64xf32, #tpu.memory_space<hbm>>) target(%arg7 : memref<128x64xf32, #tpu.memory_space<vmem>>) offsets(%dma_start3A_237 : memref<128xi32, #tpu.memory_space<vmem>>) semaphore(%arg11 : memref<!tpu.dma_semaphore, #tpu.memory_space<semaphore_mem>>)
      } else {
      }
      %dma_start3A_225 = arith.constant 0 : i32
      %dma_start3A_226 = arith.constant 0 : i32
      %dma_start3A_227 = tpu.memref_slice %arg4[%add3A_204, %dma_start3A_225, %add3A, %dma_start3A_226] : memref<200x8x32x1024xf32, #tpu.memory_space<hbm>> -> memref<1x8x1x1024xf32, #tpu.memory_space<hbm>>
      %dma_start3A_228 = tpu.memref_squeeze %dma_start3A_227 : memref<1x8x1x1024xf32, #tpu.memory_space<hbm>> -> memref<8x1024xf32, #tpu.memory_space<hbm>>
      %dma_start3A_229 = arith.constant 0 : i32
      %dma_start3A_230 = arith.constant 0 : i32
      %dma_start3A_231 = tpu.memref_slice %arg4[%add3A_204, %dma_start3A_229, %add3A, %dma_start3A_230] : memref<200x8x32x1024xf32, #tpu.memory_space<hbm>> -> memref<1x8x1x1024xf32, #tpu.memory_space<hbm>>
      %dma_start3A_232 = tpu.memref_squeeze %dma_start3A_231 : memref<1x8x1x1024xf32, #tpu.memory_space<hbm>> -> memref<8x1024xf32, #tpu.memory_space<hbm>>
      tpu.enqueue_dma source(%arg9 : memref<8x1024xf32, #tpu.memory_space<vmem>>) target(%dma_start3A_232 : memref<8x1024xf32, #tpu.memory_space<hbm>>) target_semaphore(%arg13 : memref<!tpu.dma_semaphore, #tpu.memory_space<semaphore_mem>>)
    }
    %scan3A_155 = arith.constant 100 : i32
    %dma_wait3A = arith.constant 0 : i32
    %dma_wait3A_156 = arith.constant 0 : i32
    %dma_wait3A_157 = arith.constant 0 : i32
    %dma_wait3A_158 = tpu.memref_slice %arg4[%dma_wait3A, %dma_wait3A_156, %add3A, %dma_wait3A_157] : memref<200x8x32x1024xf32, #tpu.memory_space<hbm>> -> memref<1x8x1x1024xf32, #tpu.memory_space<hbm>>
    %dma_wait3A_159 = tpu.memref_squeeze %dma_wait3A_158 : memref<1x8x1x1024xf32, #tpu.memory_space<hbm>> -> memref<8x1024xf32, #tpu.memory_space<hbm>>
    %dma_wait3A_160 = arith.constant 0 : i32
    %dma_wait3A_161 = arith.constant 0 : i32
    %dma_wait3A_162 = tpu.memref_slice %arg4[%dma_wait3A, %dma_wait3A_160, %add3A, %dma_wait3A_161] : memref<200x8x32x1024xf32, #tpu.memory_space<hbm>> -> memref<1x8x1x1024xf32, #tpu.memory_space<hbm>>
    %dma_wait3A_163 = tpu.memref_squeeze %dma_wait3A_162 : memref<1x8x1x1024xf32, #tpu.memory_space<hbm>> -> memref<8x1024xf32, #tpu.memory_space<hbm>>
    tpu.wait_dma2 semaphore(%arg12 : memref<!tpu.dma_semaphore, #tpu.memory_space<semaphore_mem>>) src(%arg8 : memref<8x1024xf32, #tpu.memory_space<vmem>>) dst(%dma_wait3A_163 : memref<8x1024xf32, #tpu.memory_space<hbm>>)
    %dma_wait3A_164 = arith.constant 0 : i32
    %dma_wait3A_165 = arith.constant 0 : i32
    %dma_wait3A_166 = arith.constant 0 : i32
    %dma_wait3A_167 = tpu.memref_slice %arg4[%dma_wait3A_164, %dma_wait3A_165, %add3A, %dma_wait3A_166] : memref<200x8x32x1024xf32, #tpu.memory_space<hbm>> -> memref<1x8x1x1024xf32, #tpu.memory_space<hbm>>
    %dma_wait3A_168 = tpu.memref_squeeze %dma_wait3A_167 : memref<1x8x1x1024xf32, #tpu.memory_space<hbm>> -> memref<8x1024xf32, #tpu.memory_space<hbm>>
    %dma_wait3A_169 = arith.constant 0 : i32
    %dma_wait3A_170 = arith.constant 0 : i32
    %dma_wait3A_171 = tpu.memref_slice %arg4[%dma_wait3A_164, %dma_wait3A_169, %add3A, %dma_wait3A_170] : memref<200x8x32x1024xf32, #tpu.memory_space<hbm>> -> memref<1x8x1x1024xf32, #tpu.memory_space<hbm>>
    %dma_wait3A_172 = tpu.memref_squeeze %dma_wait3A_171 : memref<1x8x1x1024xf32, #tpu.memory_space<hbm>> -> memref<8x1024xf32, #tpu.memory_space<hbm>>
    tpu.wait_dma2 semaphore(%arg13 : memref<!tpu.dma_semaphore, #tpu.memory_space<semaphore_mem>>) src(%arg9 : memref<8x1024xf32, #tpu.memory_space<vmem>>) dst(%dma_wait3A_172 : memref<8x1024xf32, #tpu.memory_space<hbm>>)
    return
  }
}

</mosaic_0001>

<sc_bundles>
// kernel: kernel.4.cloned.1.call-start
scs
__scs_entry_jumppad:
0x0: {  	(pc) =	sbr.rel $0x88, $3  }
0x1: {  	(tag) =	ssettag $0x0;
	lr =	simm.s32 $0x1  }
0x2: {  	[smem:$0x3F9F] =	sst lr;
	_ =	strace $0xD0000000  }
0x3: {  	_ = 	snop  }
0x4: {  	_ = 	snop  }
0x5: {  	_ = 	snop  }
0x6: {  	_ = 	snop  }
0x7: {  	_ = 	snop  }
__scs_overlays_trampoline_lowered:
0x8: {  	[smem:$0x3FAE] =	sst s0  }
0x9: {  	[smem:$0x3FAF] =	sst s1  }
0xa: {  	[smem:$0x3FB0] =	sst s2  }
0xb: {  	[smem:$0x3FB1] =	sst s3  }
0xc: {  	[smem:$0x3FB2] =	sst s4  }
0xd: {  	[smem:$0x3FB3] =	sst s5  }
0xe: {  	[smem:$0x3FB4] =	sst s6  }
0xf: {  	[smem:$0x3FB5] =	sst s7  }
0x10: {  	[smem:$0x3FB6] =	sst s8  }
0x11: {  	[smem:$0x3FB7] =	sst s9;
	s0 =	simm.s32 @!p0 $0x0  }
0x12: {  	s1 =	sld [smem:$0x3F9D];
	s0 =	simm.s32 @p0 $0x1  }
0x13: {  	[smem:$0x3FB8] =	sst s0;
	s0 =	simm.s32 @!p1 $0x0  }
0x14: {  	s2 =	sld [smem:$0x3F9C];
	s0 =	simm.s32 @p1 $0x1  }
0x15: {  	[smem:$0x3FB9] =	sst s0;
	s0 =	simm.s32 @!p2 $0x0  }
0x16: {  	s3 =	sld [smem:$0x3FDB];
	s0 =	simm.s32 @p2 $0x1  }
0x17: {  	s4 =	simm.s32 $0x1BF5;
	[smem:$0x3FBB] =	sst s0  }
0x18: {  	s0 =	sld [smem:$0x3F9E];
	_ =	swait.ge [sflag:s4], $0x0  }
0x19: {  	s7 =	sld [smem:$0x3F9F]  }
0x1a: {  	s8 =	sadd.s32 $0xFFFFE003, lr  }
0x1b: {  	s9 =	sadd.s32 $0xFFFFFEF7, lr;
	s5 =	simm.s32 $0xFFFFFFFF;
	p2 =	slt.u32 s8, $0xFFFFF086  }
0x1c: {  	p1 =	slt.u32 s9, $0xF7A;
	s5 =	simm.s32 @!p2 $0x0  }
0x1d: {  	s5 =	simm.s32 @p1 $0x1;
	p0 =	seq.s32 s7, s2  }
0x1e: {  	s7 =	smul.u32 @!p0 $0xF7A, s2;
	p2 =	seq.s32 @!p0 s5, $0x0  }
0x1f: {  	s9 =	smul.u32 $0xF7A, s1;
	s8 =	simm.s32 @!p0 $0x1BF5;
	p2 =	por !p2, p0  }
0x20: {  	[sflag:s8] =	ssyncset.s32 @!p0 $0xFFFFF086;
	s6 =	sadd.s32 @!p0 s3, s7;
	s7 =	simm.s32 @!p0 $0x108  }
0x21: {  	s3 =	sadd.s32 s3, s9;
	s6 =	sadd.s32 @!p0 $0x88, s6;
	s7 =	simm.s32 @p2 $0x1082  }
0x22: {  	[simem:s7], [sflag:s8] =	dma.local @!p0 [hbm:s6], $0xF7A  }
0x23: {  	s9 =	sor.u32 $0xD0000000, s2;
	s6 =	simm.s32 $0x108;
	_ =	swait.ge @!p0 [sflag:s8], $0x0  }
0x24: {  	s3 =	sadd.s32 $0x88, s3;
	s6 =	simm.s32 @!p1 $0x1082;
	[sflag:s4] =	ssyncset.s32 $0xFFFFF086  }
0x25: {  	[simem:s6], [sflag:s4] =	dma.local [hbm:s3], $0xF7A  }
0x26: {  	[smem:$0x3F9F] =	sst s1;
	(tag) =	ssettag s2;
	_ =	strace s9  }
0x27: {  	s1 =	sld [smem:$0x3FAF]  }
0x28: {  	s2 =	sld [smem:$0x3FB0]  }
0x29: {  	s4 =	sld [smem:$0x3FB2]  }
0x2a: {  	p0 =	seq.s32 s5, $0x0;
	s5 =	sld [smem:$0x3FB3]  }
0x2b: {  	s6 =	sld [smem:$0x3FB4]  }
0x2c: {  	s7 =	sld [smem:$0x3FB5]  }
0x2d: {  	s3 =	simm.s32 $0x108;
	s8 =	sld [smem:$0x3FB6]  }
0x2e: {  	s3 =	simm.s32 @!p0 $0x1082;
	s9 =	sld [smem:$0x3FB7]  }
0x2f: {  	lr =	sadd.s32 s0, s3;
	s0 =	sld [smem:$0x3FAE]  }
0x30: {  	s3 =	sld [smem:$0x3FB1]  }
0x31: {  	[smem:$0x3FBA] =	sst s10  }
0x32: {  	s10 =	sld [smem:$0x3FB8];
	_ =	sdelay $0x3  }
0x33: {  	p0 =	seq.s32 s10, $0x1;
	s10 =	sld [smem:$0x3FBA];
	_ =	sdelay $0x3  }
0x34: {  	[smem:$0x3FBA] =	sst s10  }
0x35: {  	s10 =	sld [smem:$0x3FB9];
	_ =	sdelay $0x3  }
0x36: {  	p1 =	seq.s32 s10, $0x1;
	s10 =	sld [smem:$0x3FBA];
	_ =	sdelay $0x3  }
0x37: {  	[smem:$0x3FBA] =	sst s10  }
0x38: {  	s10 =	sld [smem:$0x3FBB]  }
0x39: {  	_ = 	snop;
	(pc) =	sbr.ind lr, $3  }
0x3a: {  	_ = 	snop  }
0x3b: {  	_ = 	snop  }
0x3c: {  	p2 =	seq.s32 s10, $0x1;
	s10 =	sld [smem:$0x3FBA]  }
0x3d: {  	_ =	shalt  }
0x3e: {  	_ =	shalt  }
0x3f: {  	_ =	shalt  }
0x40: {  	_ =	shalt  }
0x41: {  	_ =	shalt  }
0x42: {  	_ =	shalt  }
0x43: {  	_ =	shalt  }
0x44: {  	_ =	shalt  }
0x45: {  	_ =	shalt  }
0x46: {  	_ =	shalt  }
0x47: {  	_ =	shalt  }
0x48: {  	_ =	shalt  }
0x49: {  	_ =	shalt  }
0x4a: {  	_ =	shalt  }
0x4b: {  	_ =	shalt  }
0x4c: {  	_ =	shalt  }
0x4d: {  	_ =	shalt  }
0x4e: {  	_ =	shalt  }
0x4f: {  	_ =	shalt  }
0x50: {  	_ =	shalt  }
0x51: {  	_ =	shalt  }
0x52: {  	_ =	shalt  }
0x53: {  	_ =	shalt  }
0x54: {  	_ =	shalt  }
0x55: {  	_ =	shalt  }
0x56: {  	_ =	shalt  }
0x57: {  	_ =	shalt  }
0x58: {  	_ =	shalt  }
0x59: {  	_ =	shalt  }
0x5a: {  	_ =	shalt  }
0x5b: {  	_ =	shalt  }
0x5c: {  	_ =	shalt  }
0x5d: {  	_ =	shalt  }
0x5e: {  	_ =	shalt  }
0x5f: {  	_ =	shalt  }
0x60: {  	_ =	shalt  }
0x61: {  	_ =	shalt  }
0x62: {  	_ =	shalt  }
0x63: {  	_ =	shalt  }
0x64: {  	_ =	shalt  }
0x65: {  	_ =	shalt  }
0x66: {  	_ =	shalt  }
0x67: {  	_ =	shalt  }
0x68: {  	_ =	shalt  }
0x69: {  	_ =	shalt  }
0x6a: {  	_ =	shalt  }
0x6b: {  	_ =	shalt  }
0x6c: {  	_ =	shalt  }
0x6d: {  	_ =	shalt  }
0x6e: {  	_ =	shalt  }
0x6f: {  	_ =	shalt  }
0x70: {  	_ =	shalt  }
0x71: {  	_ =	shalt  }
0x72: {  	_ =	shalt  }
0x73: {  	_ =	shalt  }
0x74: {  	_ =	shalt  }
0x75: {  	_ =	shalt  }
0x76: {  	_ =	shalt  }
0x77: {  	_ =	shalt  }
0x78: {  	_ =	shalt  }
0x79: {  	_ =	shalt  }
0x7a: {  	_ =	shalt  }
0x7b: {  	_ =	shalt  }
0x7c: {  	_ =	shalt  }
0x7d: {  	_ =	shalt  }
0x7e: {  	_ =	shalt  }
0x7f: {  	_ =	shalt  }
0x80: {  	_ =	shalt  }
0x81: {  	_ =	shalt  }
0x82: {  	_ =	shalt  }
0x83: {  	_ =	shalt  }
0x84: {  	_ =	shalt  }
0x85: {  	_ =	shalt  }
0x86: {  	_ =	shalt  }
0x87: {  	_ =	shalt  }
.Lfunc_end0:
.L_simem_size_0:
called_computation_lowered:
.L_overlay_start_0:
0x88: {  	s2 =	sld [smem:$0x3FD9]  }
0x89: {  	s3 =	sld [smem:$0x3FFE];
	_ =	sdelay $0x1  }
0x8a: {  	s1 =	srdreg.scid  }
0x8b: {  	s0 =	sand.u32 $0x1, s1  }
0x8c: {  	s17 =	sshll.u32 s0, $0xA;
	s2 =	sadd.s32 s3, s2  }
0x8d: {  	s2 =	sadd.s32 s2, s17  }
0x8e: {  	[smem:$0x3FC6] =	sst s2  }
0x8f: {  	_ = 	snop  }
0x90: {  	s2 =	sld [smem:$0x3FC8]  }
0x91: {  	s18 =	sld [smem:$0x3FD0];
	(tm) =	ssettm $0x1  }
0x92: {  	s4 =	sld [smem:$0x3FFB];
	_ =	sdelay $0x3  }
0x93: {  	_ =	strace s4  }
0x94: {  	s4 =	sld [smem:$0x3FFC];
	_ =	sdelay $0x3  }
0x95: {  	_ =	strace s4  }
0x96: {  	s4 =	sld [smem:$0x3FFD];
	_ =	sdelay $0x3  }
0x97: {  	_ =	strace s4  }
0x98: {  	_ =	strace $0x8FFFFFFF  }
0x99: {  	s19 =	sld [smem:$0x3FDB];
	_ =	sdelay $0x1  }
0x9a: {  	s5 =	simm.s32 $_scs_section_size  }
0x9b: {  	s6 =	simm.s32 $_size__tile_overlayer_lowered;
	s7 =	simm.s32 $_tile_overlayer_lowered  }
0x9c: {  	s22 =	simm.s32 $0x1BFF;
	s21 =	sshll.u32 s7, $0x1;
	s4 =	sadd.s32 s5, s19  }
0x9d: {  	s8 =	simm.s32 $0x0;
	s20 =	sshll.u32 s6, $0x1;
	s6 =	sadd.s32 s21, s4  }
0x9e: {  	[timem:s8], [sflag:s22] =	dma.local [hbm:s6], s20  }
0x9f: {  	_ =	swait.ge [sflag:s22], s20  }
0xa0: {  	s5 =	ssub.s32 $0x0, s20;
	[sflag:s22] =	ssyncset.done $0x0  }
0xa1: {  	[sflag:s22] =	ssyncadd.s32 s5;
	_ =	sdelay $0x1  }
0xa2: {  	s23 =	simm.s32 $0x1B8B  }
0xa3: {  	_ =	swait.ge [sflag:s23], $0x1  }
0xa4: {  	[sflag:s23] =	ssyncset.done $0x0  }
0xa5: {  	s25 =	simm.s32 $0x1B8E;
	s24 =	sld [smem:$0x3FFE];
	[sflag:s23] =	ssyncadd.s32 $0xFFFFFFFF  }
0xa6: {  	s26 =	simm.s32 $execute0_lowered;
	[smem:$0x3FD2] =	sst s25  }
0xa7: {  	s6 =	sshll.u32 s26, $0x1;
	_ =	strace $0x80000046;
	[dreg:$0x1] =	wrdreg $0xFFFFFFFF  }
0xa8: {  	s28 =	simm.s32 $_size_execute0_lowered;
	s4 =	sadd.s32 s4, s6;
	[dreg:$0x0] =	wrdreg $0x0  }
0xa9: {  	s6 =	sshll.u32 s28, $0x1;
	[dreg:$0x2] =	wrdreg s4  }
0xaa: {  	[dreg:$0x3] =	wrdreg s6  }
0xab: {  	[dreg:$0x4] =	wrdreg $0xC0  }
0xac: {  	_ =	task [dreg:s8], $0x5FFFF  }
0xad: {  	[dreg:$0x1] =	wrdreg $0xFFFFFFFF  }
0xae: {  	[dreg:$0x0] =	wrdreg $0x60  }
0xaf: {  	[dreg:$0x2] =	wrdreg s2  }
0xb0: {  	[dreg:$0x3] =	wrdreg s18  }
0xb1: {  	[dreg:$0x4] =	wrdreg s24  }
0xb2: {  	[dreg:$0x5] =	wrdreg $0x9  }
0xb3: {  	_ =	task.clear_ibuf [dreg:s8], $0x6FFFF;
	_ =	strace $0x90000046  }
0xb4: {  	s29 =	simm.s32 $0x9;
	_ =	strace $0x80000048  }
0xb5: {  	_ =	swait.ge [sflag:s29], $0x1  }
0xb6: {  	[sflag:s29] =	ssyncadd.s32 $0xFFFFFFFF  }
0xb7: {  	_ =	strace $0x90000048  }
0xb8: {  	_ =	sfence  }
0xb9: {  	s30 =	sld [smem:$0x0];
	_ =	sdelay $0x2  }
0xba: {  	s31 =	sshll.u32 s1, $0xD;
	s1 =	sshrl.u32 s1, $0x2  }
0xbb: {  	s3 =	sand.u32 $0x4000, s31;
	s1 =	sadd.s32 s1, s30  }
0xbc: {  	s0 =	sor.u32 s3, s0;
	s1 =	sshll.u32 s1, $0x11  }
0xbd: {  	s0 =	sor.u32 s1, s0  }
0xbe: {  	s0 =	sadd.s32 $0x8F2B, s0  }
0xbf: {  	[sflag:s0] =	ssyncadd.remote.s32 $0x1  }
0xc0: {  	_ =	sfence.sel $0xFFFF  }
0xc1: {  	[dreg:$0x0] =	wrdreg $0xFFFFFFFF;
	(pc) =	sbr.abs _section_cstart, $3  }
0xc2: {  	[dreg:$0x1] =	wrdreg $0xFFFFFFFF  }
0xc3: {  	_ =	task.clear_ibuf [dreg:s8], $0x2FFFF;
	_ =	strace $0x9FFFFFFF  }
0xc4: {  	(tm) =	ssettm $0x7FFFFFFF  }
0xc5: {  	_ =	shalt  }
tec
execute0_lowered:
.L_overlay_start_1:
0x0: {  	(tag) =	ssettag $0x1  }
0x1: {  	v27 =	vlaneseq.u32;
	v2 =	vimm.s32 $0x4B0A4908  }
0x2: {  	v3 =	vimm.s32 $0x4F0E4D0C;
	vm0 =	vcmask $0x1F10;
	v4 =	vimm.s32 $0x43024100  }
0x3: {  	v5 =	vimm.s32 $0x47064504;
	v6 =	vimm.s32 $0x5B1A5918;
	v7 =	vimm.s32 $0x5F1E5D1C  }
0x4: {  	v8 =	vimm.s32 $0x53125110;
	v9 =	vimm.s32 $0x57165514;
	v49 =	vimm.s32 $0x6B2A6928  }
0x5: {  	v52 =	vimm.s32 $0x6F2E6D2C;
	v53 =	vimm.s32 $0x63226120;
	v54 =	vimm.s32 $0x67266524  }
0x6: {  	v60 =	vimm.s32 $0x44F;
	vm14 =	vcmask $0x300;
	vm13 =	vcmask $0x704  }
0x7: {  	v61 =	vimm.s32 $0x7B3A7938;
	vm12 =	vcmask $0xB08;
	vm11 =	vcmask $0xF0C  }
0x8: {  	v62 =	vimm.s32 $0x7F3E7D3C;
	vm10 =	vcmask $0x1310;
	vm9 =	vcmask $0x1714  }
0x9: {  	vm8 =	vcmask $0x1B18;
	vm7 =	vcmask $0x1F1C;
	v12 =	vimm.s32 $0x77367534  }
0xa: {  	vm6 =	vcmask $0x2320;
	vm5 =	vcmask $0x2724;
	vm4 =	vcmask $0x2B28  }
0xb: {  	vm3 =	vcmask $0x2F2C;
	vm2 =	vcmask $0x3330;
	vm1 =	vcmask $0x3734  }
0xc: {  	vm15 =	vcmask $0x3B38;
	v14 =	vimm.s32 $0x45F;
	v16 =	vimm.s32 $0x46F  }
0xd: {  	v17 =	vimm.s32 $0x47F;
	v21 =	vimm.s32 $0x84F;
	v23 =	vimm.s32 $0x85F  }
0xe: {  	v30 =	vimm.s32 $0x86F;
	v39 =	vimm.s32 $0x87F;
	v43 =	vimm.s32 $0xC4F  }
0xf: {  	v44 =	vimm.s32 $0xC5F;
	v55 =	vmul.u32 $0x80, v27;
	v2 =	vunpack.c.0.s8.s32 v2  }
0x10: {  	v3 =	vunpack.c.0.s8.s32 v3;
	v4 =	vunpack.c.0.s8.s32 v4;
	v5 =	vunpack.c.0.s8.s32 v5  }
0x11: {  	v6 =	vunpack.c.0.s8.s32 v6;
	v7 =	vunpack.c.0.s8.s32 v7;
	v8 =	vunpack.c.0.s8.s32 v8  }
0x12: {  	v9 =	vunpack.c.0.s8.s32 v9;
	v15 =	vsel vm14, $0x410, v14;
	v22 =	vsel vm14, $0x800, v21  }
0x13: {  	v41 =	vsel vm14, $0x830, v39;
	v2 =	vsel vm0, v3, v2;
	v48 =	vsel vm0, v5, v4  }
0x14: {  	v50 =	vsel vm0, v7, v6;
	v51 =	vsel vm0, v9, v8;
	v4 =	vunpack.c.0.s8.s32 v49  }
0x15: {  	v7 =	vunpack.c.0.s8.s32 v52;
	v8 =	vunpack.c.0.s8.s32 v53;
	v9 =	vunpack.c.0.s8.s32 v54  }
0x16: {  	v59 =	vor.u32 $0x800, v55;
	v57 =	vor.u32 $0x1000, v55;
	v28 =	vor.u32 $0x1800, v55  }
0x17: {  	v6 =	vunpack.c.0.s8.s32 v62;
	v5 =	vimm.s32 $0x73327130;
	v31 =	vor.u32 $0x10, v55  }
0x18: {  	v33 =	vor.u32 $0x810, v55;
	v36 =	vor.u32 $0x1010, v55;
	v38 =	vor.u32 $0x1810, v55  }
0x19: {  	v40 =	vor.u32 $0x20, v55;
	v42 =	vor.u32 $0x820, v55;
	v52 =	vor.u32 $0x1820, v55  }
0x1a: {  	v54 =	vor.u32 $0x30, v55;
	v21 =	vor.u32 $0x830, v55;
	v49 =	vimm.s32 $0xC6F  }
0x1b: {  	v53 =	vimm.s32 $0x104F;
	v25 =	vor.u32 $0x840, v55;
	v29 =	vor.u32 $0x1040, v55  }
0x1c: {  	v39 =	vor.u32 $0x1050, v55;
	v0 =	vcombine.low v48, v2;
	v63 =	vcombine.low v51, v50  }
0x1d: {  	v2 =	vsel vm14, $0x400, v60;
	v48 =	vor.u32 $0x1020, v55;
	v50 =	vsel vm14, $0xC20, v49  }
0x1e: {  	v51 =	vimm.s32 $0xC7F;
	v56 =	vsel vm0, v7, v4;
	v58 =	vsel vm0, v9, v8  }
0x1f: {  	v2 =	vsel vm13, $0x441, v2;
	v4 =	vunpack.c.0.s8.s32 v61;
	v8 =	vunpack.c.0.s8.s32 v5  }
0x20: {  	v9 =	vunpack.c.0.s8.s32 v12;
	v61 =	vimm.s32 $0x105F;
	v3 =	vcombine.low v58, v56  }
0x21: {  	v2 =	vsel vm12, $0x402, v2;
	v62 =	vsel vm14, $0x1010, v61;
	v61 =	vor.u32 $0x850, v55  }
0x22: {  	v2 =	vsel vm11, $0x443, v2;
	v4 =	vsel vm0, v6, v4;
	v13 =	vsel vm0, v9, v8  }
0x23: {  	v6 =	vsel vm14, $0x430, v17;
	v2 =	vsel vm10, $0x404, v2;
	v37 =	vcombine.low v13, v4  }
0x24: {  	v4 =	vsel vm14, $0x420, v16;
	v6 =	vsel vm13, $0x471, v6;
	v16 =	vor.u32 $0x1030, v55  }
0x25: {  	v2 =	vsel vm9, $0x445, v2;
	v4 =	vsel vm13, $0x461, v4;
	v6 =	vsel vm12, $0x432, v6  }
0x26: {  	v2 =	vsel vm8, $0x406, v2;
	v4 =	vsel vm12, $0x422, v4;
	v6 =	vsel vm11, $0x473, v6  }
0x27: {  	v2 =	vsel vm7, $0x447, v2;
	v4 =	vsel vm11, $0x463, v4;
	v6 =	vsel vm10, $0x434, v6  }
0x28: {  	v2 =	vsel vm6, $0x408, v2;
	v4 =	vsel vm10, $0x424, v4;
	v6 =	vsel vm9, $0x475, v6  }
0x29: {  	v2 =	vsel vm5, $0x449, v2;
	v4 =	vsel vm9, $0x465, v4;
	v6 =	vsel vm8, $0x436, v6  }
0x2a: {  	v2 =	vsel vm4, $0x40A, v2;
	v4 =	vsel vm8, $0x426, v4;
	v6 =	vsel vm7, $0x477, v6  }
0x2b: {  	v2 =	vsel vm3, $0x44B, v2;
	v4 =	vsel vm7, $0x467, v4;
	v6 =	vsel vm6, $0x438, v6  }
0x2c: {  	v2 =	vsel vm2, $0x40C, v2;
	v4 =	vsel vm6, $0x428, v4;
	v6 =	vsel vm5, $0x479, v6  }
0x2d: {  	v2 =	vsel vm1, $0x44D, v2;
	v4 =	vsel vm5, $0x469, v4;
	v6 =	vsel vm4, $0x43A, v6  }
0x2e: {  	v5 =	vsel vm15, $0x40E, v2;
	v2 =	vsel vm13, $0x451, v15;
	v4 =	vsel vm4, $0x42A, v4  }
0x2f: {  	v19 =	vsel vm3, $0x47B, v6;
	v6 =	vsel vm14, $0x820, v30;
	v30 =	vimm.s32 $0x107F  }
0x30: {  	v2 =	vsel vm12, $0x412, v2;
	v4 =	vsel vm3, $0x46B, v4;
	v20 =	vsel vm2, $0x43C, v19  }
0x31: {  	v6 =	vsel vm13, $0x861, v6;
	v19 =	vor.u32 $0x1830, v55;
	v2 =	vsel vm11, $0x453, v2  }
0x32: {  	v4 =	vsel vm2, $0x42C, v4;
	v6 =	vsel vm12, $0x822, v6;
	v2 =	vsel vm10, $0x414, v2  }
0x33: {  	v18 =	vsel vm1, $0x46D, v4;
	v4 =	vsel vm14, $0x810, v23;
	v6 =	vsel vm11, $0x863, v6  }
0x34: {  	v2 =	vsel vm9, $0x455, v2;
	v8 =	vsel vm15, $0x42E, v18;
	v4 =	vsel vm13, $0x851, v4  }
0x35: {  	v6 =	vsel vm10, $0x824, v6;
	v18 =	vimm.s32 $0x106F;
	v2 =	vsel vm8, $0x416, v2  }
0x36: {  	v4 =	vsel vm12, $0x812, v4;
	v6 =	vsel vm9, $0x865, v6;
	v2 =	vsel vm7, $0x457, v2  }
0x37: {  	v4 =	vsel vm11, $0x853, v4;
	v6 =	vsel vm8, $0x826, v6;
	v2 =	vsel vm6, $0x418, v2  }
0x38: {  	v4 =	vsel vm10, $0x814, v4;
	v6 =	vsel vm7, $0x867, v6;
	v2 =	vsel vm5, $0x459, v2  }
0x39: {  	v4 =	vsel vm9, $0x855, v4;
	v6 =	vsel vm6, $0x828, v6;
	v2 =	vsel vm4, $0x41A, v2  }
0x3a: {  	v4 =	vsel vm8, $0x816, v4;
	v6 =	vsel vm5, $0x869, v6;
	v2 =	vsel vm3, $0x45B, v2  }
0x3b: {  	v4 =	vsel vm7, $0x857, v4;
	v6 =	vsel vm4, $0x82A, v6;
	v2 =	vsel vm2, $0x41C, v2  }
0x3c: {  	v4 =	vsel vm6, $0x818, v4;
	v34 =	vsel vm3, $0x86B, v6;
	v6 =	vsel vm14, $0xC10, v44  }
0x3d: {  	v44 =	vimm.s32 $0x144F;
	v2 =	vsel vm1, $0x45D, v2;
	v4 =	vsel vm5, $0x859, v4  }
0x3e: {  	v35 =	vsel vm2, $0x82C, v34;
	v6 =	vsel vm13, $0xC51, v6;
	v7 =	vsel vm15, $0x41E, v2  }
0x3f: {  	v2 =	vsel vm1, $0x47D, v20;
	v4 =	vsel vm4, $0x81A, v4;
	v6 =	vsel vm12, $0xC12, v6  }
0x40: {  	v9 =	vsel vm15, $0x43E, v2;
	v2 =	vsel vm13, $0x841, v22;
	v4 =	vsel vm3, $0x85B, v4  }
0x41: {  	v6 =	vsel vm11, $0xC53, v6;
	v22 =	vor.u32 $0x40, v55;
	v2 =	vsel vm12, $0x802, v2  }
0x42: {  	v4 =	vsel vm2, $0x81C, v4;
	v6 =	vsel vm10, $0xC14, v6;
	v2 =	vsel vm11, $0x843, v2  }
0x43: {  	v32 =	vsel vm1, $0x85D, v4;
	v4 =	vsel vm14, $0xC00, v43;
	v6 =	vsel vm9, $0xC55, v6  }
0x44: {  	v43 =	vor.u32 $0x50, v55;
	v2 =	vsel vm10, $0x804, v2;
	v11 =	vsel vm15, $0x81E, v32  }
0x45: {  	v4 =	vsel vm13, $0xC41, v4;
	v6 =	vsel vm8, $0xC16, v6;
	v2 =	vsel vm9, $0x845, v2  }
0x46: {  	v4 =	vsel vm12, $0xC02, v4;
	v6 =	vsel vm7, $0xC57, v6;
	v2 =	vsel vm8, $0x806, v2  }
0x47: {  	v4 =	vsel vm11, $0xC43, v4;
	v6 =	vsel vm6, $0xC18, v6;
	v2 =	vsel vm7, $0x847, v2  }
0x48: {  	v4 =	vsel vm10, $0xC04, v4;
	v6 =	vsel vm5, $0xC59, v6;
	v2 =	vsel vm6, $0x808, v2  }
0x49: {  	v4 =	vsel vm9, $0xC45, v4;
	v6 =	vsel vm4, $0xC1A, v6;
	v2 =	vsel vm5, $0x849, v2  }
0x4a: {  	v4 =	vsel vm8, $0xC06, v4;
	v46 =	vsel vm3, $0xC5B, v6;
	v6 =	vsel vm14, $0x1000, v53  }
0x4b: {  	v53 =	vimm.s32 $0x147F;
	v2 =	vsel vm4, $0x80A, v2;
	v4 =	vsel vm7, $0xC47, v4  }
0x4c: {  	v47 =	vsel vm2, $0xC1C, v46;
	v6 =	vsel vm13, $0x1041, v6;
	v46 =	vimm.s32 $0x145F  }
0x4d: {  	v2 =	vsel vm3, $0x84B, v2;
	v4 =	vsel vm6, $0xC08, v4;
	v6 =	vsel vm12, $0x1002, v6  }
0x4e: {  	v2 =	vsel vm2, $0x80C, v2;
	v4 =	vsel vm5, $0xC49, v4;
	v6 =	vsel vm11, $0x1043, v6  }
0x4f: {  	v2 =	vsel vm1, $0x84D, v2;
	v4 =	vsel vm4, $0xC0A, v4;
	v6 =	vsel vm10, $0x1004, v6  }
0x50: {  	v10 =	vsel vm15, $0x80E, v2;
	v2 =	vsel vm1, $0x86D, v35;
	v4 =	vsel vm3, $0xC4B, v4  }
0x51: {  	v6 =	vsel vm9, $0x1045, v6;
	v12 =	vsel vm15, $0x82E, v2;
	v2 =	vsel vm13, $0x871, v41  }
0x52: {  	v4 =	vsel vm2, $0xC0C, v4;
	v6 =	vsel vm8, $0x1006, v6;
	v2 =	vsel vm12, $0x832, v2  }
0x53: {  	v41 =	vor.u32 $0x1840, v55;
	v45 =	vsel vm1, $0xC4D, v4;
	v2 =	vsel vm11, $0x873, v2  }
0x54: {  	v4 =	vsel vm14, $0xC30, v51;
	v6 =	vsel vm7, $0x1047, v6;
	v2 =	vsel vm10, $0x834, v2  }
0x55: {  	v14 =	vsel vm15, $0xC0E, v45;
	v4 =	vsel vm13, $0xC71, v4;
	v2 =	vsel vm9, $0x875, v2  }
0x56: {  	v6 =	vsel vm6, $0x1008, v6;
	v45 =	vsel vm14, $0x1400, v44;
	v2 =	vsel vm8, $0x836, v2  }
0x57: {  	v44 =	vor.u32 $0x60, v55;
	v4 =	vsel vm12, $0xC32, v4;
	v2 =	vsel vm7, $0x877, v2  }
0x58: {  	v6 =	vsel vm5, $0x1049, v6;
	v4 =	vsel vm11, $0xC73, v4;
	v2 =	vsel vm6, $0x838, v2  }
0x59: {  	v6 =	vsel vm4, $0x100A, v6;
	v4 =	vsel vm10, $0xC34, v4;
	v2 =	vsel vm5, $0x879, v2  }
0x5a: {  	v58 =	vsel vm3, $0x104B, v6;
	v6 =	vsel vm14, $0x1030, v30;
	v2 =	vsel vm4, $0x83A, v2  }
0x5b: {  	v4 =	vsel vm9, $0xC75, v4;
	v60 =	vsel vm2, $0x100C, v58;
	v2 =	vsel vm3, $0x87B, v2  }
0x5c: {  	v6 =	vsel vm13, $0x1071, v6;
	v58 =	vimm.s32 $0x184F;
	v2 =	vsel vm2, $0x83C, v2  }
0x5d: {  	v4 =	vsel vm8, $0xC36, v4;
	v6 =	vsel vm12, $0x1032, v6;
	v2 =	vsel vm1, $0x87D, v2  }
0x5e: {  	v4 =	vsel vm7, $0xC77, v4;
	v13 =	vsel vm15, $0x83E, v2;
	v2 =	vsel vm1, $0xC5D, v47  }
0x5f: {  	v6 =	vsel vm11, $0x1073, v6;
	v15 =	vsel vm15, $0xC1E, v2;
	v2 =	vsel vm13, $0xC61, v50  }
0x60: {  	v4 =	vsel vm6, $0xC38, v4;
	v6 =	vsel vm10, $0x1034, v6;
	v2 =	vsel vm12, $0xC22, v2  }
0x61: {  	v4 =	vsel vm5, $0xC79, v4;
	v6 =	vsel vm9, $0x1075, v6;
	v2 =	vsel vm11, $0xC63, v2  }
0x62: {  	v4 =	vsel vm4, $0xC3A, v4;
	v6 =	vsel vm8, $0x1036, v6;
	v2 =	vsel vm10, $0xC24, v2  }
0x63: {  	v4 =	vsel vm3, $0xC7B, v4;
	v6 =	vsel vm7, $0x1077, v6;
	v2 =	vsel vm9, $0xC65, v2  }
0x64: {  	v4 =	vsel vm2, $0xC3C, v4;
	v6 =	vsel vm6, $0x1038, v6;
	v2 =	vsel vm8, $0xC26, v2  }
0x65: {  	v47 =	vimm.s32 $0x146F;
	v56 =	vsel vm1, $0xC7D, v4;
	v2 =	vsel vm7, $0xC67, v2  }
0x66: {  	v4 =	vsel vm14, $0x1020, v18;
	v6 =	vsel vm5, $0x1079, v6;
	v2 =	vsel vm6, $0xC28, v2  }
0x67: {  	v20 =	vsel vm15, $0xC3E, v56;
	v4 =	vsel vm13, $0x1061, v4;
	v2 =	vsel vm5, $0xC69, v2  }
0x68: {  	v6 =	vsel vm4, $0x103A, v6;
	v56 =	vsel vm14, $0x1430, v53;
	v2 =	vsel vm4, $0xC2A, v2  }
0x69: {  	v53 =	vimm.s32 $0x186F;
	v4 =	vsel vm12, $0x1022, v4;
	v2 =	vsel vm3, $0xC6B, v2  }
0x6a: {  	v34 =	vsel vm3, $0x107B, v6;
	v6 =	vsel vm14, $0x1420, v47;
	v2 =	vsel vm2, $0xC2C, v2  }
0x6b: {  	v47 =	vor.u32 $0x1850, v55;
	v4 =	vsel vm11, $0x1063, v4;
	v2 =	vsel vm1, $0xC6D, v2  }
0x6c: {  	v35 =	vsel vm2, $0x103C, v34;
	v17 =	vsel vm15, $0xC2E, v2;
	v2 =	vsel vm1, $0x104D, v60  }
0x6d: {  	v6 =	vsel vm13, $0x1461, v6;
	v23 =	vsel vm15, $0x100E, v2;
	v2 =	vsel vm13, $0x1051, v62  }
0x6e: {  	v4 =	vsel vm10, $0x1024, v4;
	v6 =	vsel vm12, $0x1422, v6;
	v2 =	vsel vm12, $0x1012, v2  }
0x6f: {  	v4 =	vsel vm9, $0x1065, v4;
	v6 =	vsel vm11, $0x1463, v6;
	v2 =	vsel vm11, $0x1053, v2  }
0x70: {  	v4 =	vsel vm8, $0x1026, v4;
	v6 =	vsel vm10, $0x1424, v6;
	v2 =	vsel vm10, $0x1014, v2  }
0x71: {  	v4 =	vsel vm7, $0x1067, v4;
	v6 =	vsel vm9, $0x1465, v6;
	v2 =	vsel vm9, $0x1055, v2  }
0x72: {  	v4 =	vsel vm6, $0x1028, v4;
	v6 =	vsel vm8, $0x1426, v6;
	v2 =	vsel vm8, $0x1016, v2  }
0x73: {  	v4 =	vsel vm5, $0x1069, v4;
	v6 =	vsel vm7, $0x1467, v6;
	v2 =	vsel vm7, $0x1057, v2  }
0x74: {  	v4 =	vsel vm4, $0x102A, v4;
	v6 =	vsel vm6, $0x1428, v6;
	v2 =	vsel vm6, $0x1018, v2  }
0x75: {  	s0 =	rddreg [dreg:$0x0];
	v4 =	vsel vm3, $0x106B, v4;
	v6 =	vsel vm5, $0x1469, v6;
	v2 =	vsel vm5, $0x1059, v2  }
0x76: {  	s2 =	rddreg [dreg:$0x1];
	v4 =	vsel vm2, $0x102C, v4;
	v6 =	vsel vm4, $0x142A, v6;
	v2 =	vsel vm4, $0x101A, v2  }
0x77: {  	s8 =	rddreg [dreg:$0x2];
	s4 =	simm.s32 $0x0;
	v32 =	vsel vm1, $0x106D, v4;
	v4 =	vsel vm14, $0x1410, v46;
	v2 =	vsel vm3, $0x105B, v2  }
0x78: {  	s3 =	srdreg.scid;
	[smem:$0x7FF] =	sst s4;
	[tilespmem:$0x1FC00] =	vst v0;
	v50 =	vsel vm3, $0x146B, v6;
	v60 =	vimm.s32 $0x185F;
	v2 =	vsel vm2, $0x101C, v2  }
0x79: {  	s6 =	sand.u32 $0x1, s3;
	s3 =	rddreg [dreg:$0x3];
	_ =	strace $0x80000047;
	[tilespmem:$0x1FCA0] =	vst v61;
	v30 =	vsel vm15, $0x102E, v32;
	v4 =	vsel vm13, $0x1451, v4;
	v2 =	vsel vm1, $0x105D, v2  }
0x7a: {  	[tilespmem:$0x1FCC0] =	vst v39;
	v51 =	vsel vm2, $0x142C, v50;
	v26 =	vsel vm15, $0x101E, v2;
	v2 =	vsel vm1, $0x107D, v35  }
0x7b: {  	[tilespmem:$0x1FD50] =	vst v63;
	v6 =	vsel vm14, $0x1810, v60;
	v32 =	vsel vm15, $0x103E, v2;
	v2 =	vsel vm13, $0x1441, v45  }
0x7c: {  	[tilespmem:$0x1FE60] =	vst v25;
	v60 =	vimm.s32 $0x1C4F;
	v4 =	vsel vm12, $0x1412, v4;
	v2 =	vsel vm12, $0x1402, v2  }
0x7d: {  	[tilespmem:$0x1FE80] =	vst v29;
	v6 =	vsel vm13, $0x1851, v6;
	v4 =	vsel vm11, $0x1453, v4;
	v2 =	vsel vm11, $0x1443, v2  }
0x7e: {  	[tilespmem:$0x1FEA0] =	vst v55;
	v6 =	vsel vm12, $0x1812, v6;
	v4 =	vsel vm10, $0x1414, v4;
	v2 =	vsel vm10, $0x1404, v2  }
0x7f: {  	[tilespmem:$0x1FEC0] =	vst v59;
	v6 =	vsel vm11, $0x1853, v6;
	v4 =	vsel vm9, $0x1455, v4;
	v2 =	vsel vm9, $0x1445, v2  }
0x80: {  	[tilespmem:$0x1FEF0] =	vst v57;
	v6 =	vsel vm10, $0x1814, v6;
	v4 =	vsel vm8, $0x1416, v4;
	v2 =	vsel vm8, $0x1406, v2  }
0x81: {  	[tilespmem:$0x1FF10] =	vst v28;
	v6 =	vsel vm9, $0x1855, v6;
	v4 =	vsel vm7, $0x1457, v4;
	v2 =	vsel vm7, $0x1447, v2  }
0x82: {  	[tilespmem:$0x1FF20] =	vst v31;
	v6 =	vsel vm8, $0x1816, v6;
	v4 =	vsel vm6, $0x1418, v4;
	v2 =	vsel vm6, $0x1408, v2  }
0x83: {  	[tilespmem:$0x1FF30] =	vst v33;
	v6 =	vsel vm7, $0x1857, v6;
	v4 =	vsel vm5, $0x1459, v4;
	v2 =	vsel vm5, $0x1449, v2  }
0x84: {  	[tilespmem:$0x1FF50] =	vst v36;
	v6 =	vsel vm6, $0x1818, v6;
	v4 =	vsel vm4, $0x141A, v4;
	v2 =	vsel vm4, $0x140A, v2  }
0x85: {  	[tilespmem:$0x1FF70] =	vst v38;
	v6 =	vsel vm5, $0x1859, v6;
	v4 =	vsel vm3, $0x145B, v4;
	v2 =	vsel vm3, $0x144B, v2  }
0x86: {  	[tilespmem:$0x1FF90] =	vst v40;
	v6 =	vsel vm4, $0x181A, v6;
	v4 =	vsel vm2, $0x141C, v4;
	v2 =	vsel vm2, $0x140C, v2  }
0x87: {  	[tilespmem:$0x1FFB0] =	vst v42;
	v49 =	vsel vm1, $0x145D, v4;
	v4 =	vsel vm14, $0x1800, v58;
	v2 =	vsel vm1, $0x144D, v2  }
0x88: {  	[tilespmem:$0x1FFC0] =	vst v48;
	v4 =	vsel vm13, $0x1841, v4;
	v34 =	vsel vm15, $0x140E, v2;
	v2 =	vsel vm1, $0x146D, v51  }
0x89: {  	[tilespmem:$0x1FFD0] =	vst v52;
	v4 =	vsel vm12, $0x1802, v4;
	v1 =	vsel vm15, $0x142E, v2;
	v2 =	vsel vm13, $0x1471, v56  }
0x8a: {  	[tilespmem:$0x1FFE0] =	vst v54;
	v58 =	vimm.s32 $0x187F;
	v4 =	vsel vm11, $0x1843, v4;
	v2 =	vsel vm12, $0x1432, v2  }
0x8b: {  	[tilespmem:$0x1FFF0] =	vst v21;
	v18 =	vsel vm15, $0x141E, v49;
	v4 =	vsel vm10, $0x1804, v4;
	v2 =	vsel vm11, $0x1473, v2  }
0x8c: {  	[tilespmem:$0x1FD60] =	vst v3;
	v35 =	vsel vm3, $0x185B, v6;
	v4 =	vsel vm9, $0x1845, v4;
	v2 =	vsel vm10, $0x1434, v2  }
0x8d: {  	[tilespmem:$0x1FFA0] =	vst v16;
	v49 =	vor.u32 $0x860, v55;
	v4 =	vsel vm8, $0x1806, v4;
	v2 =	vsel vm9, $0x1475, v2  }
0x8e: {  	[tilespmem:$0x1FC10] =	vst v37;
	v6 =	vsel vm14, $0x1C00, v60;
	v4 =	vsel vm7, $0x1847, v4;
	v2 =	vsel vm8, $0x1436, v2  }
0x8f: {  	[tilespmem:$0x1FD70] =	vst v5;
	v45 =	vsel vm2, $0x181C, v35;
	v4 =	vsel vm6, $0x1808, v4;
	v2 =	vsel vm7, $0x1477, v2  }
0x90: {  	[tilespmem:$0x1FE20] =	vst v19;
	v6 =	vsel vm13, $0x1C41, v6;
	v4 =	vsel vm5, $0x1849, v4;
	v2 =	vsel vm6, $0x1438, v2  }
0x91: {  	[tilespmem:$0x1FD90] =	vst v8;
	v6 =	vsel vm12, $0x1C02, v6;
	v4 =	vsel vm4, $0x180A, v4;
	v2 =	vsel vm5, $0x1479, v2  }
0x92: {  	[tilespmem:$0x1FD80] =	vst v7;
	v6 =	vsel vm11, $0x1C43, v6;
	v4 =	vsel vm3, $0x184B, v4;
	v2 =	vsel vm4, $0x143A, v2  }
0x93: {  	[tilespmem:$0x1FDA0] =	vst v9;
	v6 =	vsel vm10, $0x1C04, v6;
	v4 =	vsel vm2, $0x180C, v4;
	v2 =	vsel vm3, $0x147B, v2  }
0x94: {  	[tilespmem:$0x1FE40] =	vst v22;
	v62 =	vsel vm1, $0x184D, v4;
	v4 =	vsel vm14, $0x1830, v58;
	v2 =	vsel vm2, $0x143C, v2  }
0x95: {  	[tilespmem:$0x1FC80] =	vst v43;
	v6 =	vsel vm9, $0x1C45, v6;
	v4 =	vsel vm13, $0x1871, v4;
	v2 =	vsel vm1, $0x147D, v2  }
0x96: {  	[tilespmem:$0x1FDC0] =	vst v11;
	v56 =	vsel vm14, $0x1820, v53;
	v24 =	vsel vm15, $0x143E, v2;
	v2 =	vsel vm1, $0x185D, v45  }
0x97: {  	[tilespmem:$0x1FDB0] =	vst v10;
	v4 =	vsel vm12, $0x1832, v4;
	v50 =	vsel vm15, $0x181E, v2;
	v2 =	vsel vm13, $0x1861, v56  }
0x98: {  	[tilespmem:$0x1FC60] =	vst v41;
	v6 =	vsel vm8, $0x1C06, v6;
	v4 =	vsel vm11, $0x1873, v4;
	v2 =	vsel vm12, $0x1822, v2  }
0x99: {  	[tilespmem:$0x1FDD0] =	vst v12;
	v6 =	vsel vm7, $0x1C47, v6;
	v4 =	vsel vm10, $0x1834, v4;
	v2 =	vsel vm11, $0x1863, v2  }
0x9a: {  	[tilespmem:$0x1FDF0] =	vst v14;
	v6 =	vsel vm6, $0x1C08, v6;
	v4 =	vsel vm9, $0x1875, v4;
	v2 =	vsel vm10, $0x1824, v2  }
0x9b: {  	[tilespmem:$0x1FF80] =	vst v44;
	v6 =	vsel vm5, $0x1C49, v6;
	v4 =	vsel vm8, $0x1836, v4;
	v2 =	vsel vm9, $0x1865, v2  }
0x9c: {  	[tilespmem:$0x1FDE0] =	vst v13;
	v6 =	vsel vm4, $0x1C0A, v6;
	v4 =	vsel vm7, $0x1877, v4;
	v2 =	vsel vm8, $0x1826, v2  }
0x9d: {  	[tilespmem:$0x1FE00] =	vst v15;
	v0 =	vsel vm3, $0x1C4B, v6;
	v4 =	vsel vm6, $0x1838, v4;
	v2 =	vsel vm7, $0x1867, v2  }
0x9e: {  	[tilespmem:$0x1FE30] =	vst v20;
	v58 =	vor.u32 $0x1860, v55;
	v4 =	vsel vm5, $0x1879, v4;
	v2 =	vsel vm6, $0x1828, v2  }
0x9f: {  	[tilespmem:$0x1FCE0] =	vst v47;
	v35 =	vsel vm2, $0x1C0C, v0;
	v4 =	vsel vm4, $0x183A, v4;
	v2 =	vsel vm5, $0x1869, v2  }
0xa0: {  	[tilespmem:$0x1FE10] =	vst v17;
	v0 =	vor.u32 $0x870, v55;
	v4 =	vsel vm3, $0x187B, v4;
	v2 =	vsel vm4, $0x182A, v2  }
0xa1: {  	[tilespmem:$0x1FE50] =	vst v23;
	v46 =	vsel vm15, $0x180E, v62;
	v4 =	vsel vm2, $0x183C, v4;
	v2 =	vsel vm3, $0x186B, v2  }
0xa2: {  	[tilespmem:$0x1FE90] =	vst v30;
	v53 =	vor.u32 $0x1060, v55;
	v62 =	vsel vm1, $0x187D, v4;
	v2 =	vsel vm2, $0x182C, v2  }
0xa3: {  	[tilespmem:$0x1FCB0] =	vst v18;
	v60 =	vsel vm15, $0x183E, v62;
	v45 =	vimm.s32 $0x1C5F;
	v2 =	vsel vm1, $0x186D, v2  }
0xa4: {  	[tilespmem:$0x1FD30] =	vst v49;
	v56 =	vsel vm15, $0x182E, v2;
	v2 =	vsel vm1, $0x1C4D, v35;
	v35 =	vsel vm14, $0x1C10, v45  }
0xa5: {  	[tilespmem:$0x1FE70] =	vst v26;
	v62 =	vor.u32 $0x70, v55;
	v51 =	vsel vm15, $0x1C0E, v2;
	v2 =	vsel vm13, $0x1C51, v35  }
0xa6: {  	[tilespmem:$0x1FC70] =	vst v32;
	v45 =	vimm.s32 $0x1C6F;
	v35 =	vimm.s32 $0x1C7F;
	v2 =	vsel vm12, $0x1C12, v2  }
0xa7: {  	[tilespmem:$0x1FC30] =	vst v58;
	v4 =	vsel vm14, $0x1C20, v45;
	v6 =	vsel vm14, $0x1C30, v35;
	v2 =	vsel vm11, $0x1C53, v2  }
0xa8: {  	[tilespmem:$0x1FF40] =	vst v0;
	v4 =	vsel vm13, $0x1C61, v4;
	v6 =	vsel vm13, $0x1C71, v6;
	v2 =	vsel vm10, $0x1C14, v2  }
0xa9: {  	[tilespmem:$0x1FD00] =	vst v46;
	v4 =	vsel vm12, $0x1C22, v4;
	v6 =	vsel vm12, $0x1C32, v6;
	v2 =	vsel vm9, $0x1C55, v2  }
0xaa: {  	[tilespmem:$0x1FC90] =	vst v34;
	v4 =	vsel vm11, $0x1C63, v4;
	v6 =	vsel vm11, $0x1C73, v6;
	v2 =	vsel vm8, $0x1C16, v2  }
0xab: {  	[tilespmem:$0x1FCD0] =	vst v1;
	v4 =	vsel vm10, $0x1C24, v4;
	v6 =	vsel vm10, $0x1C34, v6;
	v2 =	vsel vm7, $0x1C57, v2  }
0xac: {  	s1 =	stileid.u32;
	[tilespmem:$0x1FD40] =	vst v53;
	v4 =	vsel vm9, $0x1C65, v4;
	v6 =	vsel vm9, $0x1C75, v6;
	v2 =	vsel vm6, $0x1C18, v2  }
0xad: {  	s30 =	sshll.u32 s1, $0x1;
	[tilespmem:$0x1FC40] =	vst v60;
	v4 =	vsel vm8, $0x1C26, v4;
	v6 =	vsel vm8, $0x1C36, v6;
	v2 =	vsel vm5, $0x1C59, v2  }
0xae: {  	s12 =	sor.u32 s6, s30;
	s7 =	ssub.s32 $0x2, s6;
	s6 =	sadd.s32 $0xA00, s8;
	[tilespmem:$0x1FC50] =	vst v62;
	v4 =	vsel vm7, $0x1C67, v4;
	v6 =	vsel vm7, $0x1C77, v6;
	v2 =	vsel vm4, $0x1C1A, v2  }
0xaf: {  	s8 =	sadd.s32 $0x7A1A00, s8;
	[tilespmem:$0x1FCF0] =	vst v24;
	v4 =	vsel vm6, $0x1C28, v4;
	v6 =	vsel vm6, $0x1C38, v6;
	v2 =	vsel vm3, $0x1C5B, v2  }
0xb0: {  	s15 =	simm.s32 $0x1;
	s16 =	simm.s32 $0x4000;
	s5 =	smul.u32 $0xF5, s12;
	[tilespmem:$0x1FD10] =	vst v50;
	v4 =	vsel vm5, $0x1C69, v4;
	v6 =	vsel vm5, $0x1C79, v6;
	v2 =	vsel vm2, $0x1C1C, v2  }
0xb1: {  	s17 =	simm.s32 $0x2;
	s18 =	simm.s32 $0x6000;
	s9 =	smul.u32 $0x3D400, s12;
	[tilespmem:$0x1FC20] =	vst v56;
	v4 =	vsel vm4, $0x1C2A, v4;
	v6 =	vsel vm4, $0x1C3A, v6;
	v2 =	vsel vm1, $0x1C5D, v2  }
0xb2: {  	s19 =	simm.s32 $0x3;
	s20 =	simm.s32 $0x4;
	s13 =	smul.u32 $0x7A80, s12;
	[tilespmem:$0x1FD20] =	vst v51;
	v4 =	vsel vm3, $0x1C6B, v4;
	v6 =	vsel vm3, $0x1C7B, v6;
	v35 =	vsel vm15, $0x1C1E, v2  }
.Ltmp0:
0xb3: {  	s21 =	simm.s32 $0x0;
	p0 =	sne.s32 s12, $0x1F;
	v2 =	vsel vm2, $0x1C2C, v4;
	v45 =	vsel vm2, $0x1C3C, v6;
	v6 =	vor.u32 $0x1070, v55;
	[tilespmem:$0x1FEE0] =	vst v35;
	(pc) =	sbr.rel .LBB2_1-.Ltmp0, $4  }
0xb4: {  	s10 =	sshrl.u32 s7, $0x1;
	s12 =	simm.s32 $0x400;
	s11 =	ssub.s32 $0x1E84, s5;
	v2 =	vsel vm1, $0x1C6D, v2;
	v4 =	vsel vm1, $0x1C7D, v45;
	v45 =	vor.u32 $0x1870, v55;
	[tilespmem:$0x1FF60] =	vst v6  }
0xb5: {  	s14 =	ssub.s32 s7, s10;
	s9 =	sshrl.u32 s9, $0x3;
	s7 =	smin.u32 s11, $0xF5;
	v2 =	vsel vm15, $0x1C2E, v2;
	[tilespmem:$0x1FED0] =	vst v45  }
0xb6: {  	s31 =	sadd.s32 s0, s9;
	s9 =	sadd.s32 s0, s13;
	s11 =	smax.u32 s14, $0x1;
	v4 =	vsel vm15, $0x1C3E, v4;
	[tilespmem:$0x1FEB0] =	vst v2  }
0xb7: {  	s13 =	simm.s32 $0x7A1400;
	s14 =	simm.s32 $0x2000;
	s10 =	sadd.s32 $0x80, s31;
	[tilespmem:$0x1FF00] =	vst v4  }
.LBB2_11:
0xb8: {  	s21 =	sadd.s32 $0x1, s21  }
0xb9: {  	_ =	swait.ge [sflag:s19], $0x2000;
	p1 =	sne.s32 s21, s11  }
.Ltmp1:
0xba: {  	[sflag:s19] =	ssyncset.done $0x0;
	(pc) =	sbr.rel @!p1 .LBB2_12-.Ltmp1, $4  }
0xbb: {  	[sflag:s19] =	ssyncadd.s32 $0xFFFFE000  }
0xbc: {  	_ =	swait.ge [sflag:s20], $0x2000  }
0xbd: {  	[sflag:s20] =	ssyncset.done $0x0  }
0xbe: {  	[sflag:s20] =	ssyncadd.s32 $0xFFFFE000  }
.LBB2_1:
0xbf: {  	s22 =	simm.s32 @!p0 $0x0;
	s23 =	simm.s32 @!p0 $0x5  }
0xc0: {  	[tilespmem:s22], [sflag:$0x5] =	stream.linear.gather @!p0 [hbm4b:s2+s22], $0x1000, $0x38;
	[tilespmem:$0x8000] =	vst v63  }
0xc1: {  	_ =	swait.ge @!p0 [sflag:s23], $0x1000  }
0xc2: {  	[sflag:s23] =	ssyncset.done @!p0 $0x0  }
0xc3: {  	[sflag:s23] =	ssyncadd.s32 @!p0 $0xFFFFF000  }
0xc4: {  	[hbm4b:s8+s22] =	stream.linear.scatter @!p0 [tilespmem:s22], [sflag:$0x5], $0x1000, $0x38;
	[tilespmem:$0x8000] =	vst v63  }
0xc5: {  	_ =	swait.ge @!p0 [sflag:s23], $0x1000  }
.Ltmp2:
0xc6: {  	[sflag:s23] =	ssyncset.done @!p0 $0x0;
	(pc) =	sbr.rel .LBB2_2-.Ltmp2, $4  }
0xc7: {  	[sflag:s23] =	ssyncadd.s32 @!p0 $0xFFFFF000  }
0xc8: {  	[tilespmem:s4], [sflag:$0x1] =	stream.strided.gather [hbm4b:s9+s12], $0x2000, s13, s12, $0x38;
	[tilespmem:$0x8000] =	vst v63  }
0xc9: {  	s22 =	simm.s32 $0x0  }
0xca: {  	[tilespmem:s14], [sflag:$0x2] =	stream.strided.gather [hbm4b:s10+s12], $0x2000, s13, s12, $0x38;
	[tilespmem:$0x8000] =	vst v63  }
.LBB2_10:
0xcb: {  	s22 =	sadd.s32 $0x1, s22  }
0xcc: {  	p1 =	sne.s32 s22, $0x7B  }
.Ltmp3:
0xcd: {  	_ = 	snop;
	(pc) =	sbr.rel @!p1 .LBB2_11-.Ltmp3, $1  }
0xce: {  	_ =	sdelay $0x3  }
.LBB2_2:
0xcf: {  	s23 =	sshll.u32 s22, $0x1  }
0xd0: {  	p2 =	sge.u32 s23, s7  }
.Ltmp4:
0xd1: {  	_ = 	snop;
	(pc) =	sbr.rel @p2 .LBB2_6-.Ltmp4, $2  }
0xd2: {  	_ =	sdelay $0x2  }
0xd3: {  	p1 =	seq.s32 s22, $0x0  }
0xd4: {  	_ =	swait.ge [sflag:s15], $0x2000  }
0xd5: {  	[sflag:s15] =	ssyncset.done $0x0  }
0xd6: {  	s24 =	simm.s32 @!p1 $0x3;
	[sflag:s15] =	ssyncadd.s32 $0xFFFFE000  }
0xd7: {  	_ =	swait.ge @!p1 [sflag:s24], $0x2000  }
0xd8: {  	[sflag:s24] =	ssyncset.done @!p1 $0x0  }
0xd9: {  	p2 =	por $0x1, $0x1;
	[sflag:s24] =	ssyncadd.s32 @!p1 $0xFFFFE000;
	s24 =	simm.s32 $0x0  }
.LBB2_4:
0xda: {  	v19 =	vld [tilespmem:$0x1FEA0];
	_ =	sdelay $0x2  }
0xdb: {  	v10 =	vadd.s32 s24, v27  }
0xdc: {  	v8 =	vand.u32 $0xF, v10  }
0xdd: {  	v25 =	vld [tilespmem:$0x1FC00];
	v4 =	vor.u32 v19, v8  }
0xde: {  	v29 =	vld [tilespmem:$0x1FEC0];
	_ =	sdelay $0x1  }
0xdf: {  	v6 =	vshll.u32 v10, $0x6  }
0xe0: {  	v20 =	vand.u32 $0x380, v6  }
0xe1: {  	v6 =	vor.u32 v25, v20;
	v4 =	vld.idx.msk [tilespmem:v4+s4+$0x0], $0xffff  }
0xe2: {  	v31 =	vld [tilespmem:$0x1FD50];
	v12 =	vor.u32 v29, v8  }
0xe3: {  	v33 =	vld [tilespmem:$0x1FEF0];
	_ =	sdelay $0x2  }
0xe4: {  	[tilespmem:v6+s16+$0x0] =	vst.idx.msk $0xffff, v4  }
0xe5: {  	v18 =	vor.u32 v31, v20;
	v4 =	vld.idx.msk [tilespmem:v12+s4+$0x0], $0xffff  }
0xe6: {  	v59 =	vld [tilespmem:$0x1FD60];
	v21 =	vor.u32 v33, v8  }
0xe7: {  	v35 =	vld [tilespmem:$0x1FF10];
	_ =	sdelay $0x2  }
0xe8: {  	[tilespmem:v18+s16+$0x0] =	vst.idx.msk $0xffff, v4  }
0xe9: {  	v22 =	vor.u32 v59, v20;
	v4 =	vld.idx.msk [tilespmem:v21+s4+$0x0], $0xffff  }
0xea: {  	v0 =	vld [tilespmem:$0x1FC10];
	v23 =	vor.u32 v35, v8  }
0xeb: {  	v37 =	vld [tilespmem:$0x1FF20];
	_ =	sdelay $0x2  }
0xec: {  	[tilespmem:v22+s16+$0x0] =	vst.idx.msk $0xffff, v4  }
0xed: {  	v30 =	vor.u32 v0, v20;
	v4 =	vld.idx.msk [tilespmem:v23+s4+$0x0], $0xffff  }
0xee: {  	v17 =	vld [tilespmem:$0x1FD70];
	v32 =	vor.u32 v37, v10  }
0xef: {  	v38 =	vld [tilespmem:$0x1FF30];
	_ =	sdelay $0x2  }
0xf0: {  	s25 =	sor.u32 $0x1, s24;
	[tilespmem:v30+s16+$0x0] =	vst.idx.msk $0xffff, v4  }
0xf1: {  	v34 =	vor.u32 v17, v20;
	v22 =	vadd.s32 s25, v27;
	v4 =	vld.idx.msk [tilespmem:v32+s4+$0x0], $0xffff  }
0xf2: {  	v13 =	vld [tilespmem:$0x1FD80];
	v36 =	vor.u32 v38, v10;
	v18 =	vand.u32 $0xF, v22  }
0xf3: {  	v16 =	vor.u32 v19, v18;
	_ =	sdelay $0x1  }
0xf4: {  	v24 =	vshll.u32 v22, $0x6  }
0xf5: {  	v42 =	vand.u32 $0x40, v24;
	[tilespmem:v34+s16+$0x0] =	vst.idx.msk $0xffff, v4  }
0xf6: {  	v39 =	vor.u32 v13, v20;
	v14 =	vor.u32 v27, v42;
	v30 =	vand.u32 $0x380, v24;
	v4 =	vld.idx.msk [tilespmem:v36+s4+$0x0], $0xffff  }
0xf7: {  	v44 =	vld.idx.msk [tilespmem:v16+s4+$0x0], $0xffff;
	v45 =	vor.u32 v14, v30  }
0xf8: {  	v24 =	vor.u32 v29, v18;
	_ =	sdelay $0x2  }
0xf9: {  	[tilespmem:v39+s16+$0x0] =	vst.idx.msk $0xffff, v4;
	v39 =	vor.u32 $0x10, v27  }
0xfa: {  	[tilespmem:v45+s16+$0x0] =	vst.idx.msk $0xffff, v44;
	v12 =	vor.u32 v39, v42  }
0xfb: {  	v16 =	vld.idx.msk [tilespmem:v24+s4+$0x0], $0xffff;
	v24 =	vor.u32 v12, v30  }
0xfc: {  	v43 =	vld [tilespmem:$0x1FF50];
	v26 =	vor.u32 v33, v18;
	_ =	sdelay $0x2  }
0xfd: {  	v23 =	vor.u32 $0x20, v27  }
0xfe: {  	[tilespmem:v24+s16+$0x0] =	vst.idx.msk $0xffff, v16;
	v24 =	vor.u32 v23, v42  }
0xff: {  	v41 =	vor.u32 v43, v10;
	v16 =	vld.idx.msk [tilespmem:v26+s4+$0x0], $0xffff;
	v26 =	vor.u32 v24, v30  }
0x100: {  	v32 =	vor.u32 v35, v18;
	_ =	sdelay $0x2  }
0x101: {  	v15 =	vld [tilespmem:$0x1FD90];
	v21 =	vor.u32 $0x30, v27  }
0x102: {  	v28 =	vor.u32 v21, v42;
	v6 =	vld.idx.msk [tilespmem:v41+s4+$0x0], $0xffff;
	[tilespmem:v26+s16+$0x0] =	vst.idx.msk $0xffff, v16  }
0x103: {  	v47 =	vor.u32 v28, v30;
	v46 =	vld.idx.msk [tilespmem:v32+s4+$0x0], $0xffff  }
0x104: {  	v41 =	vld [tilespmem:$0x1FF70];
	v26 =	vor.u32 v37, v22;
	_ =	sdelay $0x3  }
0x105: {  	v11 =	vld [tilespmem:$0x1FDA0];
	v48 =	vor.u32 $0x400, v30;
	v34 =	vor.u32 v15, v20;
	[tilespmem:v47+s16+$0x0] =	vst.idx.msk $0xffff, v46  }
0x106: {  	v36 =	vor.u32 v41, v10;
	v16 =	vld.idx.msk [tilespmem:v26+s4+$0x0], $0xffff;
	v26 =	vor.u32 v14, v48  }
0x107: {  	v49 =	vor.u32 v38, v22;
	v45 =	vld [tilespmem:$0x1FF90];
	_ =	sdelay $0x2  }
0x108: {  	v7 =	vld [tilespmem:$0x1FDB0];
	[tilespmem:v34+s16+$0x0] =	vst.idx.msk $0xffff, v6  }
0x109: {  	v51 =	vor.u32 v11, v20;
	v6 =	vld.idx.msk [tilespmem:v36+s4+$0x0], $0xffff;
	[tilespmem:v26+s16+$0x0] =	vst.idx.msk $0xffff, v16  }
0x10a: {  	v52 =	vor.u32 v45, v8;
	v26 =	vor.u32 v12, v48;
	v16 =	vld.idx.msk [tilespmem:v49+s4+$0x0], $0xffff  }
0x10b: {  	v50 =	vor.u32 v43, v22;
	v47 =	vld [tilespmem:$0x1FFB0];
	_ =	sdelay $0x2  }
0x10c: {  	v1 =	vld [tilespmem:$0x1FDC0];
	[tilespmem:v51+s16+$0x0] =	vst.idx.msk $0xffff, v6  }
0x10d: {  	v54 =	vor.u32 v7, v20;
	v6 =	vld.idx.msk [tilespmem:v52+s4+$0x0], $0xffff;
	[tilespmem:v26+s16+$0x0] =	vst.idx.msk $0xffff, v16  }
0x10e: {  	v55 =	vor.u32 v47, v8;
	v26 =	vor.u32 v24, v48;
	v16 =	vld.idx.msk [tilespmem:v50+s4+$0x0], $0xffff  }
0x10f: {  	v53 =	vor.u32 v41, v22;
	v51 =	vld [tilespmem:$0x1FFC0];
	_ =	sdelay $0x2  }
0x110: {  	v34 =	vld [tilespmem:$0x1FDD0];
	[tilespmem:v54+s16+$0x0] =	vst.idx.msk $0xffff, v6  }
0x111: {  	v57 =	vor.u32 v1, v20;
	v6 =	vld.idx.msk [tilespmem:v55+s4+$0x0], $0xffff;
	[tilespmem:v26+s16+$0x0] =	vst.idx.msk $0xffff, v16  }
0x112: {  	v61 =	vor.u32 v51, v8;
	v16 =	vld.idx.msk [tilespmem:v53+s4+$0x0], $0xffff  }
0x113: {  	v4 =	vor.u32 v28, v48;
	v53 =	vld [tilespmem:$0x1FFD0]  }
0x114: {  	v26 =	vor.u32 v45, v18;
	_ =	sdelay $0x1  }
0x115: {  	v46 =	vld [tilespmem:$0x1FDE0];
	[tilespmem:v57+s16+$0x0] =	vst.idx.msk $0xffff, v6  }
0x116: {  	v40 =	vor.u32 v34, v20;
	v6 =	vld.idx.msk [tilespmem:v61+s4+$0x0], $0xffff  }
0x117: {  	v63 =	vor.u32 $0x800, v30;
	v54 =	vld [tilespmem:$0x1FFE0];
	[tilespmem:v4+s16+$0x0] =	vst.idx.msk $0xffff, v16;
	v42 =	vor.u32 v53, v8  }
0x118: {  	v16 =	vld.idx.msk [tilespmem:v26+s4+$0x0], $0xffff;
	v26 =	vor.u32 v14, v63  }
0x119: {  	v9 =	vor.u32 v47, v18;
	_ =	sdelay $0x1  }
0x11a: {  	v55 =	vld [tilespmem:$0x1FDF0];
	[tilespmem:v40+s16+$0x0] =	vst.idx.msk $0xffff, v6  }
0x11b: {  	v48 =	vor.u32 v46, v20;
	v6 =	vld.idx.msk [tilespmem:v42+s4+$0x0], $0xffff  }
0x11c: {  	v49 =	vor.u32 v54, v10;
	[tilespmem:v26+s16+$0x0] =	vst.idx.msk $0xffff, v16  }
0x11d: {  	v26 =	vor.u32 v12, v63;
	v16 =	vld.idx.msk [tilespmem:v9+s4+$0x0], $0xffff  }
0x11e: {  	v44 =	vor.u32 v51, v18;
	_ =	sdelay $0x1  }
0x11f: {  	v57 =	vor.u32 v55, v20;
	v55 =	vld [tilespmem:$0x1FFF0];
	[tilespmem:v48+s16+$0x0] =	vst.idx.msk $0xffff, v6  }
0x120: {  	v6 =	vld.idx.msk [tilespmem:v49+s4+$0x0], $0xffff  }
0x121: {  	[tilespmem:v26+s16+$0x0] =	vst.idx.msk $0xffff, v16  }
0x122: {  	v26 =	vor.u32 v24, v63;
	v16 =	vld.idx.msk [tilespmem:v44+s4+$0x0], $0xffff  }
0x123: {  	v50 =	vor.u32 v53, v18  }
0x124: {  	v61 =	vor.u32 v55, v10;
	v4 =	vor.u32 v28, v63;
	v63 =	vld [tilespmem:$0x1FE00]  }
0x125: {  	[tilespmem:v57+s16+$0x0] =	vst.idx.msk $0xffff, v6;
	v57 =	vld [tilespmem:$0x1FFA0];
	_ =	sdelay $0x1  }
0x126: {  	[tilespmem:v26+s16+$0x0] =	vst.idx.msk $0xffff, v16  }
0x127: {  	v16 =	vld.idx.msk [tilespmem:v50+s4+$0x0], $0xffff  }
0x128: {  	v6 =	vld.idx.msk [tilespmem:v61+s4+$0x0], $0xffff;
	v2 =	vor.u32 v63, v20;
	v26 =	vor.u32 v54, v22  }
0x129: {  	v42 =	vld [tilespmem:$0x1FE10];
	v9 =	vor.u32 v57, v10  }
0x12a: {  	v3 =	vld [tilespmem:$0x1FE20];
	_ =	sdelay $0x1  }
0x12b: {  	[tilespmem:v4+s16+$0x0] =	vst.idx.msk $0xffff, v16;
	v4 =	vor.u32 $0xC00, v30  }
0x12c: {  	[tilespmem:v2+s16+$0x0] =	vst.idx.msk $0xffff, v6;
	v16 =	vld.idx.msk [tilespmem:v26+s4+$0x0], $0xffff;
	v26 =	vor.u32 v14, v4  }
0x12d: {  	v40 =	vor.u32 v55, v22;
	v44 =	vor.u32 v42, v20;
	v6 =	vld.idx.msk [tilespmem:v9+s4+$0x0], $0xffff  }
0x12e: {  	v46 =	vor.u32 v3, v10;
	v49 =	vld [tilespmem:$0x1FE30]  }
0x12f: {  	v5 =	vld [tilespmem:$0x1FE40];
	_ =	sdelay $0x1  }
0x130: {  	[tilespmem:v26+s16+$0x0] =	vst.idx.msk $0xffff, v16  }
0x131: {  	v26 =	vor.u32 v12, v4;
	v16 =	vld.idx.msk [tilespmem:v40+s4+$0x0], $0xffff;
	[tilespmem:v44+s16+$0x0] =	vst.idx.msk $0xffff, v6  }
0x132: {  	v50 =	vor.u32 v49, v20;
	v48 =	vor.u32 v57, v22;
	v6 =	vld.idx.msk [tilespmem:v46+s4+$0x0], $0xffff  }
0x133: {  	v52 =	vor.u32 v5, v8;
	v63 =	vld [tilespmem:$0x1FE50]  }
0x134: {  	v40 =	vld [tilespmem:$0x1FE60];
	_ =	sdelay $0x1  }
0x135: {  	[tilespmem:v26+s16+$0x0] =	vst.idx.msk $0xffff, v16  }
0x136: {  	v26 =	vor.u32 v24, v4;
	v16 =	vld.idx.msk [tilespmem:v48+s4+$0x0], $0xffff;
	[tilespmem:v50+s16+$0x0] =	vst.idx.msk $0xffff, v6  }
0x137: {  	v61 =	vor.u32 v3, v22;
	v9 =	vor.u32 v63, v20;
	v6 =	vld.idx.msk [tilespmem:v52+s4+$0x0], $0xffff  }
0x138: {  	v44 =	vld [tilespmem:$0x1FE70];
	v42 =	vor.u32 v40, v8  }
0x139: {  	v48 =	vld [tilespmem:$0x1FE80];
	_ =	sdelay $0x1  }
0x13a: {  	[tilespmem:v26+s16+$0x0] =	vst.idx.msk $0xffff, v16  }
0x13b: {  	v4 =	vor.u32 v28, v4;
	v16 =	vld.idx.msk [tilespmem:v61+s4+$0x0], $0xffff;
	[tilespmem:v9+s16+$0x0] =	vst.idx.msk $0xffff, v6  }
0x13c: {  	v46 =	vor.u32 v44, v20;
	v26 =	vor.u32 v5, v18;
	v6 =	vld.idx.msk [tilespmem:v42+s4+$0x0], $0xffff  }
0x13d: {  	v52 =	vld [tilespmem:$0x1FE90];
	v49 =	vor.u32 v48, v8  }
0x13e: {  	v63 =	vld [tilespmem:$0x1FC60];
	_ =	sdelay $0x1  }
0x13f: {  	[tilespmem:v4+s16+$0x0] =	vst.idx.msk $0xffff, v16;
	v4 =	vor.u32 $0x1000, v30  }
0x140: {  	v16 =	vld.idx.msk [tilespmem:v26+s4+$0x0], $0xffff;
	v26 =	vor.u32 v14, v4;
	[tilespmem:v46+s16+$0x0] =	vst.idx.msk $0xffff, v6  }
0x141: {  	v50 =	vor.u32 v40, v18;
	v61 =	vor.u32 v52, v20;
	v6 =	vld.idx.msk [tilespmem:v49+s4+$0x0], $0xffff  }
0x142: {  	v2 =	vor.u32 v63, v8;
	v40 =	vld [tilespmem:$0x1FC70]  }
0x143: {  	v44 =	vld [tilespmem:$0x1FC80];
	_ =	sdelay $0x1  }
0x144: {  	[tilespmem:v26+s16+$0x0] =	vst.idx.msk $0xffff, v16  }
0x145: {  	v26 =	vor.u32 v12, v4;
	v16 =	vld.idx.msk [tilespmem:v50+s4+$0x0], $0xffff;
	[tilespmem:v61+s16+$0x0] =	vst.idx.msk $0xffff, v6  }
0x146: {  	v9 =	vor.u32 v48, v18;
	v42 =	vor.u32 v40, v20;
	v6 =	vld.idx.msk [tilespmem:v2+s4+$0x0], $0xffff  }
0x147: {  	v46 =	vor.u32 v44, v10;
	v49 =	vld [tilespmem:$0x1FC90]  }
0x148: {  	v52 =	vld [tilespmem:$0x1FCA0];
	_ =	sdelay $0x1  }
0x149: {  	[tilespmem:v26+s16+$0x0] =	vst.idx.msk $0xffff, v16  }
0x14a: {  	v26 =	vor.u32 v24, v4;
	v16 =	vld.idx.msk [tilespmem:v9+s4+$0x0], $0xffff;
	[tilespmem:v42+s16+$0x0] =	vst.idx.msk $0xffff, v6  }
0x14b: {  	v48 =	vor.u32 v63, v18;
	v50 =	vor.u32 v49, v20;
	v6 =	vld.idx.msk [tilespmem:v46+s4+$0x0], $0xffff  }
0x14c: {  	v63 =	vld [tilespmem:$0x1FCB0];
	v61 =	vor.u32 v52, v10  }
0x14d: {  	v9 =	vld [tilespmem:$0x1FCC0];
	_ =	sdelay $0x1  }
0x14e: {  	[tilespmem:v26+s16+$0x0] =	vst.idx.msk $0xffff, v16  }
0x14f: {  	v4 =	vor.u32 v28, v4;
	v16 =	vld.idx.msk [tilespmem:v48+s4+$0x0], $0xffff;
	[tilespmem:v50+s16+$0x0] =	vst.idx.msk $0xffff, v6  }
0x150: {  	v2 =	vor.u32 v63, v20;
	v26 =	vor.u32 v44, v22;
	v6 =	vld.idx.msk [tilespmem:v61+s4+$0x0], $0xffff  }
0x151: {  	v40 =	vor.u32 v9, v10;
	_ =	sdelay $0x2  }
0x152: {  	[tilespmem:v4+s16+$0x0] =	vst.idx.msk $0xffff, v16  }
0x153: {  	v16 =	vld.idx.msk [tilespmem:v26+s4+$0x0], $0xffff;
	[tilespmem:v2+s16+$0x0] =	vst.idx.msk $0xffff, v6  }
0x154: {  	v6 =	vld.idx.msk [tilespmem:v40+s4+$0x0], $0xffff  }
0x155: {  	v4 =	vor.u32 $0x1400, v30;
	v44 =	vld [tilespmem:$0x1FCD0]  }
0x156: {  	v26 =	vor.u32 v14, v4;
	v48 =	vld [tilespmem:$0x1FCE0]  }
0x157: {  	v42 =	vor.u32 v52, v22;
	_ =	sdelay $0x2  }
0x158: {  	v52 =	vld [tilespmem:$0x1FCF0];
	v46 =	vor.u32 v44, v20  }
0x159: {  	v63 =	vld [tilespmem:$0x1FF80];
	[tilespmem:v26+s16+$0x0] =	vst.idx.msk $0xffff, v16;
	v49 =	vor.u32 v48, v10  }
0x15a: {  	v26 =	vor.u32 v12, v4;
	v16 =	vld.idx.msk [tilespmem:v42+s4+$0x0], $0xffff  }
0x15b: {  	v50 =	vor.u32 v9, v22;
	_ =	sdelay $0x1  }
0x15c: {  	v44 =	vld [tilespmem:$0x1FD00];
	[tilespmem:v46+s16+$0x0] =	vst.idx.msk $0xffff, v6  }
0x15d: {  	v61 =	vor.u32 v52, v20;
	v6 =	vld.idx.msk [tilespmem:v49+s4+$0x0], $0xffff  }
0x15e: {  	v2 =	vor.u32 v63, v8;
	v52 =	vld [tilespmem:$0x1FD30];
	[tilespmem:v26+s16+$0x0] =	vst.idx.msk $0xffff, v16  }
0x15f: {  	v26 =	vor.u32 v24, v4;
	v16 =	vld.idx.msk [tilespmem:v50+s4+$0x0], $0xffff  }
0x160: {  	v9 =	vor.u32 v48, v22;
	_ =	sdelay $0x1  }
0x161: {  	v1 =	vld [tilespmem:$0x1FD40];
	[tilespmem:v61+s16+$0x0] =	vst.idx.msk $0xffff, v6  }
0x162: {  	v46 =	vor.u32 v44, v20;
	v32 =	vld.idx.msk [tilespmem:v2+s4+$0x0], $0xffff  }
0x163: {  	s31 =	sor.u32 $0x2, s24;
	v40 =	vor.u32 v52, v8;
	[tilespmem:v26+s16+$0x0] =	vst.idx.msk $0xffff, v16;
	v6 =	vld [tilespmem:$0x1FD10]  }
0x164: {  	v4 =	vor.u32 v28, v4;
	v49 =	vadd.s32 s31, v27;
	v26 =	vld.idx.msk [tilespmem:v9+s4+$0x0], $0xffff  }
0x165: {  	v61 =	vor.u32 v63, v18;
	v16 =	vand.u32 $0xF, v49  }
0x166: {  	v63 =	vor.u32 v19, v16  }
0x167: {  	[tilespmem:v46+s16+$0x0] =	vst.idx.msk $0xffff, v32  }
0x168: {  	v9 =	vor.u32 v6, v20;
	v34 =	vld.idx.msk [tilespmem:v40+s4+$0x0], $0xffff  }
0x169: {  	v42 =	vor.u32 v1, v8;
	v50 =	vshll.u32 v49, $0x6;
	[tilespmem:v4+s16+$0x0] =	vst.idx.msk $0xffff, v26;
	v26 =	vor.u32 $0x1800, v30  }
0x16a: {  	v4 =	vand.u32 $0x380, v50;
	v36 =	vld.idx.msk [tilespmem:v61+s4+$0x0], $0xffff;
	v46 =	vor.u32 v14, v26  }
0x16b: {  	v48 =	vor.u32 v52, v18;
	v32 =	vld.idx.msk [tilespmem:v63+s4+$0x0], $0xffff;
	v50 =	vor.u32 v25, v4  }
0x16c: {  	v52 =	vor.u32 v29, v16  }
0x16d: {  	[tilespmem:v9+s16+$0x0] =	vst.idx.msk $0xffff, v34  }
0x16e: {  	v61 =	vor.u32 v56, v20;
	v40 =	vld.idx.msk [tilespmem:v42+s4+$0x0], $0xffff  }
0x16f: {  	v8 =	vor.u32 v58, v8;
	[tilespmem:v46+s16+$0x0] =	vst.idx.msk $0xffff, v36  }
0x170: {  	v63 =	vor.u32 v12, v26;
	[tilespmem:v50+s16+$0x0] =	vst.idx.msk $0xffff, v32;
	v36 =	vld.idx.msk [tilespmem:v48+s4+$0x0], $0xffff  }
0x171: {  	v3 =	vor.u32 v31, v4;
	v34 =	vld.idx.msk [tilespmem:v52+s4+$0x0], $0xffff  }
0x172: {  	v2 =	vor.u32 v1, v18  }
0x173: {  	v5 =	vor.u32 v33, v16;
	[tilespmem:v61+s16+$0x0] =	vst.idx.msk $0xffff, v40  }
0x174: {  	v9 =	vor.u32 v60, v20;
	v8 =	vld.idx.msk [tilespmem:v8+s4+$0x0], $0xffff  }
0x175: {  	v52 =	vor.u32 v62, v10;
	[tilespmem:v63+s16+$0x0] =	vst.idx.msk $0xffff, v36;
	v61 =	vld [tilespmem:$0x1FD20]  }
0x176: {  	[tilespmem:v3+s16+$0x0] =	vst.idx.msk $0xffff, v34;
	v3 =	vld [tilespmem:$0x1FF40]  }
0x177: {  	v56 =	vor.u32 v24, v26;
	v32 =	vld.idx.msk [tilespmem:v2+s4+$0x0], $0xffff  }
0x178: {  	v18 =	vor.u32 v58, v18;
	v46 =	vor.u32 v59, v4;
	v40 =	vld.idx.msk [tilespmem:v5+s4+$0x0], $0xffff  }
0x179: {  	s26 =	sor.u32 $0x3, s24;
	v42 =	vor.u32 v35, v16;
	[tilespmem:v9+s16+$0x0] =	vst.idx.msk $0xffff, v8  }
0x17a: {  	v63 =	vor.u32 v61, v20;
	v8 =	vadd.s32 s26, v27;
	v60 =	vld.idx.msk [tilespmem:v52+s4+$0x0], $0xffff  }
0x17b: {  	v5 =	vld [tilespmem:$0x1FEE0];
	v52 =	vor.u32 v3, v10;
	v34 =	vand.u32 $0xF, v8  }
0x17c: {  	v1 =	vld [tilespmem:$0x1FF60];
	[tilespmem:v56+s16+$0x0] =	vst.idx.msk $0xffff, v32;
	v32 =	vor.u32 v19, v34  }
0x17d: {  	v30 =	vor.u32 $0x1C00, v30;
	[tilespmem:v46+s16+$0x0] =	vst.idx.msk $0xffff, v40;
	v36 =	vld.idx.msk [tilespmem:v18+s4+$0x0], $0xffff;
	v18 =	vor.u32 v28, v26  }
0x17e: {  	v40 =	vor.u32 v62, v22;
	v46 =	vor.u32 v0, v4;
	v42 =	vld.idx.msk [tilespmem:v42+s4+$0x0], $0xffff;
	v26 =	vshll.u32 v8, $0x6  }
0x17f: {  	v48 =	vor.u32 v37, v49;
	v56 =	vor.u32 v14, v30;
	v14 =	vld [tilespmem:$0x1FEB0];
	v50 =	vand.u32 $0x40, v26;
	[tilespmem:v63+s16+$0x0] =	vst.idx.msk $0xffff, v60  }
0x180: {  	v6 =	vor.u32 v5, v20;
	v26 =	vand.u32 $0x380, v26;
	v9 =	vor.u32 v27, v50;
	v52 =	vld.idx.msk [tilespmem:v52+s4+$0x0], $0xffff  }
0x181: {  	v2 =	vor.u32 v1, v10;
	v62 =	vor.u32 v9, v26;
	v32 =	vld.idx.msk [tilespmem:v32+s4+$0x0], $0xffff  }
0x182: {  	[tilespmem:v18+s16+$0x0] =	vst.idx.msk $0xffff, v36;
	v18 =	vor.u32 v29, v34  }
0x183: {  	[tilespmem:v46+s16+$0x0] =	vst.idx.msk $0xffff, v42;
	v40 =	vld.idx.msk [tilespmem:v40+s4+$0x0], $0xffff  }
0x184: {  	v5 =	vor.u32 v17, v4;
	v42 =	vor.u32 v3, v22;
	v46 =	vld.idx.msk [tilespmem:v48+s4+$0x0], $0xffff  }
0x185: {  	[tilespmem:v6+s16+$0x0] =	vst.idx.msk $0xffff, v52;
	v6 =	vor.u32 v38, v49  }
0x186: {  	v17 =	vor.u32 v14, v20;
	[tilespmem:v62+s16+$0x0] =	vst.idx.msk $0xffff, v32;
	v58 =	vld.idx.msk [tilespmem:v2+s4+$0x0], $0xffff;
	v2 =	vor.u32 v39, v50  }
0x187: {  	v32 =	vld.idx.msk [tilespmem:v18+s4+$0x0], $0xffff;
	v18 =	vor.u32 v2, v26  }
0x188: {  	v61 =	vor.u32 v33, v34;
	v63 =	vld [tilespmem:$0x1FED0];
	[tilespmem:v56+s16+$0x0] =	vst.idx.msk $0xffff, v40  }
0x189: {  	v62 =	vor.u32 v12, v30;
	[tilespmem:v5+s16+$0x0] =	vst.idx.msk $0xffff, v46;
	v42 =	vld.idx.msk [tilespmem:v42+s4+$0x0], $0xffff  }
0x18a: {  	v12 =	vor.u32 v13, v4;
	v46 =	vld.idx.msk [tilespmem:v6+s4+$0x0], $0xffff  }
0x18b: {  	v13 =	vor.u32 v43, v49;
	[tilespmem:v17+s16+$0x0] =	vst.idx.msk $0xffff, v58  }
0x18c: {  	v44 =	vor.u32 v23, v50;
	v14 =	vld [tilespmem:$0x1FF00];
	v58 =	vor.u32 v1, v22;
	[tilespmem:v18+s16+$0x0] =	vst.idx.msk $0xffff, v32  }
0x18d: {  	v5 =	vor.u32 v63, v10;
	v17 =	vor.u32 v44, v26;
	v36 =	vld.idx.msk [tilespmem:v61+s4+$0x0], $0xffff  }
0x18e: {  	[tilespmem:v62+s16+$0x0] =	vst.idx.msk $0xffff, v42;
	v42 =	vor.u32 v24, v30;
	v24 =	vor.u32 v35, v34  }
0x18f: {  	v0 =	vor.u32 v45, v16;
	[tilespmem:v12+s16+$0x0] =	vst.idx.msk $0xffff, v46  }
0x190: {  	v18 =	vor.u32 v63, v22;
	v63 =	vor.u32 v28, v30;
	v12 =	vor.u32 v15, v4;
	v28 =	vld.idx.msk [tilespmem:v13+s4+$0x0], $0xffff  }
0x191: {  	v48 =	vor.u32 v11, v4;
	v20 =	vor.u32 v14, v20;
	v13 =	vor.u32 v41, v49;
	v14 =	vld.idx.msk [tilespmem:v58+s4+$0x0], $0xffff  }
0x192: {  	s28 =	sor.u32 $0x4, s24;
	v1 =	vor.u32 v7, v4;
	v32 =	vld.idx.msk [tilespmem:v5+s4+$0x0], $0xffff;
	v61 =	vor.u32 v21, v50;
	[tilespmem:v17+s16+$0x0] =	vst.idx.msk $0xffff, v36  }
0x193: {  	s29 =	sor.u32 $0x5, s24;
	v5 =	vor.u32 $0x400, v26;
	v22 =	vadd.s32 s28, v27;
	v15 =	vor.u32 v61, v26;
	v40 =	vld.idx.msk [tilespmem:v24+s4+$0x0], $0xffff  }
0x194: {  	v58 =	vand.u32 $0xF, v22;
	v17 =	vor.u32 v37, v8;
	v24 =	vadd.s32 s29, v27  }
0x195: {  	s30 =	sor.u32 $0x6, s24;
	s31 =	sor.u32 $0x7, s24;
	v7 =	vor.u32 v9, v5;
	v11 =	vor.u32 v19, v58;
	v56 =	vand.u32 $0xF, v24;
	[tilespmem:v12+s16+$0x0] =	vst.idx.msk $0xffff, v28  }
0x196: {  	v30 =	vadd.s32 s31, v27;
	[tilespmem:v42+s16+$0x0] =	vst.idx.msk $0xffff, v14;
	v52 =	vor.u32 v19, v56;
	v28 =	vadd.s32 s30, v27;
	v46 =	vld.idx.msk [tilespmem:v13+s4+$0x0], $0xffff  }
0x197: {  	v6 =	vmovc v23;
	v23 =	vshll.u32 v22, $0x6;
	v60 =	vand.u32 $0xF, v30;
	[tilespmem:v20+s16+$0x0] =	vst.idx.msk $0xffff, v32;
	v32 =	vld.idx.msk [tilespmem:v18+s4+$0x0], $0xffff;
	v62 =	vand.u32 $0xF, v28  }
0x198: {  	v20 =	vand.u32 $0x380, v23;
	v36 =	vshll.u32 v24, $0x6;
	v13 =	vor.u32 v19, v62;
	[tilespmem:v15+s16+$0x0] =	vst.idx.msk $0xffff, v40  }
0x199: {  	[tilespmem:$0x1FBE0] =	vst v9;
	v10 =	vmovc v21;
	v21 =	vor.u32 v29, v58;
	v42 =	vand.u32 $0x380, v36;
	v3 =	vld.idx.msk [tilespmem:v17+s4+$0x0], $0xffff;
	v17 =	vand.u32 $0x40, v36  }
0x19a: {  	v11 =	vld.idx.msk [tilespmem:v11+s4+$0x0], $0xffff;
	v19 =	vor.u32 v19, v60;
	v15 =	vor.u32 v25, v20;
	v18 =	vor.u32 v27, v17  }
0x19b: {  	v23 =	vshll.u32 v28, $0x6;
	v40 =	vld.idx.msk [tilespmem:v52+s4+$0x0], $0xffff;
	[tilespmem:v48+s16+$0x0] =	vst.idx.msk $0xffff, v46;
	v48 =	vor.u32 v18, v42  }
0x19c: {  	v9 =	vor.u32 v38, v8;
	v36 =	vshll.u32 v30, $0x6;
	[tilespmem:v63+s16+$0x0] =	vst.idx.msk $0xffff, v32;
	v32 =	vand.u32 $0x380, v23;
	v0 =	vld.idx.msk [tilespmem:v0+s4+$0x0], $0xffff  }
0x19d: {  	v63 =	vor.u32 v29, v56;
	v23 =	vand.u32 $0x40, v36;
	v13 =	vld.idx.msk [tilespmem:v13+s4+$0x0], $0xffff;
	v25 =	vor.u32 v25, v32  }
0x19e: {  	v52 =	vand.u32 $0x380, v36;
	v14 =	vor.u32 v27, v23;
	[tilespmem:v7+s16+$0x0] =	vst.idx.msk $0xffff, v3;
	v3 =	vor.u32 v29, v62  }
0x19f: {  	v50 =	vor.u32 v47, v16;
	[tilespmem:v15+s16+$0x0] =	vst.idx.msk $0xffff, v11;
	v7 =	vld.idx.msk [tilespmem:v19+s4+$0x0], $0xffff;
	v19 =	vor.u32 v14, v52  }
0x1a0: {  	v15 =	vld.idx.msk [tilespmem:v21+s4+$0x0], $0xffff;
	v21 =	vor.u32 v31, v20;
	[tilespmem:v48+s16+$0x0] =	vst.idx.msk $0xffff, v40  }
0x1a1: {  	v27 =	vor.u32 v2, v5;
	v11 =	vor.u32 v29, v60;
	v9 =	vld.idx.msk [tilespmem:v9+s4+$0x0], $0xffff;
	[tilespmem:v1+s16+$0x0] =	vst.idx.msk $0xffff, v0  }
0x1a2: {  	v46 =	vor.u32 v33, v58;
	v40 =	vor.u32 v39, v17;
	v1 =	vld.idx.msk [tilespmem:v63+s4+$0x0], $0xffff;
	[tilespmem:v25+s16+$0x0] =	vst.idx.msk $0xffff, v13  }
0x1a3: {  	v29 =	vor.u32 v43, v8;
	v63 =	vor.u32 v40, v42;
	v3 =	vld.idx.msk [tilespmem:v3+s4+$0x0], $0xffff  }
0x1a4: {  	v12 =	vmov v31;
	v31 =	vor.u32 v33, v56;
	[tilespmem:v19+s16+$0x0] =	vst.idx.msk $0xffff, v7;
	v19 =	vld.idx.msk [tilespmem:v50+s4+$0x0], $0xffff  }
0x1a5: {  	v13 =	vor.u32 v12, v32;
	v12 =	vor.u32 v39, v23;
	v50 =	vld [tilespmem:$0x1FDC0];
	[tilespmem:v21+s16+$0x0] =	vst.idx.msk $0xffff, v15  }
0x1a6: {  	v7 =	vor.u32 v33, v62;
	[tilespmem:v27+s16+$0x0] =	vst.idx.msk $0xffff, v9;
	v9 =	vld.idx.msk [tilespmem:v11+s4+$0x0], $0xffff;
	v11 =	vor.u32 v12, v52  }
0x1a7: {  	v15 =	vor.u32 v33, v60;
	v21 =	vor.u32 v59, v20;
	v0 =	vld.idx.msk [tilespmem:v46+s4+$0x0], $0xffff  }
0x1a8: {  	v27 =	vor.u32 v35, v58;
	v29 =	vld.idx.msk [tilespmem:v29+s4+$0x0], $0xffff;
	[tilespmem:v63+s16+$0x0] =	vst.idx.msk $0xffff, v1;
	v1 =	vor.u32 v44, v5  }
0x1a9: {  	v39 =	vld [tilespmem:$0x1FC10];
	v33 =	vor.u32 v41, v8  }
0x1aa: {  	v36 =	vor.u32 v6, v17;
	v31 =	vld.idx.msk [tilespmem:v31+s4+$0x0], $0xffff;
	[tilespmem:v13+s16+$0x0] =	vst.idx.msk $0xffff, v3  }
0x1ab: {  	v48 =	vmov v59;
	v59 =	vmov v44;
	v25 =	vor.u32 v50, v4;
	v7 =	vld.idx.msk [tilespmem:v7+s4+$0x0], $0xffff;
	[tilespmem:v11+s16+$0x0] =	vst.idx.msk $0xffff, v9  }
0x1ac: {  	v44 =	vor.u32 v36, v42;
	v3 =	vor.u32 v35, v56;
	[tilespmem:v21+s16+$0x0] =	vst.idx.msk $0xffff, v0;
	v11 =	vld.idx.msk [tilespmem:v15+s4+$0x0], $0xffff  }
0x1ad: {  	v13 =	vor.u32 v48, v32;
	v48 =	vor.u32 v6, v23;
	v21 =	vld.idx.msk [tilespmem:v27+s4+$0x0], $0xffff;
	[tilespmem:v1+s16+$0x0] =	vst.idx.msk $0xffff, v29  }
0x1ae: {  	v9 =	vor.u32 v35, v62;
	v15 =	vor.u32 v48, v52;
	v27 =	vld.idx.msk [tilespmem:v33+s4+$0x0], $0xffff  }
0x1af: {  	v63 =	vmov v10;
	v0 =	vor.u32 v35, v60;
	v33 =	vld [tilespmem:$0x1FDD0]  }
0x1b0: {  	v5 =	vor.u32 v61, v5;
	v46 =	vor.u32 v63, v23;
	[tilespmem:v25+s16+$0x0] =	vst.idx.msk $0xffff, v19;
	v25 =	vld [tilespmem:$0x1FC10]  }
0x1b1: {  	v35 =	vor.u32 v10, v17;
	v10 =	vmov v61;
	[tilespmem:v44+s16+$0x0] =	vst.idx.msk $0xffff, v31;
	v19 =	vor.u32 v51, v16  }
0x1b2: {  	v61 =	vor.u32 v45, v34;
	v17 =	vor.u32 v35, v42;
	v3 =	vld.idx.msk [tilespmem:v3+s4+$0x0], $0xffff;
	[tilespmem:v13+s16+$0x0] =	vst.idx.msk $0xffff, v7  }
0x1b3: {  	v29 =	vor.u32 v37, v24;
	v7 =	vld.idx.msk [tilespmem:v9+s4+$0x0], $0xffff;
	v9 =	vor.u32 v39, v32;
	[tilespmem:v15+s16+$0x0] =	vst.idx.msk $0xffff, v11  }
0x1b4: {  	v44 =	vor.u32 v46, v52;
	v39 =	vor.u32 v37, v28;
	v0 =	vld.idx.msk [tilespmem:v0+s4+$0x0], $0xffff  }
0x1b5: {  	v63 =	vor.u32 v37, v30;
	v11 =	vor.u32 v33, v4;
	v33 =	vld [tilespmem:$0x1FD70];
	v25 =	vor.u32 v25, v20  }
0x1b6: {  	[tilespmem:v5+s16+$0x0] =	vst.idx.msk $0xffff, v27;
	v19 =	vld.idx.msk [tilespmem:v19+s4+$0x0], $0xffff  }
0x1b7: {  	v1 =	vor.u32 v37, v22;
	[tilespmem:v17+s16+$0x0] =	vst.idx.msk $0xffff, v3;
	v23 =	vld.idx.msk [tilespmem:v61+s4+$0x0], $0xffff  }
0x1b8: {  	v3 =	vor.u32 $0x400, v42;
	v17 =	vld.idx.msk [tilespmem:v29+s4+$0x0], $0xffff;
	[tilespmem:v9+s16+$0x0] =	vst.idx.msk $0xffff, v7  }
0x1b9: {  	v27 =	vor.u32 v18, v3;
	v7 =	vld.idx.msk [tilespmem:v39+s4+$0x0], $0xffff;
	[tilespmem:v44+s16+$0x0] =	vst.idx.msk $0xffff, v0  }
0x1ba: {  	v39 =	vor.u32 v33, v32;
	[tilespmem:v25+s16+$0x0] =	vst.idx.msk $0xffff, v21;
	v21 =	vld.idx.msk [tilespmem:v63+s4+$0x0], $0xffff  }
0x1bb: {  	v37 =	vor.u32 v38, v24;
	v63 =	vld [tilespmem:$0x1FBE0]  }
0x1bc: {  	v25 =	vor.u32 v33, v20;
	v1 =	vld.idx.msk [tilespmem:v1+s4+$0x0], $0xffff  }
0x1bd: {  	[tilespmem:$0x1FBF0] =	vst v2;
	v5 =	vor.u32 v38, v22;
	v61 =	vld [tilespmem:$0x1FD80];
	v0 =	vor.u32 $0x400, v52  }
0x1be: {  	v2 =	vld [tilespmem:$0x1FDF0];
	v44 =	vmov v14;
	v14 =	vor.u32 v14, v0;
	[tilespmem:v27+s16+$0x0] =	vst.idx.msk $0xffff, v17  }
0x1bf: {  	v29 =	vor.u32 v53, v16;
	[tilespmem:v39+s16+$0x0] =	vst.idx.msk $0xffff, v7;
	v39 =	vld [tilespmem:$0x1FDE0]  }
0x1c0: {  	v13 =	vor.u32 $0x800, v26;
	v15 =	vor.u32 v38, v28;
	[tilespmem:v11+s16+$0x0] =	vst.idx.msk $0xffff, v19;
	v19 =	vld.idx.msk [tilespmem:v37+s4+$0x0], $0xffff  }
0x1c1: {  	[tilespmem:v25+s16+$0x0] =	vst.idx.msk $0xffff, v1;
	v1 =	vor.u32 v63, v13;
	v25 =	vor.u32 v38, v30;
	v38 =	vld [tilespmem:$0x1FBF0]  }
0x1c2: {  	v17 =	vor.u32 v47, v34;
	v27 =	vor.u32 v61, v20;
	v5 =	vld.idx.msk [tilespmem:v5+s4+$0x0], $0xffff  }
0x1c3: {  	v31 =	vor.u32 v40, v3;
	v11 =	vor.u32 v43, v22;
	[tilespmem:v14+s16+$0x0] =	vst.idx.msk $0xffff, v21;
	v14 =	vld [tilespmem:$0x1FD90]  }
0x1c4: {  	v9 =	vor.u32 v43, v24;
	v29 =	vld.idx.msk [tilespmem:v29+s4+$0x0], $0xffff;
	v7 =	vor.u32 v39, v4  }
0x1c5: {  	v33 =	vor.u32 v61, v32;
	v21 =	vor.u32 v54, v49;
	v15 =	vld.idx.msk [tilespmem:v15+s4+$0x0], $0xffff  }
0x1c6: {  	[tilespmem:v1+s16+$0x0] =	vst.idx.msk $0xffff, v23;
	v1 =	vor.u32 v43, v28;
	v23 =	vld.idx.msk [tilespmem:v25+s4+$0x0], $0xffff;
	v25 =	vor.u32 v12, v0  }
0x1c7: {  	v17 =	vld.idx.msk [tilespmem:v17+s4+$0x0], $0xffff;
	[tilespmem:v27+s16+$0x0] =	vst.idx.msk $0xffff, v5;
	v5 =	vor.u32 v38, v13;
	v27 =	vor.u32 v43, v30  }
0x1c8: {  	[tilespmem:v31+s16+$0x0] =	vst.idx.msk $0xffff, v19;
	v43 =	vor.u32 v14, v20;
	v11 =	vld.idx.msk [tilespmem:v11+s4+$0x0], $0xffff  }
0x1c9: {  	v9 =	vld.idx.msk [tilespmem:v9+s4+$0x0], $0xffff;
	[tilespmem:v7+s16+$0x0] =	vst.idx.msk $0xffff, v29  }
0x1ca: {  	v19 =	vor.u32 v51, v34;
	[tilespmem:v33+s16+$0x0] =	vst.idx.msk $0xffff, v15;
	v29 =	vor.u32 v36, v3;
	v21 =	vld.idx.msk [tilespmem:v21+s4+$0x0], $0xffff  }
0x1cb: {  	v37 =	vor.u32 v41, v22;
	v15 =	vor.u32 v2, v4;
	[tilespmem:v25+s16+$0x0] =	vst.idx.msk $0xffff, v23;
	v1 =	vld.idx.msk [tilespmem:v1+s4+$0x0], $0xffff  }
0x1cc: {  	v33 =	vor.u32 v41, v24;
	v25 =	vor.u32 v14, v32;
	[tilespmem:v5+s16+$0x0] =	vst.idx.msk $0xffff, v17;
	v17 =	vld.idx.msk [tilespmem:v27+s4+$0x0], $0xffff  }
0x1cd: {  	v23 =	vor.u32 v55, v49;
	v27 =	vor.u32 v48, v0;
	[tilespmem:v43+s16+$0x0] =	vst.idx.msk $0xffff, v11;
	v43 =	vld [tilespmem:$0x1FDA0]  }
0x1ce: {  	v14 =	vld [tilespmem:$0x1FE00];
	v5 =	vor.u32 v41, v28;
	v41 =	vor.u32 v41, v30  }
0x1cf: {  	v19 =	vld.idx.msk [tilespmem:v19+s4+$0x0], $0xffff;
	[tilespmem:v29+s16+$0x0] =	vst.idx.msk $0xffff, v9  }
0x1d0: {  	v11 =	vor.u32 v59, v13;
	v7 =	vld.idx.msk [tilespmem:v37+s4+$0x0], $0xffff;
	[tilespmem:v15+s16+$0x0] =	vst.idx.msk $0xffff, v21  }
0x1d1: {  	v3 =	vor.u32 v35, v3;
	v9 =	vor.u32 v53, v34;
	v21 =	vld.idx.msk [tilespmem:v33+s4+$0x0], $0xffff;
	[tilespmem:v25+s16+$0x0] =	vst.idx.msk $0xffff, v1  }
0x1d2: {  	v23 =	vld.idx.msk [tilespmem:v23+s4+$0x0], $0xffff;
	v1 =	vor.u32 v45, v56;
	[tilespmem:v27+s16+$0x0] =	vst.idx.msk $0xffff, v17;
	v29 =	vor.u32 v43, v20  }
0x1d3: {  	v0 =	vor.u32 v46, v0;
	v15 =	vor.u32 v45, v58;
	v41 =	vld.idx.msk [tilespmem:v41+s4+$0x0], $0xffff  }
0x1d4: {  	v33 =	vor.u32 v14, v4;
	v5 =	vld.idx.msk [tilespmem:v5+s4+$0x0], $0xffff;
	v17 =	vor.u32 v43, v32;
	v43 =	vor.u32 v45, v60  }
0x1d5: {  	[tilespmem:v11+s16+$0x0] =	vst.idx.msk $0xffff, v19;
	v11 =	vor.u32 v45, v62;
	v45 =	vld [tilespmem:$0x1FDB0]  }
0x1d6: {  	v9 =	vld.idx.msk [tilespmem:v9+s4+$0x0], $0xffff;
	[tilespmem:v3+s16+$0x0] =	vst.idx.msk $0xffff, v21  }
0x1d7: {  	v13 =	vor.u32 v10, v13;
	v25 =	vor.u32 v57, v49;
	v1 =	vld.idx.msk [tilespmem:v1+s4+$0x0], $0xffff;
	[tilespmem:v29+s16+$0x0] =	vst.idx.msk $0xffff, v7  }
0x1d8: {  	v3 =	vor.u32 $0x800, v42;
	[tilespmem:v0+s16+$0x0] =	vst.idx.msk $0xffff, v41;
	v15 =	vld.idx.msk [tilespmem:v15+s4+$0x0], $0xffff  }
0x1d9: {  	[tilespmem:v33+s16+$0x0] =	vst.idx.msk $0xffff, v23;
	v23 =	vor.u32 v18, v3;
	v7 =	vld.idx.msk [tilespmem:v43+s4+$0x0], $0xffff  }
0x1da: {  	v33 =	vor.u32 v47, v56;
	v27 =	vor.u32 v45, v20;
	v43 =	vld [tilespmem:$0x1FE10]  }
0x1db: {  	v21 =	vor.u32 v47, v58;
	[tilespmem:v17+s16+$0x0] =	vst.idx.msk $0xffff, v5;
	v0 =	vor.u32 $0x800, v52  }
0x1dc: {  	v29 =	vor.u32 v54, v8;
	v17 =	vld.idx.msk [tilespmem:v25+s4+$0x0], $0xffff;
	[tilespmem:v13+s16+$0x0] =	vst.idx.msk $0xffff, v9;
	v13 =	vor.u32 v44, v0  }
0x1dd: {  	v41 =	vor.u32 v47, v60;
	v5 =	vld.idx.msk [tilespmem:v11+s4+$0x0], $0xffff;
	v11 =	vor.u32 v45, v32  }
0x1de: {  	v45 =	vld [tilespmem:$0x1FE20];
	[tilespmem:v23+s16+$0x0] =	vst.idx.msk $0xffff, v1  }
0x1df: {  	v9 =	vor.u32 v47, v62;
	v31 =	vld.idx.msk [tilespmem:v33+s4+$0x0], $0xffff;
	v19 =	vor.u32 v43, v4;
	[tilespmem:v27+s16+$0x0] =	vst.idx.msk $0xffff, v15  }
0x1e0: {  	v27 =	vor.u32 v50, v20;
	v21 =	vld.idx.msk [tilespmem:v21+s4+$0x0], $0xffff  }
0x1e1: {  	v47 =	vor.u32 v40, v3;
	v1 =	vor.u32 $0xC00, v26;
	v29 =	vld.idx.msk [tilespmem:v29+s4+$0x0], $0xffff;
	[tilespmem:v13+s16+$0x0] =	vst.idx.msk $0xffff, v7  }
0x1e2: {  	[tilespmem:v11+s16+$0x0] =	vst.idx.msk $0xffff, v5;
	v5 =	vor.u32 v63, v1;
	v11 =	vor.u32 v51, v56;
	v15 =	vld.idx.msk [tilespmem:v41+s4+$0x0], $0xffff  }
0x1e3: {  	v61 =	vmovc v12;
	v23 =	vor.u32 v51, v58;
	v25 =	vor.u32 v45, v49;
	v7 =	vor.u32 v55, v8;
	v41 =	vld [tilespmem:$0x1FE30]  }
0x1e4: {  	v13 =	vor.u32 v50, v32;
	v9 =	vld.idx.msk [tilespmem:v9+s4+$0x0], $0xffff;
	[tilespmem:v19+s16+$0x0] =	vst.idx.msk $0xffff, v17;
	v17 =	vor.u32 v51, v62  }
0x1e5: {  	v19 =	vor.u32 v61, v0;
	[tilespmem:v27+s16+$0x0] =	vst.idx.msk $0xffff, v21;
	v27 =	vor.u32 v51, v60;
	v51 =	vld [tilespmem:$0x1FDD0]  }
0x1e6: {  	v6 =	vld [tilespmem:$0x1FE80];
	[tilespmem:v47+s16+$0x0] =	vst.idx.msk $0xffff, v31  }
0x1e7: {  	[tilespmem:v5+s16+$0x0] =	vst.idx.msk $0xffff, v29;
	v11 =	vld.idx.msk [tilespmem:v11+s4+$0x0], $0xffff;
	v29 =	vor.u32 v36, v3  }
0x1e8: {  	v25 =	vld.idx.msk [tilespmem:v25+s4+$0x0], $0xffff;
	v50 =	vor.u32 v41, v4  }
0x1e9: {  	v33 =	vor.u32 v38, v1;
	v7 =	vld.idx.msk [tilespmem:v7+s4+$0x0], $0xffff;
	[tilespmem:v13+s16+$0x0] =	vst.idx.msk $0xffff, v9;
	v9 =	vor.u32 v53, v56  }
0x1ea: {  	v13 =	vor.u32 v57, v8;
	v17 =	vld.idx.msk [tilespmem:v17+s4+$0x0], $0xffff;
	[tilespmem:v19+s16+$0x0] =	vst.idx.msk $0xffff, v15;
	v15 =	vor.u32 v51, v32  }
0x1eb: {  	v23 =	vld.idx.msk [tilespmem:v23+s4+$0x0], $0xffff;
	v19 =	vor.u32 v53, v62;
	v47 =	vor.u32 v51, v20  }
0x1ec: {  	v12 =	vmov v48;
	[tilespmem:v29+s16+$0x0] =	vst.idx.msk $0xffff, v11;
	v51 =	vld [tilespmem:$0x1FE40]  }
0x1ed: {  	v5 =	vor.u32 v53, v58;
	[tilespmem:v50+s16+$0x0] =	vst.idx.msk $0xffff, v25;
	v21 =	vld.idx.msk [tilespmem:v27+s4+$0x0], $0xffff;
	v25 =	vor.u32 v12, v0  }
0x1ee: {  	v37 =	vmov v10;
	v3 =	vor.u32 v35, v3;
	[tilespmem:v33+s16+$0x0] =	vst.idx.msk $0xffff, v7;
	v9 =	vld.idx.msk [tilespmem:v9+s4+$0x0], $0xffff  }
0x1ef: {  	v10 =	vor.u32 v59, v1;
	v29 =	vor.u32 v54, v24;
	v11 =	vld.idx.msk [tilespmem:v13+s4+$0x0], $0xffff;
	[tilespmem:v15+s16+$0x0] =	vst.idx.msk $0xffff, v17  }
0x1f0: {  	[tilespmem:v47+s16+$0x0] =	vst.idx.msk $0xffff, v23;
	v47 =	vor.u32 v53, v60;
	v17 =	vld.idx.msk [tilespmem:v19+s4+$0x0], $0xffff  }
0x1f1: {  	v31 =	vor.u32 v39, v20;
	v27 =	vor.u32 v51, v16;
	v19 =	vor.u32 v39, v32;
	v39 =	vld [tilespmem:$0x1FE50]  }
0x1f2: {  	v7 =	vor.u32 v54, v22;
	[tilespmem:v25+s16+$0x0] =	vst.idx.msk $0xffff, v21;
	v5 =	vld.idx.msk [tilespmem:v5+s4+$0x0], $0xffff  }
0x1f3: {  	v15 =	vor.u32 v45, v8;
	v53 =	vmov v45;
	v45 =	vld [tilespmem:$0x1FE60];
	[tilespmem:v3+s16+$0x0] =	vst.idx.msk $0xffff, v9;
	v3 =	vor.u32 $0xC00, v42  }
0x1f4: {  	[tilespmem:v10+s16+$0x0] =	vst.idx.msk $0xffff, v11;
	v11 =	vld.idx.msk [tilespmem:v29+s4+$0x0], $0xffff;
	v13 =	vor.u32 v18, v3  }
0x1f5: {  	v0 =	vor.u32 v46, v0;
	v25 =	vor.u32 v54, v28;
	v23 =	vld.idx.msk [tilespmem:v47+s4+$0x0], $0xffff  }
0x1f6: {  	v29 =	vor.u32 v55, v24;
	v27 =	vld.idx.msk [tilespmem:v27+s4+$0x0], $0xffff;
	v21 =	vor.u32 v39, v4  }
0x1f7: {  	v12 =	vmov v18;
	v18 =	vld [tilespmem:$0x1FE70];
	v47 =	vor.u32 v54, v30;
	[tilespmem:v31+s16+$0x0] =	vst.idx.msk $0xffff, v5  }
0x1f8: {  	v54 =	vor.u32 v2, v20;
	[tilespmem:v19+s16+$0x0] =	vst.idx.msk $0xffff, v17;
	v7 =	vld.idx.msk [tilespmem:v7+s4+$0x0], $0xffff  }
0x1f9: {  	v1 =	vor.u32 v37, v1;
	v9 =	vor.u32 v55, v22;
	v15 =	vld.idx.msk [tilespmem:v15+s4+$0x0], $0xffff;
	[tilespmem:v13+s16+$0x0] =	vst.idx.msk $0xffff, v11  }
0x1fa: {  	v33 =	vor.u32 v45, v16;
	v19 =	vor.u32 v2, v32;
	v17 =	vld.idx.msk [tilespmem:v25+s4+$0x0], $0xffff;
	[tilespmem:v0+s16+$0x0] =	vst.idx.msk $0xffff, v23  }
0x1fb: {  	v11 =	vld.idx.msk [tilespmem:v29+s4+$0x0], $0xffff;
	v0 =	vor.u32 $0xC00, v52;
	[tilespmem:v21+s16+$0x0] =	vst.idx.msk $0xffff, v27;
	v21 =	vor.u32 v55, v28  }
0x1fc: {  	v5 =	vld.idx.msk [tilespmem:v47+s4+$0x0], $0xffff;
	v23 =	vor.u32 v44, v0  }
0x1fd: {  	v2 =	vld [tilespmem:$0x1FC60];
	v47 =	vmov v44;
	v44 =	vor.u32 v40, v3;
	[tilespmem:v54+s16+$0x0] =	vst.idx.msk $0xffff, v7;
	v54 =	vor.u32 v55, v30  }
0x1fe: {  	v25 =	vor.u32 v51, v34;
	[tilespmem:v1+s16+$0x0] =	vst.idx.msk $0xffff, v15;
	v27 =	vor.u32 v14, v20;
	v9 =	vld.idx.msk [tilespmem:v9+s4+$0x0], $0xffff  }
0x1ff: {  	v31 =	vor.u32 v57, v24;
	v29 =	vor.u32 v18, v4;
	v15 =	vld.idx.msk [tilespmem:v33+s4+$0x0], $0xffff;
	[tilespmem:v19+s16+$0x0] =	vst.idx.msk $0xffff, v17  }
0x200: {  	v55 =	vor.u32 v57, v22;
	v17 =	vor.u32 v6, v16;
	v19 =	vld.idx.msk [tilespmem:v21+s4+$0x0], $0xffff  }
0x201: {  	v33 =	vor.u32 v61, v0;
	v21 =	vor.u32 v14, v32;
	[tilespmem:v23+s16+$0x0] =	vst.idx.msk $0xffff, v5;
	v14 =	vld [tilespmem:$0x1FE90]  }
0x202: {  	v5 =	vor.u32 $0x1000, v26;
	v23 =	vor.u32 v57, v28;
	[tilespmem:v44+s16+$0x0] =	vst.idx.msk $0xffff, v11;
	v7 =	vld.idx.msk [tilespmem:v54+s4+$0x0], $0xffff  }
0x203: {  	v25 =	vld.idx.msk [tilespmem:v25+s4+$0x0], $0xffff;
	[tilespmem:v27+s16+$0x0] =	vst.idx.msk $0xffff, v9;
	v9 =	vor.u32 v63, v5;
	v27 =	vor.u32 v57, v30  }
0x204: {  	[tilespmem:v29+s16+$0x0] =	vst.idx.msk $0xffff, v15;
	v29 =	vld.idx.msk [tilespmem:v31+s4+$0x0], $0xffff;
	v31 =	vor.u32 v36, v3  }
0x205: {  	v54 =	vor.u32 v45, v34;
	v1 =	vld.idx.msk [tilespmem:v55+s4+$0x0], $0xffff;
	v55 =	vor.u32 v43, v20  }
0x206: {  	v15 =	vor.u32 v53, v22;
	v17 =	vld.idx.msk [tilespmem:v17+s4+$0x0], $0xffff;
	[tilespmem:v21+s16+$0x0] =	vst.idx.msk $0xffff, v19;
	v19 =	vor.u32 v14, v4  }
0x207: {  	v57 =	vor.u32 v43, v32;
	v21 =	vor.u32 v53, v24;
	v23 =	vld.idx.msk [tilespmem:v23+s4+$0x0], $0xffff;
	[tilespmem:v33+s16+$0x0] =	vst.idx.msk $0xffff, v7  }
0x208: {  	[tilespmem:v9+s16+$0x0] =	vst.idx.msk $0xffff, v25;
	v9 =	vor.u32 v53, v28;
	v25 =	vld.idx.msk [tilespmem:v27+s4+$0x0], $0xffff;
	v27 =	vor.u32 v48, v0  }
0x209: {  	v44 =	vmov v45;
	v45 =	vor.u32 v53, v30;
	v43 =	vld [tilespmem:$0x1FC70];
	[tilespmem:v31+s16+$0x0] =	vst.idx.msk $0xffff, v29  }
0x20a: {  	v11 =	vld.idx.msk [tilespmem:v54+s4+$0x0], $0xffff;
	[tilespmem:v55+s16+$0x0] =	vst.idx.msk $0xffff, v1;
	v55 =	vor.u32 v2, v16  }
0x20b: {  	v54 =	vor.u32 v38, v5;
	v15 =	vld.idx.msk [tilespmem:v15+s4+$0x0], $0xffff;
	[tilespmem:v19+s16+$0x0] =	vst.idx.msk $0xffff, v17  }
0x20c: {  	v29 =	vor.u32 v41, v20;
	v19 =	vld.idx.msk [tilespmem:v21+s4+$0x0], $0xffff;
	[tilespmem:v57+s16+$0x0] =	vst.idx.msk $0xffff, v23  }
0x20d: {  	v3 =	vor.u32 v35, v3;
	v17 =	vor.u32 v51, v58;
	v9 =	vld.idx.msk [tilespmem:v9+s4+$0x0], $0xffff;
	[tilespmem:v27+s16+$0x0] =	vst.idx.msk $0xffff, v25  }
0x20e: {  	v31 =	vor.u32 v51, v56;
	v53 =	vor.u32 v41, v32;
	v1 =	vld.idx.msk [tilespmem:v45+s4+$0x0], $0xffff  }
0x20f: {  	v0 =	vor.u32 v46, v0;
	v21 =	vor.u32 v43, v4;
	v57 =	vor.u32 v6, v34;
	v13 =	vld.idx.msk [tilespmem:v55+s4+$0x0], $0xffff  }
0x210: {  	v27 =	vor.u32 v39, v20;
	[tilespmem:v54+s16+$0x0] =	vst.idx.msk $0xffff, v11;
	v54 =	vor.u32 v51, v62;
	v45 =	vld [tilespmem:$0x1FC80]  }
0x211: {  	v55 =	vor.u32 v51, v60;
	v51 =	vor.u32 v39, v32;
	v39 =	vld [tilespmem:$0x1FC90];
	[tilespmem:v29+s16+$0x0] =	vst.idx.msk $0xffff, v15  }
0x212: {  	v17 =	vld.idx.msk [tilespmem:v17+s4+$0x0], $0xffff;
	[tilespmem:v3+s16+$0x0] =	vst.idx.msk $0xffff, v19;
	v3 =	vor.u32 $0x1000, v42  }
0x213: {  	v29 =	vor.u32 v44, v58;
	v31 =	vld.idx.msk [tilespmem:v31+s4+$0x0], $0xffff;
	v33 =	vor.u32 v12, v3  }
0x214: {  	v19 =	vor.u32 v59, v5;
	v7 =	vld.idx.msk [tilespmem:v57+s4+$0x0], $0xffff;
	v57 =	vor.u32 v44, v56;
	[tilespmem:v53+s16+$0x0] =	vst.idx.msk $0xffff, v9  }
0x215: {  	v9 =	vor.u32 v2, v34;
	v25 =	vor.u32 v45, v49;
	v11 =	vld.idx.msk [tilespmem:v54+s4+$0x0], $0xffff;
	[tilespmem:v0+s16+$0x0] =	vst.idx.msk $0xffff, v1  }
0x216: {  	v53 =	vor.u32 v44, v62;
	v1 =	vor.u32 $0x1000, v52;
	[tilespmem:v21+s16+$0x0] =	vst.idx.msk $0xffff, v13;
	v15 =	vld.idx.msk [tilespmem:v55+s4+$0x0], $0xffff  }
0x217: {  	v54 =	vor.u32 v47, v1;
	[tilespmem:v27+s16+$0x0] =	vst.idx.msk $0xffff, v17;
	v27 =	vor.u32 v44, v60;
	v44 =	vld [tilespmem:$0x1FCA0]  }
0x218: {  	v29 =	vld.idx.msk [tilespmem:v29+s4+$0x0], $0xffff;
	[tilespmem:v33+s16+$0x0] =	vst.idx.msk $0xffff, v31;
	v31 =	vor.u32 v18, v20  }
0x219: {  	[tilespmem:v19+s16+$0x0] =	vst.idx.msk $0xffff, v7;
	v19 =	vld.idx.msk [tilespmem:v57+s4+$0x0], $0xffff;
	v57 =	vor.u32 v40, v3  }
0x21a: {  	v55 =	vor.u32 v39, v4;
	v7 =	vor.u32 v6, v58;
	v25 =	vld.idx.msk [tilespmem:v25+s4+$0x0], $0xffff  }
0x21b: {  	v41 =	vor.u32 v6, v56;
	v5 =	vor.u32 v37, v5;
	v9 =	vld.idx.msk [tilespmem:v9+s4+$0x0], $0xffff;
	[tilespmem:v51+s16+$0x0] =	vst.idx.msk $0xffff, v11  }
0x21c: {  	v13 =	vor.u32 v18, v32;
	v11 =	vld.idx.msk [tilespmem:v53+s4+$0x0], $0xffff;
	[tilespmem:v54+s16+$0x0] =	vst.idx.msk $0xffff, v15  }
0x21d: {  	v53 =	vor.u32 v6, v62;
	[tilespmem:v31+s16+$0x0] =	vst.idx.msk $0xffff, v29  }
0x21e: {  	v54 =	vld.idx.msk [tilespmem:v27+s4+$0x0], $0xffff;
	[tilespmem:v57+s16+$0x0] =	vst.idx.msk $0xffff, v19  }
0x21f: {  	v51 =	vor.u32 v44, v49;
	v7 =	vld.idx.msk [tilespmem:v7+s4+$0x0], $0xffff;
	[tilespmem:v55+s16+$0x0] =	vst.idx.msk $0xffff, v25;
	v55 =	vor.u32 v61, v1  }
0x220: {  	v27 =	vor.u32 v45, v8;
	[tilespmem:v5+s16+$0x0] =	vst.idx.msk $0xffff, v9;
	v9 =	vld.idx.msk [tilespmem:v41+s4+$0x0], $0xffff  }
0x221: {  	v25 =	vor.u32 v6, v60;
	v41 =	vld [tilespmem:$0x1FCB0];
	[tilespmem:v13+s16+$0x0] =	vst.idx.msk $0xffff, v11  }
0x222: {  	v29 =	vor.u32 v14, v20;
	v11 =	vld.idx.msk [tilespmem:v53+s4+$0x0], $0xffff  }
0x223: {  	v15 =	vor.u32 $0x1400, v26;
	v5 =	vor.u32 v2, v58;
	v53 =	vor.u32 v14, v32;
	v14 =	vld [tilespmem:$0x1FCC0]  }
0x224: {  	v57 =	vor.u32 v36, v3;
	v0 =	vld.idx.msk [tilespmem:v51+s4+$0x0], $0xffff;
	[tilespmem:v55+s16+$0x0] =	vst.idx.msk $0xffff, v54;
	v54 =	vor.u32 v2, v62  }
0x225: {  	v51 =	vor.u32 v2, v56;
	v27 =	vld.idx.msk [tilespmem:v27+s4+$0x0], $0xffff;
	v55 =	vor.u32 v63, v15  }
0x226: {  	v21 =	vld.idx.msk [tilespmem:v25+s4+$0x0], $0xffff;
	v25 =	vor.u32 v48, v1  }
0x227: {  	v18 =	vld [tilespmem:$0x1FCD0];
	[tilespmem:v29+s16+$0x0] =	vst.idx.msk $0xffff, v7;
	v7 =	vor.u32 v2, v60;
	v23 =	vor.u32 v41, v4  }
0x228: {  	v5 =	vld.idx.msk [tilespmem:v5+s4+$0x0], $0xffff;
	v29 =	vor.u32 v14, v49;
	[tilespmem:v53+s16+$0x0] =	vst.idx.msk $0xffff, v11  }
0x229: {  	[tilespmem:v57+s16+$0x0] =	vst.idx.msk $0xffff, v9;
	v53 =	vor.u32 v44, v8;
	v13 =	vld.idx.msk [tilespmem:v54+s4+$0x0], $0xffff;
	v54 =	vor.u32 v43, v32  }
0x22a: {  	v57 =	vor.u32 v43, v20;
	v19 =	vld.idx.msk [tilespmem:v51+s4+$0x0], $0xffff;
	[tilespmem:v55+s16+$0x0] =	vst.idx.msk $0xffff, v27;
	v55 =	vor.u32 v45, v28  }
0x22b: {  	v43 =	vld [tilespmem:$0x1FCE0];
	[tilespmem:v25+s16+$0x0] =	vst.idx.msk $0xffff, v21  }
0x22c: {  	v3 =	vor.u32 v35, v3;
	[tilespmem:v23+s16+$0x0] =	vst.idx.msk $0xffff, v0;
	v0 =	vor.u32 v45, v22;
	v7 =	vld.idx.msk [tilespmem:v7+s4+$0x0], $0xffff  }
0x22d: {  	v1 =	vor.u32 v46, v1;
	v51 =	vor.u32 v45, v24;
	v25 =	vld.idx.msk [tilespmem:v29+s4+$0x0], $0xffff  }
0x22e: {  	v23 =	vor.u32 v18, v4;
	v11 =	vld.idx.msk [tilespmem:v53+s4+$0x0], $0xffff;
	[tilespmem:v54+s16+$0x0] =	vst.idx.msk $0xffff, v13  }
0x22f: {  	v9 =	vor.u32 v44, v30;
	[tilespmem:v57+s16+$0x0] =	vst.idx.msk $0xffff, v5;
	v57 =	vor.u32 v45, v30;
	v21 =	vld.idx.msk [tilespmem:v55+s4+$0x0], $0xffff  }
0x230: {  	v45 =	vor.u32 v39, v20;
	v27 =	vor.u32 v43, v49;
	v55 =	vor.u32 v39, v32;
	v39 =	vld [tilespmem:$0x1FCF0]  }
0x231: {  	[tilespmem:v3+s16+$0x0] =	vst.idx.msk $0xffff, v19;
	v3 =	vor.u32 $0x1400, v42;
	v19 =	vor.u32 v38, v15;
	v0 =	vld.idx.msk [tilespmem:v0+s4+$0x0], $0xffff  }
0x232: {  	v29 =	vor.u32 v44, v22;
	v31 =	vld.idx.msk [tilespmem:v51+s4+$0x0], $0xffff;
	v51 =	vor.u32 v12, v3;
	[tilespmem:v1+s16+$0x0] =	vst.idx.msk $0xffff, v7  }
0x233: {  	v54 =	vor.u32 v44, v24;
	[tilespmem:v23+s16+$0x0] =	vst.idx.msk $0xffff, v25;
	v23 =	vor.u32 v44, v28;
	v44 =	vld [tilespmem:$0x1FF80]  }
0x234: {  	v5 =	vld.idx.msk [tilespmem:v57+s4+$0x0], $0xffff  }
0x235: {  	v7 =	vor.u32 $0x1400, v52;
	v27 =	vld.idx.msk [tilespmem:v27+s4+$0x0], $0xffff;
	v57 =	vor.u32 v39, v4  }
0x236: {  	v53 =	vor.u32 v14, v8;
	v25 =	vor.u32 v47, v7;
	[tilespmem:v45+s16+$0x0] =	vst.idx.msk $0xffff, v0  }
0x237: {  	v33 =	vor.u32 v41, v20;
	[tilespmem:v19+s16+$0x0] =	vst.idx.msk $0xffff, v11;
	v29 =	vld.idx.msk [tilespmem:v29+s4+$0x0], $0xffff  }
0x238: {  	[tilespmem:v51+s16+$0x0] =	vst.idx.msk $0xffff, v31;
	v45 =	vor.u32 v14, v22  }
0x239: {  	v51 =	vor.u32 v40, v3;
	v17 =	vld.idx.msk [tilespmem:v54+s4+$0x0], $0xffff;
	v54 =	vor.u32 v14, v24;
	[tilespmem:v55+s16+$0x0] =	vst.idx.msk $0xffff, v21  }
0x23a: {  	v6 =	vmov v14;
	v31 =	vor.u32 v44, v16;
	[tilespmem:v57+s16+$0x0] =	vst.idx.msk $0xffff, v27;
	v57 =	vor.u32 v14, v28;
	v14 =	vld [tilespmem:$0x1FD00]  }
0x23b: {  	v13 =	vld.idx.msk [tilespmem:v53+s4+$0x0], $0xffff;
	v53 =	vor.u32 v59, v15;
	[tilespmem:v25+s16+$0x0] =	vst.idx.msk $0xffff, v5  }
0x23c: {  	v55 =	vor.u32 v43, v8;
	v23 =	vld.idx.msk [tilespmem:v23+s4+$0x0], $0xffff;
	v25 =	vor.u32 v41, v32;
	[tilespmem:v33+s16+$0x0] =	vst.idx.msk $0xffff, v29  }
0x23d: {  	v41 =	vor.u32 v18, v20;
	v11 =	vld.idx.msk [tilespmem:v45+s4+$0x0], $0xffff  }
0x23e: {  	v9 =	vld.idx.msk [tilespmem:v9+s4+$0x0], $0xffff;
	v45 =	vor.u32 v43, v22  }
0x23f: {  	[tilespmem:v51+s16+$0x0] =	vst.idx.msk $0xffff, v17;
	v31 =	vld.idx.msk [tilespmem:v31+s4+$0x0], $0xffff;
	v29 =	vor.u32 v14, v4  }
0x240: {  	[tilespmem:v53+s16+$0x0] =	vst.idx.msk $0xffff, v13;
	v27 =	vor.u32 v61, v7;
	v51 =	vld.idx.msk [tilespmem:v54+s4+$0x0], $0xffff  }
0x241: {  	v33 =	vor.u32 v6, v30;
	v5 =	vld.idx.msk [tilespmem:v55+s4+$0x0], $0xffff;
	[tilespmem:v25+s16+$0x0] =	vst.idx.msk $0xffff, v23  }
0x242: {  	v0 =	vld.idx.msk [tilespmem:v57+s4+$0x0], $0xffff;
	[tilespmem:v41+s16+$0x0] =	vst.idx.msk $0xffff, v11  }
0x243: {  	v53 =	vor.u32 v36, v3;
	v54 =	vor.u32 v43, v24;
	v1 =	vld.idx.msk [tilespmem:v45+s4+$0x0], $0xffff  }
0x244: {  	v55 =	vor.u32 v18, v32;
	v45 =	vmov v39;
	[tilespmem:v29+s16+$0x0] =	vst.idx.msk $0xffff, v31;
	v29 =	vor.u32 v39, v20;
	v39 =	vld [tilespmem:$0x1FD30]  }
0x245: {  	[tilespmem:v27+s16+$0x0] =	vst.idx.msk $0xffff, v9  }
0x246: {  	v57 =	vor.u32 v43, v28;
	v27 =	vor.u32 v48, v7;
	v25 =	vld.idx.msk [tilespmem:v33+s4+$0x0], $0xffff  }
0x247: {  	v50 =	vmov v48;
	v33 =	vor.u32 v43, v30  }
0x248: {  	v2 =	vmov v36;
	v15 =	vor.u32 v37, v15;
	v18 =	vld [tilespmem:$0x1FD10];
	[tilespmem:v53+s16+$0x0] =	vst.idx.msk $0xffff, v51;
	v48 =	vor.u32 v44, v58  }
0x249: {  	v3 =	vor.u32 v35, v3;
	v13 =	vld.idx.msk [tilespmem:v54+s4+$0x0], $0xffff;
	[tilespmem:v55+s16+$0x0] =	vst.idx.msk $0xffff, v0;
	v51 =	vor.u32 v39, v16  }
0x24a: {  	v36 =	vmov v14;
	v43 =	vor.u32 v44, v34;
	[tilespmem:v29+s16+$0x0] =	vst.idx.msk $0xffff, v1;
	v29 =	vor.u32 v14, v20;
	v14 =	vld [tilespmem:$0x1FD40]  }
0x24b: {  	v53 =	vor.u32 v44, v56;
	v54 =	vor.u32 v45, v32;
	v9 =	vld.idx.msk [tilespmem:v57+s4+$0x0], $0xffff;
	[tilespmem:v27+s16+$0x0] =	vst.idx.msk $0xffff, v25  }
0x24c: {  	v7 =	vor.u32 v46, v7;
	v25 =	vor.u32 v44, v62;
	v11 =	vld.idx.msk [tilespmem:v33+s4+$0x0], $0xffff  }
0x24d: {  	[tilespmem:v15+s16+$0x0] =	vst.idx.msk $0xffff, v5;
	v57 =	vor.u32 v44, v60;
	v5 =	vld.idx.msk [tilespmem:v48+s4+$0x0], $0xffff  }
0x24e: {  	v44 =	vor.u32 v18, v4;
	v45 =	vor.u32 v39, v58;
	v15 =	vld.idx.msk [tilespmem:v51+s4+$0x0], $0xffff  }
0x24f: {  	v0 =	vor.u32 $0x1800, v26;
	v17 =	vld.idx.msk [tilespmem:v43+s4+$0x0], $0xffff;
	[tilespmem:v3+s16+$0x0] =	vst.idx.msk $0xffff, v13;
	v51 =	vor.u32 v14, v16  }
0x250: {  	v55 =	vor.u32 v63, v0;
	v3 =	vor.u32 $0x1800, v42;
	v19 =	vld.idx.msk [tilespmem:v53+s4+$0x0], $0xffff;
	[tilespmem:v54+s16+$0x0] =	vst.idx.msk $0xffff, v9  }
0x251: {  	v27 =	vor.u32 v39, v34;
	v48 =	vor.u32 v12, v3;
	v25 =	vld.idx.msk [tilespmem:v25+s4+$0x0], $0xffff;
	[tilespmem:v7+s16+$0x0] =	vst.idx.msk $0xffff, v11  }
0x252: {  	v53 =	vor.u32 v39, v56;
	v1 =	vld.idx.msk [tilespmem:v57+s4+$0x0], $0xffff;
	[tilespmem:v29+s16+$0x0] =	vst.idx.msk $0xffff, v5  }
0x253: {  	v43 =	vor.u32 v18, v20;
	v31 =	vld.idx.msk [tilespmem:v45+s4+$0x0], $0xffff;
	[tilespmem:v44+s16+$0x0] =	vst.idx.msk $0xffff, v15  }
0x254: {  	v44 =	vor.u32 v14, v58;
	v9 =	vld.idx.msk [tilespmem:v51+s4+$0x0], $0xffff  }
0x255: {  	v54 =	vor.u32 v36, v32;
	[tilespmem:v55+s16+$0x0] =	vst.idx.msk $0xffff, v17;
	v11 =	vor.u32 $0x1800, v52;
	v51 =	vld [tilespmem:$0x1FC20]  }
0x256: {  	v55 =	vor.u32 v39, v62;
	v57 =	vor.u32 v47, v11;
	v27 =	vld.idx.msk [tilespmem:v27+s4+$0x0], $0xffff;
	[tilespmem:v48+s16+$0x0] =	vst.idx.msk $0xffff, v19  }
0x257: {  	v36 =	vor.u32 v38, v0;
	v29 =	vor.u32 v39, v60;
	v45 =	vld.idx.msk [tilespmem:v53+s4+$0x0], $0xffff  }
0x258: {  	v41 =	vor.u32 v14, v34;
	v53 =	vld [tilespmem:$0x1FC30];
	[tilespmem:v43+s16+$0x0] =	vst.idx.msk $0xffff, v31  }
0x259: {  	v13 =	vld.idx.msk [tilespmem:v44+s4+$0x0], $0xffff  }
0x25a: {  	[tilespmem:v54+s16+$0x0] =	vst.idx.msk $0xffff, v25;
	v44 =	vld [tilespmem:$0x1FC30];
	v7 =	vor.u32 v51, v4  }
0x25b: {  	[tilespmem:v57+s16+$0x0] =	vst.idx.msk $0xffff, v1;
	v54 =	vld.idx.msk [tilespmem:v55+s4+$0x0], $0xffff  }
0x25c: {  	v48 =	vor.u32 v40, v3;
	[tilespmem:v36+s16+$0x0] =	vst.idx.msk $0xffff, v27;
	v23 =	vld.idx.msk [tilespmem:v29+s4+$0x0], $0xffff  }
0x25d: {  	v25 =	vor.u32 v14, v56;
	v55 =	vor.u32 v18, v32;
	v19 =	vld.idx.msk [tilespmem:v41+s4+$0x0], $0xffff  }
0x25e: {  	v36 =	vor.u32 v14, v62;
	v41 =	vld [tilespmem:$0x1FC30]  }
0x25f: {  	v27 =	vor.u32 v61, v11;
	[tilespmem:v7+s16+$0x0] =	vst.idx.msk $0xffff, v9;
	v7 =	vor.u32 v44, v58;
	v58 =	vld [tilespmem:$0x1FC30]  }
0x260: {  	v39 =	vor.u32 v14, v60;
	v29 =	vor.u32 v59, v0;
	v43 =	vld [tilespmem:$0x1FC20]  }
0x261: {  	[tilespmem:v48+s16+$0x0] =	vst.idx.msk $0xffff, v45;
	v48 =	vld [tilespmem:$0x1FC40]  }
0x262: {  	v45 =	vld.idx.msk [tilespmem:v25+s4+$0x0], $0xffff;
	[tilespmem:v55+s16+$0x0] =	vst.idx.msk $0xffff, v54  }
0x263: {  	v5 =	vld.idx.msk [tilespmem:v36+s4+$0x0], $0xffff;
	v15 =	vor.u32 v41, v34  }
0x264: {  	v1 =	vor.u32 v53, v16;
	[tilespmem:v27+s16+$0x0] =	vst.idx.msk $0xffff, v23;
	v51 =	vor.u32 v58, v56;
	v56 =	vld [tilespmem:$0x1FC20]  }
0x265: {  	[tilespmem:v29+s16+$0x0] =	vst.idx.msk $0xffff, v19;
	v29 =	vor.u32 v50, v11;
	v27 =	vld.idx.msk [tilespmem:v39+s4+$0x0], $0xffff  }
0x266: {  	v21 =	vor.u32 v43, v20;
	v54 =	vor.u32 v58, v62;
	v62 =	vld [tilespmem:$0x1FC50]  }
0x267: {  	v25 =	vor.u32 v2, v3;
	v57 =	vor.u32 v58, v60;
	v60 =	vld [tilespmem:$0x1FC40]  }
0x268: {  	v55 =	vld.idx.msk [tilespmem:v15+s4+$0x0], $0xffff  }
0x269: {  	v1 =	vld.idx.msk [tilespmem:v1+s4+$0x0], $0xffff;
	v53 =	vor.u32 v56, v32  }
0x26a: {  	v16 =	vor.u32 v48, v4;
	[tilespmem:v29+s16+$0x0] =	vst.idx.msk $0xffff, v27;
	v27 =	vld [tilespmem:$0x1FD20]  }
0x26b: {  	v0 =	vor.u32 v37, v0;
	[tilespmem:v21+s16+$0x0] =	vst.idx.msk $0xffff, v13;
	v29 =	vld [tilespmem:$0x1FF40];
	v31 =	vor.u32 v62, v49  }
0x26c: {  	[tilespmem:v25+s16+$0x0] =	vst.idx.msk $0xffff, v45;
	v7 =	vld.idx.msk [tilespmem:v7+s4+$0x0], $0xffff;
	v33 =	vor.u32 v60, v20;
	v36 =	vor.u32 v62, v8  }
0x26d: {  	v3 =	vor.u32 v35, v3;
	v34 =	vld.idx.msk [tilespmem:v51+s4+$0x0], $0xffff;
	v39 =	vor.u32 v62, v22  }
0x26e: {  	v44 =	vor.u32 v62, v24;
	v45 =	vld.idx.msk [tilespmem:v57+s4+$0x0], $0xffff;
	[tilespmem:v53+s16+$0x0] =	vst.idx.msk $0xffff, v5  }
0x26f: {  	[tilespmem:v16+s16+$0x0] =	vst.idx.msk $0xffff, v1;
	v43 =	vor.u32 v60, v32;
	v41 =	vld.idx.msk [tilespmem:v54+s4+$0x0], $0xffff  }
0x270: {  	v11 =	vor.u32 v46, v11;
	v19 =	vor.u32 $0x1C00, v42;
	v21 =	vor.u32 $0x1C00, v26;
	[tilespmem:v0+s16+$0x0] =	vst.idx.msk $0xffff, v55;
	v9 =	vld.idx.msk [tilespmem:v31+s4+$0x0], $0xffff  }
0x271: {  	v26 =	vor.u32 v12, v19;
	v48 =	vor.u32 v62, v28;
	[tilespmem:v33+s16+$0x0] =	vst.idx.msk $0xffff, v7;
	v5 =	vld.idx.msk [tilespmem:v36+s4+$0x0], $0xffff  }
0x272: {  	v51 =	vor.u32 v27, v4;
	[tilespmem:v3+s16+$0x0] =	vst.idx.msk $0xffff, v34;
	v53 =	vor.u32 v62, v30;
	v16 =	vld.idx.msk [tilespmem:v39+s4+$0x0], $0xffff  }
0x273: {  	v55 =	vor.u32 v63, v21;
	v63 =	vor.u32 v27, v20;
	v54 =	vor.u32 v29, v49;
	v0 =	vld.idx.msk [tilespmem:v44+s4+$0x0], $0xffff  }
0x274: {  	v25 =	vor.u32 v29, v22;
	v57 =	vor.u32 v29, v8;
	[tilespmem:v43+s16+$0x0] =	vst.idx.msk $0xffff, v41;
	v41 =	vld [tilespmem:$0x1FEE0]  }
0x275: {  	v33 =	vor.u32 v29, v24;
	v36 =	vor.u32 v29, v28;
	v43 =	vor.u32 v29, v30;
	v29 =	vld [tilespmem:$0x1FF60]  }
0x276: {  	[tilespmem:v11+s16+$0x0] =	vst.idx.msk $0xffff, v45;
	v34 =	vor.u32 v27, v32;
	v7 =	vld.idx.msk [tilespmem:v48+s4+$0x0], $0xffff  }
0x277: {  	[tilespmem:v51+s16+$0x0] =	vst.idx.msk $0xffff, v9;
	v1 =	vld.idx.msk [tilespmem:v53+s4+$0x0], $0xffff  }
0x278: {  	v27 =	vor.u32 $0x1C00, v52;
	[tilespmem:v55+s16+$0x0] =	vst.idx.msk $0xffff, v5;
	v3 =	vld.idx.msk [tilespmem:v54+s4+$0x0], $0xffff  }
0x279: {  	v39 =	vor.u32 v47, v27;
	[tilespmem:v63+s16+$0x0] =	vst.idx.msk $0xffff, v16;
	v45 =	vld.idx.msk [tilespmem:v57+s4+$0x0], $0xffff  }
0x27a: {  	v47 =	vor.u32 v38, v21;
	[tilespmem:v26+s16+$0x0] =	vst.idx.msk $0xffff, v0;
	v26 =	vld [tilespmem:$0x1FEB0]  }
0x27b: {  	v51 =	vld.idx.msk [tilespmem:v25+s4+$0x0], $0xffff;
	v42 =	vor.u32 v41, v4;
	v48 =	vor.u32 v29, v8;
	[tilespmem:v34+s16+$0x0] =	vst.idx.msk $0xffff, v7  }
0x27c: {  	v44 =	vor.u32 v29, v49;
	v9 =	vld.idx.msk [tilespmem:v36+s4+$0x0], $0xffff  }
0x27d: {  	v25 =	vor.u32 v41, v20;
	v36 =	vld [tilespmem:$0x1FED0]  }
0x27e: {  	v53 =	vor.u32 v40, v19;
	v11 =	vld.idx.msk [tilespmem:v33+s4+$0x0], $0xffff;
	[tilespmem:v39+s16+$0x0] =	vst.idx.msk $0xffff, v1;
	v52 =	vor.u32 v29, v22  }
0x27f: {  	v31 =	vor.u32 v61, v27;
	v54 =	vor.u32 v29, v24;
	v63 =	vld.idx.msk [tilespmem:v43+s4+$0x0], $0xffff;
	[tilespmem:v47+s16+$0x0] =	vst.idx.msk $0xffff, v45  }
0x280: {  	v55 =	vor.u32 v41, v32;
	v34 =	vor.u32 v29, v30;
	[tilespmem:v42+s16+$0x0] =	vst.idx.msk $0xffff, v3;
	v0 =	vld.idx.msk [tilespmem:v48+s4+$0x0], $0xffff  }
0x281: {  	v39 =	vor.u32 v59, v21;
	v57 =	vor.u32 v29, v28;
	v33 =	vor.u32 v26, v4;
	v16 =	vld.idx.msk [tilespmem:v44+s4+$0x0], $0xffff  }
0x282: {  	[tilespmem:v25+s16+$0x0] =	vst.idx.msk $0xffff, v51;
	v48 =	vor.u32 v50, v27;
	v50 =	vld [tilespmem:$0x1FF00];
	v38 =	vor.u32 v36, v49  }
0x283: {  	v40 =	vor.u32 v26, v20;
	[tilespmem:v53+s16+$0x0] =	vst.idx.msk $0xffff, v11;
	v7 =	vld.idx.msk [tilespmem:v52+s4+$0x0], $0xffff;
	v8 =	vor.u32 v36, v8  }
0x284: {  	v1 =	vld.idx.msk [tilespmem:v54+s4+$0x0], $0xffff;
	v42 =	vor.u32 v2, v19;
	[tilespmem:v31+s16+$0x0] =	vst.idx.msk $0xffff, v63;
	v41 =	vor.u32 v36, v22  }
0x285: {  	v47 =	vld.idx.msk [tilespmem:v34+s4+$0x0], $0xffff;
	[tilespmem:v55+s16+$0x0] =	vst.idx.msk $0xffff, v9;
	v43 =	vor.u32 v36, v24  }
0x286: {  	v44 =	vor.u32 v26, v32;
	v51 =	vor.u32 v36, v30;
	v3 =	vld.idx.msk [tilespmem:v57+s4+$0x0], $0xffff;
	[tilespmem:v33+s16+$0x0] =	vst.idx.msk $0xffff, v16  }
0x287: {  	v45 =	vor.u32 v36, v28;
	[tilespmem:v39+s16+$0x0] =	vst.idx.msk $0xffff, v0;
	v4 =	vor.u32 v50, v4;
	v49 =	vld.idx.msk [tilespmem:v38+s4+$0x0], $0xffff  }
0x288: {  	v52 =	vor.u32 v37, v21;
	[tilespmem:v40+s16+$0x0] =	vst.idx.msk $0xffff, v7;
	v8 =	vld.idx.msk [tilespmem:v8+s4+$0x0], $0xffff  }
0x289: {  	[tilespmem:v42+s16+$0x0] =	vst.idx.msk $0xffff, v1;
	v54 =	vor.u32 v50, v20;
	v53 =	vld.idx.msk [tilespmem:v41+s4+$0x0], $0xffff  }
0x28a: {  	v57 =	vor.u32 v35, v19;
	[tilespmem:v48+s16+$0x0] =	vst.idx.msk $0xffff, v47;
	v5 =	vld.idx.msk [tilespmem:v43+s4+$0x0], $0xffff  }
0x28b: {  	v61 =	vor.u32 v46, v27;
	v55 =	vmov v50;
	v63 =	vld.idx.msk [tilespmem:v51+s4+$0x0], $0xffff;
	[tilespmem:v44+s16+$0x0] =	vst.idx.msk $0xffff, v3  }
0x28c: {  	p3 =	por p2, p2;
	v11 =	vor.u32 v55, v32;
	v59 =	vld.idx.msk [tilespmem:v45+s4+$0x0], $0xffff;
	[tilespmem:v4+s16+$0x0] =	vst.idx.msk $0xffff, v49  }
.Ltmp5:
0x28d: {  	[tilespmem:v52+s16+$0x0] =	vst.idx.msk $0xffff, v8;
	(pc) =	sbr.rel @p3 .LBB2_4-.Ltmp5, $4  }
0x28e: {  	[tilespmem:v54+s16+$0x0] =	vst.idx.msk $0xffff, v53  }
0x28f: {  	[tilespmem:v57+s16+$0x0] =	vst.idx.msk $0xffff, v5  }
0x290: {  	[tilespmem:v61+s16+$0x0] =	vst.idx.msk $0xffff, v63  }
0x291: {  	p2 =	por $0x0, $0x0;
	s24 =	simm.s32 $0x8;
	v27 =	vlaneseq.u32;
	[tilespmem:v11+s16+$0x0] =	vst.idx.msk $0xffff, v59  }
0x292: {  	s24 =	sadd.s32 $0x2, s23  }
0x293: {  	p2 =	sge.u32 s24, s7  }
0x294: {  	s24 =	sadd.s32 @!p2 s5, s24  }
0x295: {  	s24 =	sshll.u32 @!p2 s24, $0x7  }
0x296: {  	s31 =	sadd.s32 s5, s23;
	s25 =	simm.s32 @!p2 $0x400;
	s24 =	sand.u32 @!p2 $0x1FFFFF80, s24  }
0x297: {  	s26 =	simm.s32 @!p2 $0x7A1400;
	s28 =	simm.s32 @!p2 $0x0;
	s24 =	sadd.s32 @!p2 s0, s24  }
0x298: {  	[tilespmem:s28], [sflag:$0x1] =	stream.strided.gather @!p2 [hbm4b:s24+s25], $0x2000, s26, s25, $0x38;
	[tilespmem:$0x8000] =	vst v63  }
0x299: {  	s24 =	sshll.u32 s31, $0xA  }
0x29a: {  	s24 =	sadd.s32 s6, s24  }
0x29b: {  	[hbm4b:s24+s4] =	stream.linear.scatter [tilespmem:s16], [sflag:$0x3], $0x2000, $0x38;
	[tilespmem:$0x8000] =	vst v63  }
.LBB2_6:
0x29c: {  	s24 =	sor.u32 $0x1, s23  }
0x29d: {  	p2 =	sge.u32 s24, s7  }
.Ltmp6:
0x29e: {  	_ = 	snop;
	(pc) =	sbr.rel @p2 .LBB2_10-.Ltmp6, $1  }
0x29f: {  	_ =	sdelay $0x3  }
0x2a0: {  	_ =	swait.ge [sflag:s17], $0x2000  }
0x2a1: {  	[sflag:s17] =	ssyncset.done $0x0  }
0x2a2: {  	s25 =	simm.s32 @!p1 $0x4;
	[sflag:s17] =	ssyncadd.s32 $0xFFFFE000  }
0x2a3: {  	_ =	swait.ge @!p1 [sflag:s25], $0x2000  }
0x2a4: {  	[sflag:s25] =	ssyncset.done @!p1 $0x0  }
0x2a5: {  	[sflag:s25] =	ssyncadd.s32 @!p1 $0xFFFFE000;
	s25 =	simm.s32 $0x0;
	p1 =	por $0x1, $0x1  }
.LBB2_8:
0x2a6: {  	v32 =	vld [tilespmem:$0x1FEA0];
	_ =	sdelay $0x2  }
0x2a7: {  	v10 =	vadd.s32 s25, v27  }
0x2a8: {  	v8 =	vand.u32 $0xF, v10  }
0x2a9: {  	v52 =	vld [tilespmem:$0x1FC00];
	v0 =	vor.u32 v32, v8  }
0x2aa: {  	v50 =	vld [tilespmem:$0x1FEC0];
	_ =	sdelay $0x1  }
0x2ab: {  	v1 =	vshll.u32 v10, $0x6  }
0x2ac: {  	v20 =	vand.u32 $0x380, v1  }
0x2ad: {  	v1 =	vor.u32 v52, v20;
	v0 =	vld.idx.msk [tilespmem:v0+s14+$0x0], $0xffff  }
0x2ae: {  	v63 =	vld [tilespmem:$0x1FD50];
	v3 =	vor.u32 v50, v8  }
0x2af: {  	v45 =	vld [tilespmem:$0x1FEF0]  }
0x2b0: {  	s26 =	sor.u32 $0x1, s25  }
0x2b1: {  	v22 =	vadd.s32 s26, v27  }
0x2b2: {  	v18 =	vand.u32 $0xF, v22;
	[tilespmem:v1+s18+$0x0] =	vst.idx.msk $0xffff, v0  }
0x2b3: {  	v38 =	vor.u32 v63, v20;
	v4 =	vor.u32 v32, v18;
	v0 =	vld.idx.msk [tilespmem:v3+s14+$0x0], $0xffff  }
0x2b4: {  	v21 =	vld [tilespmem:$0x1FD60];
	v39 =	vor.u32 v45, v8  }
0x2b5: {  	v53 =	vld [tilespmem:$0x1FF10];
	v5 =	vshll.u32 v22, $0x6  }
0x2b6: {  	v49 =	vand.u32 $0x40, v5  }
0x2b7: {  	v30 =	vand.u32 $0x380, v5;
	v14 =	vor.u32 v27, v49  }
0x2b8: {  	v54 =	vor.u32 v14, v30;
	v51 =	vld.idx.msk [tilespmem:v4+s14+$0x0], $0xffff;
	[tilespmem:v38+s18+$0x0] =	vst.idx.msk $0xffff, v0  }
0x2b9: {  	v40 =	vor.u32 v21, v20;
	v55 =	vor.u32 v50, v18;
	v0 =	vld.idx.msk [tilespmem:v39+s14+$0x0], $0xffff  }
0x2ba: {  	v19 =	vld [tilespmem:$0x1FC10];
	v41 =	vor.u32 v53, v8  }
0x2bb: {  	v59 =	vld [tilespmem:$0x1FF20]  }
0x2bc: {  	v57 =	vor.u32 $0x10, v27  }
0x2bd: {  	v12 =	vor.u32 v57, v49;
	[tilespmem:v54+s18+$0x0] =	vst.idx.msk $0xffff, v51  }
0x2be: {  	v61 =	vor.u32 v12, v30;
	v3 =	vld.idx.msk [tilespmem:v55+s14+$0x0], $0xffff;
	[tilespmem:v40+s18+$0x0] =	vst.idx.msk $0xffff, v0  }
0x2bf: {  	v42 =	vor.u32 v19, v20;
	v9 =	vor.u32 v45, v18;
	v0 =	vld.idx.msk [tilespmem:v41+s14+$0x0], $0xffff  }
0x2c0: {  	v2 =	vld [tilespmem:$0x1FD70];
	v43 =	vor.u32 v59, v10  }
0x2c1: {  	v26 =	vld [tilespmem:$0x1FF30]  }
0x2c2: {  	v6 =	vor.u32 $0x20, v27  }
0x2c3: {  	v24 =	vor.u32 v6, v49;
	[tilespmem:v61+s18+$0x0] =	vst.idx.msk $0xffff, v3  }
0x2c4: {  	v11 =	vor.u32 v24, v30;
	v3 =	vld.idx.msk [tilespmem:v9+s14+$0x0], $0xffff;
	[tilespmem:v42+s18+$0x0] =	vst.idx.msk $0xffff, v0  }
0x2c5: {  	v44 =	vor.u32 v2, v20;
	v13 =	vor.u32 v53, v18;
	v0 =	vld.idx.msk [tilespmem:v43+s14+$0x0], $0xffff  }
0x2c6: {  	v46 =	vor.u32 v26, v10;
	v43 =	vld [tilespmem:$0x1FD80]  }
0x2c7: {  	v38 =	vld [tilespmem:$0x1FF50]  }
0x2c8: {  	v41 =	vor.u32 $0x30, v27  }
0x2c9: {  	[tilespmem:v11+s18+$0x0] =	vst.idx.msk $0xffff, v3;
	v28 =	vor.u32 v41, v49  }
0x2ca: {  	v15 =	vld.idx.msk [tilespmem:v13+s14+$0x0], $0xffff;
	v16 =	vor.u32 v28, v30;
	[tilespmem:v44+s18+$0x0] =	vst.idx.msk $0xffff, v0  }
0x2cb: {  	v17 =	vor.u32 v59, v22;
	v47 =	vor.u32 v43, v20;
	v0 =	vld.idx.msk [tilespmem:v46+s14+$0x0], $0xffff  }
0x2cc: {  	v48 =	vor.u32 v38, v10;
	v42 =	vld [tilespmem:$0x1FD90]  }
0x2cd: {  	v35 =	vld [tilespmem:$0x1FF70];
	_ =	sdelay $0x1  }
0x2ce: {  	v23 =	vor.u32 $0x400, v30;
	[tilespmem:v16+s18+$0x0] =	vst.idx.msk $0xffff, v15  }
0x2cf: {  	v39 =	vor.u32 v14, v23;
	v3 =	vld.idx.msk [tilespmem:v17+s14+$0x0], $0xffff;
	[tilespmem:v47+s18+$0x0] =	vst.idx.msk $0xffff, v0  }
0x2d0: {  	v46 =	vor.u32 v26, v22;
	v47 =	vor.u32 v42, v20;
	v1 =	vld.idx.msk [tilespmem:v48+s14+$0x0], $0xffff  }
0x2d1: {  	v31 =	vld [tilespmem:$0x1FDA0];
	v7 =	vor.u32 v35, v10  }
0x2d2: {  	v36 =	vld [tilespmem:$0x1FF90];
	_ =	sdelay $0x1  }
0x2d3: {  	[tilespmem:v39+s18+$0x0] =	vst.idx.msk $0xffff, v3  }
0x2d4: {  	v3 =	vld.idx.msk [tilespmem:v46+s14+$0x0], $0xffff;
	v48 =	vor.u32 v12, v23;
	[tilespmem:v47+s18+$0x0] =	vst.idx.msk $0xffff, v1  }
0x2d5: {  	v51 =	vor.u32 v31, v20;
	v49 =	vor.u32 v38, v22;
	v1 =	vld.idx.msk [tilespmem:v7+s14+$0x0], $0xffff  }
0x2d6: {  	v33 =	vld [tilespmem:$0x1FDB0];
	v54 =	vor.u32 v36, v8  }
0x2d7: {  	v37 =	vld [tilespmem:$0x1FFB0];
	_ =	sdelay $0x1  }
0x2d8: {  	[tilespmem:v48+s18+$0x0] =	vst.idx.msk $0xffff, v3  }
0x2d9: {  	v55 =	vor.u32 v24, v23;
	v3 =	vld.idx.msk [tilespmem:v49+s14+$0x0], $0xffff;
	[tilespmem:v51+s18+$0x0] =	vst.idx.msk $0xffff, v1  }
0x2da: {  	v61 =	vor.u32 v35, v22;
	v9 =	vor.u32 v33, v20;
	v1 =	vld.idx.msk [tilespmem:v54+s14+$0x0], $0xffff  }
0x2db: {  	v11 =	vor.u32 v37, v8;
	v15 =	vld [tilespmem:$0x1FDC0]  }
0x2dc: {  	v44 =	vld [tilespmem:$0x1FFC0];
	_ =	sdelay $0x1  }
0x2dd: {  	[tilespmem:v55+s18+$0x0] =	vst.idx.msk $0xffff, v3  }
0x2de: {  	v0 =	vor.u32 v28, v23;
	v3 =	vld.idx.msk [tilespmem:v61+s14+$0x0], $0xffff;
	[tilespmem:v9+s18+$0x0] =	vst.idx.msk $0xffff, v1  }
0x2df: {  	v13 =	vor.u32 v36, v18;
	v5 =	vor.u32 v15, v20;
	v1 =	vld.idx.msk [tilespmem:v11+s14+$0x0], $0xffff  }
0x2e0: {  	v39 =	vld [tilespmem:$0x1FDD0];
	v16 =	vor.u32 v44, v8  }
0x2e1: {  	v47 =	vld [tilespmem:$0x1FFD0];
	_ =	sdelay $0x1  }
0x2e2: {  	v17 =	vor.u32 $0x800, v30;
	[tilespmem:v0+s18+$0x0] =	vst.idx.msk $0xffff, v3  }
0x2e3: {  	v23 =	vor.u32 v14, v17;
	v3 =	vld.idx.msk [tilespmem:v13+s14+$0x0], $0xffff;
	[tilespmem:v5+s18+$0x0] =	vst.idx.msk $0xffff, v1  }
0x2e4: {  	v34 =	vor.u32 v37, v18;
	v5 =	vor.u32 v39, v20;
	v1 =	vld.idx.msk [tilespmem:v16+s14+$0x0], $0xffff  }
0x2e5: {  	v40 =	vor.u32 v47, v8;
	v55 =	vld [tilespmem:$0x1FDE0]  }
0x2e6: {  	v48 =	vld [tilespmem:$0x1FFE0];
	_ =	sdelay $0x1  }
0x2e7: {  	[tilespmem:v23+s18+$0x0] =	vst.idx.msk $0xffff, v3  }
0x2e8: {  	v46 =	vor.u32 v12, v17;
	v3 =	vld.idx.msk [tilespmem:v34+s14+$0x0], $0xffff;
	[tilespmem:v5+s18+$0x0] =	vst.idx.msk $0xffff, v1  }
0x2e9: {  	v54 =	vor.u32 v44, v18;
	v5 =	vor.u32 v55, v20;
	v1 =	vld.idx.msk [tilespmem:v40+s14+$0x0], $0xffff  }
0x2ea: {  	v61 =	vor.u32 v48, v10;
	v13 =	vld [tilespmem:$0x1FDF0]  }
0x2eb: {  	v51 =	vld [tilespmem:$0x1FFF0];
	_ =	sdelay $0x1  }
0x2ec: {  	[tilespmem:v46+s18+$0x0] =	vst.idx.msk $0xffff, v3  }
0x2ed: {  	v9 =	vor.u32 v24, v17;
	v3 =	vld.idx.msk [tilespmem:v54+s14+$0x0], $0xffff;
	[tilespmem:v5+s18+$0x0] =	vst.idx.msk $0xffff, v1  }
0x2ee: {  	v11 =	vor.u32 v47, v18;
	v5 =	vor.u32 v13, v20;
	v1 =	vld.idx.msk [tilespmem:v61+s14+$0x0], $0xffff  }
0x2ef: {  	v15 =	vor.u32 v51, v10;
	v0 =	vor.u32 v28, v17;
	v17 =	vld [tilespmem:$0x1FE00]  }
0x2f0: {  	v54 =	vld [tilespmem:$0x1FFA0];
	_ =	sdelay $0x1  }
0x2f1: {  	[tilespmem:v9+s18+$0x0] =	vst.idx.msk $0xffff, v3  }
0x2f2: {  	v3 =	vld.idx.msk [tilespmem:v11+s14+$0x0], $0xffff;
	[tilespmem:v5+s18+$0x0] =	vst.idx.msk $0xffff, v1  }
0x2f3: {  	v16 =	vor.u32 v48, v22;
	v5 =	vor.u32 v17, v20;
	v1 =	vld.idx.msk [tilespmem:v15+s14+$0x0], $0xffff  }
0x2f4: {  	v40 =	vld [tilespmem:$0x1FE10];
	v23 =	vor.u32 v54, v10  }
0x2f5: {  	v61 =	vld [tilespmem:$0x1FE20];
	_ =	sdelay $0x1  }
0x2f6: {  	[tilespmem:v0+s18+$0x0] =	vst.idx.msk $0xffff, v3;
	v0 =	vor.u32 $0xC00, v30  }
0x2f7: {  	v3 =	vld.idx.msk [tilespmem:v16+s14+$0x0], $0xffff;
	v34 =	vor.u32 v14, v0;
	[tilespmem:v5+s18+$0x0] =	vst.idx.msk $0xffff, v1  }
0x2f8: {  	v39 =	vor.u32 v51, v22;
	v5 =	vor.u32 v40, v20;
	v1 =	vld.idx.msk [tilespmem:v23+s14+$0x0], $0xffff  }
0x2f9: {  	v13 =	vld [tilespmem:$0x1FE30];
	v46 =	vor.u32 v61, v10  }
0x2fa: {  	v11 =	vld [tilespmem:$0x1FE40];
	_ =	sdelay $0x1  }
0x2fb: {  	[tilespmem:v34+s18+$0x0] =	vst.idx.msk $0xffff, v3  }
0x2fc: {  	v49 =	vor.u32 v12, v0;
	v3 =	vld.idx.msk [tilespmem:v39+s14+$0x0], $0xffff;
	[tilespmem:v5+s18+$0x0] =	vst.idx.msk $0xffff, v1  }
0x2fd: {  	v55 =	vor.u32 v54, v22;
	v5 =	vor.u32 v13, v20;
	v1 =	vld.idx.msk [tilespmem:v46+s14+$0x0], $0xffff  }
0x2fe: {  	v15 =	vor.u32 v11, v8;
	v23 =	vld [tilespmem:$0x1FE50]  }
0x2ff: {  	v9 =	vld [tilespmem:$0x1FE60];
	_ =	sdelay $0x1  }
0x300: {  	[tilespmem:v49+s18+$0x0] =	vst.idx.msk $0xffff, v3  }
0x301: {  	v16 =	vor.u32 v24, v0;
	v3 =	vld.idx.msk [tilespmem:v55+s14+$0x0], $0xffff;
	[tilespmem:v5+s18+$0x0] =	vst.idx.msk $0xffff, v1  }
0x302: {  	v17 =	vor.u32 v61, v22;
	v5 =	vor.u32 v23, v20;
	v1 =	vld.idx.msk [tilespmem:v15+s14+$0x0], $0xffff  }
0x303: {  	v34 =	vor.u32 v9, v8;
	v40 =	vld [tilespmem:$0x1FE70]  }
0x304: {  	v46 =	vld [tilespmem:$0x1FE80];
	_ =	sdelay $0x1  }
0x305: {  	[tilespmem:v16+s18+$0x0] =	vst.idx.msk $0xffff, v3  }
0x306: {  	v0 =	vor.u32 v28, v0;
	v3 =	vld.idx.msk [tilespmem:v17+s14+$0x0], $0xffff;
	[tilespmem:v5+s18+$0x0] =	vst.idx.msk $0xffff, v1  }
0x307: {  	v39 =	vor.u32 v11, v18;
	v5 =	vor.u32 v40, v20;
	v1 =	vld.idx.msk [tilespmem:v34+s14+$0x0], $0xffff  }
0x308: {  	v49 =	vor.u32 v46, v8;
	v17 =	vld [tilespmem:$0x1FE90]  }
0x309: {  	v13 =	vld [tilespmem:$0x1FC60];
	_ =	sdelay $0x1  }
0x30a: {  	[tilespmem:v0+s18+$0x0] =	vst.idx.msk $0xffff, v3;
	v0 =	vor.u32 $0x1000, v30  }
0x30b: {  	v3 =	vld.idx.msk [tilespmem:v39+s14+$0x0], $0xffff;
	v55 =	vor.u32 v14, v0;
	[tilespmem:v5+s18+$0x0] =	vst.idx.msk $0xffff, v1  }
0x30c: {  	v16 =	vor.u32 v9, v18;
	v5 =	vor.u32 v17, v20;
	v1 =	vld.idx.msk [tilespmem:v49+s14+$0x0], $0xffff  }
0x30d: {  	v23 =	vor.u32 v13, v8;
	v40 =	vld [tilespmem:$0x1FC70]  }
0x30e: {  	v39 =	vor.u32 v46, v18;
	v46 =	vld [tilespmem:$0x1FC80];
	_ =	sdelay $0x1  }
0x30f: {  	[tilespmem:v55+s18+$0x0] =	vst.idx.msk $0xffff, v3  }
0x310: {  	v34 =	vor.u32 v12, v0;
	v3 =	vld.idx.msk [tilespmem:v16+s14+$0x0], $0xffff;
	[tilespmem:v5+s18+$0x0] =	vst.idx.msk $0xffff, v1  }
0x311: {  	v5 =	vor.u32 v40, v20;
	v1 =	vld.idx.msk [tilespmem:v23+s14+$0x0], $0xffff  }
0x312: {  	v15 =	vld [tilespmem:$0x1FC90];
	v49 =	vor.u32 v46, v10  }
0x313: {  	v16 =	vld [tilespmem:$0x1FCA0];
	_ =	sdelay $0x1  }
0x314: {  	[tilespmem:v34+s18+$0x0] =	vst.idx.msk $0xffff, v3  }
0x315: {  	v55 =	vor.u32 v24, v0;
	v3 =	vld.idx.msk [tilespmem:v39+s14+$0x0], $0xffff;
	[tilespmem:v5+s18+$0x0] =	vst.idx.msk $0xffff, v1  }
0x316: {  	v13 =	vor.u32 v13, v18;
	v5 =	vor.u32 v15, v20;
	v1 =	vld.idx.msk [tilespmem:v49+s14+$0x0], $0xffff  }
0x317: {  	v17 =	vor.u32 v16, v10;
	v34 =	vld [tilespmem:$0x1FCB0]  }
0x318: {  	v39 =	vld [tilespmem:$0x1FCC0];
	_ =	sdelay $0x1  }
0x319: {  	[tilespmem:v55+s18+$0x0] =	vst.idx.msk $0xffff, v3  }
0x31a: {  	v0 =	vor.u32 v28, v0;
	v3 =	vld.idx.msk [tilespmem:v13+s14+$0x0], $0xffff;
	[tilespmem:v5+s18+$0x0] =	vst.idx.msk $0xffff, v1  }
0x31b: {  	v23 =	vor.u32 v46, v22;
	v5 =	vor.u32 v34, v20;
	v1 =	vld.idx.msk [tilespmem:v17+s14+$0x0], $0xffff  }
0x31c: {  	v40 =	vor.u32 v39, v10;
	_ =	sdelay $0x2  }
0x31d: {  	[tilespmem:v0+s18+$0x0] =	vst.idx.msk $0xffff, v3;
	v0 =	vor.u32 $0x1400, v30  }
0x31e: {  	v3 =	vld.idx.msk [tilespmem:v23+s14+$0x0], $0xffff;
	v46 =	vor.u32 v14, v0;
	[tilespmem:v5+s18+$0x0] =	vst.idx.msk $0xffff, v1  }
0x31f: {  	[tilespmem:$0x1FBB0] =	vst v6;
	v49 =	vor.u32 v16, v22;
	v1 =	vld.idx.msk [tilespmem:v40+s14+$0x0], $0xffff  }
0x320: {  	v5 =	vld [tilespmem:$0x1FCD0]  }
0x321: {  	v55 =	vld [tilespmem:$0x1FCE0];
	_ =	sdelay $0x1  }
0x322: {  	[tilespmem:v46+s18+$0x0] =	vst.idx.msk $0xffff, v3  }
0x323: {  	v16 =	vor.u32 v12, v0;
	v3 =	vld.idx.msk [tilespmem:v49+s14+$0x0], $0xffff  }
0x324: {  	v17 =	vor.u32 v39, v22;
	v5 =	vor.u32 v5, v20  }
0x325: {  	v23 =	vld [tilespmem:$0x1FCF0];
	v15 =	vor.u32 v55, v10  }
0x326: {  	v34 =	vld [tilespmem:$0x1FF80];
	_ =	sdelay $0x1  }
0x327: {  	[tilespmem:v16+s18+$0x0] =	vst.idx.msk $0xffff, v3  }
0x328: {  	v40 =	vor.u32 v24, v0;
	v3 =	vld.idx.msk [tilespmem:v17+s14+$0x0], $0xffff;
	[tilespmem:v5+s18+$0x0] =	vst.idx.msk $0xffff, v1  }
0x329: {  	v46 =	vor.u32 v55, v22;
	v5 =	vor.u32 v23, v20;
	v1 =	vld.idx.msk [tilespmem:v15+s14+$0x0], $0xffff  }
0x32a: {  	v49 =	vld [tilespmem:$0x1FD00];
	v39 =	vor.u32 v34, v8  }
0x32b: {  	v15 =	vld [tilespmem:$0x1FD30]  }
0x32c: {  	s30 =	sor.u32 $0x2, s25  }
0x32d: {  	v6 =	vadd.s32 s30, v27;
	[tilespmem:v40+s18+$0x0] =	vst.idx.msk $0xffff, v3  }
0x32e: {  	v16 =	vand.u32 $0xF, v6;
	v3 =	vld.idx.msk [tilespmem:v46+s14+$0x0], $0xffff;
	[tilespmem:v5+s18+$0x0] =	vst.idx.msk $0xffff, v1  }
0x32f: {  	v23 =	vor.u32 v34, v18;
	v34 =	vor.u32 v32, v16;
	v5 =	vor.u32 v49, v20;
	v1 =	vld.idx.msk [tilespmem:v39+s14+$0x0], $0xffff  }
0x330: {  	v0 =	vor.u32 v28, v0;
	v55 =	vor.u32 v15, v8;
	v39 =	vld [tilespmem:$0x1FD10];
	_ =	sdelay $0x1  }
0x331: {  	v17 =	vld [tilespmem:$0x1FD40];
	v46 =	vshll.u32 v6, $0x6  }
0x332: {  	v4 =	vand.u32 $0x380, v46  }
0x333: {  	[tilespmem:v5+s18+$0x0] =	vst.idx.msk $0xffff, v1;
	v1 =	vld.idx.msk [tilespmem:v34+s14+$0x0], $0xffff;
	v34 =	vor.u32 v52, v4  }
0x334: {  	[tilespmem:v0+s18+$0x0] =	vst.idx.msk $0xffff, v3;
	v0 =	vor.u32 $0x1800, v30;
	v7 =	vor.u32 v39, v20;
	v5 =	vld.idx.msk [tilespmem:v55+s14+$0x0], $0xffff  }
0x335: {  	v49 =	vld.idx.msk [tilespmem:v23+s14+$0x0], $0xffff;
	v39 =	vor.u32 v50, v16;
	v55 =	vor.u32 v14, v0  }
0x336: {  	v40 =	vor.u32 v17, v8;
	_ =	sdelay $0x1  }
0x337: {  	v23 =	vor.u32 v15, v18;
	[tilespmem:v34+s18+$0x0] =	vst.idx.msk $0xffff, v1  }
0x338: {  	[tilespmem:v7+s18+$0x0] =	vst.idx.msk $0xffff, v5  }
0x339: {  	[tilespmem:v55+s18+$0x0] =	vst.idx.msk $0xffff, v49;
	v5 =	vld.idx.msk [tilespmem:v39+s14+$0x0], $0xffff;
	v55 =	vor.u32 v63, v4  }
0x33a: {  	v7 =	vld.idx.msk [tilespmem:v40+s14+$0x0], $0xffff;
	v40 =	vor.u32 v56, v20;
	v56 =	vor.u32 v45, v16  }
0x33b: {  	v8 =	vor.u32 v58, v8  }
0x33c: {  	v46 =	vor.u32 v12, v0;
	v3 =	vld.idx.msk [tilespmem:v23+s14+$0x0], $0xffff  }
0x33d: {  	v49 =	vor.u32 v17, v18  }
0x33e: {  	[tilespmem:v55+s18+$0x0] =	vst.idx.msk $0xffff, v5  }
0x33f: {  	[tilespmem:v40+s18+$0x0] =	vst.idx.msk $0xffff, v7;
	v7 =	vld.idx.msk [tilespmem:v56+s14+$0x0], $0xffff  }
0x340: {  	v23 =	vor.u32 v60, v20;
	v8 =	vld.idx.msk [tilespmem:v8+s14+$0x0], $0xffff  }
0x341: {  	v34 =	vor.u32 v62, v10;
	[tilespmem:v46+s18+$0x0] =	vst.idx.msk $0xffff, v3;
	v46 =	vor.u32 v21, v4;
	v56 =	vld [tilespmem:$0x1FD20]  }
0x342: {  	v1 =	vld.idx.msk [tilespmem:v49+s14+$0x0], $0xffff;
	v49 =	vor.u32 v53, v16;
	_ =	sdelay $0x1  }
0x343: {  	v29 =	vld [tilespmem:$0x1FF40]  }
0x344: {  	v39 =	vor.u32 v24, v0;
	[tilespmem:v23+s18+$0x0] =	vst.idx.msk $0xffff, v8  }
0x345: {  	v40 =	vor.u32 v58, v18;
	v58 =	vor.u32 v56, v20;
	[tilespmem:v46+s18+$0x0] =	vst.idx.msk $0xffff, v7;
	v55 =	vld.idx.msk [tilespmem:v34+s14+$0x0], $0xffff  }
0x346: {  	s31 =	sor.u32 $0x3, s25;
	v9 =	vor.u32 v19, v4;
	v7 =	vld.idx.msk [tilespmem:v49+s14+$0x0], $0xffff  }
0x347: {  	v46 =	vor.u32 v59, v6;
	v8 =	vadd.s32 s31, v27  }
0x348: {  	v60 =	vor.u32 v29, v10;
	v34 =	vand.u32 $0xF, v8  }
0x349: {  	v25 =	vld [tilespmem:$0x1FF60];
	[tilespmem:v39+s18+$0x0] =	vst.idx.msk $0xffff, v1;
	v21 =	vor.u32 v32, v34  }
0x34a: {  	[tilespmem:v58+s18+$0x0] =	vst.idx.msk $0xffff, v55;
	v55 =	vld [tilespmem:$0x1FEE0]  }
0x34b: {  	v3 =	vld.idx.msk [tilespmem:v40+s14+$0x0], $0xffff;
	v23 =	vshll.u32 v8, $0x6;
	[tilespmem:v9+s18+$0x0] =	vst.idx.msk $0xffff, v7  }
0x34c: {  	v0 =	vor.u32 v28, v0;
	v5 =	vor.u32 v62, v22;
	v15 =	vand.u32 $0x40, v23;
	v9 =	vld.idx.msk [tilespmem:v46+s14+$0x0], $0xffff  }
0x34d: {  	v39 =	vor.u32 v2, v4;
	v49 =	vand.u32 $0x380, v23;
	v40 =	vor.u32 v27, v15;
	v17 =	vld.idx.msk [tilespmem:v60+s14+$0x0], $0xffff  }
0x34e: {  	v1 =	vld.idx.msk [tilespmem:v21+s14+$0x0], $0xffff;
	v60 =	vor.u32 v40, v49  }
0x34f: {  	v62 =	vor.u32 v50, v34;
	v56 =	vor.u32 v55, v20  }
0x350: {  	v58 =	vor.u32 v25, v10;
	v55 =	vld [tilespmem:$0x1FEB0]  }
0x351: {  	[tilespmem:v0+s18+$0x0] =	vst.idx.msk $0xffff, v3  }
0x352: {  	v2 =	vor.u32 v57, v15;
	v0 =	vor.u32 $0x1C00, v30;
	v5 =	vld.idx.msk [tilespmem:v5+s14+$0x0], $0xffff;
	[tilespmem:v39+s18+$0x0] =	vst.idx.msk $0xffff, v9  }
0x353: {  	v18 =	vmov v57;
	v46 =	vor.u32 v26, v6;
	v23 =	vor.u32 v14, v0;
	v39 =	vld [tilespmem:$0x1FBB0];
	[tilespmem:v60+s18+$0x0] =	vst.idx.msk $0xffff, v1  }
0x354: {  	v57 =	vor.u32 v2, v49;
	v30 =	vor.u32 v29, v22;
	v1 =	vld.idx.msk [tilespmem:v62+s14+$0x0], $0xffff;
	[tilespmem:v56+s18+$0x0] =	vst.idx.msk $0xffff, v17  }
0x355: {  	v56 =	vor.u32 v55, v20;
	v11 =	vld.idx.msk [tilespmem:v58+s14+$0x0], $0xffff  }
0x356: {  	v58 =	vor.u32 v45, v34;
	_ =	sdelay $0x1  }
0x357: {  	[tilespmem:v23+s18+$0x0] =	vst.idx.msk $0xffff, v5;
	v9 =	vld.idx.msk [tilespmem:v46+s14+$0x0], $0xffff  }
0x358: {  	v60 =	vor.u32 v12, v0;
	v7 =	vld.idx.msk [tilespmem:v30+s14+$0x0], $0xffff;
	v62 =	vor.u32 v43, v4;
	[tilespmem:v57+s18+$0x0] =	vst.idx.msk $0xffff, v1  }
0x359: {  	v46 =	vor.u32 v38, v6;
	v12 =	vor.u32 v39, v15;
	[tilespmem:v56+s18+$0x0] =	vst.idx.msk $0xffff, v11;
	v56 =	vld [tilespmem:$0x1FED0]  }
0x35a: {  	v55 =	vor.u32 v25, v22;
	v30 =	vor.u32 v12, v49;
	v5 =	vld.idx.msk [tilespmem:v58+s14+$0x0], $0xffff  }
0x35b: {  	v58 =	vor.u32 v53, v34;
	_ =	sdelay $0x1  }
0x35c: {  	v27 =	vor.u32 v33, v4;
	v33 =	vor.u32 v41, v15;
	v23 =	vld [tilespmem:$0x1FF00];
	[tilespmem:v62+s18+$0x0] =	vst.idx.msk $0xffff, v9  }
0x35d: {  	[tilespmem:v60+s18+$0x0] =	vst.idx.msk $0xffff, v7;
	v60 =	vor.u32 v42, v4;
	v9 =	vld.idx.msk [tilespmem:v46+s14+$0x0], $0xffff;
	v57 =	vor.u32 v56, v10  }
0x35e: {  	s28 =	sor.u32 $0x4, s25;
	v43 =	vor.u32 v24, v0;
	v62 =	vor.u32 v35, v6;
	v46 =	vlaneseq.u32;
	v17 =	vld.idx.msk [tilespmem:v55+s14+$0x0], $0xffff;
	[tilespmem:v30+s18+$0x0] =	vst.idx.msk $0xffff, v5  }
0x35f: {  	v21 =	vor.u32 v56, v22;
	v5 =	vor.u32 v33, v49;
	v22 =	vadd.s32 s28, v46;
	v19 =	vld.idx.msk [tilespmem:v58+s14+$0x0], $0xffff  }
0x360: {  	v29 =	vor.u32 v59, v8;
	v58 =	vand.u32 $0xF, v22  }
0x361: {  	v0 =	vor.u32 v28, v0;
	v42 =	vor.u32 v32, v58  }
0x362: {  	s29 =	sor.u32 $0x5, s25;
	s30 =	sor.u32 $0x6, s25;
	v3 =	vor.u32 v23, v20;
	v23 =	vor.u32 v31, v4;
	[tilespmem:v60+s18+$0x0] =	vst.idx.msk $0xffff, v9;
	v1 =	vld.idx.msk [tilespmem:v57+s14+$0x0], $0xffff  }
0x363: {  	v31 =	vor.u32 $0x400, v49;
	v24 =	vadd.s32 s29, v46;
	v28 =	vadd.s32 s30, v46;
	[tilespmem:v43+s18+$0x0] =	vst.idx.msk $0xffff, v17  }
0x364: {  	v7 =	vld.idx.msk [tilespmem:v62+s14+$0x0], $0xffff;
	v62 =	vand.u32 $0xF, v28;
	v56 =	vand.u32 $0xF, v24;
	v43 =	vshll.u32 v22, $0x6;
	[tilespmem:v5+s18+$0x0] =	vst.idx.msk $0xffff, v19  }
0x365: {  	[tilespmem:$0x1FBC0] =	vst v33;
	v33 =	vor.u32 v40, v31;
	v17 =	vor.u32 v32, v56;
	v20 =	vand.u32 $0x380, v43;
	v13 =	vld.idx.msk [tilespmem:v29+s14+$0x0], $0xffff  }
0x366: {  	s31 =	sor.u32 $0x7, s25;
	v57 =	vor.u32 v32, v62;
	v19 =	vor.u32 v52, v20;
	v11 =	vld.idx.msk [tilespmem:v42+s14+$0x0], $0xffff  }
0x367: {  	v25 =	vor.u32 v36, v16;
	v30 =	vadd.s32 s31, v46;
	[tilespmem:v3+s18+$0x0] =	vst.idx.msk $0xffff, v1;
	v1 =	vld.idx.msk [tilespmem:v21+s14+$0x0], $0xffff  }
0x368: {  	[tilespmem:$0x1FBD0] =	vst v40;
	v55 =	vshll.u32 v24, $0x6;
	v60 =	vand.u32 $0xF, v30;
	v40 =	vor.u32 v50, v58  }
0x369: {  	v9 =	vor.u32 v26, v8;
	[tilespmem:v23+s18+$0x0] =	vst.idx.msk $0xffff, v7;
	v29 =	vor.u32 v32, v60;
	v21 =	vand.u32 $0x40, v55  }
0x36a: {  	v10 =	vshll.u32 v28, $0x6;
	v42 =	vand.u32 $0x380, v55;
	v3 =	vld.idx.msk [tilespmem:v17+s14+$0x0], $0xffff;
	v43 =	vor.u32 v46, v21;
	[tilespmem:v33+s18+$0x0] =	vst.idx.msk $0xffff, v13  }
0x36b: {  	v14 =	vshll.u32 v30, $0x6;
	v32 =	vand.u32 $0x380, v10;
	v5 =	vld.idx.msk [tilespmem:v57+s14+$0x0], $0xffff;
	v7 =	vor.u32 v43, v42;
	[tilespmem:v19+s18+$0x0] =	vst.idx.msk $0xffff, v11  }
0x36c: {  	[tilespmem:v0+s18+$0x0] =	vst.idx.msk $0xffff, v1;
	v0 =	vld.idx.msk [tilespmem:v25+s14+$0x0], $0xffff;
	v1 =	vor.u32 v50, v56;
	v25 =	vor.u32 v52, v32  }
0x36d: {  	v13 =	vor.u32 v50, v62;
	v11 =	vor.u32 v50, v60;
	v19 =	vld.idx.msk [tilespmem:v40+s14+$0x0], $0xffff;
	v50 =	vor.u32 v63, v20  }
0x36e: {  	v17 =	vand.u32 $0x40, v14;
	v55 =	vld.idx.msk [tilespmem:v29+s14+$0x0], $0xffff  }
0x36f: {  	v15 =	vor.u32 v37, v16;
	v57 =	vor.u32 v46, v17;
	v9 =	vld.idx.msk [tilespmem:v9+s14+$0x0], $0xffff;
	v52 =	vand.u32 $0x380, v14  }
0x370: {  	v40 =	vld [tilespmem:$0x1FDC0];
	v29 =	vor.u32 v57, v52;
	[tilespmem:v7+s18+$0x0] =	vst.idx.msk $0xffff, v3  }
0x371: {  	v33 =	vor.u32 v2, v31;
	v1 =	vld.idx.msk [tilespmem:v1+s14+$0x0], $0xffff;
	[tilespmem:v25+s18+$0x0] =	vst.idx.msk $0xffff, v5  }
0x372: {  	v14 =	vor.u32 v18, v21;
	v7 =	vor.u32 v38, v8;
	[tilespmem:v50+s18+$0x0] =	vst.idx.msk $0xffff, v19;
	v50 =	vld [tilespmem:$0x1FD60]  }
0x373: {  	v3 =	vor.u32 v14, v42;
	[tilespmem:v27+s18+$0x0] =	vst.idx.msk $0xffff, v0;
	v0 =	vor.u32 v45, v58;
	v5 =	vld.idx.msk [tilespmem:v13+s14+$0x0], $0xffff  }
0x374: {  	v27 =	vor.u32 v45, v56;
	v15 =	vld.idx.msk [tilespmem:v15+s14+$0x0], $0xffff  }
0x375: {  	v25 =	vor.u32 v40, v4;
	[tilespmem:v29+s18+$0x0] =	vst.idx.msk $0xffff, v55;
	v55 =	vor.u32 v18, v17;
	v18 =	vld [tilespmem:$0x1FC10]  }
0x376: {  	[tilespmem:v33+s18+$0x0] =	vst.idx.msk $0xffff, v9;
	v13 =	vor.u32 v63, v32;
	v11 =	vld.idx.msk [tilespmem:v11+s14+$0x0], $0xffff  }
0x377: {  	v9 =	vor.u32 v45, v62;
	v23 =	vor.u32 v55, v52;
	v7 =	vld.idx.msk [tilespmem:v7+s14+$0x0], $0xffff  }
0x378: {  	v19 =	vor.u32 v45, v60;
	v0 =	vld.idx.msk [tilespmem:v0+s14+$0x0], $0xffff;
	v29 =	vor.u32 v50, v20;
	[tilespmem:v3+s18+$0x0] =	vst.idx.msk $0xffff, v1  }
0x379: {  	v45 =	vor.u32 v39, v21;
	v1 =	vor.u32 v12, v31;
	v3 =	vor.u32 v53, v58;
	v27 =	vld.idx.msk [tilespmem:v27+s14+$0x0], $0xffff  }
0x37a: {  	v33 =	vor.u32 v45, v42;
	v63 =	vor.u32 v35, v8;
	[tilespmem:v25+s18+$0x0] =	vst.idx.msk $0xffff, v15;
	v25 =	vld [tilespmem:$0x1FC10]  }
0x37b: {  	[tilespmem:v13+s18+$0x0] =	vst.idx.msk $0xffff, v5;
	v13 =	vor.u32 v50, v32;
	v50 =	vor.u32 v39, v17;
	v39 =	vld [tilespmem:$0x1FBC0]  }
0x37c: {  	v5 =	vor.u32 v53, v56;
	v9 =	vld.idx.msk [tilespmem:v9+s14+$0x0], $0xffff;
	[tilespmem:v23+s18+$0x0] =	vst.idx.msk $0xffff, v11  }
0x37d: {  	v11 =	vor.u32 v53, v62;
	v15 =	vld.idx.msk [tilespmem:v19+s14+$0x0], $0xffff;
	[tilespmem:v29+s18+$0x0] =	vst.idx.msk $0xffff, v0  }
0x37e: {  	v40 =	vmov v12;
	v12 =	vor.u32 v50, v52;
	[tilespmem:v1+s18+$0x0] =	vst.idx.msk $0xffff, v7;
	v3 =	vld.idx.msk [tilespmem:v3+s14+$0x0], $0xffff  }
0x37f: {  	v0 =	vor.u32 v53, v60;
	v53 =	vor.u32 v41, v21;
	v21 =	vld.idx.msk [tilespmem:v63+s14+$0x0], $0xffff  }
0x380: {  	v25 =	vor.u32 v25, v20;
	[tilespmem:v33+s18+$0x0] =	vst.idx.msk $0xffff, v27;
	v33 =	vld [tilespmem:$0x1FD70]  }
0x381: {  	v23 =	vor.u32 v44, v16;
	v27 =	vor.u32 v39, v31;
	v5 =	vld.idx.msk [tilespmem:v5+s14+$0x0], $0xffff;
	[tilespmem:v13+s18+$0x0] =	vst.idx.msk $0xffff, v9  }
0x382: {  	v1 =	vor.u32 v59, v22;
	v29 =	vor.u32 v59, v24;
	v7 =	vor.u32 v53, v42;
	v9 =	vld.idx.msk [tilespmem:v11+s14+$0x0], $0xffff  }
0x383: {  	v63 =	vor.u32 v41, v17;
	v11 =	vor.u32 v18, v32;
	[tilespmem:v12+s18+$0x0] =	vst.idx.msk $0xffff, v15;
	v18 =	vld [tilespmem:$0x1FDD0]  }
0x384: {  	v17 =	vor.u32 v63, v52;
	v15 =	vor.u32 v59, v28;
	v0 =	vld.idx.msk [tilespmem:v0+s14+$0x0], $0xffff  }
0x385: {  	v46 =	vmov v2;
	v2 =	vld [tilespmem:$0x1FD80];
	v59 =	vor.u32 v59, v30;
	[tilespmem:v25+s18+$0x0] =	vst.idx.msk $0xffff, v3  }
0x386: {  	v23 =	vld.idx.msk [tilespmem:v23+s14+$0x0], $0xffff;
	[tilespmem:v27+s18+$0x0] =	vst.idx.msk $0xffff, v21  }
0x387: {  	v25 =	vor.u32 v33, v20;
	v1 =	vld.idx.msk [tilespmem:v1+s14+$0x0], $0xffff;
	[tilespmem:v7+s18+$0x0] =	vst.idx.msk $0xffff, v5;
	v5 =	vor.u32 $0x400, v42  }
0x388: {  	v7 =	vor.u32 v26, v22;
	v41 =	vld.idx.msk [tilespmem:v29+s14+$0x0], $0xffff;
	v27 =	vor.u32 v43, v5;
	[tilespmem:v11+s18+$0x0] =	vst.idx.msk $0xffff, v9  }
0x389: {  	v13 =	vor.u32 v18, v4;
	v9 =	vld.idx.msk [tilespmem:v15+s14+$0x0], $0xffff;
	[tilespmem:v17+s18+$0x0] =	vst.idx.msk $0xffff, v0  }
0x38a: {  	v12 =	vmov v43;
	v43 =	vor.u32 v26, v24;
	v3 =	vld.idx.msk [tilespmem:v59+s14+$0x0], $0xffff  }
0x38b: {  	v19 =	vor.u32 v36, v34;
	v11 =	vor.u32 v33, v32;
	v59 =	vld [tilespmem:$0x1FBD0]  }
0x38c: {  	v0 =	vor.u32 $0x400, v52;
	v17 =	vor.u32 v26, v28;
	[tilespmem:v25+s18+$0x0] =	vst.idx.msk $0xffff, v1;
	v25 =	vor.u32 v26, v30;
	v26 =	vld [tilespmem:$0x1FDE0]  }
0x38d: {  	v29 =	vor.u32 v47, v16;
	v33 =	vor.u32 v57, v0;
	[tilespmem:v27+s18+$0x0] =	vst.idx.msk $0xffff, v41;
	v7 =	vld.idx.msk [tilespmem:v7+s14+$0x0], $0xffff  }
0x38e: {  	v27 =	vor.u32 v2, v20;
	[tilespmem:v13+s18+$0x0] =	vst.idx.msk $0xffff, v23;
	v41 =	vor.u32 v2, v32;
	v2 =	vld [tilespmem:$0x1FD90]  }
0x38f: {  	v15 =	vor.u32 $0x800, v49;
	v13 =	vor.u32 v38, v22;
	v23 =	vld.idx.msk [tilespmem:v43+s14+$0x0], $0xffff;
	v43 =	vmovc v14;
	v14 =	vor.u32 v14, v5  }
0x390: {  	v19 =	vld.idx.msk [tilespmem:v19+s14+$0x0], $0xffff;
	v1 =	vor.u32 v59, v15  }
0x391: {  	[tilespmem:v11+s18+$0x0] =	vst.idx.msk $0xffff, v9  }
0x392: {  	v10 =	vld [tilespmem:$0x1FDF0];
	[tilespmem:v33+s18+$0x0] =	vst.idx.msk $0xffff, v3  }
0x393: {  	v29 =	vld.idx.msk [tilespmem:v29+s14+$0x0], $0xffff;
	v11 =	vor.u32 v38, v24;
	v9 =	vor.u32 v26, v4;
	[tilespmem:v27+s18+$0x0] =	vst.idx.msk $0xffff, v7  }
0x394: {  	v21 =	vor.u32 v37, v34;
	[tilespmem:v14+s18+$0x0] =	vst.idx.msk $0xffff, v23;
	v13 =	vld.idx.msk [tilespmem:v13+s14+$0x0], $0xffff;
	v14 =	vor.u32 v2, v20  }
0x395: {  	[tilespmem:v1+s18+$0x0] =	vst.idx.msk $0xffff, v19;
	v19 =	vld.idx.msk [tilespmem:v25+s14+$0x0], $0xffff;
	v25 =	vor.u32 v55, v0  }
0x396: {  	v17 =	vld.idx.msk [tilespmem:v17+s14+$0x0], $0xffff;
	v3 =	vor.u32 v48, v6  }
0x397: {  	v7 =	vor.u32 v46, v15  }
0x398: {  	v27 =	vor.u32 v38, v30;
	v11 =	vld.idx.msk [tilespmem:v11+s14+$0x0], $0xffff;
	v1 =	vor.u32 v38, v28;
	[tilespmem:v9+s18+$0x0] =	vst.idx.msk $0xffff, v29  }
0x399: {  	v38 =	vor.u32 v35, v22;
	v21 =	vld.idx.msk [tilespmem:v21+s14+$0x0], $0xffff;
	v29 =	vor.u32 v45, v5;
	[tilespmem:v14+s18+$0x0] =	vst.idx.msk $0xffff, v13  }
0x39a: {  	v13 =	vor.u32 v40, v15;
	[tilespmem:v25+s18+$0x0] =	vst.idx.msk $0xffff, v19;
	v25 =	vor.u32 v2, v32;
	v2 =	vmov v40;
	v40 =	vld [tilespmem:$0x1FDA0]  }
0x39b: {  	[tilespmem:v41+s18+$0x0] =	vst.idx.msk $0xffff, v17;
	v41 =	vor.u32 v10, v4;
	v3 =	vld.idx.msk [tilespmem:v3+s14+$0x0], $0xffff  }
0x39c: {  	v23 =	vor.u32 v44, v34  }
0x39d: {  	v33 =	vor.u32 v35, v24;
	v1 =	vld.idx.msk [tilespmem:v1+s14+$0x0], $0xffff  }
0x39e: {  	v19 =	vor.u32 v51, v6;
	v9 =	vld.idx.msk [tilespmem:v38+s14+$0x0], $0xffff;
	[tilespmem:v7+s18+$0x0] =	vst.idx.msk $0xffff, v21  }
0x39f: {  	v7 =	vor.u32 v35, v28;
	v21 =	vld.idx.msk [tilespmem:v27+s14+$0x0], $0xffff;
	[tilespmem:v29+s18+$0x0] =	vst.idx.msk $0xffff, v11;
	v29 =	vor.u32 v40, v20  }
0x3a0: {  	v31 =	vor.u32 v35, v30;
	v35 =	vld [tilespmem:$0x1FE00];
	[tilespmem:v41+s18+$0x0] =	vst.idx.msk $0xffff, v3;
	v41 =	vor.u32 v36, v58  }
0x3a1: {  	v27 =	vor.u32 v50, v0;
	v23 =	vld.idx.msk [tilespmem:v23+s14+$0x0], $0xffff  }
0x3a2: {  	v17 =	vld.idx.msk [tilespmem:v33+s14+$0x0], $0xffff  }
0x3a3: {  	v11 =	vor.u32 v47, v34;
	v19 =	vld.idx.msk [tilespmem:v19+s14+$0x0], $0xffff;
	[tilespmem:v25+s18+$0x0] =	vst.idx.msk $0xffff, v1  }
0x3a4: {  	v5 =	vor.u32 v53, v5;
	v7 =	vld.idx.msk [tilespmem:v7+s14+$0x0], $0xffff;
	[tilespmem:v29+s18+$0x0] =	vst.idx.msk $0xffff, v9  }
0x3a5: {  	v1 =	vor.u32 v36, v56;
	v33 =	vor.u32 v35, v4;
	v3 =	vld.idx.msk [tilespmem:v41+s14+$0x0], $0xffff  }
0x3a6: {  	[tilespmem:v27+s18+$0x0] =	vst.idx.msk $0xffff, v21;
	v21 =	vor.u32 v40, v32;
	v41 =	vld [tilespmem:$0x1FDB0]  }
0x3a7: {  	v0 =	vor.u32 v63, v0;
	[tilespmem:v13+s18+$0x0] =	vst.idx.msk $0xffff, v23;
	v13 =	vor.u32 v36, v62;
	v23 =	vld.idx.msk [tilespmem:v31+s14+$0x0], $0xffff  }
0x3a8: {  	v15 =	vor.u32 v39, v15;
	v40 =	vor.u32 v36, v60;
	v11 =	vld.idx.msk [tilespmem:v11+s14+$0x0], $0xffff  }
0x3a9: {  	v14 =	vmov v39;
	v39 =	vld [tilespmem:$0x1FE10];
	v25 =	vor.u32 v54, v6;
	[tilespmem:v5+s18+$0x0] =	vst.idx.msk $0xffff, v17;
	v5 =	vor.u32 $0x800, v42  }
0x3aa: {  	v1 =	vld.idx.msk [tilespmem:v1+s14+$0x0], $0xffff;
	v29 =	vor.u32 v48, v8;
	[tilespmem:v33+s18+$0x0] =	vst.idx.msk $0xffff, v19;
	v19 =	vor.u32 v12, v5  }
0x3ab: {  	v36 =	vld [tilespmem:$0x1FDC0];
	v33 =	vor.u32 v37, v56;
	[tilespmem:v21+s18+$0x0] =	vst.idx.msk $0xffff, v7;
	v27 =	vor.u32 v41, v20  }
0x3ac: {  	v7 =	vld.idx.msk [tilespmem:v13+s14+$0x0], $0xffff;
	[tilespmem:v0+s18+$0x0] =	vst.idx.msk $0xffff, v23;
	v0 =	vor.u32 $0x800, v52;
	v13 =	vor.u32 v41, v32  }
0x3ad: {  	v17 =	vor.u32 v37, v58;
	[tilespmem:v15+s18+$0x0] =	vst.idx.msk $0xffff, v11;
	v9 =	vld.idx.msk [tilespmem:v40+s14+$0x0], $0xffff;
	v15 =	vor.u32 v57, v0  }
0x3ae: {  	v21 =	vld.idx.msk [tilespmem:v25+s14+$0x0], $0xffff;
	v23 =	vor.u32 v39, v4;
	v11 =	vor.u32 v37, v62  }
0x3af: {  	v38 =	vld [tilespmem:$0x1FE30];
	v25 =	vor.u32 v61, v6;
	[tilespmem:v19+s18+$0x0] =	vst.idx.msk $0xffff, v1;
	v1 =	vor.u32 $0xC00, v49  }
0x3b0: {  	v31 =	vld.idx.msk [tilespmem:v33+s14+$0x0], $0xffff;
	v33 =	vor.u32 v43, v5;
	[tilespmem:v27+s18+$0x0] =	vst.idx.msk $0xffff, v3;
	v3 =	vor.u32 v37, v60  }
0x3b1: {  	v29 =	vld.idx.msk [tilespmem:v29+s14+$0x0], $0xffff;
	[tilespmem:v13+s18+$0x0] =	vst.idx.msk $0xffff, v7;
	v7 =	vor.u32 v59, v1;
	v13 =	vor.u32 v44, v56  }
0x3b2: {  	[tilespmem:v15+s18+$0x0] =	vst.idx.msk $0xffff, v9;
	v9 =	vor.u32 v51, v8;
	v27 =	vor.u32 v36, v20;
	v17 =	vld.idx.msk [tilespmem:v17+s14+$0x0], $0xffff  }
0x3b3: {  	v19 =	vor.u32 v44, v58;
	[tilespmem:v23+s18+$0x0] =	vst.idx.msk $0xffff, v21;
	v15 =	vor.u32 v36, v32;
	v11 =	vld.idx.msk [tilespmem:v11+s14+$0x0], $0xffff  }
0x3b4: {  	v40 =	vmov v43;
	v21 =	vor.u32 v44, v62;
	v43 =	vor.u32 v38, v4;
	v25 =	vld.idx.msk [tilespmem:v25+s14+$0x0], $0xffff  }
0x3b5: {  	v41 =	vor.u32 v55, v0;
	[tilespmem:v33+s18+$0x0] =	vst.idx.msk $0xffff, v31;
	v3 =	vld.idx.msk [tilespmem:v3+s14+$0x0], $0xffff  }
0x3b6: {  	v36 =	vor.u32 v47, v56;
	[tilespmem:v7+s18+$0x0] =	vst.idx.msk $0xffff, v29;
	v13 =	vld.idx.msk [tilespmem:v13+s14+$0x0], $0xffff  }
0x3b7: {  	v29 =	vor.u32 v45, v5;
	[tilespmem:v27+s18+$0x0] =	vst.idx.msk $0xffff, v17;
	v27 =	vor.u32 v44, v60;
	v9 =	vld.idx.msk [tilespmem:v9+s14+$0x0], $0xffff  }
0x3b8: {  	v37 =	vor.u32 v54, v8;
	v33 =	vor.u32 v46, v1;
	[tilespmem:v15+s18+$0x0] =	vst.idx.msk $0xffff, v11;
	v19 =	vld.idx.msk [tilespmem:v19+s14+$0x0], $0xffff  }
0x3b9: {  	[tilespmem:v43+s18+$0x0] =	vst.idx.msk $0xffff, v25;
	v43 =	vor.u32 v47, v60;
	v7 =	vor.u32 v47, v58;
	v21 =	vld.idx.msk [tilespmem:v21+s14+$0x0], $0xffff  }
0x3ba: {  	v44 =	vor.u32 v18, v20;
	[tilespmem:v41+s18+$0x0] =	vst.idx.msk $0xffff, v3;
	v41 =	vor.u32 v47, v62;
	v47 =	vld [tilespmem:$0x1FE40]  }
0x3bb: {  	v3 =	vor.u32 v18, v32;
	v18 =	vld [tilespmem:$0x1FC60]  }
0x3bc: {  	[tilespmem:v29+s18+$0x0] =	vst.idx.msk $0xffff, v13;
	v23 =	vld.idx.msk [tilespmem:v27+s14+$0x0], $0xffff  }
0x3bd: {  	v25 =	vor.u32 v50, v0;
	[tilespmem:v33+s18+$0x0] =	vst.idx.msk $0xffff, v9;
	v11 =	vld.idx.msk [tilespmem:v36+s14+$0x0], $0xffff  }
0x3be: {  	v5 =	vor.u32 v53, v5;
	v13 =	vld.idx.msk [tilespmem:v37+s14+$0x0], $0xffff  }
0x3bf: {  	v15 =	vor.u32 v2, v1;
	v1 =	vor.u32 v14, v1;
	[tilespmem:v44+s18+$0x0] =	vst.idx.msk $0xffff, v19;
	v44 =	vmov v14;
	v14 =	vld [tilespmem:$0x1FE70]  }
0x3c0: {  	v31 =	vor.u32 v26, v20;
	v29 =	vor.u32 v48, v24;
	v7 =	vld.idx.msk [tilespmem:v7+s14+$0x0], $0xffff  }
0x3c1: {  	v9 =	vor.u32 v48, v22;
	[tilespmem:v3+s18+$0x0] =	vst.idx.msk $0xffff, v21;
	v21 =	vor.u32 v26, v32;
	v26 =	vld [tilespmem:$0x1FE50]  }
0x3c2: {  	v27 =	vor.u32 v47, v16;
	v17 =	vld.idx.msk [tilespmem:v41+s14+$0x0], $0xffff;
	[tilespmem:v25+s18+$0x0] =	vst.idx.msk $0xffff, v23  }
0x3c3: {  	v3 =	vor.u32 v61, v8;
	[tilespmem:v5+s18+$0x0] =	vst.idx.msk $0xffff, v11;
	v19 =	vld.idx.msk [tilespmem:v43+s14+$0x0], $0xffff  }
0x3c4: {  	v0 =	vor.u32 v63, v0;
	v25 =	vor.u32 v48, v28;
	v5 =	vor.u32 $0xC00, v42;
	v43 =	vld [tilespmem:$0x1FE60];
	[tilespmem:v15+s18+$0x0] =	vst.idx.msk $0xffff, v13  }
0x3c5: {  	v13 =	vld.idx.msk [tilespmem:v29+s14+$0x0], $0xffff;
	v37 =	vor.u32 v12, v5;
	[tilespmem:v31+s18+$0x0] =	vst.idx.msk $0xffff, v7;
	v7 =	vor.u32 v48, v30  }
0x3c6: {  	v11 =	vor.u32 v51, v22;
	v31 =	vor.u32 v10, v20;
	v9 =	vld.idx.msk [tilespmem:v9+s14+$0x0], $0xffff  }
0x3c7: {  	v36 =	vmovc v2;
	v29 =	vor.u32 v51, v24;
	v48 =	vmov v10;
	v23 =	vor.u32 v26, v4;
	v27 =	vld.idx.msk [tilespmem:v27+s14+$0x0], $0xffff  }
0x3c8: {  	v2 =	vor.u32 v40, v5;
	v41 =	vor.u32 v48, v32;
	v3 =	vld.idx.msk [tilespmem:v3+s14+$0x0], $0xffff;
	[tilespmem:v21+s18+$0x0] =	vst.idx.msk $0xffff, v17  }
0x3c9: {  	v33 =	vor.u32 v43, v16;
	v17 =	vld.idx.msk [tilespmem:v25+s14+$0x0], $0xffff;
	[tilespmem:v0+s18+$0x0] =	vst.idx.msk $0xffff, v19;
	v0 =	vor.u32 $0xC00, v52  }
0x3ca: {  	v19 =	vor.u32 v51, v28;
	[tilespmem:v37+s18+$0x0] =	vst.idx.msk $0xffff, v13;
	v7 =	vld.idx.msk [tilespmem:v7+s14+$0x0], $0xffff;
	v48 =	vor.u32 v57, v0  }
0x3cb: {  	v10 =	vmov v12;
	v12 =	vmov v40;
	v40 =	vld [tilespmem:$0x1FE80];
	v51 =	vor.u32 v51, v30;
	[tilespmem:v31+s18+$0x0] =	vst.idx.msk $0xffff, v9  }
0x3cc: {  	v25 =	vor.u32 v47, v34;
	[tilespmem:v23+s18+$0x0] =	vst.idx.msk $0xffff, v27;
	v11 =	vld.idx.msk [tilespmem:v11+s14+$0x0], $0xffff;
	v27 =	vor.u32 v35, v20  }
0x3cd: {  	[tilespmem:v1+s18+$0x0] =	vst.idx.msk $0xffff, v3;
	v3 =	vld.idx.msk [tilespmem:v29+s14+$0x0], $0xffff  }
0x3ce: {  	v1 =	vor.u32 v54, v22;
	v29 =	vor.u32 v14, v4;
	v15 =	vld.idx.msk [tilespmem:v33+s14+$0x0], $0xffff;
	[tilespmem:v41+s18+$0x0] =	vst.idx.msk $0xffff, v17  }
0x3cf: {  	v31 =	vor.u32 v54, v24;
	v41 =	vor.u32 v35, v32;
	v19 =	vld.idx.msk [tilespmem:v19+s14+$0x0], $0xffff;
	[tilespmem:v48+s18+$0x0] =	vst.idx.msk $0xffff, v7  }
0x3d0: {  	v23 =	vor.u32 v54, v28;
	v7 =	vor.u32 $0x1000, v49;
	v48 =	vor.u32 v55, v0;
	v9 =	vld.idx.msk [tilespmem:v51+s14+$0x0], $0xffff  }
0x3d1: {  	v37 =	vor.u32 v40, v16;
	v25 =	vld.idx.msk [tilespmem:v25+s14+$0x0], $0xffff;
	v51 =	vor.u32 v59, v7;
	[tilespmem:v27+s18+$0x0] =	vst.idx.msk $0xffff, v11  }
0x3d2: {  	[tilespmem:v2+s18+$0x0] =	vst.idx.msk $0xffff, v3;
	v2 =	vld [tilespmem:$0x1FE90]  }
0x3d3: {  	v13 =	vor.u32 v39, v20;
	v27 =	vor.u32 v54, v30;
	v1 =	vld.idx.msk [tilespmem:v1+s14+$0x0], $0xffff;
	[tilespmem:v29+s18+$0x0] =	vst.idx.msk $0xffff, v15  }
0x3d4: {  	v35 =	vor.u32 v43, v34;
	v29 =	vld.idx.msk [tilespmem:v31+s14+$0x0], $0xffff;
	v31 =	vor.u32 v45, v5;
	[tilespmem:v41+s18+$0x0] =	vst.idx.msk $0xffff, v19  }
0x3d5: {  	v41 =	vor.u32 v61, v24;
	v23 =	vld.idx.msk [tilespmem:v23+s14+$0x0], $0xffff;
	[tilespmem:v48+s18+$0x0] =	vst.idx.msk $0xffff, v9;
	v48 =	vor.u32 v39, v32  }
0x3d6: {  	v17 =	vld.idx.msk [tilespmem:v37+s14+$0x0], $0xffff;
	[tilespmem:v51+s18+$0x0] =	vst.idx.msk $0xffff, v25;
	v51 =	vor.u32 v61, v28  }
0x3d7: {  	v39 =	vld [tilespmem:$0x1FC70];
	v37 =	vor.u32 v2, v4  }
0x3d8: {  	v15 =	vor.u32 v61, v22;
	v25 =	vld.idx.msk [tilespmem:v27+s14+$0x0], $0xffff;
	v27 =	vor.u32 v50, v0;
	[tilespmem:v13+s18+$0x0] =	vst.idx.msk $0xffff, v1  }
0x3d9: {  	v54 =	vor.u32 v46, v7;
	v3 =	vld.idx.msk [tilespmem:v35+s14+$0x0], $0xffff;
	v1 =	vor.u32 v61, v30;
	[tilespmem:v31+s18+$0x0] =	vst.idx.msk $0xffff, v29  }
0x3da: {  	v5 =	vor.u32 v53, v5;
	v61 =	vor.u32 v18, v16;
	v35 =	vld.idx.msk [tilespmem:v41+s14+$0x0], $0xffff;
	[tilespmem:v48+s18+$0x0] =	vst.idx.msk $0xffff, v23  }
0x3db: {  	v29 =	vor.u32 v38, v20;
	v41 =	vor.u32 v47, v56;
	v11 =	vld.idx.msk [tilespmem:v51+s14+$0x0], $0xffff  }
0x3dc: {  	v48 =	vor.u32 v40, v34;
	[tilespmem:v37+s18+$0x0] =	vst.idx.msk $0xffff, v17;
	v51 =	vor.u32 v38, v32;
	v38 =	vld [tilespmem:$0x1FC80]  }
0x3dd: {  	v15 =	vld.idx.msk [tilespmem:v15+s14+$0x0], $0xffff;
	[tilespmem:v27+s18+$0x0] =	vst.idx.msk $0xffff, v25  }
0x3de: {  	v19 =	vor.u32 v36, v7;
	v17 =	vor.u32 v47, v58;
	[tilespmem:v54+s18+$0x0] =	vst.idx.msk $0xffff, v3;
	v1 =	vld.idx.msk [tilespmem:v1+s14+$0x0], $0xffff  }
0x3df: {  	v0 =	vor.u32 v63, v0;
	v54 =	vor.u32 v47, v62;
	v13 =	vld.idx.msk [tilespmem:v61+s14+$0x0], $0xffff;
	[tilespmem:v5+s18+$0x0] =	vst.idx.msk $0xffff, v35  }
0x3e0: {  	v21 =	vor.u32 v39, v4;
	v61 =	vor.u32 v47, v60;
	v5 =	vor.u32 $0x1000, v42;
	v31 =	vld.idx.msk [tilespmem:v41+s14+$0x0], $0xffff  }
0x3e1: {  	v27 =	vor.u32 v26, v20;
	v37 =	vor.u32 v10, v5;
	v9 =	vld.idx.msk [tilespmem:v48+s14+$0x0], $0xffff;
	v25 =	vor.u32 v38, v6  }
0x3e2: {  	v47 =	vor.u32 v43, v56;
	[tilespmem:v29+s18+$0x0] =	vst.idx.msk $0xffff, v15;
	v48 =	vor.u32 v26, v32;
	v26 =	vld [tilespmem:$0x1FC90]  }
0x3e3: {  	v41 =	vor.u32 v18, v34;
	v17 =	vld.idx.msk [tilespmem:v17+s14+$0x0], $0xffff;
	[tilespmem:v51+s18+$0x0] =	vst.idx.msk $0xffff, v11  }
0x3e4: {  	v3 =	vld.idx.msk [tilespmem:v54+s14+$0x0], $0xffff;
	[tilespmem:v0+s18+$0x0] =	vst.idx.msk $0xffff, v1  }
0x3e5: {  	v29 =	vor.u32 v43, v58;
	[tilespmem:v21+s18+$0x0] =	vst.idx.msk $0xffff, v13;
	v15 =	vld.idx.msk [tilespmem:v61+s14+$0x0], $0xffff  }
0x3e6: {  	v51 =	vor.u32 v43, v62;
	v1 =	vor.u32 $0x1000, v52;
	[tilespmem:v37+s18+$0x0] =	vst.idx.msk $0xffff, v31;
	v25 =	vld.idx.msk [tilespmem:v25+s14+$0x0], $0xffff  }
0x3e7: {  	v54 =	vor.u32 v57, v1;
	[tilespmem:v19+s18+$0x0] =	vst.idx.msk $0xffff, v9;
	v19 =	vld.idx.msk [tilespmem:v47+s14+$0x0], $0xffff  }
0x3e8: {  	v61 =	vor.u32 v26, v4;
	[tilespmem:v27+s18+$0x0] =	vst.idx.msk $0xffff, v17;
	v27 =	vor.u32 v43, v60;
	v11 =	vld.idx.msk [tilespmem:v41+s14+$0x0], $0xffff  }
0x3e9: {  	v37 =	vor.u32 v12, v5;
	v41 =	vld [tilespmem:$0x1FCA0]  }
0x3ea: {  	v31 =	vor.u32 v14, v20;
	v47 =	vor.u32 v40, v56;
	v29 =	vld.idx.msk [tilespmem:v29+s14+$0x0], $0xffff;
	[tilespmem:v48+s18+$0x0] =	vst.idx.msk $0xffff, v3  }
0x3eb: {  	v13 =	vor.u32 v14, v32;
	v9 =	vor.u32 v40, v58;
	v3 =	vld.idx.msk [tilespmem:v51+s14+$0x0], $0xffff  }
0x3ec: {  	[tilespmem:v54+s18+$0x0] =	vst.idx.msk $0xffff, v15;
	v51 =	vor.u32 v40, v62  }
0x3ed: {  	v7 =	vor.u32 v44, v7;
	[tilespmem:v61+s18+$0x0] =	vst.idx.msk $0xffff, v25;
	v54 =	vld.idx.msk [tilespmem:v27+s14+$0x0], $0xffff  }
0x3ee: {  	v14 =	vmov v38;
	v48 =	vor.u32 v41, v6;
	v27 =	vor.u32 v38, v8;
	[tilespmem:v37+s18+$0x0] =	vst.idx.msk $0xffff, v19;
	v38 =	vld [tilespmem:$0x1FCB0]  }
0x3ef: {  	v25 =	vor.u32 v40, v60;
	[tilespmem:v31+s18+$0x0] =	vst.idx.msk $0xffff, v29;
	v40 =	vld.idx.msk [tilespmem:v47+s14+$0x0], $0xffff  }
0x3f0: {  	v61 =	vor.u32 v55, v1;
	v9 =	vld.idx.msk [tilespmem:v9+s14+$0x0], $0xffff;
	[tilespmem:v13+s18+$0x0] =	vst.idx.msk $0xffff, v3  }
0x3f1: {  	v43 =	vor.u32 v45, v5;
	v29 =	vor.u32 v2, v20;
	v3 =	vld.idx.msk [tilespmem:v51+s14+$0x0], $0xffff  }
0x3f2: {  	[tilespmem:v7+s18+$0x0] =	vst.idx.msk $0xffff, v11;
	v7 =	vor.u32 v18, v58;
	v51 =	vor.u32 v2, v32;
	v2 =	vld [tilespmem:$0x1FCC0]  }
0x3f3: {  	v0 =	vld.idx.msk [tilespmem:v48+s14+$0x0], $0xffff;
	v48 =	vor.u32 v18, v56  }
0x3f4: {  	v47 =	vor.u32 v38, v4  }
0x3f5: {  	[tilespmem:v61+s18+$0x0] =	vst.idx.msk $0xffff, v54;
	v54 =	vor.u32 v18, v62;
	v27 =	vld.idx.msk [tilespmem:v27+s14+$0x0], $0xffff  }
0x3f6: {  	v15 =	vor.u32 $0x1400, v49;
	v21 =	vld.idx.msk [tilespmem:v25+s14+$0x0], $0xffff;
	v25 =	vor.u32 v50, v1;
	[tilespmem:v29+s18+$0x0] =	vst.idx.msk $0xffff, v9  }
0x3f7: {  	v37 =	vor.u32 v18, v60;
	v11 =	vor.u32 v39, v20;
	[tilespmem:v43+s18+$0x0] =	vst.idx.msk $0xffff, v40;
	v7 =	vld.idx.msk [tilespmem:v7+s14+$0x0], $0xffff  }
0x3f8: {  	v61 =	vor.u32 v59, v15;
	v29 =	vor.u32 v2, v6;
	[tilespmem:v51+s18+$0x0] =	vst.idx.msk $0xffff, v3;
	v19 =	vld.idx.msk [tilespmem:v48+s14+$0x0], $0xffff  }
0x3f9: {  	v51 =	vor.u32 v41, v8;
	[tilespmem:v47+s18+$0x0] =	vst.idx.msk $0xffff, v0;
	v0 =	vor.u32 v14, v22;
	v47 =	vmov v14;
	v14 =	vld [tilespmem:$0x1FCD0]  }
0x3fa: {  	v5 =	vor.u32 v53, v5;
	v13 =	vld.idx.msk [tilespmem:v54+s14+$0x0], $0xffff  }
0x3fb: {  	v54 =	vor.u32 v39, v32;
	v39 =	vld [tilespmem:$0x1FCE0];
	[tilespmem:v25+s18+$0x0] =	vst.idx.msk $0xffff, v21  }
0x3fc: {  	v48 =	vor.u32 v47, v24;
	v9 =	vld.idx.msk [tilespmem:v37+s14+$0x0], $0xffff  }
0x3fd: {  	v35 =	vmov v10;
	[tilespmem:v61+s18+$0x0] =	vst.idx.msk $0xffff, v27;
	v61 =	vor.u32 v47, v28;
	v25 =	vld.idx.msk [tilespmem:v29+s14+$0x0], $0xffff  }
0x3fe: {  	v1 =	vor.u32 v63, v1;
	v43 =	vor.u32 v26, v20;
	[tilespmem:v11+s18+$0x0] =	vst.idx.msk $0xffff, v7;
	v3 =	vld.idx.msk [tilespmem:v51+s14+$0x0], $0xffff  }
0x3ff: {  	v40 =	vor.u32 v47, v30;
	v23 =	vor.u32 v14, v4;
	v0 =	vld.idx.msk [tilespmem:v0+s14+$0x0], $0xffff;
	[tilespmem:v5+s18+$0x0] =	vst.idx.msk $0xffff, v19  }
0x400: {  	v27 =	vor.u32 v39, v6;
	v5 =	vor.u32 $0x1400, v42;
	[tilespmem:v54+s18+$0x0] =	vst.idx.msk $0xffff, v13;
	v54 =	vor.u32 v26, v32;
	v26 =	vld [tilespmem:$0x1FCF0]  }
0x401: {  	v29 =	vor.u32 v41, v22;
	v31 =	vld.idx.msk [tilespmem:v48+s14+$0x0], $0xffff;
	v47 =	vor.u32 v35, v5  }
0x402: {  	v51 =	vor.u32 v41, v24;
	v11 =	vor.u32 v41, v30;
	v21 =	vld.idx.msk [tilespmem:v61+s14+$0x0], $0xffff  }
0x403: {  	v19 =	vor.u32 v46, v15;
	v61 =	vor.u32 v41, v28;
	v41 =	vld [tilespmem:$0x1FF80];
	[tilespmem:v1+s18+$0x0] =	vst.idx.msk $0xffff, v9  }
0x404: {  	v7 =	vld.idx.msk [tilespmem:v40+s14+$0x0], $0xffff;
	[tilespmem:v23+s18+$0x0] =	vst.idx.msk $0xffff, v25  }
0x405: {  	v48 =	vor.u32 v2, v8;
	[tilespmem:v43+s18+$0x0] =	vst.idx.msk $0xffff, v0;
	v27 =	vld.idx.msk [tilespmem:v27+s14+$0x0], $0xffff  }
0x406: {  	v9 =	vor.u32 $0x1400, v52;
	[tilespmem:v47+s18+$0x0] =	vst.idx.msk $0xffff, v31;
	v29 =	vld.idx.msk [tilespmem:v29+s14+$0x0], $0xffff  }
0x407: {  	v40 =	vor.u32 v38, v20;
	v25 =	vor.u32 v57, v9;
	[tilespmem:v54+s18+$0x0] =	vst.idx.msk $0xffff, v21;
	v17 =	vld.idx.msk [tilespmem:v51+s14+$0x0], $0xffff  }
0x408: {  	v37 =	vor.u32 v26, v4;
	[tilespmem:v19+s18+$0x0] =	vst.idx.msk $0xffff, v3;
	v43 =	vor.u32 v2, v22;
	v23 =	vld.idx.msk [tilespmem:v61+s14+$0x0], $0xffff  }
0x409: {  	v18 =	vmovc v2;
	v31 =	vor.u32 v41, v16;
	v51 =	vor.u32 v2, v24;
	v61 =	vor.u32 v2, v28;
	v2 =	vld [tilespmem:$0x1FD00]  }
0x40a: {  	v13 =	vld.idx.msk [tilespmem:v48+s14+$0x0], $0xffff;
	v48 =	vor.u32 v36, v15  }
0x40b: {  	v47 =	vor.u32 v12, v5;
	v54 =	vor.u32 v39, v8  }
0x40c: {  	[tilespmem:v25+s18+$0x0] =	vst.idx.msk $0xffff, v7;
	v25 =	vor.u32 v38, v32  }
0x40d: {  	[tilespmem:v37+s18+$0x0] =	vst.idx.msk $0xffff, v27;
	v11 =	vld.idx.msk [tilespmem:v11+s14+$0x0], $0xffff;
	v27 =	vor.u32 v55, v9  }
0x40e: {  	[tilespmem:v40+s18+$0x0] =	vst.idx.msk $0xffff, v29;
	v40 =	vor.u32 v18, v30;
	v31 =	vld.idx.msk [tilespmem:v31+s14+$0x0], $0xffff;
	v29 =	vor.u32 v2, v4  }
0x40f: {  	[tilespmem:v48+s18+$0x0] =	vst.idx.msk $0xffff, v13;
	v3 =	vld.idx.msk [tilespmem:v43+s14+$0x0], $0xffff;
	v43 =	vor.u32 v14, v20  }
0x410: {  	[tilespmem:v47+s18+$0x0] =	vst.idx.msk $0xffff, v17;
	v47 =	vor.u32 v39, v22;
	v7 =	vld.idx.msk [tilespmem:v54+s14+$0x0], $0xffff  }
0x411: {  	v15 =	vor.u32 v44, v15;
	v48 =	vld.idx.msk [tilespmem:v51+s14+$0x0], $0xffff;
	[tilespmem:v25+s18+$0x0] =	vst.idx.msk $0xffff, v23  }
0x412: {  	v51 =	vor.u32 v45, v5;
	v0 =	vld.idx.msk [tilespmem:v61+s14+$0x0], $0xffff;
	[tilespmem:v27+s18+$0x0] =	vst.idx.msk $0xffff, v11  }
0x413: {  	v54 =	vor.u32 v39, v24;
	v61 =	vor.u32 v14, v32;
	[tilespmem:v29+s18+$0x0] =	vst.idx.msk $0xffff, v31;
	v25 =	vld.idx.msk [tilespmem:v40+s14+$0x0], $0xffff  }
0x414: {  	v37 =	vor.u32 v39, v28;
	[tilespmem:v43+s18+$0x0] =	vst.idx.msk $0xffff, v3;
	v40 =	vmov v26;
	v29 =	vor.u32 v26, v20;
	v26 =	vld [tilespmem:$0x1FD30]  }
0x415: {  	v38 =	vor.u32 v39, v30;
	v1 =	vld.idx.msk [tilespmem:v47+s14+$0x0], $0xffff  }
0x416: {  	v39 =	vor.u32 v41, v34;
	v27 =	vor.u32 v50, v9;
	[tilespmem:v15+s18+$0x0] =	vst.idx.msk $0xffff, v7  }
0x417: {  	v14 =	vld [tilespmem:$0x1FD10];
	[tilespmem:v51+s18+$0x0] =	vst.idx.msk $0xffff, v48  }
0x418: {  	v5 =	vor.u32 v53, v5;
	v43 =	vor.u32 v41, v58;
	v13 =	vld.idx.msk [tilespmem:v54+s14+$0x0], $0xffff;
	[tilespmem:v61+s18+$0x0] =	vst.idx.msk $0xffff, v0  }
0x419: {  	v48 =	vor.u32 v41, v56;
	v51 =	vor.u32 v40, v32;
	v47 =	vor.u32 v26, v16;
	v11 =	vld.idx.msk [tilespmem:v37+s14+$0x0], $0xffff  }
0x41a: {  	v0 =	vor.u32 $0x1800, v49;
	v61 =	vmov v2;
	[tilespmem:v29+s18+$0x0] =	vst.idx.msk $0xffff, v1;
	v29 =	vor.u32 v2, v20;
	v2 =	vld [tilespmem:$0x1FD40]  }
0x41b: {  	v17 =	vld.idx.msk [tilespmem:v39+s14+$0x0], $0xffff;
	[tilespmem:v27+s18+$0x0] =	vst.idx.msk $0xffff, v25;
	v54 =	vor.u32 v59, v0;
	v25 =	vor.u32 v41, v62  }
0x41c: {  	v9 =	vor.u32 v63, v9;
	v27 =	vor.u32 v26, v34;
	v3 =	vld.idx.msk [tilespmem:v38+s14+$0x0], $0xffff  }
0x41d: {  	v1 =	vor.u32 v41, v60;
	v7 =	vld.idx.msk [tilespmem:v43+s14+$0x0], $0xffff  }
0x41e: {  	v40 =	vor.u32 v14, v4;
	v41 =	vor.u32 v26, v58;
	[tilespmem:v5+s18+$0x0] =	vst.idx.msk $0xffff, v13;
	v15 =	vld.idx.msk [tilespmem:v47+s14+$0x0], $0xffff  }
0x41f: {  	v5 =	vor.u32 $0x1800, v42;
	v19 =	vld.idx.msk [tilespmem:v48+s14+$0x0], $0xffff;
	[tilespmem:v51+s18+$0x0] =	vst.idx.msk $0xffff, v11;
	v47 =	vor.u32 v2, v16  }
0x420: {  	v43 =	vor.u32 v35, v5;
	[tilespmem:v54+s18+$0x0] =	vst.idx.msk $0xffff, v17;
	v25 =	vld.idx.msk [tilespmem:v25+s14+$0x0], $0xffff  }
0x421: {  	v48 =	vor.u32 v26, v56;
	[tilespmem:v9+s18+$0x0] =	vst.idx.msk $0xffff, v3;
	v27 =	vld.idx.msk [tilespmem:v27+s14+$0x0], $0xffff  }
0x422: {  	v51 =	vor.u32 v61, v32;
	v1 =	vld.idx.msk [tilespmem:v1+s14+$0x0], $0xffff;
	[tilespmem:v29+s18+$0x0] =	vst.idx.msk $0xffff, v7  }
0x423: {  	v37 =	vor.u32 v46, v0;
	v31 =	vld.idx.msk [tilespmem:v41+s14+$0x0], $0xffff;
	[tilespmem:v40+s18+$0x0] =	vst.idx.msk $0xffff, v15  }
0x424: {  	v54 =	vor.u32 v26, v62;
	v11 =	vld.idx.msk [tilespmem:v47+s14+$0x0], $0xffff  }
0x425: {  	v39 =	vor.u32 v14, v20;
	v9 =	vor.u32 $0x1800, v52;
	[tilespmem:v43+s18+$0x0] =	vst.idx.msk $0xffff, v19;
	v47 =	vld [tilespmem:$0x1FC20]  }
0x426: {  	v38 =	vor.u32 v2, v34;
	v61 =	vor.u32 v57, v9;
	v41 =	vld.idx.msk [tilespmem:v48+s14+$0x0], $0xffff  }
0x427: {  	v29 =	vor.u32 v26, v60;
	v48 =	vld [tilespmem:$0x1FC30];
	[tilespmem:v51+s18+$0x0] =	vst.idx.msk $0xffff, v25  }
0x428: {  	[tilespmem:v37+s18+$0x0] =	vst.idx.msk $0xffff, v27;
	v37 =	vld [tilespmem:$0x1FC30]  }
0x429: {  	v43 =	vor.u32 v12, v5;
	v51 =	vld.idx.msk [tilespmem:v54+s14+$0x0], $0xffff  }
0x42a: {  	[tilespmem:v39+s18+$0x0] =	vst.idx.msk $0xffff, v31;
	v39 =	vld [tilespmem:$0x1FC30];
	v3 =	vor.u32 v47, v4  }
0x42b: {  	v40 =	vor.u32 v2, v58;
	[tilespmem:v61+s18+$0x0] =	vst.idx.msk $0xffff, v1;
	v19 =	vld.idx.msk [tilespmem:v38+s14+$0x0], $0xffff  }
0x42c: {  	v25 =	vor.u32 v2, v56;
	v27 =	vor.u32 v55, v9;
	v23 =	vld.idx.msk [tilespmem:v29+s14+$0x0], $0xffff  }
0x42d: {  	v33 =	vor.u32 v2, v60;
	v38 =	vld [tilespmem:$0x1FC20];
	v29 =	vor.u32 v36, v0  }
0x42e: {  	v54 =	vor.u32 v14, v32;
	[tilespmem:v43+s18+$0x0] =	vst.idx.msk $0xffff, v41;
	v41 =	vld [tilespmem:$0x1FC40];
	v15 =	vor.u32 v37, v34  }
0x42f: {  	[tilespmem:v3+s18+$0x0] =	vst.idx.msk $0xffff, v11;
	v3 =	vor.u32 v39, v58;
	v58 =	vld [tilespmem:$0x1FC30]  }
0x430: {  	v13 =	vld.idx.msk [tilespmem:v40+s14+$0x0], $0xffff  }
0x431: {  	v40 =	vld.idx.msk [tilespmem:v25+s14+$0x0], $0xffff;
	[tilespmem:v27+s18+$0x0] =	vst.idx.msk $0xffff, v23  }
0x432: {  	v61 =	vor.u32 v2, v62;
	[tilespmem:v29+s18+$0x0] =	vst.idx.msk $0xffff, v19;
	v27 =	vld.idx.msk [tilespmem:v33+s14+$0x0], $0xffff  }
0x433: {  	v1 =	vor.u32 v48, v16;
	v21 =	vor.u32 v38, v20;
	[tilespmem:v54+s18+$0x0] =	vst.idx.msk $0xffff, v51;
	v51 =	vld.idx.msk [tilespmem:v15+s14+$0x0], $0xffff  }
0x434: {  	v29 =	vor.u32 v50, v9;
	v48 =	vor.u32 v58, v62;
	v62 =	vld [tilespmem:$0x1FC50]  }
0x435: {  	v25 =	vor.u32 v45, v5;
	v43 =	vor.u32 v58, v56;
	v56 =	vld [tilespmem:$0x1FC20]  }
0x436: {  	v0 =	vor.u32 v44, v0;
	v54 =	vor.u32 v58, v60;
	v60 =	vld [tilespmem:$0x1FC40]  }
0x437: {  	v7 =	vld.idx.msk [tilespmem:v61+s14+$0x0], $0xffff  }
0x438: {  	v16 =	vor.u32 v41, v4;
	v1 =	vld.idx.msk [tilespmem:v1+s14+$0x0], $0xffff;
	[tilespmem:v21+s18+$0x0] =	vst.idx.msk $0xffff, v13  }
0x439: {  	[tilespmem:v29+s18+$0x0] =	vst.idx.msk $0xffff, v27;
	v27 =	vld [tilespmem:$0x1FD20];
	v31 =	vor.u32 v62, v6  }
0x43a: {  	[tilespmem:v25+s18+$0x0] =	vst.idx.msk $0xffff, v40;
	v3 =	vld.idx.msk [tilespmem:v3+s14+$0x0], $0xffff;
	v47 =	vor.u32 v56, v32;
	v37 =	vor.u32 v62, v8  }
0x43b: {  	[tilespmem:v0+s18+$0x0] =	vst.idx.msk $0xffff, v51;
	v51 =	vld [tilespmem:$0x1FF40];
	v33 =	vor.u32 v60, v20  }
0x43c: {  	v5 =	vor.u32 v53, v5;
	v34 =	vld.idx.msk [tilespmem:v43+s14+$0x0], $0xffff;
	v38 =	vor.u32 v62, v22  }
0x43d: {  	v9 =	vor.u32 v63, v9;
	[tilespmem:v16+s18+$0x0] =	vst.idx.msk $0xffff, v1;
	v41 =	vor.u32 v62, v24;
	v43 =	vld.idx.msk [tilespmem:v54+s14+$0x0], $0xffff  }
0x43e: {  	v21 =	vor.u32 $0x1C00, v49;
	v49 =	vor.u32 v62, v30;
	v11 =	vld.idx.msk [tilespmem:v31+s14+$0x0], $0xffff  }
0x43f: {  	[tilespmem:v47+s18+$0x0] =	vst.idx.msk $0xffff, v7;
	v7 =	vld.idx.msk [tilespmem:v37+s14+$0x0], $0xffff  }
0x440: {  	v40 =	vor.u32 v60, v32;
	[tilespmem:v33+s18+$0x0] =	vst.idx.msk $0xffff, v3;
	v39 =	vld.idx.msk [tilespmem:v48+s14+$0x0], $0xffff  }
0x441: {  	v59 =	vor.u32 v59, v21;
	v47 =	vor.u32 v62, v28;
	[tilespmem:v5+s18+$0x0] =	vst.idx.msk $0xffff, v34;
	v16 =	vld.idx.msk [tilespmem:v38+s14+$0x0], $0xffff  }
0x442: {  	v61 =	vor.u32 v51, v8;
	[tilespmem:v9+s18+$0x0] =	vst.idx.msk $0xffff, v43;
	v48 =	vor.u32 v27, v4;
	v0 =	vld.idx.msk [tilespmem:v41+s14+$0x0], $0xffff  }
0x443: {  	v31 =	vor.u32 v27, v20;
	v1 =	vld.idx.msk [tilespmem:v49+s14+$0x0], $0xffff  }
0x444: {  	v19 =	vor.u32 $0x1C00, v42;
	v54 =	vor.u32 v51, v6;
	v38 =	vld [tilespmem:$0x1FEE0]  }
0x445: {  	v26 =	vor.u32 v35, v19;
	v25 =	vor.u32 v51, v22;
	v41 =	vld [tilespmem:$0x1FF60];
	[tilespmem:v40+s18+$0x0] =	vst.idx.msk $0xffff, v39  }
0x446: {  	v33 =	vor.u32 v51, v24;
	v34 =	vor.u32 v27, v32;
	[tilespmem:v59+s18+$0x0] =	vst.idx.msk $0xffff, v7;
	v3 =	vld.idx.msk [tilespmem:v47+s14+$0x0], $0xffff  }
0x447: {  	v35 =	vor.u32 v51, v28;
	v27 =	vor.u32 $0x1C00, v52;
	[tilespmem:v48+s18+$0x0] =	vst.idx.msk $0xffff, v11;
	v43 =	vld.idx.msk [tilespmem:v61+s14+$0x0], $0xffff  }
0x448: {  	v37 =	vor.u32 v57, v27;
	[tilespmem:v31+s18+$0x0] =	vst.idx.msk $0xffff, v16;
	v31 =	vld [tilespmem:$0x1FEB0]  }
0x449: {  	v46 =	vor.u32 v46, v21;
	v40 =	vor.u32 v51, v30;
	v5 =	vld.idx.msk [tilespmem:v54+s14+$0x0], $0xffff  }
0x44a: {  	v39 =	vor.u32 v38, v4;
	[tilespmem:v26+s18+$0x0] =	vst.idx.msk $0xffff, v0;
	v47 =	vor.u32 v41, v8;
	v48 =	vld.idx.msk [tilespmem:v25+s14+$0x0], $0xffff  }
0x44b: {  	v42 =	vor.u32 v41, v6;
	v25 =	vor.u32 v38, v20;
	v9 =	vld.idx.msk [tilespmem:v33+s14+$0x0], $0xffff;
	[tilespmem:v34+s18+$0x0] =	vst.idx.msk $0xffff, v3  }
0x44c: {  	v49 =	vor.u32 v41, v22;
	v11 =	vld.idx.msk [tilespmem:v35+s14+$0x0], $0xffff  }
0x44d: {  	v10 =	vmov v12;
	[tilespmem:v37+s18+$0x0] =	vst.idx.msk $0xffff, v1;
	v35 =	vld [tilespmem:$0x1FED0]  }
0x44e: {  	v51 =	vor.u32 v10, v19;
	v59 =	vld.idx.msk [tilespmem:v40+s14+$0x0], $0xffff;
	[tilespmem:v46+s18+$0x0] =	vst.idx.msk $0xffff, v43  }
0x44f: {  	v52 =	vor.u32 v41, v24;
	v61 =	vor.u32 v55, v27;
	[tilespmem:v39+s18+$0x0] =	vst.idx.msk $0xffff, v5;
	v0 =	vld.idx.msk [tilespmem:v47+s14+$0x0], $0xffff  }
0x450: {  	v54 =	vor.u32 v38, v32;
	v34 =	vor.u32 v41, v30;
	[tilespmem:v25+s18+$0x0] =	vst.idx.msk $0xffff, v48;
	v16 =	vld.idx.msk [tilespmem:v42+s14+$0x0], $0xffff  }
0x451: {  	v57 =	vor.u32 v41, v28;
	v33 =	vor.u32 v31, v4;
	v3 =	vld.idx.msk [tilespmem:v49+s14+$0x0], $0xffff  }
0x452: {  	v37 =	vor.u32 v36, v21;
	v38 =	vor.u32 v31, v20;
	v49 =	vld [tilespmem:$0x1FF00];
	v6 =	vor.u32 v35, v6  }
0x453: {  	v40 =	vor.u32 v45, v19;
	[tilespmem:v51+s18+$0x0] =	vst.idx.msk $0xffff, v9;
	v8 =	vor.u32 v35, v8  }
0x454: {  	v47 =	vor.u32 v50, v27;
	v1 =	vld.idx.msk [tilespmem:v52+s14+$0x0], $0xffff;
	[tilespmem:v61+s18+$0x0] =	vst.idx.msk $0xffff, v59;
	v39 =	vor.u32 v35, v22  }
0x455: {  	v46 =	vld.idx.msk [tilespmem:v34+s14+$0x0], $0xffff;
	[tilespmem:v54+s18+$0x0] =	vst.idx.msk $0xffff, v11;
	v41 =	vor.u32 v35, v24;
	v45 =	vmov v35  }
0x456: {  	v42 =	vor.u32 v31, v32;
	[tilespmem:v33+s18+$0x0] =	vst.idx.msk $0xffff, v16;
	v5 =	vld.idx.msk [tilespmem:v57+s14+$0x0], $0xffff;
	v50 =	vor.u32 v45, v30  }
0x457: {  	[tilespmem:v37+s18+$0x0] =	vst.idx.msk $0xffff, v0;
	v43 =	vor.u32 v35, v28;
	v4 =	vor.u32 v49, v4;
	v48 =	vld.idx.msk [tilespmem:v6+s14+$0x0], $0xffff  }
0x458: {  	v51 =	vor.u32 v44, v21;
	[tilespmem:v38+s18+$0x0] =	vst.idx.msk $0xffff, v3;
	v8 =	vld.idx.msk [tilespmem:v8+s14+$0x0], $0xffff  }
0x459: {  	[tilespmem:v40+s18+$0x0] =	vst.idx.msk $0xffff, v1;
	v54 =	vor.u32 v49, v20;
	v52 =	vld.idx.msk [tilespmem:v39+s14+$0x0], $0xffff  }
0x45a: {  	v55 =	vor.u32 v53, v19;
	[tilespmem:v47+s18+$0x0] =	vst.idx.msk $0xffff, v46;
	v7 =	vld.idx.msk [tilespmem:v41+s14+$0x0], $0xffff  }
0x45b: {  	v61 =	vor.u32 v63, v27;
	[tilespmem:v42+s18+$0x0] =	vst.idx.msk $0xffff, v5;
	v63 =	vld.idx.msk [tilespmem:v50+s14+$0x0], $0xffff  }
0x45c: {  	p2 =	por p1, p1;
	v59 =	vor.u32 v49, v32;
	v57 =	vld.idx.msk [tilespmem:v43+s14+$0x0], $0xffff;
	[tilespmem:v4+s18+$0x0] =	vst.idx.msk $0xffff, v48  }
.Ltmp7:
0x45d: {  	[tilespmem:v51+s18+$0x0] =	vst.idx.msk $0xffff, v8;
	(pc) =	sbr.rel @p2 .LBB2_8-.Ltmp7, $4  }
0x45e: {  	[tilespmem:v54+s18+$0x0] =	vst.idx.msk $0xffff, v52  }
0x45f: {  	[tilespmem:v55+s18+$0x0] =	vst.idx.msk $0xffff, v7  }
0x460: {  	[tilespmem:v61+s18+$0x0] =	vst.idx.msk $0xffff, v63  }
0x461: {  	p1 =	por $0x0, $0x0;
	s25 =	simm.s32 $0x8;
	v27 =	vlaneseq.u32;
	[tilespmem:v59+s18+$0x0] =	vst.idx.msk $0xffff, v57  }
0x462: {  	s23 =	sadd.s32 $0x3, s23  }
0x463: {  	p1 =	sge.u32 s23, s7  }
0x464: {  	s23 =	sadd.s32 @!p1 s5, s23  }
0x465: {  	s23 =	sshll.u32 @!p1 s23, $0x7  }
0x466: {  	s25 =	simm.s32 @!p1 $0x400;
	s23 =	sand.u32 @!p1 $0x1FFFFF80, s23  }
0x467: {  	s26 =	simm.s32 @!p1 $0x7A1400;
	s28 =	simm.s32 @!p1 $0x2000;
	s23 =	sadd.s32 @!p1 s0, s23  }
0x468: {  	[tilespmem:s28], [sflag:$0x2] =	stream.strided.gather @!p1 [hbm4b:s23+s25], $0x2000, s26, s25, $0x38;
	[tilespmem:$0x8000] =	vst v63  }
.Ltmp8:
0x469: {  	s31 =	sadd.s32 s5, s24;
	(pc) =	sbr.rel .LBB2_10-.Ltmp8, $4  }
0x46a: {  	s23 =	sshll.u32 s31, $0xA  }
0x46b: {  	s23 =	sand.u32 $0x1FFFFC00, s23  }
0x46c: {  	s23 =	sadd.s32 s6, s23  }
0x46d: {  	[hbm4b:s23+s4] =	stream.linear.scatter [tilespmem:s18], [sflag:$0x4], $0x2000, $0x38;
	[tilespmem:$0x8000] =	vst v63  }
.LBB2_12:
0x46e: {  	_ =	sfence.sel $0x180000  }
0x46f: {  	[bflag:$0x0] =	sbarrier.arrive $0xFFFF  }
0x470: {  	p0 =	sne.s32 s1, $0x0;
	_ =	strace $0x90000047  }
0x471: {  	s0 =	sadd.s32 @!p0 $0x100000, s3;
	[bflag:$0x2] =	sbarrier.arrive $0xFFFF  }
0x472: {  	[sflag:s0] =	ssyncadd.tile.s32 @!p0 $0x1;
	_ =	shalt  }
.Lfunc_end2:
_tile_overlayer_lowered:
.L_overlay_start_2:
0x473: {  	(tag) =	ssettag $0x2  }
0x474: {  	s0 =	rddreg [dreg:$0x0];
	s2 =	stileid.u32  }
0x475: {  	s1 =	rddreg [dreg:$0x1];
	p0 =	sne.s32 s2, $0x0  }
0x476: {  	s3 =	rddreg [dreg:$0x2];
	[bflag:$0x3] =	sbarrier.arrive $0xFFFF;
	s2 =	simm.s32 @!p0 $0x1C05  }
0x477: {  	[timem:s3], [sflag:s2] =	dma.local @!p0 [hbm:s0], s1  }
0x478: {  	s0 =	simm.s32 @!p0 $0x5  }
0x479: {  	_ =	swait.ge @!p0 [sflag:s0], s1  }
0x47a: {  	s1 =	ssub.s32 @!p0 $0x0, s1;
	[sflag:s0] =	ssyncset.done @!p0 $0x0  }
0x47b: {  	[sflag:s0] =	ssyncadd.s32 @!p0 s1  }
0x47c: {  	[bflag:$0x3] =	sbarrier.arrive $0xFFFF  }
0x47d: {  	_ =	shalt  }

// kernel: kernel.7.cloned.1.call-start
scs
__scs_entry_jumppad:
0x0: {  	(pc) =	sbr.rel $0x88, $3  }
0x1: {  	(tag) =	ssettag $0x0;
	lr =	simm.s32 $0x1  }
0x2: {  	[smem:$0x3F9F] =	sst lr;
	_ =	strace $0xD0000000  }
0x3: {  	_ = 	snop  }
0x4: {  	_ = 	snop  }
0x5: {  	_ = 	snop  }
0x6: {  	_ = 	snop  }
0x7: {  	_ = 	snop  }
__scs_overlays_trampoline_lowered:
0x8: {  	[smem:$0x3FAE] =	sst s0  }
0x9: {  	[smem:$0x3FAF] =	sst s1  }
0xa: {  	[smem:$0x3FB0] =	sst s2  }
0xb: {  	[smem:$0x3FB1] =	sst s3  }
0xc: {  	[smem:$0x3FB2] =	sst s4  }
0xd: {  	[smem:$0x3FB3] =	sst s5  }
0xe: {  	[smem:$0x3FB4] =	sst s6  }
0xf: {  	[smem:$0x3FB5] =	sst s7  }
0x10: {  	[smem:$0x3FB6] =	sst s8  }
0x11: {  	[smem:$0x3FB7] =	sst s9;
	s0 =	simm.s32 @!p0 $0x0  }
0x12: {  	s1 =	sld [smem:$0x3F9D];
	s0 =	simm.s32 @p0 $0x1  }
0x13: {  	[smem:$0x3FB8] =	sst s0;
	s0 =	simm.s32 @!p1 $0x0  }
0x14: {  	s2 =	sld [smem:$0x3F9C];
	s0 =	simm.s32 @p1 $0x1  }
0x15: {  	[smem:$0x3FB9] =	sst s0;
	s0 =	simm.s32 @!p2 $0x0  }
0x16: {  	s3 =	sld [smem:$0x3FDB];
	s0 =	simm.s32 @p2 $0x1  }
0x17: {  	s4 =	simm.s32 $0x1BF5;
	[smem:$0x3FBB] =	sst s0  }
0x18: {  	s0 =	sld [smem:$0x3F9E];
	_ =	swait.ge [sflag:s4], $0x0  }
0x19: {  	s7 =	sld [smem:$0x3F9F]  }
0x1a: {  	s8 =	sadd.s32 $0xFFFFE003, lr  }
0x1b: {  	s9 =	sadd.s32 $0xFFFFFEF7, lr;
	s5 =	simm.s32 $0xFFFFFFFF;
	p2 =	slt.u32 s8, $0xFFFFF086  }
0x1c: {  	p1 =	slt.u32 s9, $0xF7A;
	s5 =	simm.s32 @!p2 $0x0  }
0x1d: {  	s5 =	simm.s32 @p1 $0x1;
	p0 =	seq.s32 s7, s2  }
0x1e: {  	s7 =	smul.u32 @!p0 $0xF7A, s2;
	p2 =	seq.s32 @!p0 s5, $0x0  }
0x1f: {  	s9 =	smul.u32 $0xF7A, s1;
	s8 =	simm.s32 @!p0 $0x1BF5;
	p2 =	por !p2, p0  }
0x20: {  	[sflag:s8] =	ssyncset.s32 @!p0 $0xFFFFF086;
	s6 =	sadd.s32 @!p0 s3, s7;
	s7 =	simm.s32 @!p0 $0x108  }
0x21: {  	s3 =	sadd.s32 s3, s9;
	s6 =	sadd.s32 @!p0 $0x88, s6;
	s7 =	simm.s32 @p2 $0x1082  }
0x22: {  	[simem:s7], [sflag:s8] =	dma.local @!p0 [hbm:s6], $0xF7A  }
0x23: {  	s9 =	sor.u32 $0xD0000000, s2;
	s6 =	simm.s32 $0x108;
	_ =	swait.ge @!p0 [sflag:s8], $0x0  }
0x24: {  	s3 =	sadd.s32 $0x88, s3;
	s6 =	simm.s32 @!p1 $0x1082;
	[sflag:s4] =	ssyncset.s32 $0xFFFFF086  }
0x25: {  	[simem:s6], [sflag:s4] =	dma.local [hbm:s3], $0xF7A  }
0x26: {  	[smem:$0x3F9F] =	sst s1;
	(tag) =	ssettag s2;
	_ =	strace s9  }
0x27: {  	s1 =	sld [smem:$0x3FAF]  }
0x28: {  	s2 =	sld [smem:$0x3FB0]  }
0x29: {  	s4 =	sld [smem:$0x3FB2]  }
0x2a: {  	p0 =	seq.s32 s5, $0x0;
	s5 =	sld [smem:$0x3FB3]  }
0x2b: {  	s6 =	sld [smem:$0x3FB4]  }
0x2c: {  	s7 =	sld [smem:$0x3FB5]  }
0x2d: {  	s3 =	simm.s32 $0x108;
	s8 =	sld [smem:$0x3FB6]  }
0x2e: {  	s3 =	simm.s32 @!p0 $0x1082;
	s9 =	sld [smem:$0x3FB7]  }
0x2f: {  	lr =	sadd.s32 s0, s3;
	s0 =	sld [smem:$0x3FAE]  }
0x30: {  	s3 =	sld [smem:$0x3FB1]  }
0x31: {  	[smem:$0x3FBA] =	sst s10  }
0x32: {  	s10 =	sld [smem:$0x3FB8];
	_ =	sdelay $0x3  }
0x33: {  	p0 =	seq.s32 s10, $0x1;
	s10 =	sld [smem:$0x3FBA];
	_ =	sdelay $0x3  }
0x34: {  	[smem:$0x3FBA] =	sst s10  }
0x35: {  	s10 =	sld [smem:$0x3FB9];
	_ =	sdelay $0x3  }
0x36: {  	p1 =	seq.s32 s10, $0x1;
	s10 =	sld [smem:$0x3FBA];
	_ =	sdelay $0x3  }
0x37: {  	[smem:$0x3FBA] =	sst s10  }
0x38: {  	s10 =	sld [smem:$0x3FBB]  }
0x39: {  	_ = 	snop;
	(pc) =	sbr.ind lr, $3  }
0x3a: {  	_ = 	snop  }
0x3b: {  	_ = 	snop  }
0x3c: {  	p2 =	seq.s32 s10, $0x1;
	s10 =	sld [smem:$0x3FBA]  }
0x3d: {  	_ =	shalt  }
0x3e: {  	_ =	shalt  }
0x3f: {  	_ =	shalt  }
0x40: {  	_ =	shalt  }
0x41: {  	_ =	shalt  }
0x42: {  	_ =	shalt  }
0x43: {  	_ =	shalt  }
0x44: {  	_ =	shalt  }
0x45: {  	_ =	shalt  }
0x46: {  	_ =	shalt  }
0x47: {  	_ =	shalt  }
0x48: {  	_ =	shalt  }
0x49: {  	_ =	shalt  }
0x4a: {  	_ =	shalt  }
0x4b: {  	_ =	shalt  }
0x4c: {  	_ =	shalt  }
0x4d: {  	_ =	shalt  }
0x4e: {  	_ =	shalt  }
0x4f: {  	_ =	shalt  }
0x50: {  	_ =	shalt  }
0x51: {  	_ =	shalt  }
0x52: {  	_ =	shalt  }
0x53: {  	_ =	shalt  }
0x54: {  	_ =	shalt  }
0x55: {  	_ =	shalt  }
0x56: {  	_ =	shalt  }
0x57: {  	_ =	shalt  }
0x58: {  	_ =	shalt  }
0x59: {  	_ =	shalt  }
0x5a: {  	_ =	shalt  }
0x5b: {  	_ =	shalt  }
0x5c: {  	_ =	shalt  }
0x5d: {  	_ =	shalt  }
0x5e: {  	_ =	shalt  }
0x5f: {  	_ =	shalt  }
0x60: {  	_ =	shalt  }
0x61: {  	_ =	shalt  }
0x62: {  	_ =	shalt  }
0x63: {  	_ =	shalt  }
0x64: {  	_ =	shalt  }
0x65: {  	_ =	shalt  }
0x66: {  	_ =	shalt  }
0x67: {  	_ =	shalt  }
0x68: {  	_ =	shalt  }
0x69: {  	_ =	shalt  }
0x6a: {  	_ =	shalt  }
0x6b: {  	_ =	shalt  }
0x6c: {  	_ =	shalt  }
0x6d: {  	_ =	shalt  }
0x6e: {  	_ =	shalt  }
0x6f: {  	_ =	shalt  }
0x70: {  	_ =	shalt  }
0x71: {  	_ =	shalt  }
0x72: {  	_ =	shalt  }
0x73: {  	_ =	shalt  }
0x74: {  	_ =	shalt  }
0x75: {  	_ =	shalt  }
0x76: {  	_ =	shalt  }
0x77: {  	_ =	shalt  }
0x78: {  	_ =	shalt  }
0x79: {  	_ =	shalt  }
0x7a: {  	_ =	shalt  }
0x7b: {  	_ =	shalt  }
0x7c: {  	_ =	shalt  }
0x7d: {  	_ =	shalt  }
0x7e: {  	_ =	shalt  }
0x7f: {  	_ =	shalt  }
0x80: {  	_ =	shalt  }
0x81: {  	_ =	shalt  }
0x82: {  	_ =	shalt  }
0x83: {  	_ =	shalt  }
0x84: {  	_ =	shalt  }
0x85: {  	_ =	shalt  }
0x86: {  	_ =	shalt  }
0x87: {  	_ =	shalt  }
.Lfunc_end0:
.L_simem_size_0:
called_computation.1_lowered:
.L_overlay_start_0:
0x88: {  	s2 =	sld [smem:$0x3FD9]  }
0x89: {  	s3 =	sld [smem:$0x3FFE];
	_ =	sdelay $0x1  }
0x8a: {  	s1 =	srdreg.scid  }
0x8b: {  	s0 =	sand.u32 $0x1, s1  }
0x8c: {  	s17 =	sshll.u32 s0, $0xA;
	s2 =	sadd.s32 s3, s2  }
0x8d: {  	s2 =	sadd.s32 s2, s17  }
0x8e: {  	[smem:$0x3FC6] =	sst s2  }
0x8f: {  	_ = 	snop  }
0x90: {  	s2 =	sld [smem:$0x3FD0];
	(tm) =	ssettm $0x1  }
0x91: {  	s18 =	sld [smem:$0x3FFB];
	_ =	sdelay $0x3  }
0x92: {  	_ =	strace s18  }
0x93: {  	s3 =	sld [smem:$0x3FFC];
	_ =	sdelay $0x3  }
0x94: {  	_ =	strace s3  }
0x95: {  	s3 =	sld [smem:$0x3FFD];
	_ =	sdelay $0x3  }
0x96: {  	_ =	strace s3  }
0x97: {  	_ =	strace $0x8FFFFFFF  }
0x98: {  	s19 =	sld [smem:$0x3FDB];
	_ =	sdelay $0x1  }
0x99: {  	s4 =	simm.s32 $_scs_section_size  }
0x9a: {  	s5 =	simm.s32 $_size__tile_overlayer_lowered;
	s6 =	simm.s32 $_tile_overlayer_lowered  }
0x9b: {  	s22 =	simm.s32 $0x1BFF;
	s21 =	sshll.u32 s6, $0x1;
	s3 =	sadd.s32 s4, s19  }
0x9c: {  	s7 =	simm.s32 $0x0;
	s20 =	sshll.u32 s5, $0x1;
	s5 =	sadd.s32 s21, s3  }
0x9d: {  	[timem:s7], [sflag:s22] =	dma.local [hbm:s5], s20  }
0x9e: {  	_ =	swait.ge [sflag:s22], s20  }
0x9f: {  	s4 =	ssub.s32 $0x0, s20;
	[sflag:s22] =	ssyncset.done $0x0  }
0xa0: {  	[sflag:s22] =	ssyncadd.s32 s4;
	_ =	sdelay $0x1  }
0xa1: {  	s23 =	simm.s32 $0x1B8B  }
0xa2: {  	_ =	swait.ge [sflag:s23], $0x1  }
0xa3: {  	[sflag:s23] =	ssyncset.done $0x0  }
0xa4: {  	s25 =	simm.s32 $0x1B8E;
	s24 =	sld [smem:$0x3FFE];
	[sflag:s23] =	ssyncadd.s32 $0xFFFFFFFF  }
0xa5: {  	s26 =	simm.s32 $execute0_lowered;
	[smem:$0x3FD2] =	sst s25  }
0xa6: {  	s5 =	sshll.u32 s26, $0x1;
	_ =	strace $0x80000049;
	[dreg:$0x1] =	wrdreg $0xFFFFFFFF  }
0xa7: {  	s28 =	simm.s32 $_size_execute0_lowered;
	s3 =	sadd.s32 s3, s5;
	[dreg:$0x0] =	wrdreg $0x0  }
0xa8: {  	s5 =	sshll.u32 s28, $0x1;
	[dreg:$0x2] =	wrdreg s3  }
0xa9: {  	[dreg:$0x3] =	wrdreg s5  }
0xaa: {  	[dreg:$0x4] =	wrdreg $0xC0  }
0xab: {  	_ =	task [dreg:s7], $0x5FFFF  }
0xac: {  	[dreg:$0x1] =	wrdreg $0xFFFFFFFF  }
0xad: {  	[dreg:$0x0] =	wrdreg $0x60  }
0xae: {  	[dreg:$0x2] =	wrdreg s24  }
0xaf: {  	[dreg:$0x3] =	wrdreg s2  }
0xb0: {  	[dreg:$0x4] =	wrdreg $0x9  }
0xb1: {  	_ =	task.clear_ibuf [dreg:s7], $0x5FFFF;
	_ =	strace $0x90000049  }
0xb2: {  	s29 =	simm.s32 $0x9;
	_ =	strace $0x8000004B  }
0xb3: {  	_ =	swait.ge [sflag:s29], $0x1  }
0xb4: {  	[sflag:s29] =	ssyncadd.s32 $0xFFFFFFFF  }
0xb5: {  	_ =	strace $0x9000004B  }
0xb6: {  	_ =	sfence  }
0xb7: {  	s30 =	sld [smem:$0x0];
	_ =	sdelay $0x2  }
0xb8: {  	s31 =	sshll.u32 s1, $0xD;
	s1 =	sshrl.u32 s1, $0x2  }
0xb9: {  	s3 =	sand.u32 $0x4000, s31;
	s1 =	sadd.s32 s1, s30  }
0xba: {  	s0 =	sor.u32 s3, s0;
	s1 =	sshll.u32 s1, $0x11  }
0xbb: {  	s0 =	sor.u32 s1, s0  }
0xbc: {  	s0 =	sadd.s32 $0x8F2B, s0  }
0xbd: {  	[sflag:s0] =	ssyncadd.remote.s32 $0x1  }
0xbe: {  	_ =	sfence.sel $0xFFFF  }
0xbf: {  	[dreg:$0x0] =	wrdreg $0xFFFFFFFF;
	(pc) =	sbr.abs _section_cstart, $3  }
0xc0: {  	[dreg:$0x1] =	wrdreg $0xFFFFFFFF  }
0xc1: {  	_ =	task.clear_ibuf [dreg:s7], $0x2FFFF;
	_ =	strace $0x9FFFFFFF  }
0xc2: {  	(tm) =	ssettm $0x7FFFFFFF  }
0xc3: {  	_ =	shalt  }
tec
execute0_lowered:
.L_overlay_start_1:
0x0: {  	(tag) =	ssettag $0x1  }
0x1: {  	v0 =	vimm.s32 $0x38F;
	vm14 =	vcmask $0x300  }
0x2: {  	vm13 =	vcmask $0x704;
	vm12 =	vcmask $0xB08;
	vm11 =	vcmask $0xF0C  }
0x3: {  	vm10 =	vcmask $0x1310;
	vm9 =	vcmask $0x1714;
	vm8 =	vcmask $0x1B18  }
0x4: {  	vm7 =	vcmask $0x1F1C;
	vm6 =	vcmask $0x2320;
	vm5 =	vcmask $0x2724  }
0x5: {  	v1 =	vimm.s32 $0x76543210;
	vm4 =	vcmask $0x2B28;
	v29 =	vlaneseq.u32  }
0x6: {  	vm0 =	vcmask $0x2F2C;
	v2 =	vimm.s32 $0xC07;
	vm2 =	vcmask $0x1F00  }
0x7: {  	vm1 =	vcmask $0x3330;
	vm15 =	vcmask $0x3734;
	vm3 =	vcmask $0x3B38  }
0x8: {  	v35 =	vimm.s32 $0x1407;
	v38 =	vimm.s32 $0x1C07;
	v42 =	vimm.s32 $0x3AF  }
0x9: {  	v50 =	vimm.s32 $0x3CF;
	v52 =	vimm.s32 $0x3EF;
	v0 =	vsel vm14, $0x0, v0  }
0xa: {  	v1 =	vunpack.c.l.s4.s8 v1;
	v2 =	vsel vm14, $0x800, v2;
	v37 =	vsel vm14, $0x1000, v35  }
0xb: {  	v41 =	vor.u32 $0x10, v29;
	v46 =	vor.u32 $0x20, v29;
	v45 =	vand.u32 $0x7, v29  }
0xc: {  	v6 =	vor.u32 $0x30, v29;
	v7 =	vor.u32 $0x400, v29;
	v9 =	vor.u32 $0x410, v29  }
0xd: {  	v11 =	vor.u32 $0x420, v29;
	v10 =	vor.u32 $0x430, v29;
	v20 =	vor.u32 $0x800, v29  }
0xe: {  	s4 =	rddreg [dreg:$0x0];
	v21 =	vor.u32 $0x810, v29;
	v22 =	vor.u32 $0x820, v29;
	v23 =	vor.u32 $0x830, v29  }
0xf: {  	s1 =	rddreg [dreg:$0x1];
	s3 =	simm.s32 $0x0;
	v25 =	vor.u32 $0xC00, v29;
	v26 =	vor.u32 $0xC10, v29;
	v27 =	vor.u32 $0xC20, v29  }
0x10: {  	[smem:$0x7FF] =	sst s3;
	v54 =	vor.u32 $0x1420, v29;
	v58 =	vor.u32 $0x1810, v29;
	v59 =	vor.u32 $0x1820, v29  }
0x11: {  	s0 =	rddreg [dreg:$0x2];
	v60 =	vor.u32 $0x1830, v29;
	v55 =	vshrl.u32 v29, $0x3;
	v0 =	vsel vm13, $0x81, v0;
	_ =	strace $0x8000004A;
	[tilespmem:$0x1FCE0] =	vst v54  }
0x12: {  	v2 =	vsel vm13, $0x801, v2;
	v32 =	vmul.u32 $0x80, v45;
	v45 =	vor.u32 $0x1430, v29;
	[tilespmem:$0x1FD10] =	vst v41  }
0x13: {  	v15 =	vmul.u32 $0x400, v55;
	v55 =	vor.u32 $0x1C10, v29;
	v54 =	vor.u32 $0x1C20, v29;
	[tilespmem:$0x1FD30] =	vst v46  }
0x14: {  	[tilespmem:$0x1FD80] =	vst v6;
	v0 =	vsel vm12, $0x102, v0;
	v1 =	vunpack.c.0.s8.s32 v1;
	v2 =	vsel vm12, $0x802, v2  }
0x15: {  	[tilespmem:$0x1FD90] =	vst v9;
	v0 =	vsel vm11, $0x183, v0;
	v2 =	vsel vm11, $0x803, v2;
	v48 =	vor.u32 $0x10, v32  }
0x16: {  	[tilespmem:$0x1FDA0] =	vst v11;
	v19 =	vor.u32 $0x20, v32;
	v24 =	vor.u32 $0x30, v32;
	v0 =	vsel vm10, $0x204, v0  }
0x17: {  	[tilespmem:$0x1FDB0] =	vst v7;
	v57 =	vor.u32 $0x70, v32;
	v16 =	vor.u32 $0x800, v15;
	v0 =	vsel vm9, $0x285, v0  }
0x18: {  	[tilespmem:$0x1FDE0] =	vst v20;
	v62 =	vor.u32 $0x1800, v15;
	v1 =	vnsel vm2, $0x407, v1;
	v0 =	vsel vm8, $0x306, v0  }
0x19: {  	[tilespmem:$0x1FDF0] =	vst v21;
	v2 =	vsel vm10, $0x804, v2;
	v1 =	vsel vm6, $0x400, v1;
	v0 =	vsel vm7, $0x387, v0  }
0x1a: {  	[tilespmem:$0x1FE00] =	vst v22;
	v2 =	vsel vm9, $0x805, v2;
	v1 =	vsel vm5, $0x401, v1;
	v0 =	vsel vm6, $0x8, v0  }
0x1b: {  	[tilespmem:$0x1FE10] =	vst v23;
	v34 =	vsel vm8, $0x806, v2;
	v2 =	vsel vm14, $0x1800, v38;
	v0 =	vsel vm5, $0x89, v0  }
0x1c: {  	[tilespmem:$0x1FE30] =	vst v25;
	v38 =	vor.u32 $0x1010, v29;
	v1 =	vsel vm4, $0x402, v1;
	v0 =	vsel vm4, $0x10A, v0  }
0x1d: {  	[tilespmem:$0x1FE40] =	vst v26;
	v2 =	vsel vm13, $0x1801, v2;
	v1 =	vsel vm0, $0x403, v1;
	v0 =	vsel vm0, $0x18B, v0  }
0x1e: {  	[tilespmem:$0x1FE50] =	vst v27;
	v33 =	vsel vm1, $0x404, v1;
	v1 =	vsel vm7, $0x807, v34;
	v0 =	vsel vm1, $0x20C, v0  }
0x1f: {  	[tilespmem:$0x1FF30] =	vst v59;
	v2 =	vsel vm12, $0x1802, v2;
	v36 =	vsel vm6, $0xC00, v1;
	v0 =	vsel vm15, $0x28D, v0  }
0x20: {  	[tilespmem:$0x1FF40] =	vst v60;
	v1 =	vsel vm13, $0x1001, v37;
	v3 =	vsel vm3, $0x30E, v0;
	v0 =	vsel vm15, $0x405, v33  }
0x21: {  	[tilespmem:$0x1FFE0] =	vst v58;
	v1 =	vsel vm12, $0x1002, v1;
	v28 =	vsel vm3, $0x406, v0;
	v0 =	vsel vm5, $0xC01, v36  }
0x22: {  	[tilespmem:$0x1FFF0] =	vst v10;
	v40 =	vsel vm11, $0x1803, v2;
	v1 =	vsel vm11, $0x1003, v1;
	v0 =	vsel vm4, $0xC02, v0  }
0x23: {  	[tilespmem:$0x1FEF0] =	vst v45;
	v2 =	vsel vm14, $0x20, v42;
	v1 =	vsel vm10, $0x1004, v1;
	v0 =	vsel vm0, $0xC03, v0  }
0x24: {  	[tilespmem:$0x1FF80] =	vst v55;
	v34 =	vor.u32 $0xC30, v29;
	v1 =	vsel vm9, $0x1005, v1;
	v0 =	vsel vm1, $0xC04, v0  }
0x25: {  	[tilespmem:$0x1FF90] =	vst v54;
	v39 =	vsel vm8, $0x1006, v1;
	v1 =	vsel vm10, $0x1804, v40;
	v0 =	vsel vm15, $0xC05, v0  }
0x26: {  	[tilespmem:$0x1FD50] =	vst v32;
	v1 =	vsel vm9, $0x1805, v1;
	v30 =	vsel vm3, $0xC06, v0;
	v0 =	vsel vm7, $0x1007, v39  }
0x27: {  	[tilespmem:$0x1FF70] =	vst v15;
	v2 =	vsel vm13, $0xA1, v2;
	v1 =	vsel vm8, $0x1806, v1;
	v0 =	vsel vm6, $0x1400, v0  }
0x28: {  	[tilespmem:$0x1FD70] =	vst v48;
	v2 =	vsel vm12, $0x122, v2;
	v1 =	vsel vm7, $0x1807, v1;
	v0 =	vsel vm5, $0x1401, v0  }
0x29: {  	[tilespmem:$0x1FDD0] =	vst v19;
	v2 =	vsel vm11, $0x1A3, v2;
	v1 =	vsel vm6, $0x1C00, v1;
	v0 =	vsel vm4, $0x1402, v0  }
0x2a: {  	[tilespmem:$0x1FE20] =	vst v24;
	v2 =	vsel vm10, $0x224, v2;
	v1 =	vsel vm5, $0x1C01, v1;
	v0 =	vsel vm0, $0x1403, v0  }
0x2b: {  	[tilespmem:$0x1FF50] =	vst v57;
	v44 =	vsel vm9, $0x2A5, v2;
	v1 =	vsel vm4, $0x1C02, v1;
	v0 =	vsel vm1, $0x1404, v0  }
0x2c: {  	[tilespmem:$0x1FFB0] =	vst v16;
	v43 =	vsel vm0, $0x1C03, v1;
	v1 =	vsel vm8, $0x326, v44;
	v0 =	vsel vm15, $0x1405, v0  }
0x2d: {  	[tilespmem:$0x1FFD0] =	vst v62;
	v1 =	vsel vm7, $0x3A7, v1;
	v31 =	vsel vm3, $0x1406, v0;
	v0 =	vsel vm1, $0x1C04, v43  }
0x2e: {  	[tilespmem:$0x1FEB0] =	vst v38;
	v42 =	vor.u32 $0x1400, v29;
	v47 =	vsel vm6, $0x28, v1;
	v0 =	vsel vm15, $0x1C05, v0  }
0x2f: {  	[tilespmem:$0x1FE60] =	vst v34;
	v1 =	vsel vm14, $0x40, v50;
	v33 =	vsel vm3, $0x1C06, v0;
	v0 =	vsel vm5, $0xA9, v47  }
0x30: {  	v37 =	vor.u32 $0x1000, v29;
	[tilespmem:$0x1FEE0] =	vst v42;
	v1 =	vsel vm13, $0xC1, v1;
	v0 =	vsel vm4, $0x12A, v0  }
0x31: {  	[tilespmem:$0x1FE90] =	vst v37;
	v36 =	vor.u32 $0x40, v32;
	v1 =	vsel vm12, $0x142, v1;
	v0 =	vsel vm0, $0x1AB, v0  }
0x32: {  	v40 =	vor.u32 $0x50, v32;
	[tilespmem:$0x1FCF0] =	vst v3;
	v1 =	vsel vm11, $0x1C3, v1;
	v0 =	vsel vm1, $0x22C, v0  }
0x33: {  	[tilespmem:$0x1FD00] =	vst v28;
	v51 =	vsel vm10, $0x244, v1;
	v1 =	vsel vm14, $0x60, v52;
	v0 =	vsel vm15, $0x2AD, v0  }
0x34: {  	[tilespmem:$0x1FE80] =	vst v36;
	v1 =	vsel vm13, $0xE1, v1;
	v18 =	vsel vm3, $0x32E, v0;
	v0 =	vsel vm9, $0x2C5, v51  }
0x35: {  	[tilespmem:$0x1FED0] =	vst v40;
	v1 =	vsel vm12, $0x162, v1;
	v0 =	vsel vm8, $0x346, v0  }
0x36: {  	v39 =	vor.u32 $0x1030, v29;
	[tilespmem:$0x1FD20] =	vst v30;
	v1 =	vsel vm11, $0x1E3, v1;
	v0 =	vsel vm7, $0x3C7, v0  }
0x37: {  	[tilespmem:$0x1FEC0] =	vst v39;
	v44 =	vor.u32 $0x1800, v29;
	v1 =	vsel vm10, $0x264, v1;
	v0 =	vsel vm6, $0x48, v0  }
0x38: {  	[tilespmem:$0x1FF60] =	vst v44;
	v1 =	vsel vm9, $0x2E5, v1;
	v0 =	vsel vm5, $0xC9, v0  }
0x39: {  	s5 =	srdreg.scid;
	s2 =	stileid.u32;
	v43 =	vor.u32 $0x1410, v29;
	[tilespmem:$0x1FD40] =	vst v31;
	v1 =	vsel vm8, $0x366, v1;
	v0 =	vsel vm4, $0x14A, v0  }
0x3a: {  	s9 =	simm.s32 $0x80;
	s10 =	simm.s32 $0x1000;
	s11 =	simm.s32 $0x5;
	v52 =	vor.u32 $0x1C30, v29;
	[tilespmem:$0x1FF20] =	vst v43;
	v1 =	vsel vm7, $0x3E7, v1;
	v0 =	vsel vm0, $0x1CB, v0  }
0x3b: {  	s12 =	simm.s32 $0x6400;
	s13 =	simm.s32 $0x8400;
	s15 =	simm.s32 $0xA400;
	[tilespmem:$0x1FFA0] =	vst v52;
	v1 =	vsel vm6, $0x68, v1;
	v0 =	vsel vm1, $0x24C, v0  }
0x3c: {  	s14 =	simm.s32 $0x1;
	s16 =	simm.s32 $0x400;
	s17 =	simm.s32 $0x8000;
	v47 =	vor.u32 $0x1020, v29;
	[tilespmem:$0x1FD60] =	vst v33;
	v53 =	vsel vm5, $0xE9, v1;
	v0 =	vsel vm15, $0x2CD, v0  }
0x3d: {  	s18 =	simm.s32 $0x2;
	s19 =	simm.s32 $0xC400;
	s20 =	simm.s32 $0x3;
	[tilespmem:$0x1FEA0] =	vst v47;
	v35 =	vsel vm3, $0x34E, v0;
	v0 =	vsel vm4, $0x16A, v53  }
0x3e: {  	s21 =	simm.s32 $0x4;
	s5 =	sand.u32 $0x1, s5;
	s6 =	sshll.u32 s2, $0x1;
	v51 =	vor.u32 $0x60, v32;
	[tilespmem:$0x1FDC0] =	vst v18;
	v0 =	vsel vm0, $0x1EB, v0  }
0x3f: {  	s22 =	simm.s32 $0x0;
	s6 =	sor.u32 s5, s6;
	s5 =	ssub.s32 $0x2, s5;
	[tilespmem:$0x1FF10] =	vst v51;
	v0 =	vsel vm1, $0x26C, v0  }
0x40: {  	s7 =	sshll.u32 s6, $0x4;
	s8 =	sshrl.u32 s5, $0x1;
	s6 =	sshll.u32 s6, $0x7;
	v53 =	vor.u32 $0x1000, v15;
	[tilespmem:$0x1FE70] =	vst v35;
	v0 =	vsel vm15, $0x2ED, v0  }
0x41: {  	s7 =	sadd.s32 s7, s4;
	s4 =	sadd.s32 $0xA00, s4;
	s8 =	ssub.s32 s5, s8;
	[tilespmem:$0x1FFC0] =	vst v53;
	v49 =	vsel vm3, $0x36E, v0  }
0x42: {  	v63 =	vor.u32 $0x1C00, v29;
	s5 =	sadd.s32 $0x7A1C00, s7;
	s7 =	sadd.s32 $0x8000, s1;
	s8 =	smax.u32 s8, $0x1;
	[tilespmem:$0x1FF00] =	vst v49  }
.LBB2_1:
0x43: {  	[tilespmem:s3], [sflag:$0x5] =	stream.strided.gather [hbm4b:s5+s9], $0x6400, s10, s9, $0x38;
	[tilespmem:$0xE400] =	vst v63  }
0x44: {  	_ =	swait.ge [sflag:s11], $0x6400  }
0x45: {  	[sflag:s11] =	ssyncset.done $0x0  }
0x46: {  	[sflag:s11] =	ssyncadd.s32 $0xFFFF9C00  }
0x47: {  	[tilespmem:s12], [sflag:$0x1] =	stream.indirect.gather [hbm4b:s4+s9], $0x40, s3, s9, $0xb8;
	[tilespmem:$0xE400] =	vst v63  }
0x48: {  	s23 =	simm.s32 $0x0  }
0x49: {  	[tilespmem:s13], [sflag:$0x2] =	stream.indirect.gather [hbm4b:s4+s9], $0x40, s9, s9, $0xb8;
	[tilespmem:$0xE400] =	vst v63  }
.LBB2_2:
0x4a: {  	_ =	swait.ge [sflag:s14], $0x2000  }
0x4b: {  	p0 =	seq.s32 s23, $0x0;
	[sflag:s14] =	ssyncset.done $0x0  }
0x4c: {  	s24 =	simm.s32 @!p0 $0x3;
	[sflag:s14] =	ssyncadd.s32 $0xFFFFE000  }
0x4d: {  	_ =	swait.ge @!p0 [sflag:s24], $0x2000  }
0x4e: {  	s25 =	sshll.u32 s23, $0x10;
	[sflag:s24] =	ssyncset.done @!p0 $0x0  }
0x4f: {  	p1 =	por $0x1, $0x1;
	[sflag:s24] =	ssyncadd.s32 @!p0 $0xFFFFE000;
	s24 =	simm.s32 $0x0  }
.LBB2_3:
0x50: {  	v1 =	vadd.s32 s24, v29  }
0x51: {  	v3 =	vld [tilespmem:$0x1FCF0];
	v0 =	vshll.u32 v1, $0x6  }
0x52: {  	v8 =	vand.u32 $0x3C0, v0  }
0x53: {  	v2 =	vor.u32 v29, v8;
	_ =	sdelay $0x2  }
0x54: {  	v3 =	vadd.s32 s24, v3  }
0x55: {  	v3 =	vand.u32 $0x388, v3  }
0x56: {  	v4 =	vor.u32 v28, v3;
	v2 =	vld.idx.msk [tilespmem:v2+s12+$0x0], $0xffff  }
0x57: {  	v5 =	vor.u32 v41, v8;
	_ =	sdelay $0x3  }
0x58: {  	[tilespmem:v4+s15+$0x0] =	vst.idx.msk $0xffff, v2  }
0x59: {  	v4 =	vor.u32 v30, v3;
	v2 =	vld.idx.msk [tilespmem:v5+s12+$0x0], $0xffff  }
0x5a: {  	v5 =	vor.u32 v46, v8;
	_ =	sdelay $0x3  }
0x5b: {  	[tilespmem:v4+s15+$0x0] =	vst.idx.msk $0xffff, v2  }
0x5c: {  	v4 =	vor.u32 v31, v3;
	v2 =	vld.idx.msk [tilespmem:v5+s12+$0x0], $0xffff  }
0x5d: {  	v5 =	vor.u32 v6, v8;
	_ =	sdelay $0x3  }
0x5e: {  	[tilespmem:v4+s15+$0x0] =	vst.idx.msk $0xffff, v2  }
0x5f: {  	v3 =	vor.u32 v33, v3;
	v2 =	vld.idx.msk [tilespmem:v5+s12+$0x0], $0xffff  }
0x60: {  	v4 =	vor.u32 v7, v0;
	_ =	sdelay $0x2  }
0x61: {  	v5 =	vor.u32 v48, v1  }
0x62: {  	v10 =	vand.u32 $0x398, v5;
	[tilespmem:v3+s15+$0x0] =	vst.idx.msk $0xffff, v2  }
0x63: {  	v56 =	vor.u32 v28, v10;
	v2 =	vld.idx.msk [tilespmem:v4+s12+$0x0], $0xffff  }
0x64: {  	v4 =	vor.u32 v9, v0  }
0x65: {  	s26 =	sor.u32 $0x1, s24  }
0x66: {  	v6 =	vadd.s32 s26, v29  }
0x67: {  	v9 =	vand.u32 $0xF, v6  }
0x68: {  	[tilespmem:v56+s15+$0x0] =	vst.idx.msk $0xffff, v2;
	v2 =	vshll.u32 v9, $0x6  }
0x69: {  	v5 =	vor.u32 v11, v0;
	v3 =	vld.idx.msk [tilespmem:v4+s12+$0x0], $0xffff;
	v4 =	vor.u32 v30, v10;
	v11 =	vor.u32 v29, v2;
	_ =	sdelay $0x2  }
0x6a: {  	v12 =	vand.u32 $0x7, v6;
	v57 =	vor.u32 v32, v9  }
0x6b: {  	v7 =	vor.u32 v15, v12;
	v14 =	vand.u32 $0x388, v57  }
0x6c: {  	[tilespmem:v4+s15+$0x0] =	vst.idx.msk $0xffff, v3;
	v61 =	vld.idx.msk [tilespmem:v11+s12+$0x0], $0xffff;
	v4 =	vor.u32 v14, v7  }
0x6d: {  	v11 =	vor.u32 v41, v2;
	_ =	sdelay $0x3  }
0x6e: {  	v13 =	vld.idx.msk [tilespmem:v5+s12+$0x0], $0xffff;
	v5 =	vor.u32 v16, v12;
	[tilespmem:v4+s15+$0x0] =	vst.idx.msk $0xffff, v61  }
0x6f: {  	v4 =	vor.u32 v14, v5;
	v3 =	vld.idx.msk [tilespmem:v11+s12+$0x0], $0xffff  }
0x70: {  	v11 =	vor.u32 v46, v2;
	_ =	sdelay $0x1  }
0x71: {  	v15 =	vld [tilespmem:$0x1FD80];
	_ =	sdelay $0x1  }
0x72: {  	[tilespmem:v4+s15+$0x0] =	vst.idx.msk $0xffff, v3;
	v4 =	vor.u32 v53, v12  }
0x73: {  	v3 =	vld.idx.msk [tilespmem:v11+s12+$0x0], $0xffff;
	v11 =	vor.u32 v14, v4;
	_ =	sdelay $0x1  }
0x74: {  	v15 =	vor.u32 v15, v2;
	_ =	sdelay $0x2  }
0x75: {  	[tilespmem:v11+s15+$0x0] =	vst.idx.msk $0xffff, v3;
	v3 =	vor.u32 v62, v12  }
0x76: {  	v12 =	vor.u32 v14, v3;
	v14 =	vld [tilespmem:$0x1FDB0]  }
0x77: {  	v11 =	vld.idx.msk [tilespmem:v15+s12+$0x0], $0xffff;
	_ =	sdelay $0x3  }
0x78: {  	v15 =	vor.u32 v48, v6;
	v14 =	vor.u32 v14, v2  }
0x79: {  	[tilespmem:v12+s15+$0x0] =	vst.idx.msk $0xffff, v11;
	v11 =	vand.u32 $0x398, v15;
	v15 =	vld [tilespmem:$0x1FD90];
	_ =	sdelay $0x3  }
0x7a: {  	v12 =	vld.idx.msk [tilespmem:v14+s12+$0x0], $0xffff;
	v14 =	vor.u32 v11, v7  }
0x7b: {  	v15 =	vor.u32 v15, v2;
	_ =	sdelay $0x3  }
0x7c: {  	[tilespmem:v14+s15+$0x0] =	vst.idx.msk $0xffff, v12  }
0x7d: {  	v12 =	vld.idx.msk [tilespmem:v15+s12+$0x0], $0xffff  }
0x7e: {  	v15 =	vld [tilespmem:$0x1FDA0];
	_ =	sdelay $0x3  }
0x7f: {  	v17 =	vld [tilespmem:$0x1FFF0];
	v14 =	vor.u32 v11, v5  }
0x80: {  	v15 =	vor.u32 v15, v2;
	_ =	sdelay $0x2  }
0x81: {  	v16 =	vor.u32 v31, v10  }
0x82: {  	v17 =	vor.u32 v17, v0;
	[tilespmem:v14+s15+$0x0] =	vst.idx.msk $0xffff, v12  }
0x83: {  	v12 =	vld.idx.msk [tilespmem:v15+s12+$0x0], $0xffff  }
0x84: {  	v15 =	vld [tilespmem:$0x1FFF0];
	_ =	sdelay $0x1  }
0x85: {  	[tilespmem:v16+s15+$0x0] =	vst.idx.msk $0xffff, v13  }
0x86: {  	v10 =	vor.u32 v33, v10;
	v13 =	vld.idx.msk [tilespmem:v17+s12+$0x0], $0xffff  }
0x87: {  	v16 =	vor.u32 v20, v8;
	v14 =	vor.u32 v11, v4  }
0x88: {  	v15 =	vor.u32 v15, v2;
	_ =	sdelay $0x1  }
0x89: {  	v17 =	vadd.s32 s24, v18  }
0x8a: {  	[tilespmem:v10+s15+$0x0] =	vst.idx.msk $0xffff, v13;
	v10 =	vand.u32 $0x3A8, v17  }
0x8b: {  	v13 =	vld.idx.msk [tilespmem:v16+s12+$0x0], $0xffff;
	v16 =	vor.u32 v28, v10;
	[tilespmem:v14+s15+$0x0] =	vst.idx.msk $0xffff, v12  }
0x8c: {  	v17 =	vor.u32 v21, v8;
	v11 =	vor.u32 v11, v3;
	v12 =	vld.idx.msk [tilespmem:v15+s12+$0x0], $0xffff  }
0x8d: {  	v14 =	vor.u32 v20, v2;
	_ =	sdelay $0x2  }
0x8e: {  	[tilespmem:v16+s15+$0x0] =	vst.idx.msk $0xffff, v13;
	v16 =	vor.u32 v19, v9  }
0x8f: {  	v13 =	vld.idx.msk [tilespmem:v17+s12+$0x0], $0xffff;
	v15 =	vor.u32 v30, v10;
	[tilespmem:v11+s15+$0x0] =	vst.idx.msk $0xffff, v12;
	v11 =	vand.u32 $0x3A8, v16  }
0x90: {  	v17 =	vor.u32 v22, v8;
	v12 =	vld.idx.msk [tilespmem:v14+s12+$0x0], $0xffff;
	v14 =	vor.u32 v11, v7  }
0x91: {  	v16 =	vor.u32 v21, v2;
	_ =	sdelay $0x2  }
0x92: {  	[tilespmem:v15+s15+$0x0] =	vst.idx.msk $0xffff, v13  }
0x93: {  	v15 =	vor.u32 v31, v10;
	v13 =	vld.idx.msk [tilespmem:v17+s12+$0x0], $0xffff;
	[tilespmem:v14+s15+$0x0] =	vst.idx.msk $0xffff, v12  }
0x94: {  	v17 =	vor.u32 v23, v8;
	v14 =	vor.u32 v11, v5;
	v12 =	vld.idx.msk [tilespmem:v16+s12+$0x0], $0xffff  }
0x95: {  	v16 =	vor.u32 v22, v2;
	_ =	sdelay $0x2  }
0x96: {  	[tilespmem:v15+s15+$0x0] =	vst.idx.msk $0xffff, v13  }
0x97: {  	v10 =	vor.u32 v33, v10;
	v13 =	vld.idx.msk [tilespmem:v17+s12+$0x0], $0xffff;
	[tilespmem:v14+s15+$0x0] =	vst.idx.msk $0xffff, v12  }
0x98: {  	v15 =	vor.u32 v25, v0;
	v14 =	vor.u32 v11, v4;
	v12 =	vld.idx.msk [tilespmem:v16+s12+$0x0], $0xffff  }
0x99: {  	v16 =	vor.u32 v23, v2;
	_ =	sdelay $0x1  }
0x9a: {  	v17 =	vor.u32 v24, v1  }
0x9b: {  	[tilespmem:v10+s15+$0x0] =	vst.idx.msk $0xffff, v13;
	v10 =	vand.u32 $0x3B8, v17  }
0x9c: {  	v13 =	vld.idx.msk [tilespmem:v15+s12+$0x0], $0xffff;
	v15 =	vor.u32 v28, v10;
	[tilespmem:v14+s15+$0x0] =	vst.idx.msk $0xffff, v12  }
0x9d: {  	v17 =	vor.u32 v26, v0;
	v11 =	vor.u32 v11, v3;
	v12 =	vld.idx.msk [tilespmem:v16+s12+$0x0], $0xffff  }
0x9e: {  	v14 =	vor.u32 v25, v2;
	_ =	sdelay $0x2  }
0x9f: {  	[tilespmem:v15+s15+$0x0] =	vst.idx.msk $0xffff, v13;
	v16 =	vor.u32 v24, v6  }
0xa0: {  	v15 =	vor.u32 v30, v10;
	v13 =	vld.idx.msk [tilespmem:v17+s12+$0x0], $0xffff;
	[tilespmem:v11+s15+$0x0] =	vst.idx.msk $0xffff, v12;
	v11 =	vand.u32 $0x3B8, v16  }
0xa1: {  	v17 =	vor.u32 v27, v0;
	v12 =	vld.idx.msk [tilespmem:v14+s12+$0x0], $0xffff;
	v14 =	vor.u32 v11, v7  }
0xa2: {  	v16 =	vor.u32 v26, v2;
	_ =	sdelay $0x2  }
0xa3: {  	[tilespmem:v15+s15+$0x0] =	vst.idx.msk $0xffff, v13  }
0xa4: {  	v15 =	vor.u32 v31, v10;
	v13 =	vld.idx.msk [tilespmem:v17+s12+$0x0], $0xffff;
	[tilespmem:v14+s15+$0x0] =	vst.idx.msk $0xffff, v12  }
0xa5: {  	v17 =	vor.u32 v34, v0;
	v14 =	vor.u32 v11, v5;
	v12 =	vld.idx.msk [tilespmem:v16+s12+$0x0], $0xffff  }
0xa6: {  	v16 =	vor.u32 v27, v2;
	_ =	sdelay $0x2  }
0xa7: {  	[tilespmem:v15+s15+$0x0] =	vst.idx.msk $0xffff, v13  }
0xa8: {  	v10 =	vor.u32 v33, v10;
	v13 =	vld.idx.msk [tilespmem:v17+s12+$0x0], $0xffff;
	[tilespmem:v14+s15+$0x0] =	vst.idx.msk $0xffff, v12  }
0xa9: {  	v15 =	vor.u32 v37, v8;
	v14 =	vor.u32 v11, v4;
	v12 =	vld.idx.msk [tilespmem:v16+s12+$0x0], $0xffff  }
0xaa: {  	v16 =	vor.u32 v34, v2;
	_ =	sdelay $0x2  }
0xab: {  	s30 =	sor.u32 $0x2, s24;
	[tilespmem:v10+s15+$0x0] =	vst.idx.msk $0xffff, v13  }
0xac: {  	v24 =	vadd.s32 s30, v29;
	v13 =	vld.idx.msk [tilespmem:v15+s12+$0x0], $0xffff;
	[tilespmem:v14+s15+$0x0] =	vst.idx.msk $0xffff, v12  }
0xad: {  	v11 =	vor.u32 v11, v3;
	v15 =	vand.u32 $0xF, v24;
	v12 =	vld.idx.msk [tilespmem:v16+s12+$0x0], $0xffff  }
0xae: {  	v21 =	vld [tilespmem:$0x1FF70];
	v52 =	vshll.u32 v15, $0x6  }
0xaf: {  	v17 =	vadd.s32 s24, v35;
	v16 =	vor.u32 v29, v52  }
0xb0: {  	v10 =	vand.u32 $0x3C8, v17  }
0xb1: {  	v18 =	vor.u32 v38, v8;
	v19 =	vor.u32 v36, v9;
	v17 =	vor.u32 v28, v10  }
0xb2: {  	[tilespmem:v11+s15+$0x0] =	vst.idx.msk $0xffff, v12;
	v11 =	vand.u32 $0x3C8, v19;
	v12 =	vor.u32 v32, v15;
	v19 =	vand.u32 $0x7, v24  }
0xb3: {  	v14 =	vor.u32 v37, v2;
	v12 =	vand.u32 $0x388, v12;
	v57 =	vor.u32 v21, v19  }
0xb4: {  	v16 =	vld.idx.msk [tilespmem:v16+s12+$0x0], $0xffff;
	v22 =	vor.u32 v12, v57;
	_ =	sdelay $0x1  }
0xb5: {  	[tilespmem:v17+s15+$0x0] =	vst.idx.msk $0xffff, v13  }
0xb6: {  	v17 =	vor.u32 v30, v10;
	v13 =	vld.idx.msk [tilespmem:v18+s12+$0x0], $0xffff  }
0xb7: {  	v18 =	vor.u32 v47, v8;
	v14 =	vld.idx.msk [tilespmem:v14+s12+$0x0], $0xffff;
	v20 =	vor.u32 v11, v7  }
0xb8: {  	v21 =	vor.u32 v38, v2;
	[tilespmem:v22+s15+$0x0] =	vst.idx.msk $0xffff, v16;
	v16 =	vld [tilespmem:$0x1FFB0]  }
0xb9: {  	v23 =	vor.u32 v41, v52;
	_ =	sdelay $0x1  }
0xba: {  	[tilespmem:v17+s15+$0x0] =	vst.idx.msk $0xffff, v13  }
0xbb: {  	v13 =	vld.idx.msk [tilespmem:v18+s12+$0x0], $0xffff;
	[tilespmem:v20+s15+$0x0] =	vst.idx.msk $0xffff, v14  }
0xbc: {  	v17 =	vor.u32 v31, v10;
	v14 =	vld.idx.msk [tilespmem:v21+s12+$0x0], $0xffff;
	v55 =	vor.u32 v16, v19  }
0xbd: {  	v18 =	vor.u32 v39, v8;
	v21 =	vld.idx.msk [tilespmem:v23+s12+$0x0], $0xffff;
	v22 =	vor.u32 v12, v55  }
0xbe: {  	v20 =	vor.u32 v11, v5;
	v23 =	vor.u32 v46, v52;
	_ =	sdelay $0x2  }
0xbf: {  	[tilespmem:v17+s15+$0x0] =	vst.idx.msk $0xffff, v13  }
0xc0: {  	v13 =	vld.idx.msk [tilespmem:v18+s12+$0x0], $0xffff;
	v16 =	vor.u32 v47, v2;
	[tilespmem:v22+s15+$0x0] =	vst.idx.msk $0xffff, v21  }
0xc1: {  	v10 =	vor.u32 v33, v10;
	[tilespmem:v20+s15+$0x0] =	vst.idx.msk $0xffff, v14;
	v20 =	vld.idx.msk [tilespmem:v23+s12+$0x0], $0xffff  }
0xc2: {  	v17 =	vor.u32 v42, v0;
	v23 =	vld [tilespmem:$0x1FD80];
	_ =	sdelay $0x2  }
0xc3: {  	v54 =	vor.u32 v53, v19;
	v14 =	vld.idx.msk [tilespmem:v16+s12+$0x0], $0xffff;
	v16 =	vor.u32 v11, v4;
	v22 =	vor.u32 v40, v1  }
0xc4: {  	v18 =	vor.u32 v39, v2;
	[tilespmem:v10+s15+$0x0] =	vst.idx.msk $0xffff, v13;
	v21 =	vor.u32 v12, v54;
	v10 =	vand.u32 $0x3D8, v22  }
0xc5: {  	v13 =	vld.idx.msk [tilespmem:v17+s12+$0x0], $0xffff;
	v17 =	vor.u32 v28, v10;
	v23 =	vor.u32 v23, v52  }
0xc6: {  	v53 =	vor.u32 v62, v19;
	v19 =	vld [tilespmem:$0x1FDB0];
	v22 =	vor.u32 v43, v0;
	_ =	sdelay $0x1  }
0xc7: {  	[tilespmem:v16+s15+$0x0] =	vst.idx.msk $0xffff, v14  }
0xc8: {  	v11 =	vor.u32 v11, v3;
	v14 =	vld.idx.msk [tilespmem:v18+s12+$0x0], $0xffff;
	[tilespmem:v21+s15+$0x0] =	vst.idx.msk $0xffff, v20  }
0xc9: {  	v12 =	vor.u32 v12, v53;
	[tilespmem:v17+s15+$0x0] =	vst.idx.msk $0xffff, v13;
	v18 =	vld.idx.msk [tilespmem:v23+s12+$0x0], $0xffff  }
0xca: {  	v19 =	vor.u32 v19, v52;
	v13 =	vld.idx.msk [tilespmem:v22+s12+$0x0], $0xffff  }
0xcb: {  	v22 =	vld [tilespmem:$0x1FD90];
	_ =	sdelay $0x1  }
0xcc: {  	v16 =	vor.u32 v42, v2;
	[tilespmem:v11+s15+$0x0] =	vst.idx.msk $0xffff, v14;
	v14 =	vor.u32 v48, v24;
	v23 =	vld [tilespmem:$0x1FCE0]  }
0xcd: {  	[tilespmem:v12+s15+$0x0] =	vst.idx.msk $0xffff, v18;
	v12 =	vand.u32 $0x398, v14  }
0xce: {  	v18 =	vld.idx.msk [tilespmem:v19+s12+$0x0], $0xffff;
	v19 =	vor.u32 v12, v57  }
0xcf: {  	v20 =	vor.u32 v40, v6;
	v22 =	vor.u32 v22, v52  }
0xd0: {  	v17 =	vor.u32 v30, v10;
	v11 =	vand.u32 $0x3D8, v20  }
0xd1: {  	v16 =	vld.idx.msk [tilespmem:v16+s12+$0x0], $0xffff;
	v20 =	vor.u32 v11, v7;
	v21 =	vor.u32 v23, v0  }
0xd2: {  	v14 =	vor.u32 v43, v2  }
0xd3: {  	[tilespmem:v19+s15+$0x0] =	vst.idx.msk $0xffff, v18  }
0xd4: {  	v19 =	vld.idx.msk [tilespmem:v22+s12+$0x0], $0xffff  }
0xd5: {  	[tilespmem:v17+s15+$0x0] =	vst.idx.msk $0xffff, v13;
	v22 =	vld [tilespmem:$0x1FDA0]  }
0xd6: {  	v17 =	vor.u32 v31, v10;
	[tilespmem:v20+s15+$0x0] =	vst.idx.msk $0xffff, v16;
	v13 =	vld.idx.msk [tilespmem:v21+s12+$0x0], $0xffff  }
0xd7: {  	v16 =	vor.u32 v11, v5;
	v21 =	vor.u32 v45, v0;
	v14 =	vld.idx.msk [tilespmem:v14+s12+$0x0], $0xffff  }
0xd8: {  	v18 =	vor.u32 v23, v2  }
0xd9: {  	v20 =	vor.u32 v12, v55  }
0xda: {  	v22 =	vor.u32 v22, v52  }
0xdb: {  	[tilespmem:v17+s15+$0x0] =	vst.idx.msk $0xffff, v13  }
0xdc: {  	v10 =	vor.u32 v33, v10;
	[tilespmem:v16+s15+$0x0] =	vst.idx.msk $0xffff, v14;
	v13 =	vld.idx.msk [tilespmem:v21+s12+$0x0], $0xffff  }
0xdd: {  	v17 =	vor.u32 v44, v8;
	v16 =	vor.u32 v11, v4;
	v14 =	vld.idx.msk [tilespmem:v18+s12+$0x0], $0xffff  }
0xde: {  	v18 =	vor.u32 v45, v2;
	[tilespmem:v20+s15+$0x0] =	vst.idx.msk $0xffff, v19  }
0xdf: {  	v19 =	vld.idx.msk [tilespmem:v22+s12+$0x0], $0xffff  }
0xe0: {  	v21 =	vadd.s32 s24, v49;
	v22 =	vld [tilespmem:$0x1FFF0]  }
0xe1: {  	[tilespmem:v10+s15+$0x0] =	vst.idx.msk $0xffff, v13;
	v10 =	vand.u32 $0x3E8, v21  }
0xe2: {  	[tilespmem:v16+s15+$0x0] =	vst.idx.msk $0xffff, v14;
	v13 =	vld.idx.msk [tilespmem:v17+s12+$0x0], $0xffff;
	v17 =	vor.u32 v28, v10  }
0xe3: {  	v11 =	vor.u32 v11, v3;
	v21 =	vor.u32 v58, v8;
	v14 =	vld.idx.msk [tilespmem:v18+s12+$0x0], $0xffff  }
0xe4: {  	s31 =	sor.u32 $0x3, s24;
	v20 =	vor.u32 v12, v54  }
0xe5: {  	v61 =	vadd.s32 s31, v29;
	v22 =	vor.u32 v22, v52  }
0xe6: {  	v56 =	vand.u32 $0xF, v61  }
0xe7: {  	v35 =	vmov v24;
	v24 =	vld [tilespmem:$0x1FF70];
	v58 =	vshll.u32 v56, $0x6;
	[tilespmem:v17+s15+$0x0] =	vst.idx.msk $0xffff, v13  }
0xe8: {  	v13 =	vor.u32 v30, v10;
	[tilespmem:v11+s15+$0x0] =	vst.idx.msk $0xffff, v14;
	v14 =	vor.u32 v29, v58;
	v17 =	vld.idx.msk [tilespmem:v21+s12+$0x0], $0xffff  }
0xe9: {  	v16 =	vor.u32 v44, v2;
	[tilespmem:v20+s15+$0x0] =	vst.idx.msk $0xffff, v19  }
0xea: {  	v12 =	vor.u32 v12, v53;
	v18 =	vld.idx.msk [tilespmem:v22+s12+$0x0], $0xffff  }
0xeb: {  	v26 =	vand.u32 $0x7, v61;
	v23 =	vor.u32 v32, v56  }
0xec: {  	v50 =	vmovc v63;
	v9 =	vor.u32 v51, v9;
	v63 =	vor.u32 v24, v26;
	v23 =	vand.u32 $0x388, v23;
	v19 =	vld [tilespmem:$0x1FDE0]  }
0xed: {  	v9 =	vand.u32 $0x3E8, v9;
	[tilespmem:v13+s15+$0x0] =	vst.idx.msk $0xffff, v17;
	v13 =	vld.idx.msk [tilespmem:v14+s12+$0x0], $0xffff;
	v14 =	vor.u32 v23, v63  }
0xee: {  	v16 =	vld.idx.msk [tilespmem:v16+s12+$0x0], $0xffff;
	v21 =	vor.u32 v9, v7  }
0xef: {  	[tilespmem:v12+s15+$0x0] =	vst.idx.msk $0xffff, v18;
	v12 =	vld [tilespmem:$0x1FFE0]  }
0xf0: {  	v11 =	vld [tilespmem:$0x1FDD0]  }
0xf1: {  	v20 =	vor.u32 v59, v8  }
0xf2: {  	v19 =	vor.u32 v19, v52;
	[tilespmem:v14+s15+$0x0] =	vst.idx.msk $0xffff, v13;
	v13 =	vld [tilespmem:$0x1FFB0]  }
0xf3: {  	[tilespmem:v21+s15+$0x0] =	vst.idx.msk $0xffff, v16;
	v16 =	vor.u32 v41, v58  }
0xf4: {  	v12 =	vor.u32 v12, v2  }
0xf5: {  	v11 =	vor.u32 v11, v15;
	v22 =	vld [tilespmem:$0x1FDF0]  }
0xf6: {  	v11 =	vand.u32 $0x3A8, v11;
	v17 =	vld.idx.msk [tilespmem:v20+s12+$0x0], $0xffff;
	v20 =	vor.u32 v31, v10  }
0xf7: {  	v18 =	vld.idx.msk [tilespmem:v19+s12+$0x0], $0xffff;
	v19 =	vor.u32 v11, v57;
	v62 =	vor.u32 v13, v26  }
0xf8: {  	v13 =	vld.idx.msk [tilespmem:v16+s12+$0x0], $0xffff;
	v14 =	vor.u32 v23, v62  }
0xf9: {  	v8 =	vor.u32 v60, v8;
	v21 =	vor.u32 v9, v5;
	v12 =	vld.idx.msk [tilespmem:v12+s12+$0x0], $0xffff  }
0xfa: {  	v22 =	vor.u32 v22, v52  }
0xfb: {  	v24 =	vld [tilespmem:$0x1FE00];
	[tilespmem:v20+s15+$0x0] =	vst.idx.msk $0xffff, v17  }
0xfc: {  	[tilespmem:v19+s15+$0x0] =	vst.idx.msk $0xffff, v18;
	v18 =	vor.u32 v59, v2  }
0xfd: {  	[tilespmem:v14+s15+$0x0] =	vst.idx.msk $0xffff, v13;
	v13 =	vld [tilespmem:$0x1FFC0]  }
0xfe: {  	v10 =	vor.u32 v33, v10;
	v8 =	vld.idx.msk [tilespmem:v8+s12+$0x0], $0xffff;
	[tilespmem:v21+s15+$0x0] =	vst.idx.msk $0xffff, v12;
	v12 =	vor.u32 v46, v58  }
0xff: {  	v19 =	vld.idx.msk [tilespmem:v22+s12+$0x0], $0xffff;
	v22 =	vor.u32 v11, v55  }
0x100: {  	v27 =	vor.u32 v24, v52;
	v21 =	vld [tilespmem:$0x1FE10]  }
0x101: {  	v17 =	vor.u32 v9, v4;
	v16 =	vld.idx.msk [tilespmem:v18+s12+$0x0], $0xffff  }
0x102: {  	v18 =	vor.u32 v60, v2;
	v60 =	vor.u32 v13, v26;
	v13 =	vld [tilespmem:$0x1FF50]  }
0x103: {  	[tilespmem:v10+s15+$0x0] =	vst.idx.msk $0xffff, v8;
	v10 =	vor.u32 v23, v60;
	v8 =	vld.idx.msk [tilespmem:v12+s12+$0x0], $0xffff  }
0x104: {  	[tilespmem:v22+s15+$0x0] =	vst.idx.msk $0xffff, v19  }
0x105: {  	v20 =	vor.u32 v11, v54;
	v19 =	vld.idx.msk [tilespmem:v27+s12+$0x0], $0xffff  }
0x106: {  	v21 =	vor.u32 v21, v52;
	v12 =	vld [tilespmem:$0x1FD80];
	[tilespmem:v17+s15+$0x0] =	vst.idx.msk $0xffff, v16  }
0x107: {  	v9 =	vor.u32 v9, v3;
	v1 =	vor.u32 v13, v1;
	v13 =	vld.idx.msk [tilespmem:v18+s12+$0x0], $0xffff  }
0x108: {  	[tilespmem:v10+s15+$0x0] =	vst.idx.msk $0xffff, v8;
	v8 =	vld [tilespmem:$0x1FFD0]  }
0x109: {  	v22 =	vor.u32 v50, v0  }
0x10a: {  	v42 =	vor.u32 v50, v2;
	[tilespmem:v20+s15+$0x0] =	vst.idx.msk $0xffff, v19;
	v20 =	vld [tilespmem:$0x1FF80]  }
0x10b: {  	v11 =	vor.u32 v11, v53;
	v16 =	vld.idx.msk [tilespmem:v21+s12+$0x0], $0xffff  }
0x10c: {  	v19 =	vor.u32 v25, v52;
	[tilespmem:v9+s15+$0x0] =	vst.idx.msk $0xffff, v13;
	v9 =	vld [tilespmem:$0x1FE20]  }
0x10d: {  	v12 =	vor.u32 v12, v58;
	v59 =	vor.u32 v8, v26;
	v8 =	vld [tilespmem:$0x1FF50]  }
0x10e: {  	v17 =	vld.idx.msk [tilespmem:v22+s12+$0x0], $0xffff;
	v14 =	vand.u32 $0x3F8, v1  }
0x10f: {  	v18 =	vor.u32 v28, v14;
	v1 =	vld.idx.msk [tilespmem:v42+s12+$0x0], $0xffff  }
0x110: {  	[tilespmem:v11+s15+$0x0] =	vst.idx.msk $0xffff, v16;
	v11 =	vld [tilespmem:$0x1FF80]  }
0x111: {  	v13 =	vld.idx.msk [tilespmem:v19+s12+$0x0], $0xffff;
	v9 =	vor.u32 v9, v35  }
0x112: {  	v9 =	vand.u32 $0x3B8, v9;
	v6 =	vor.u32 v8, v6;
	v8 =	vld.idx.msk [tilespmem:v12+s12+$0x0], $0xffff  }
0x113: {  	v16 =	vor.u32 v9, v57;
	v12 =	vld [tilespmem:$0x1FDB0];
	v6 =	vand.u32 $0x3F8, v6  }
0x114: {  	v20 =	vor.u32 v20, v0;
	[tilespmem:v18+s15+$0x0] =	vst.idx.msk $0xffff, v17;
	v18 =	vld [tilespmem:$0x1FE40];
	v7 =	vor.u32 v6, v7  }
0x115: {  	v11 =	vor.u32 v11, v2  }
0x116: {  	v21 =	vld [tilespmem:$0x1FF90]  }
0x117: {  	v43 =	vld [tilespmem:$0x1FD90];
	v10 =	vor.u32 v23, v59  }
0x118: {  	[tilespmem:v16+s15+$0x0] =	vst.idx.msk $0xffff, v13;
	v16 =	vld [tilespmem:$0x1FF90];
	v12 =	vor.u32 v12, v58  }
0x119: {  	v17 =	vld.idx.msk [tilespmem:v20+s12+$0x0], $0xffff;
	v19 =	vor.u32 v30, v14;
	v20 =	vor.u32 v18, v52;
	[tilespmem:v7+s15+$0x0] =	vst.idx.msk $0xffff, v1  }
0x11a: {  	v5 =	vor.u32 v6, v5;
	v11 =	vld.idx.msk [tilespmem:v11+s12+$0x0], $0xffff  }
0x11b: {  	v21 =	vor.u32 v21, v0;
	v18 =	vor.u32 v48, v61  }
0x11c: {  	v24 =	vld [tilespmem:$0x1FF70];
	[tilespmem:v10+s15+$0x0] =	vst.idx.msk $0xffff, v8;
	v8 =	vand.u32 $0x398, v18  }
0x11d: {  	v16 =	vor.u32 v16, v2;
	v10 =	vld.idx.msk [tilespmem:v12+s12+$0x0], $0xffff;
	v12 =	vor.u32 v8, v63  }
0x11e: {  	s28 =	sor.u32 $0x4, s24;
	[tilespmem:v19+s15+$0x0] =	vst.idx.msk $0xffff, v17;
	v17 =	vld.idx.msk [tilespmem:v20+s12+$0x0], $0xffff;
	v7 =	vor.u32 v43, v58  }
0x11f: {  	v37 =	vadd.s32 s28, v29;
	[tilespmem:v5+s15+$0x0] =	vst.idx.msk $0xffff, v11;
	v5 =	vld [tilespmem:$0x1FDA0]  }
0x120: {  	v18 =	vand.u32 $0xF, v37;
	v20 =	vld.idx.msk [tilespmem:v21+s12+$0x0], $0xffff  }
0x121: {  	v21 =	vld [tilespmem:$0x1FE50];
	v1 =	vshll.u32 v18, $0x6  }
0x122: {  	v4 =	vor.u32 v6, v4;
	v13 =	vor.u32 v29, v1;
	v26 =	vld.idx.msk [tilespmem:v16+s12+$0x0], $0xffff;
	[tilespmem:v12+s15+$0x0] =	vst.idx.msk $0xffff, v10  }
0x123: {  	v23 =	vor.u32 v8, v62;
	v7 =	vld.idx.msk [tilespmem:v7+s12+$0x0], $0xffff  }
0x124: {  	v5 =	vor.u32 v5, v58  }
0x125: {  	v10 =	vor.u32 v32, v18;
	v12 =	vand.u32 $0x7, v37  }
0x126: {  	v19 =	vor.u32 v9, v55;
	v16 =	vld [tilespmem:$0x1FFA0];
	v10 =	vand.u32 $0x388, v10;
	v49 =	vor.u32 v24, v12  }
0x127: {  	v11 =	vld.idx.msk [tilespmem:v13+s12+$0x0], $0xffff;
	v13 =	vor.u32 v10, v49;
	[tilespmem:v4+s15+$0x0] =	vst.idx.msk $0xffff, v26  }
0x128: {  	v21 =	vor.u32 v21, v52;
	v4 =	vld [tilespmem:$0x1FFF0];
	[tilespmem:v23+s15+$0x0] =	vst.idx.msk $0xffff, v7  }
0x129: {  	v7 =	vor.u32 v8, v60;
	v5 =	vld.idx.msk [tilespmem:v5+s12+$0x0], $0xffff  }
0x12a: {  	v22 =	vor.u32 v31, v14  }
0x12b: {  	[tilespmem:v19+s15+$0x0] =	vst.idx.msk $0xffff, v17;
	v0 =	vor.u32 v16, v0;
	v16 =	vld [tilespmem:$0x1FFA0]  }
0x12c: {  	v17 =	vor.u32 v41, v1;
	[tilespmem:v13+s15+$0x0] =	vst.idx.msk $0xffff, v11;
	v11 =	vld [tilespmem:$0x1FFB0]  }
0x12d: {  	v3 =	vor.u32 v6, v3;
	v19 =	vld.idx.msk [tilespmem:v21+s12+$0x0], $0xffff;
	v4 =	vor.u32 v4, v58  }
0x12e: {  	v47 =	vmov v15;
	v6 =	vor.u32 v9, v53;
	v21 =	vor.u32 v9, v54;
	[tilespmem:v7+s15+$0x0] =	vst.idx.msk $0xffff, v5;
	v5 =	vld [tilespmem:$0x1FDE0]  }
0x12f: {  	v45 =	vld [tilespmem:$0x1FD80];
	[tilespmem:v22+s15+$0x0] =	vst.idx.msk $0xffff, v20;
	v20 =	vor.u32 v34, v52;
	v9 =	vor.u32 v36, v47  }
0x130: {  	v22 =	vand.u32 $0x3C8, v9;
	v9 =	vld [tilespmem:$0x1FDD0]  }
0x131: {  	v2 =	vor.u32 v16, v2;
	v16 =	vor.u32 v11, v12;
	v11 =	vld.idx.msk [tilespmem:v17+s12+$0x0], $0xffff  }
0x132: {  	v44 =	vor.u32 v46, v1;
	v13 =	vor.u32 v10, v16;
	v4 =	vld.idx.msk [tilespmem:v4+s12+$0x0], $0xffff  }
0x133: {  	[tilespmem:v21+s15+$0x0] =	vst.idx.msk $0xffff, v19;
	v8 =	vor.u32 v8, v59;
	v25 =	vor.u32 v5, v58;
	v5 =	vld [tilespmem:$0x1FFC0]  }
0x134: {  	v21 =	vld.idx.msk [tilespmem:v20+s12+$0x0], $0xffff  }
0x135: {  	s29 =	sor.u32 $0x5, s24;
	v17 =	vld.idx.msk [tilespmem:v0+s12+$0x0], $0xffff  }
0x136: {  	v51 =	vadd.s32 s29, v29;
	v9 =	vor.u32 v9, v56;
	v2 =	vld.idx.msk [tilespmem:v2+s12+$0x0], $0xffff  }
0x137: {  	v14 =	vor.u32 v33, v14;
	v20 =	vand.u32 $0xF, v51;
	v23 =	vand.u32 $0x3A8, v9;
	[tilespmem:v13+s15+$0x0] =	vst.idx.msk $0xffff, v11;
	v13 =	vld [tilespmem:$0x1FFD0]  }
0x138: {  	v9 =	vld.idx.msk [tilespmem:v44+s12+$0x0], $0xffff;
	[tilespmem:v8+s15+$0x0] =	vst.idx.msk $0xffff, v4;
	v4 =	vor.u32 v32, v20;
	v7 =	vor.u32 v5, v12  }
0x139: {  	v28 =	vand.u32 $0x388, v4;
	v4 =	vld [tilespmem:$0x1FF70];
	v5 =	vor.u32 v10, v7  }
0x13a: {  	s31 =	sor.u32 $0x7, s24;
	v19 =	vld [tilespmem:$0x1FE90];
	[tilespmem:v6+s15+$0x0] =	vst.idx.msk $0xffff, v21  }
0x13b: {  	v27 =	vshll.u32 v20, $0x6;
	[tilespmem:v3+s15+$0x0] =	vst.idx.msk $0xffff, v2;
	v2 =	vadd.s32 s31, v29  }
0x13c: {  	[tilespmem:v14+s15+$0x0] =	vst.idx.msk $0xffff, v17;
	v17 =	vand.u32 $0x7, v51;
	v11 =	vor.u32 v45, v1;
	v21 =	vand.u32 $0xF, v2  }
0x13d: {  	s30 =	sor.u32 $0x6, s24;
	v45 =	vshll.u32 v21, $0x6;
	v26 =	vor.u32 v13, v12;
	v12 =	vor.u32 v29, v27  }
0x13e: {  	v0 =	vadd.s32 s30, v29;
	[tilespmem:v5+s15+$0x0] =	vst.idx.msk $0xffff, v9;
	v5 =	vor.u32 v4, v17;
	v4 =	vor.u32 v29, v45  }
0x13f: {  	v24 =	vor.u32 v19, v52;
	v6 =	vld [tilespmem:$0x1FDB0];
	v19 =	vand.u32 $0xF, v0  }
0x140: {  	v25 =	vld.idx.msk [tilespmem:v25+s12+$0x0], $0xffff;
	v3 =	vor.u32 v10, v26;
	v10 =	vor.u32 v32, v19  }
0x141: {  	v30 =	vand.u32 $0x388, v10;
	v10 =	vld [tilespmem:$0x1FF70]  }
0x142: {  	[tilespmem:$0x1FCD0] =	vst v35;
	v8 =	vld.idx.msk [tilespmem:v12+s12+$0x0], $0xffff  }
0x143: {  	[tilespmem:$0x1FCC0] =	vst v15;
	v15 =	vmov v35;
	v35 =	vor.u32 v23, v63;
	v38 =	vshll.u32 v19, $0x6;
	v39 =	vld.idx.msk [tilespmem:v4+s12+$0x0], $0xffff  }
0x144: {  	v13 =	vor.u32 v29, v38;
	v9 =	vor.u32 v28, v5;
	v4 =	vld [tilespmem:$0x1FFB0]  }
0x145: {  	v12 =	vor.u32 v41, v27;
	v11 =	vld.idx.msk [tilespmem:v11+s12+$0x0], $0xffff  }
0x146: {  	v14 =	vor.u32 v32, v21  }
0x147: {  	v34 =	vand.u32 $0x388, v14;
	v14 =	vld [tilespmem:$0x1FF70]  }
0x148: {  	v33 =	vor.u32 v41, v38;
	v6 =	vor.u32 v6, v1;
	[tilespmem:v35+s15+$0x0] =	vst.idx.msk $0xffff, v25;
	v25 =	vld [tilespmem:$0x1FDF0];
	v29 =	vand.u32 $0x7, v0  }
0x149: {  	v13 =	vld.idx.msk [tilespmem:v13+s12+$0x0], $0xffff;
	v10 =	vor.u32 v10, v29;
	[tilespmem:v9+s15+$0x0] =	vst.idx.msk $0xffff, v8;
	v4 =	vor.u32 v4, v17  }
0x14a: {  	v8 =	vor.u32 v41, v45;
	[tilespmem:v3+s15+$0x0] =	vst.idx.msk $0xffff, v11;
	v3 =	vld.idx.msk [tilespmem:v12+s12+$0x0], $0xffff;
	v41 =	vor.u32 v28, v4  }
0x14b: {  	v32 =	vand.u32 $0x7, v2;
	v31 =	vor.u32 v30, v10;
	v12 =	vld [tilespmem:$0x1FD90]  }
0x14c: {  	v14 =	vor.u32 v14, v32  }
0x14d: {  	v47 =	vor.u32 v48, v37;
	v24 =	vld.idx.msk [tilespmem:v24+s12+$0x0], $0xffff;
	v40 =	vor.u32 v34, v14;
	v25 =	vor.u32 v25, v58  }
0x14e: {  	v36 =	vand.u32 $0x398, v47;
	v6 =	vld.idx.msk [tilespmem:v6+s12+$0x0], $0xffff  }
0x14f: {  	v42 =	vor.u32 v46, v27;
	v11 =	vor.u32 v36, v49;
	[tilespmem:v41+s15+$0x0] =	vst.idx.msk $0xffff, v3;
	v41 =	vld [tilespmem:$0x1FFC0]  }
0x150: {  	v9 =	vld [tilespmem:$0x1FFB0];
	[tilespmem:v31+s15+$0x0] =	vst.idx.msk $0xffff, v13;
	v13 =	vor.u32 v12, v1  }
0x151: {  	v33 =	vld.idx.msk [tilespmem:v33+s12+$0x0], $0xffff  }
0x152: {  	v25 =	vld.idx.msk [tilespmem:v25+s12+$0x0], $0xffff;
	[tilespmem:v40+s15+$0x0] =	vst.idx.msk $0xffff, v39  }
0x153: {  	v35 =	vld.idx.msk [tilespmem:v8+s12+$0x0], $0xffff  }
0x154: {  	v31 =	vor.u32 v22, v57;
	[tilespmem:v11+s15+$0x0] =	vst.idx.msk $0xffff, v6;
	v6 =	vld.idx.msk [tilespmem:v42+s12+$0x0], $0xffff;
	v3 =	vor.u32 v41, v17  }
0x155: {  	v9 =	vor.u32 v9, v29;
	v42 =	vld.idx.msk [tilespmem:v13+s12+$0x0], $0xffff;
	v41 =	vor.u32 v28, v3  }
0x156: {  	v43 =	vor.u32 v30, v9;
	v13 =	vld [tilespmem:$0x1FDA0]  }
0x157: {  	v8 =	vld [tilespmem:$0x1FD80]  }
0x158: {  	v12 =	vld [tilespmem:$0x1FFB0];
	v11 =	vor.u32 v36, v16  }
0x159: {  	v48 =	vor.u32 v46, v38;
	[tilespmem:v31+s15+$0x0] =	vst.idx.msk $0xffff, v24;
	v24 =	vld [tilespmem:$0x1FE00]  }
0x15a: {  	[tilespmem:v41+s15+$0x0] =	vst.idx.msk $0xffff, v6;
	v6 =	vld [tilespmem:$0x1FFD0]  }
0x15b: {  	[tilespmem:v43+s15+$0x0] =	vst.idx.msk $0xffff, v33;
	v43 =	vor.u32 v13, v1;
	v13 =	vld [tilespmem:$0x1FD80]  }
0x15c: {  	v40 =	vor.u32 v46, v45;
	v46 =	vor.u32 v8, v27;
	v8 =	vld [tilespmem:$0x1FFC0]  }
0x15d: {  	[tilespmem:v11+s15+$0x0] =	vst.idx.msk $0xffff, v42;
	v11 =	vld [tilespmem:$0x1FDB0]  }
0x15e: {  	v12 =	vor.u32 v12, v32;
	v44 =	vld.idx.msk [tilespmem:v48+s12+$0x0], $0xffff  }
0x15f: {  	v39 =	vor.u32 v34, v12;
	v6 =	vor.u32 v6, v17;
	v17 =	vld [tilespmem:$0x1FD80]  }
0x160: {  	v48 =	vor.u32 v13, v38;
	v13 =	vld [tilespmem:$0x1FFC0]  }
0x161: {  	v33 =	vor.u32 v23, v62;
	v8 =	vor.u32 v8, v29;
	v42 =	vld.idx.msk [tilespmem:v43+s12+$0x0], $0xffff  }
0x162: {  	v24 =	vor.u32 v24, v58;
	v47 =	vor.u32 v30, v8;
	v43 =	vor.u32 v11, v27;
	v11 =	vld [tilespmem:$0x1FFD0];
	_ =	sdelay $0x1  }
0x163: {  	[tilespmem:v39+s15+$0x0] =	vst.idx.msk $0xffff, v35;
	v39 =	vor.u32 v17, v45;
	v17 =	vld [tilespmem:$0x1FFF0]  }
0x164: {  	v13 =	vor.u32 v13, v32  }
0x165: {  	[tilespmem:v33+s15+$0x0] =	vst.idx.msk $0xffff, v25;
	v31 =	vld.idx.msk [tilespmem:v40+s12+$0x0], $0xffff;
	v35 =	vor.u32 v34, v13  }
0x166: {  	v24 =	vld.idx.msk [tilespmem:v24+s12+$0x0], $0xffff;
	[tilespmem:v47+s15+$0x0] =	vst.idx.msk $0xffff, v44;
	v11 =	vor.u32 v11, v29  }
0x167: {  	v29 =	vld.idx.msk [tilespmem:v48+s12+$0x0], $0xffff;
	v30 =	vor.u32 v30, v11  }
0x168: {  	v25 =	vor.u32 v17, v1;
	v17 =	vld [tilespmem:$0x1FDB0]  }
0x169: {  	v41 =	vld.idx.msk [tilespmem:v46+s12+$0x0], $0xffff  }
0x16a: {  	v48 =	vld [tilespmem:$0x1FD70];
	v28 =	vor.u32 v28, v6;
	[tilespmem:v35+s15+$0x0] =	vst.idx.msk $0xffff, v31  }
0x16b: {  	v40 =	vor.u32 v36, v7;
	v47 =	vld [tilespmem:$0x1FE10]  }
0x16c: {  	[tilespmem:v30+s15+$0x0] =	vst.idx.msk $0xffff, v29;
	v30 =	vld [tilespmem:$0x1FEB0]  }
0x16d: {  	v33 =	vor.u32 v17, v38;
	v17 =	vld [tilespmem:$0x1FFD0]  }
0x16e: {  	v31 =	vor.u32 v23, v60;
	v35 =	vld.idx.msk [tilespmem:v39+s12+$0x0], $0xffff  }
0x16f: {  	[tilespmem:v28+s15+$0x0] =	vst.idx.msk $0xffff, v41;
	v44 =	vld [tilespmem:$0x1FDB0]  }
0x170: {  	v46 =	vor.u32 v48, v51;
	[tilespmem:v40+s15+$0x0] =	vst.idx.msk $0xffff, v42;
	v40 =	vld.idx.msk [tilespmem:v43+s12+$0x0], $0xffff  }
0x171: {  	v28 =	vand.u32 $0x398, v46;
	v46 =	vor.u32 v48, v0;
	v39 =	vor.u32 v47, v58;
	v47 =	vld [tilespmem:$0x1FD90]  }
0x172: {  	v29 =	vand.u32 $0x398, v46;
	v46 =	vld [tilespmem:$0x1FD90];
	v30 =	vor.u32 v30, v52;
	v17 =	vor.u32 v17, v32  }
0x173: {  	[tilespmem:v31+s15+$0x0] =	vst.idx.msk $0xffff, v24;
	v24 =	vld [tilespmem:$0x1FDE0];
	v34 =	vor.u32 v34, v17  }
0x174: {  	v42 =	vor.u32 v29, v10;
	v33 =	vld.idx.msk [tilespmem:v33+s12+$0x0], $0xffff  }
0x175: {  	v25 =	vld.idx.msk [tilespmem:v25+s12+$0x0], $0xffff  }
0x176: {  	v41 =	vor.u32 v28, v5;
	v43 =	vor.u32 v47, v27;
	v47 =	vld [tilespmem:$0x1FE30]  }
0x177: {  	v36 =	vor.u32 v36, v26;
	v32 =	vor.u32 v44, v45;
	v44 =	vor.u32 v48, v2;
	v30 =	vld.idx.msk [tilespmem:v30+s12+$0x0], $0xffff  }
0x178: {  	v24 =	vor.u32 v24, v1;
	[tilespmem:v34+s15+$0x0] =	vst.idx.msk $0xffff, v35;
	v34 =	vand.u32 $0x398, v44;
	v44 =	vld [tilespmem:$0x1FD90]  }
0x179: {  	[tilespmem:v42+s15+$0x0] =	vst.idx.msk $0xffff, v33;
	v42 =	vld [tilespmem:$0x1FDA0]  }
0x17a: {  	v46 =	vor.u32 v46, v38;
	v35 =	vld.idx.msk [tilespmem:v39+s12+$0x0], $0xffff  }
0x17b: {  	v23 =	vor.u32 v23, v59;
	[tilespmem:v41+s15+$0x0] =	vst.idx.msk $0xffff, v40;
	v41 =	vor.u32 v47, v58;
	v47 =	vld [tilespmem:$0x1FDD0]  }
0x17c: {  	[tilespmem:v36+s15+$0x0] =	vst.idx.msk $0xffff, v25;
	v31 =	vld.idx.msk [tilespmem:v32+s12+$0x0], $0xffff;
	v32 =	vor.u32 v34, v14  }
0x17d: {  	v24 =	vld.idx.msk [tilespmem:v24+s12+$0x0], $0xffff;
	v39 =	vor.u32 v44, v45  }
0x17e: {  	v43 =	vld.idx.msk [tilespmem:v43+s12+$0x0], $0xffff  }
0x17f: {  	v36 =	vld.idx.msk [tilespmem:v46+s12+$0x0], $0xffff;
	v44 =	vor.u32 v28, v4  }
0x180: {  	v40 =	vor.u32 v22, v55;
	v47 =	vor.u32 v47, v18;
	[tilespmem:v23+s15+$0x0] =	vst.idx.msk $0xffff, v35;
	v23 =	vld [tilespmem:$0x1FDF0]  }
0x181: {  	v25 =	vand.u32 $0x3A8, v47;
	v47 =	vld [tilespmem:$0x1FDA0];
	[tilespmem:v32+s15+$0x0] =	vst.idx.msk $0xffff, v31  }
0x182: {  	v31 =	vld.idx.msk [tilespmem:v39+s12+$0x0], $0xffff  }
0x183: {  	v33 =	vor.u32 v42, v27;
	v42 =	vor.u32 v29, v9;
	v39 =	vld [tilespmem:$0x1FE20]  }
0x184: {  	[tilespmem:v44+s15+$0x0] =	vst.idx.msk $0xffff, v43;
	v44 =	vld [tilespmem:$0x1FDA0]  }
0x185: {  	[tilespmem:v40+s15+$0x0] =	vst.idx.msk $0xffff, v30;
	v30 =	vld [tilespmem:$0x1FE00];
	v46 =	vor.u32 v25, v49  }
0x186: {  	v32 =	vor.u32 v34, v12;
	v43 =	vld [tilespmem:$0x1FEA0]  }
0x187: {  	v41 =	vld.idx.msk [tilespmem:v41+s12+$0x0], $0xffff;
	v47 =	vor.u32 v47, v38  }
0x188: {  	[tilespmem:v42+s15+$0x0] =	vst.idx.msk $0xffff, v36;
	v42 =	vld [tilespmem:$0x1FFF0];
	v23 =	vor.u32 v23, v1  }
0x189: {  	v33 =	vld.idx.msk [tilespmem:v33+s12+$0x0], $0xffff;
	v35 =	vor.u32 v39, v61;
	v39 =	vor.u32 v44, v45;
	v44 =	vor.u32 v28, v3  }
0x18a: {  	[tilespmem:v46+s15+$0x0] =	vst.idx.msk $0xffff, v24;
	v24 =	vld [tilespmem:$0x1FE40]  }
0x18b: {  	v43 =	vor.u32 v43, v52;
	[tilespmem:v32+s15+$0x0] =	vst.idx.msk $0xffff, v31;
	v32 =	vld [tilespmem:$0x1FFF0]  }
0x18c: {  	v35 =	vand.u32 $0x3B8, v35;
	v46 =	vld.idx.msk [tilespmem:v47+s12+$0x0], $0xffff;
	v47 =	vor.u32 v29, v8  }
0x18d: {  	v42 =	vor.u32 v42, v27;
	v23 =	vld.idx.msk [tilespmem:v23+s12+$0x0], $0xffff;
	v36 =	vor.u32 v35, v63  }
0x18e: {  	v31 =	vor.u32 v25, v16;
	[tilespmem:v44+s15+$0x0] =	vst.idx.msk $0xffff, v33;
	v44 =	vld [tilespmem:$0x1FFF0]  }
0x18f: {  	v39 =	vld.idx.msk [tilespmem:v39+s12+$0x0], $0xffff  }
0x190: {  	v40 =	vor.u32 v34, v13;
	v32 =	vor.u32 v32, v38;
	v43 =	vld.idx.msk [tilespmem:v43+s12+$0x0], $0xffff  }
0x191: {  	v33 =	vor.u32 v22, v54;
	[tilespmem:v47+s15+$0x0] =	vst.idx.msk $0xffff, v46;
	v46 =	vld [tilespmem:$0x1FE10]  }
0x192: {  	v28 =	vor.u32 v28, v6;
	[tilespmem:v36+s15+$0x0] =	vst.idx.msk $0xffff, v41;
	v36 =	vld.idx.msk [tilespmem:v42+s12+$0x0], $0xffff  }
0x193: {  	[tilespmem:v31+s15+$0x0] =	vst.idx.msk $0xffff, v23;
	v31 =	vld [tilespmem:$0x1FDE0];
	v44 =	vor.u32 v44, v45  }
0x194: {  	v41 =	vld [tilespmem:$0x1FDE0]  }
0x195: {  	v30 =	vor.u32 v30, v1;
	v23 =	vld.idx.msk [tilespmem:v32+s12+$0x0], $0xffff;
	[tilespmem:v40+s15+$0x0] =	vst.idx.msk $0xffff, v39  }
0x196: {  	[tilespmem:v33+s15+$0x0] =	vst.idx.msk $0xffff, v43;
	v43 =	vld [tilespmem:$0x1FDD0]  }
0x197: {  	v24 =	vor.u32 v24, v58;
	[tilespmem:v28+s15+$0x0] =	vst.idx.msk $0xffff, v36;
	v36 =	vor.u32 v46, v1;
	v46 =	vld [tilespmem:$0x1FDD0]  }
0x198: {  	v29 =	vor.u32 v29, v11;
	v33 =	vld.idx.msk [tilespmem:v44+s12+$0x0], $0xffff  }
0x199: {  	v44 =	vld [tilespmem:$0x1FDE0]  }
0x19a: {  	v34 =	vor.u32 v34, v17;
	v30 =	vld.idx.msk [tilespmem:v30+s12+$0x0], $0xffff  }
0x19b: {  	v47 =	vld [tilespmem:$0x1FDD0]  }
0x19c: {  	v24 =	vld.idx.msk [tilespmem:v24+s12+$0x0], $0xffff;
	v31 =	vor.u32 v31, v38;
	v39 =	vor.u32 v25, v7  }
0x19d: {  	v41 =	vor.u32 v41, v27;
	v32 =	vor.u32 v43, v20;
	[tilespmem:v29+s15+$0x0] =	vst.idx.msk $0xffff, v23;
	v29 =	vld [tilespmem:$0x1FEC0]  }
0x19e: {  	v28 =	vand.u32 $0x3A8, v32;
	v46 =	vor.u32 v46, v21;
	v32 =	vor.u32 v44, v45;
	v44 =	vld [tilespmem:$0x1FDF0]  }
0x19f: {  	[tilespmem:v34+s15+$0x0] =	vst.idx.msk $0xffff, v33;
	v33 =	vand.u32 $0x3A8, v46;
	v46 =	vld [tilespmem:$0x1FE50]  }
0x1a0: {  	v42 =	vor.u32 v47, v19;
	v47 =	vld [tilespmem:$0x1FDF0];
	v43 =	vor.u32 v35, v62  }
0x1a1: {  	v31 =	vld.idx.msk [tilespmem:v31+s12+$0x0], $0xffff  }
0x1a2: {  	[tilespmem:v39+s15+$0x0] =	vst.idx.msk $0xffff, v30;
	v40 =	vld.idx.msk [tilespmem:v41+s12+$0x0], $0xffff;
	v41 =	vor.u32 v28, v5;
	v29 =	vor.u32 v29, v52  }
0x1a3: {  	v23 =	vand.u32 $0x3A8, v42;
	v36 =	vld.idx.msk [tilespmem:v36+s12+$0x0], $0xffff;
	v44 =	vor.u32 v44, v27  }
0x1a4: {  	v42 =	vor.u32 v23, v10;
	v34 =	vor.u32 v46, v58;
	v46 =	vld [tilespmem:$0x1FDF0]  }
0x1a5: {  	v47 =	vor.u32 v47, v38;
	[tilespmem:v43+s15+$0x0] =	vst.idx.msk $0xffff, v24;
	v24 =	vld [tilespmem:$0x1FE30]  }
0x1a6: {  	v30 =	vld.idx.msk [tilespmem:v32+s12+$0x0], $0xffff  }
0x1a7: {  	[tilespmem:v41+s15+$0x0] =	vst.idx.msk $0xffff, v40;
	v29 =	vld.idx.msk [tilespmem:v29+s12+$0x0], $0xffff  }
0x1a8: {  	v25 =	vor.u32 v25, v26;
	v40 =	vld.idx.msk [tilespmem:v44+s12+$0x0], $0xffff  }
0x1a9: {  	v22 =	vor.u32 v22, v53;
	[tilespmem:v42+s15+$0x0] =	vst.idx.msk $0xffff, v31;
	v39 =	vor.u32 v46, v45;
	v46 =	vld [tilespmem:$0x1FE00]  }
0x1aa: {  	v24 =	vor.u32 v24, v1;
	v44 =	vld.idx.msk [tilespmem:v47+s12+$0x0], $0xffff  }
0x1ab: {  	v32 =	vor.u32 v33, v14;
	v47 =	vld [tilespmem:$0x1FE20];
	_ =	sdelay $0x1  }
0x1ac: {  	[tilespmem:v25+s15+$0x0] =	vst.idx.msk $0xffff, v36  }
0x1ad: {  	[tilespmem:v22+s15+$0x0] =	vst.idx.msk $0xffff, v29;
	v22 =	vld [tilespmem:$0x1FE40]  }
0x1ae: {  	v41 =	vor.u32 v28, v4;
	v24 =	vld.idx.msk [tilespmem:v24+s12+$0x0], $0xffff  }
0x1af: {  	[tilespmem:v32+s15+$0x0] =	vst.idx.msk $0xffff, v30;
	v43 =	vor.u32 v46, v27;
	v46 =	vld [tilespmem:$0x1FE60];
	v47 =	vor.u32 v47, v37  }
0x1b0: {  	v36 =	vor.u32 v33, v12;
	v32 =	vld.idx.msk [tilespmem:v39+s12+$0x0], $0xffff;
	v25 =	vand.u32 $0x3B8, v47  }
0x1b1: {  	v47 =	vld [tilespmem:$0x1FE00];
	v39 =	vor.u32 v25, v49  }
0x1b2: {  	v34 =	vld.idx.msk [tilespmem:v34+s12+$0x0], $0xffff;
	v22 =	vor.u32 v22, v1  }
0x1b3: {  	v30 =	vld [tilespmem:$0x1FE00];
	[tilespmem:v41+s15+$0x0] =	vst.idx.msk $0xffff, v40  }
0x1b4: {  	v42 =	vor.u32 v46, v58;
	v46 =	vor.u32 v23, v9;
	v29 =	vld.idx.msk [tilespmem:v43+s12+$0x0], $0xffff  }
0x1b5: {  	v31 =	vor.u32 v35, v60;
	[tilespmem:v36+s15+$0x0] =	vst.idx.msk $0xffff, v32;
	v36 =	vld [tilespmem:$0x1FE90]  }
0x1b6: {  	v40 =	vor.u32 v47, v45;
	v47 =	vld [tilespmem:$0x1FE10];
	[tilespmem:v39+s15+$0x0] =	vst.idx.msk $0xffff, v24  }
0x1b7: {  	v39 =	vld.idx.msk [tilespmem:v22+s12+$0x0], $0xffff  }
0x1b8: {  	v22 =	vld [tilespmem:$0x1FE10]  }
0x1b9: {  	v41 =	vor.u32 v28, v3;
	[tilespmem:v46+s15+$0x0] =	vst.idx.msk $0xffff, v44;
	v46 =	vld [tilespmem:$0x1FE50]  }
0x1ba: {  	v30 =	vor.u32 v30, v38;
	[tilespmem:v31+s15+$0x0] =	vst.idx.msk $0xffff, v34;
	v44 =	vld [tilespmem:$0x1FEE0]  }
0x1bb: {  	v34 =	vld.idx.msk [tilespmem:v42+s12+$0x0], $0xffff  }
0x1bc: {  	v43 =	vor.u32 v47, v27;
	v47 =	vld [tilespmem:$0x1FE10]  }
0x1bd: {  	v32 =	vor.u32 v36, v58;
	v24 =	vld.idx.msk [tilespmem:v40+s12+$0x0], $0xffff  }
0x1be: {  	v36 =	vor.u32 v33, v13;
	[tilespmem:v41+s15+$0x0] =	vst.idx.msk $0xffff, v29;
	v41 =	vor.u32 v46, v1;
	v46 =	vld [tilespmem:$0x1FE30]  }
0x1bf: {  	v30 =	vld.idx.msk [tilespmem:v30+s12+$0x0], $0xffff;
	v29 =	vor.u32 v22, v45  }
0x1c0: {  	v40 =	vor.u32 v25, v16;
	v22 =	vld [tilespmem:$0x1FED0];
	v44 =	vor.u32 v44, v52  }
0x1c1: {  	v31 =	vor.u32 v23, v8;
	v43 =	vld.idx.msk [tilespmem:v43+s12+$0x0], $0xffff  }
0x1c2: {  	v28 =	vor.u32 v28, v6;
	v42 =	vor.u32 v47, v38;
	v47 =	vld [tilespmem:$0x1FE80]  }
0x1c3: {  	[tilespmem:v36+s15+$0x0] =	vst.idx.msk $0xffff, v24;
	v24 =	vld [tilespmem:$0x1FE20];
	v46 =	vor.u32 v46, v27  }
0x1c4: {  	v29 =	vld.idx.msk [tilespmem:v29+s12+$0x0], $0xffff  }
0x1c5: {  	[tilespmem:v40+s15+$0x0] =	vst.idx.msk $0xffff, v39;
	v44 =	vld.idx.msk [tilespmem:v44+s12+$0x0], $0xffff  }
0x1c6: {  	[tilespmem:v31+s15+$0x0] =	vst.idx.msk $0xffff, v30;
	v36 =	vld.idx.msk [tilespmem:v41+s12+$0x0], $0xffff  }
0x1c7: {  	v35 =	vor.u32 v35, v59;
	v31 =	vld.idx.msk [tilespmem:v42+s12+$0x0], $0xffff;
	[tilespmem:v28+s15+$0x0] =	vst.idx.msk $0xffff, v43  }
0x1c8: {  	v23 =	vor.u32 v23, v11;
	v39 =	vld.idx.msk [tilespmem:v46+s12+$0x0], $0xffff  }
0x1c9: {  	v46 =	vld [tilespmem:$0x1FE20]  }
0x1ca: {  	v42 =	vld [tilespmem:$0x1FE30]  }
0x1cb: {  	v28 =	vld [tilespmem:$0x1FE30]  }
0x1cc: {  	[tilespmem:v35+s15+$0x0] =	vst.idx.msk $0xffff, v34;
	v22 =	vor.u32 v22, v15;
	v34 =	vor.u32 v47, v56;
	v47 =	vld [tilespmem:$0x1FE40]  }
0x1cd: {  	v33 =	vor.u32 v33, v17;
	v22 =	vand.u32 $0x3D8, v22;
	[tilespmem:v23+s15+$0x0] =	vst.idx.msk $0xffff, v31;
	v31 =	vld [tilespmem:$0x1FE60]  }
0x1ce: {  	v30 =	vor.u32 v22, v57;
	v24 =	vor.u32 v24, v51;
	v41 =	vor.u32 v46, v0;
	v46 =	vld [tilespmem:$0x1FE20]  }
0x1cf: {  	v24 =	vand.u32 $0x3B8, v24  }
0x1d0: {  	v40 =	vor.u32 v24, v5;
	v35 =	vor.u32 v42, v38  }
0x1d1: {  	v32 =	vld.idx.msk [tilespmem:v32+s12+$0x0], $0xffff;
	v42 =	vor.u32 v25, v7;
	v43 =	vor.u32 v47, v27  }
0x1d2: {  	[tilespmem:v33+s15+$0x0] =	vst.idx.msk $0xffff, v29;
	v29 =	vld [tilespmem:$0x1FE40];
	v28 =	vor.u32 v28, v45  }
0x1d3: {  	[tilespmem:v30+s15+$0x0] =	vst.idx.msk $0xffff, v44;
	v30 =	vld [tilespmem:$0x1FEB0];
	v31 =	vor.u32 v31, v1;
	v46 =	vor.u32 v46, v2  }
0x1d4: {  	v23 =	vand.u32 $0x3B8, v41;
	v33 =	vand.u32 $0x3B8, v46;
	v46 =	vld [tilespmem:$0x1FE40]  }
0x1d5: {  	[tilespmem:v40+s15+$0x0] =	vst.idx.msk $0xffff, v39;
	v35 =	vld.idx.msk [tilespmem:v35+s12+$0x0], $0xffff;
	v41 =	vor.u32 v23, v10  }
0x1d6: {  	[tilespmem:v42+s15+$0x0] =	vst.idx.msk $0xffff, v36;
	v36 =	vld.idx.msk [tilespmem:v43+s12+$0x0], $0xffff;
	v42 =	vor.u32 v24, v4  }
0x1d7: {  	v29 =	vor.u32 v29, v38;
	v28 =	vld.idx.msk [tilespmem:v28+s12+$0x0], $0xffff  }
0x1d8: {  	v34 =	vand.u32 $0x3C8, v34;
	v31 =	vld.idx.msk [tilespmem:v31+s12+$0x0], $0xffff;
	v44 =	vor.u32 v33, v14  }
0x1d9: {  	v47 =	vor.u32 v34, v63;
	v39 =	vor.u32 v46, v45;
	v46 =	vld [tilespmem:$0x1FF20]  }
0x1da: {  	v30 =	vor.u32 v30, v58;
	[tilespmem:v41+s15+$0x0] =	vst.idx.msk $0xffff, v35;
	v41 =	vld [tilespmem:$0x1FE90]  }
0x1db: {  	[tilespmem:v42+s15+$0x0] =	vst.idx.msk $0xffff, v36;
	v42 =	vld [tilespmem:$0x1FE80]  }
0x1dc: {  	v29 =	vld.idx.msk [tilespmem:v29+s12+$0x0], $0xffff  }
0x1dd: {  	v35 =	vor.u32 v23, v9;
	[tilespmem:v44+s15+$0x0] =	vst.idx.msk $0xffff, v28;
	v44 =	vld [tilespmem:$0x1FEA0]  }
0x1de: {  	v25 =	vor.u32 v25, v26;
	[tilespmem:v47+s15+$0x0] =	vst.idx.msk $0xffff, v32;
	v40 =	vor.u32 v46, v52;
	v46 =	vld [tilespmem:$0x1FE50]  }
0x1df: {  	v30 =	vld.idx.msk [tilespmem:v30+s12+$0x0], $0xffff;
	v32 =	vor.u32 v41, v1  }
0x1e0: {  	v36 =	vor.u32 v42, v18;
	v42 =	vld [tilespmem:$0x1FE50]  }
0x1e1: {  	v47 =	vor.u32 v33, v12;
	v39 =	vld.idx.msk [tilespmem:v39+s12+$0x0], $0xffff  }
0x1e2: {  	v41 =	vor.u32 v34, v62;
	[tilespmem:v35+s15+$0x0] =	vst.idx.msk $0xffff, v29;
	v29 =	vld [tilespmem:$0x1FE60]  }
0x1e3: {  	[tilespmem:v25+s15+$0x0] =	vst.idx.msk $0xffff, v31;
	v44 =	vor.u32 v44, v58;
	v43 =	vor.u32 v46, v27;
	v46 =	vld [tilespmem:$0x1FE50]  }
0x1e4: {  	v32 =	vld.idx.msk [tilespmem:v32+s12+$0x0], $0xffff  }
0x1e5: {  	v28 =	vor.u32 v22, v55;
	v40 =	vld.idx.msk [tilespmem:v40+s12+$0x0], $0xffff  }
0x1e6: {  	[tilespmem:v47+s15+$0x0] =	vst.idx.msk $0xffff, v39;
	v47 =	vld [tilespmem:$0x1FE60]  }
0x1e7: {  	v42 =	vor.u32 v42, v45;
	[tilespmem:v41+s15+$0x0] =	vst.idx.msk $0xffff, v30;
	v30 =	vld [tilespmem:$0x1FEB0]  }
0x1e8: {  	v44 =	vld.idx.msk [tilespmem:v44+s12+$0x0], $0xffff;
	v46 =	vor.u32 v46, v38  }
0x1e9: {  	v25 =	vand.u32 $0x3C8, v36;
	v36 =	vor.u32 v24, v3;
	v31 =	vld.idx.msk [tilespmem:v43+s12+$0x0], $0xffff  }
0x1ea: {  	v43 =	vor.u32 v25, v49;
	[tilespmem:v28+s15+$0x0] =	vst.idx.msk $0xffff, v40;
	v28 =	vld [tilespmem:$0x1FEC0]  }
0x1eb: {  	v39 =	vor.u32 v47, v38;
	v47 =	vld [tilespmem:$0x1FE90]  }
0x1ec: {  	v29 =	vor.u32 v29, v27;
	v40 =	vld.idx.msk [tilespmem:v42+s12+$0x0], $0xffff  }
0x1ed: {  	v30 =	vor.u32 v30, v1;
	v35 =	vld.idx.msk [tilespmem:v46+s12+$0x0], $0xffff  }
0x1ee: {  	v46 =	vor.u32 v34, v60;
	[tilespmem:v36+s15+$0x0] =	vst.idx.msk $0xffff, v31;
	v31 =	vld [tilespmem:$0x1FE60]  }
0x1ef: {  	v42 =	vor.u32 v33, v13;
	[tilespmem:v43+s15+$0x0] =	vst.idx.msk $0xffff, v32;
	v43 =	vld [tilespmem:$0x1FEA0]  }
0x1f0: {  	v41 =	vor.u32 v23, v8;
	v36 =	vor.u32 v47, v27;
	v47 =	vld [tilespmem:$0x1FE80]  }
0x1f1: {  	v29 =	vld.idx.msk [tilespmem:v29+s12+$0x0], $0xffff  }
0x1f2: {  	v28 =	vor.u32 v28, v58;
	v30 =	vld.idx.msk [tilespmem:v30+s12+$0x0], $0xffff  }
0x1f3: {  	v24 =	vor.u32 v24, v6;
	[tilespmem:v46+s15+$0x0] =	vst.idx.msk $0xffff, v44;
	v46 =	vld [tilespmem:$0x1FCE0]  }
0x1f4: {  	v32 =	vor.u32 v25, v16;
	[tilespmem:v42+s15+$0x0] =	vst.idx.msk $0xffff, v40;
	v44 =	vld [tilespmem:$0x1FE90]  }
0x1f5: {  	[tilespmem:v41+s15+$0x0] =	vst.idx.msk $0xffff, v35;
	v42 =	vor.u32 v47, v20;
	v47 =	vld [tilespmem:$0x1FEB0]  }
0x1f6: {  	v31 =	vor.u32 v31, v45;
	v39 =	vld.idx.msk [tilespmem:v39+s12+$0x0], $0xffff  }
0x1f7: {  	v35 =	vor.u32 v43, v1;
	v28 =	vld.idx.msk [tilespmem:v28+s12+$0x0], $0xffff  }
0x1f8: {  	v23 =	vor.u32 v23, v11;
	[tilespmem:v24+s15+$0x0] =	vst.idx.msk $0xffff, v29;
	v24 =	vand.u32 $0x3C8, v42;
	v40 =	vor.u32 v46, v52;
	v46 =	vld [tilespmem:$0x1FE80]  }
0x1f9: {  	[tilespmem:v32+s15+$0x0] =	vst.idx.msk $0xffff, v30;
	v30 =	vld.idx.msk [tilespmem:v36+s12+$0x0], $0xffff;
	v32 =	vor.u32 v24, v5  }
0x1fa: {  	v29 =	vld [tilespmem:$0x1FE90];
	v41 =	vor.u32 v44, v38  }
0x1fb: {  	v31 =	vld.idx.msk [tilespmem:v31+s12+$0x0], $0xffff  }
0x1fc: {  	v35 =	vld.idx.msk [tilespmem:v35+s12+$0x0], $0xffff  }
0x1fd: {  	v34 =	vor.u32 v34, v59;
	v44 =	vld [tilespmem:$0x1FEE0];
	[tilespmem:v23+s15+$0x0] =	vst.idx.msk $0xffff, v39;
	v36 =	vor.u32 v46, v19  }
0x1fe: {  	v33 =	vor.u32 v33, v17;
	[tilespmem:v32+s15+$0x0] =	vst.idx.msk $0xffff, v30;
	v30 =	vld [tilespmem:$0x1FED0];
	v23 =	vand.u32 $0x3C8, v36  }
0x1ff: {  	v39 =	vld.idx.msk [tilespmem:v41+s12+$0x0], $0xffff;
	v41 =	vor.u32 v23, v10  }
0x200: {  	v42 =	vor.u32 v47, v27;
	v46 =	vld [tilespmem:$0x1FE80]  }
0x201: {  	v47 =	vld [tilespmem:$0x1FEC0]  }
0x202: {  	v29 =	vor.u32 v29, v45;
	[tilespmem:v34+s15+$0x0] =	vst.idx.msk $0xffff, v28;
	v32 =	vld [tilespmem:$0x1FEB0]  }
0x203: {  	[tilespmem:v33+s15+$0x0] =	vst.idx.msk $0xffff, v31;
	v40 =	vld.idx.msk [tilespmem:v40+s12+$0x0], $0xffff;
	v36 =	vor.u32 v44, v58  }
0x204: {  	v33 =	vor.u32 v22, v54;
	v30 =	vor.u32 v30, v61;
	[tilespmem:v41+s15+$0x0] =	vst.idx.msk $0xffff, v39;
	v41 =	vld [tilespmem:$0x1FEA0]  }
0x205: {  	v44 =	vor.u32 v25, v7;
	v28 =	vand.u32 $0x3D8, v30;
	v30 =	vld.idx.msk [tilespmem:v42+s12+$0x0], $0xffff;
	v43 =	vor.u32 v46, v21  }
0x206: {  	v34 =	vor.u32 v24, v4;
	v46 =	vld [tilespmem:$0x1FEB0];
	v31 =	vand.u32 $0x3C8, v43  }
0x207: {  	v29 =	vld.idx.msk [tilespmem:v29+s12+$0x0], $0xffff;
	v43 =	vor.u32 v47, v1;
	v47 =	vor.u32 v31, v14  }
0x208: {  	v36 =	vld.idx.msk [tilespmem:v36+s12+$0x0], $0xffff;
	v39 =	vor.u32 v28, v63  }
0x209: {  	[tilespmem:v33+s15+$0x0] =	vst.idx.msk $0xffff, v40;
	v40 =	vld [tilespmem:$0x1FF20];
	v41 =	vor.u32 v41, v27  }
0x20a: {  	[tilespmem:v44+s15+$0x0] =	vst.idx.msk $0xffff, v35;
	v44 =	vld [tilespmem:$0x1FEF0]  }
0x20b: {  	[tilespmem:v34+s15+$0x0] =	vst.idx.msk $0xffff, v30;
	v46 =	vor.u32 v46, v38  }
0x20c: {  	[tilespmem:v47+s15+$0x0] =	vst.idx.msk $0xffff, v29;
	v47 =	vld [tilespmem:$0x1FEA0]  }
0x20d: {  	v32 =	vor.u32 v32, v45;
	[tilespmem:v39+s15+$0x0] =	vst.idx.msk $0xffff, v36;
	v39 =	vld [tilespmem:$0x1FEE0]  }
0x20e: {  	v33 =	vor.u32 v40, v58;
	v36 =	vld.idx.msk [tilespmem:v41+s12+$0x0], $0xffff  }
0x20f: {  	v35 =	vor.u32 v44, v52;
	v41 =	vld [tilespmem:$0x1FEC0]  }
0x210: {  	v44 =	vor.u32 v23, v9;
	v42 =	vld.idx.msk [tilespmem:v46+s12+$0x0], $0xffff  }
0x211: {  	v25 =	vor.u32 v25, v26;
	v29 =	vld.idx.msk [tilespmem:v43+s12+$0x0], $0xffff;
	v43 =	vor.u32 v47, v38  }
0x212: {  	v40 =	vor.u32 v31, v12;
	v32 =	vld.idx.msk [tilespmem:v32+s12+$0x0], $0xffff  }
0x213: {  	v33 =	vld.idx.msk [tilespmem:v33+s12+$0x0], $0xffff;
	v34 =	vor.u32 v39, v1;
	v39 =	vor.u32 v24, v3  }
0x214: {  	v22 =	vor.u32 v22, v53;
	v35 =	vld.idx.msk [tilespmem:v35+s12+$0x0], $0xffff;
	v41 =	vor.u32 v41, v27  }
0x215: {  	[tilespmem:v44+s15+$0x0] =	vst.idx.msk $0xffff, v42;
	v44 =	vld [tilespmem:$0x1FEC0]  }
0x216: {  	[tilespmem:v25+s15+$0x0] =	vst.idx.msk $0xffff, v29;
	v25 =	vld.idx.msk [tilespmem:v43+s12+$0x0], $0xffff  }
0x217: {  	[tilespmem:v40+s15+$0x0] =	vst.idx.msk $0xffff, v32;
	v43 =	vld [tilespmem:$0x1FED0]  }
0x218: {  	v30 =	vor.u32 v47, v45;
	v40 =	vld [tilespmem:$0x1FCE0];
	[tilespmem:v39+s15+$0x0] =	vst.idx.msk $0xffff, v36  }
0x219: {  	v29 =	vor.u32 v23, v8;
	[tilespmem:v22+s15+$0x0] =	vst.idx.msk $0xffff, v35;
	v35 =	vld.idx.msk [tilespmem:v41+s12+$0x0], $0xffff  }
0x21a: {  	v44 =	vor.u32 v44, v38;
	v41 =	vld [tilespmem:$0x1FEE0]  }
0x21b: {  	v22 =	vld [tilespmem:$0x1FF20]  }
0x21c: {  	v42 =	vor.u32 v28, v62;
	v39 =	vld [tilespmem:$0x1FEC0];
	v43 =	vor.u32 v43, v37  }
0x21d: {  	v30 =	vld.idx.msk [tilespmem:v30+s12+$0x0], $0xffff;
	v32 =	vor.u32 v40, v58;
	v40 =	vand.u32 $0x3D8, v43;
	v43 =	vor.u32 v31, v13  }
0x21e: {  	v24 =	vor.u32 v24, v6;
	v34 =	vld.idx.msk [tilespmem:v34+s12+$0x0], $0xffff;
	[tilespmem:v29+s15+$0x0] =	vst.idx.msk $0xffff, v25  }
0x21f: {  	v36 =	vor.u32 v40, v49;
	v25 =	vld.idx.msk [tilespmem:v44+s12+$0x0], $0xffff;
	v41 =	vor.u32 v41, v27  }
0x220: {  	v44 =	vld [tilespmem:$0x1FED0]  }
0x221: {  	[tilespmem:v42+s15+$0x0] =	vst.idx.msk $0xffff, v33;
	v42 =	vld [tilespmem:$0x1FEE0];
	v39 =	vor.u32 v39, v45  }
0x222: {  	[tilespmem:v43+s15+$0x0] =	vst.idx.msk $0xffff, v30;
	v30 =	vld [tilespmem:$0x1FED0]  }
0x223: {  	[tilespmem:v24+s15+$0x0] =	vst.idx.msk $0xffff, v35;
	v43 =	vld [tilespmem:$0x1FEF0]  }
0x224: {  	[tilespmem:v36+s15+$0x0] =	vst.idx.msk $0xffff, v34;
	v36 =	vld.idx.msk [tilespmem:v41+s12+$0x0], $0xffff  }
0x225: {  	v41 =	vor.u32 v44, v0;
	v44 =	vld [tilespmem:$0x1FED0]  }
0x226: {  	v31 =	vor.u32 v31, v17;
	v34 =	vld.idx.msk [tilespmem:v39+s12+$0x0], $0xffff  }
0x227: {  	v22 =	vor.u32 v22, v1  }
0x228: {  	v15 =	vld [tilespmem:$0x1FCC0];
	v23 =	vor.u32 v23, v11;
	v30 =	vor.u32 v30, v51  }
0x229: {  	v29 =	vld.idx.msk [tilespmem:v32+s12+$0x0], $0xffff;
	v33 =	vor.u32 v42, v38;
	v24 =	vand.u32 $0x3D8, v30  }
0x22a: {  	v35 =	vor.u32 v43, v58;
	v43 =	vld [tilespmem:$0x1FF20];
	v39 =	vor.u32 v24, v5;
	v44 =	vor.u32 v44, v2  }
0x22b: {  	[tilespmem:v31+s15+$0x0] =	vst.idx.msk $0xffff, v34;
	v34 =	vand.u32 $0x3D8, v44;
	v44 =	vld [tilespmem:$0x1FF10]  }
0x22c: {  	v22 =	vld.idx.msk [tilespmem:v22+s12+$0x0], $0xffff  }
0x22d: {  	v32 =	vor.u32 v28, v60;
	[tilespmem:v23+s15+$0x0] =	vst.idx.msk $0xffff, v25;
	v25 =	vld [tilespmem:$0x1FCE0]  }
0x22e: {  	v33 =	vld.idx.msk [tilespmem:v33+s12+$0x0], $0xffff  }
0x22f: {  	v42 =	vor.u32 v40, v16;
	v43 =	vor.u32 v43, v27;
	[tilespmem:v39+s15+$0x0] =	vst.idx.msk $0xffff, v36;
	v39 =	vld [tilespmem:$0x1FF20]  }
0x230: {  	v15 =	vor.u32 v44, v15;
	v44 =	vld [tilespmem:$0x1FF60]  }
0x231: {  	v30 =	vld [tilespmem:$0x1FEE0]  }
0x232: {  	[tilespmem:v32+s15+$0x0] =	vst.idx.msk $0xffff, v29;
	v23 =	vand.u32 $0x3D8, v41;
	v31 =	vld [tilespmem:$0x1FF20]  }
0x233: {  	v41 =	vor.u32 v23, v10;
	v32 =	vld.idx.msk [tilespmem:v35+s12+$0x0], $0xffff  }
0x234: {  	[tilespmem:v42+s15+$0x0] =	vst.idx.msk $0xffff, v22;
	v22 =	vld.idx.msk [tilespmem:v43+s12+$0x0], $0xffff  }
0x235: {  	v35 =	vor.u32 v39, v45;
	v39 =	vor.u32 v24, v4;
	v36 =	vor.u32 v44, v52;
	v44 =	vld [tilespmem:$0x1FCE0]  }
0x236: {  	v30 =	vor.u32 v30, v45  }
0x237: {  	v46 =	vld [tilespmem:$0x1FD30];
	v25 =	vor.u32 v25, v1  }
0x238: {  	v28 =	vor.u32 v28, v59;
	[tilespmem:v41+s15+$0x0] =	vst.idx.msk $0xffff, v33;
	v41 =	vld [tilespmem:$0x1FEF0]  }
0x239: {  	v31 =	vor.u32 v31, v38;
	v43 =	vld [tilespmem:$0x1FCE0]  }
0x23a: {  	[tilespmem:v39+s15+$0x0] =	vst.idx.msk $0xffff, v22;
	v39 =	vor.u32 v44, v45;
	v44 =	vld [tilespmem:$0x1FF10]  }
0x23b: {  	v29 =	vld.idx.msk [tilespmem:v30+s12+$0x0], $0xffff;
	v30 =	vor.u32 v34, v14  }
0x23c: {  	v25 =	vld.idx.msk [tilespmem:v25+s12+$0x0], $0xffff  }
0x23d: {  	[tilespmem:v28+s15+$0x0] =	vst.idx.msk $0xffff, v32;
	v28 =	vld [tilespmem:$0x1FF60]  }
0x23e: {  	v42 =	vor.u32 v40, v7;
	v31 =	vld.idx.msk [tilespmem:v31+s12+$0x0], $0xffff;
	v43 =	vor.u32 v43, v27  }
0x23f: {  	v44 =	vor.u32 v44, v56;
	v56 =	vld [tilespmem:$0x1FEF0]  }
0x240: {  	[tilespmem:v30+s15+$0x0] =	vst.idx.msk $0xffff, v29;
	v30 =	vld [tilespmem:$0x1FCE0]  }
0x241: {  	v33 =	vor.u32 v41, v1;
	v32 =	vld.idx.msk [tilespmem:v35+s12+$0x0], $0xffff  }
0x242: {  	v15 =	vand.u32 $0x3E8, v15;
	v28 =	vor.u32 v28, v58;
	v35 =	vor.u32 v34, v12;
	v36 =	vld.idx.msk [tilespmem:v36+s12+$0x0], $0xffff  }
0x243: {  	[tilespmem:v42+s15+$0x0] =	vst.idx.msk $0xffff, v25;
	v29 =	vor.u32 v15, v57;
	v25 =	vld.idx.msk [tilespmem:v43+s12+$0x0], $0xffff  }
0x244: {  	v43 =	vor.u32 v56, v27;
	v56 =	vld [tilespmem:$0x1FEF0]  }
0x245: {  	v42 =	vor.u32 v24, v3;
	v22 =	vld [tilespmem:$0x1FFE0]  }
0x246: {  	v41 =	vor.u32 v23, v9;
	v33 =	vld.idx.msk [tilespmem:v33+s12+$0x0], $0xffff  }
0x247: {  	v28 =	vld.idx.msk [tilespmem:v28+s12+$0x0], $0xffff;
	[tilespmem:v35+s15+$0x0] =	vst.idx.msk $0xffff, v32  }
0x248: {  	v30 =	vor.u32 v30, v38;
	[tilespmem:v29+s15+$0x0] =	vst.idx.msk $0xffff, v36;
	v29 =	vld [tilespmem:$0x1FFE0]  }
0x249: {  	v36 =	vld.idx.msk [tilespmem:v39+s12+$0x0], $0xffff;
	v35 =	vor.u32 v56, v38;
	v56 =	vor.u32 v34, v13  }
0x24a: {  	v22 =	vor.u32 v22, v52;
	[tilespmem:v42+s15+$0x0] =	vst.idx.msk $0xffff, v25;
	v25 =	vld [tilespmem:$0x1FF10]  }
0x24b: {  	[tilespmem:v41+s15+$0x0] =	vst.idx.msk $0xffff, v31;
	v31 =	vand.u32 $0x3E8, v44;
	v44 =	vld [tilespmem:$0x1FF60]  }
0x24c: {  	v42 =	vld [tilespmem:$0x1FEE0];
	v32 =	vor.u32 v31, v63  }
0x24d: {  	v40 =	vor.u32 v40, v26;
	v30 =	vld.idx.msk [tilespmem:v30+s12+$0x0], $0xffff  }
0x24e: {  	[tilespmem:v56+s15+$0x0] =	vst.idx.msk $0xffff, v36;
	v56 =	vld [tilespmem:$0x1FF60]  }
0x24f: {  	v22 =	vld.idx.msk [tilespmem:v22+s12+$0x0], $0xffff  }
0x250: {  	v18 =	vor.u32 v25, v18;
	v25 =	vld [tilespmem:$0x1FEF0];
	v41 =	vor.u32 v44, v1;
	v44 =	vor.u32 v23, v8  }
0x251: {  	[tilespmem:v32+s15+$0x0] =	vst.idx.msk $0xffff, v28;
	v28 =	vld [tilespmem:$0x1FFE0]  }
0x252: {  	[tilespmem:v40+s15+$0x0] =	vst.idx.msk $0xffff, v33;
	v29 =	vor.u32 v29, v58;
	v33 =	vld.idx.msk [tilespmem:v43+s12+$0x0], $0xffff  }
0x253: {  	v36 =	vor.u32 v56, v38;
	v56 =	vld [tilespmem:$0x1FF10]  }
0x254: {  	v43 =	vld [tilespmem:$0x1FF20]  }
0x255: {  	v18 =	vand.u32 $0x3E8, v18;
	[tilespmem:v44+s15+$0x0] =	vst.idx.msk $0xffff, v30;
	v44 =	vld [tilespmem:$0x1FF60]  }
0x256: {  	v25 =	vor.u32 v25, v45;
	v40 =	vld.idx.msk [tilespmem:v41+s12+$0x0], $0xffff;
	v30 =	vor.u32 v18, v49  }
0x257: {  	v29 =	vld.idx.msk [tilespmem:v29+s12+$0x0], $0xffff;
	v28 =	vor.u32 v28, v1  }
0x258: {  	v24 =	vor.u32 v24, v6;
	v20 =	vor.u32 v56, v20;
	v56 =	vld [tilespmem:$0x1FF10]  }
0x259: {  	v23 =	vor.u32 v23, v11;
	v32 =	vld.idx.msk [tilespmem:v35+s12+$0x0], $0xffff  }
0x25a: {  	v41 =	vor.u32 v44, v27;
	v44 =	vld [tilespmem:$0x1FF30]  }
0x25b: {  	v35 =	vor.u32 v15, v55;
	v25 =	vld.idx.msk [tilespmem:v25+s12+$0x0], $0xffff;
	[tilespmem:v30+s15+$0x0] =	vst.idx.msk $0xffff, v40  }
0x25c: {  	v28 =	vld.idx.msk [tilespmem:v28+s12+$0x0], $0xffff  }
0x25d: {  	[tilespmem:v24+s15+$0x0] =	vst.idx.msk $0xffff, v33;
	v24 =	vor.u32 v31, v62;
	v19 =	vor.u32 v56, v19;
	v56 =	vld [tilespmem:$0x1FF10]  }
0x25e: {  	v34 =	vor.u32 v34, v17;
	[tilespmem:v23+s15+$0x0] =	vst.idx.msk $0xffff, v32;
	v23 =	vld [tilespmem:$0x1FF30]  }
0x25f: {  	v39 =	vor.u32 v44, v52;
	v44 =	vld [tilespmem:$0x1FF60]  }
0x260: {  	[tilespmem:v35+s15+$0x0] =	vst.idx.msk $0xffff, v22;
	v22 =	vld [tilespmem:$0x1FF30];
	v20 =	vand.u32 $0x3E8, v20  }
0x261: {  	v30 =	vld.idx.msk [tilespmem:v41+s12+$0x0], $0xffff;
	v40 =	vor.u32 v20, v5  }
0x262: {  	[tilespmem:v24+s15+$0x0] =	vst.idx.msk $0xffff, v29;
	v21 =	vor.u32 v56, v21;
	v56 =	vld [tilespmem:$0x1FFE0]  }
0x263: {  	v24 =	vld [tilespmem:$0x1FF40];
	[tilespmem:v34+s15+$0x0] =	vst.idx.msk $0xffff, v25;
	v25 =	vor.u32 v18, v16  }
0x264: {  	v23 =	vor.u32 v23, v58;
	v33 =	vor.u32 v44, v45;
	v44 =	vld [tilespmem:$0x1FFE0]  }
0x265: {  	v32 =	vld.idx.msk [tilespmem:v36+s12+$0x0], $0xffff  }
0x266: {  	v39 =	vld.idx.msk [tilespmem:v39+s12+$0x0], $0xffff;
	[tilespmem:v40+s15+$0x0] =	vst.idx.msk $0xffff, v30;
	v30 =	vor.u32 v15, v54  }
0x267: {  	v34 =	vor.u32 v56, v38;
	v56 =	vld [tilespmem:$0x1FFE0]  }
0x268: {  	v22 =	vor.u32 v22, v1;
	[tilespmem:v25+s15+$0x0] =	vst.idx.msk $0xffff, v28;
	v25 =	vld [tilespmem:$0x1FF40]  }
0x269: {  	v23 =	vld.idx.msk [tilespmem:v23+s12+$0x0], $0xffff;
	v41 =	vor.u32 v44, v27;
	v21 =	vand.u32 $0x3E8, v21  }
0x26a: {  	v33 =	vld.idx.msk [tilespmem:v33+s12+$0x0], $0xffff;
	v35 =	vor.u32 v21, v14  }
0x26b: {  	v24 =	vor.u32 v24, v52;
	v19 =	vand.u32 $0x3E8, v19;
	[tilespmem:v30+s15+$0x0] =	vst.idx.msk $0xffff, v39;
	v30 =	vld [tilespmem:$0x1FF40]  }
0x26c: {  	v36 =	vor.u32 v19, v10;
	v40 =	vor.u32 v56, v45;
	v56 =	vld [tilespmem:$0x1FF30]  }
0x26d: {  	v22 =	vld.idx.msk [tilespmem:v22+s12+$0x0], $0xffff  }
0x26e: {  	v29 =	vld.idx.msk [tilespmem:v41+s12+$0x0], $0xffff;
	v41 =	vor.u32 v20, v4  }
0x26f: {  	v44 =	vld [tilespmem:$0x1FF60];
	[tilespmem:v35+s15+$0x0] =	vst.idx.msk $0xffff, v33;
	v33 =	vor.u32 v18, v7  }
0x270: {  	v24 =	vld.idx.msk [tilespmem:v24+s12+$0x0], $0xffff;
	v30 =	vor.u32 v30, v1  }
0x271: {  	[tilespmem:v36+s15+$0x0] =	vst.idx.msk $0xffff, v32;
	v36 =	vor.u32 v56, v27;
	v56 =	vld [tilespmem:$0x1FF30]  }
0x272: {  	v28 =	vld.idx.msk [tilespmem:v34+s12+$0x0], $0xffff;
	v34 =	vor.u32 v19, v9  }
0x273: {  	v32 =	vor.u32 v31, v60;
	[tilespmem:v41+s15+$0x0] =	vst.idx.msk $0xffff, v29;
	v41 =	vld [tilespmem:$0x1FD10]  }
0x274: {  	v25 =	vor.u32 v25, v58;
	v29 =	vld [tilespmem:$0x1FF30];
	[tilespmem:v33+s15+$0x0] =	vst.idx.msk $0xffff, v22  }
0x275: {  	v18 =	vor.u32 v18, v26;
	v30 =	vld.idx.msk [tilespmem:v30+s12+$0x0], $0xffff  }
0x276: {  	v39 =	vld.idx.msk [tilespmem:v40+s12+$0x0], $0xffff;
	v35 =	vor.u32 v56, v38  }
0x277: {  	[tilespmem:v34+s15+$0x0] =	vst.idx.msk $0xffff, v28;
	v28 =	vor.u32 v31, v59;
	v31 =	vld [tilespmem:$0x1FF40];
	v56 =	vor.u32 v21, v12  }
0x278: {  	[tilespmem:v32+s15+$0x0] =	vst.idx.msk $0xffff, v23;
	v32 =	vor.u32 v20, v3;
	v23 =	vld.idx.msk [tilespmem:v36+s12+$0x0], $0xffff  }
0x279: {  	v15 =	vor.u32 v15, v53;
	v25 =	vld.idx.msk [tilespmem:v25+s12+$0x0], $0xffff;
	v29 =	vor.u32 v29, v45  }
0x27a: {  	[tilespmem:v18+s15+$0x0] =	vst.idx.msk $0xffff, v30;
	v18 =	vld [tilespmem:$0x1FF50]  }
0x27b: {  	v22 =	vld.idx.msk [tilespmem:v35+s12+$0x0], $0xffff  }
0x27c: {  	v31 =	vor.u32 v31, v27;
	[tilespmem:v56+s15+$0x0] =	vst.idx.msk $0xffff, v39;
	v56 =	vld [tilespmem:$0x1FF40]  }
0x27d: {  	[tilespmem:v32+s15+$0x0] =	vst.idx.msk $0xffff, v23;
	v23 =	vld [tilespmem:$0x1FF40]  }
0x27e: {  	[tilespmem:v15+s15+$0x0] =	vst.idx.msk $0xffff, v24;
	v15 =	vld.idx.msk [tilespmem:v29+s12+$0x0], $0xffff  }
0x27f: {  	v33 =	vor.u32 v19, v8;
	v29 =	vld [tilespmem:$0x1FCD0]  }
0x280: {  	v24 =	vor.u32 v21, v13;
	v40 =	vld [tilespmem:$0x1FED0];
	[tilespmem:v28+s15+$0x0] =	vst.idx.msk $0xffff, v25;
	v25 =	vor.u32 v50, v52  }
0x281: {  	v20 =	vor.u32 v20, v6;
	v28 =	vld.idx.msk [tilespmem:v31+s12+$0x0], $0xffff  }
0x282: {  	v30 =	vld [tilespmem:$0x1FF80];
	v34 =	vor.u32 v56, v38  }
0x283: {  	v36 =	vld [tilespmem:$0x1FE80];
	v23 =	vor.u32 v23, v45  }
0x284: {  	v39 =	vld [tilespmem:$0x1FEC0];
	[tilespmem:v33+s15+$0x0] =	vst.idx.msk $0xffff, v22;
	v22 =	vor.u32 v50, v58;
	v18 =	vor.u32 v18, v29  }
0x285: {  	v25 =	vld.idx.msk [tilespmem:v25+s12+$0x0], $0xffff;
	[tilespmem:v24+s15+$0x0] =	vst.idx.msk $0xffff, v15;
	v15 =	vor.u32 v50, v1;
	v18 =	vand.u32 $0x3F8, v18  }
0x286: {  	[tilespmem:v20+s15+$0x0] =	vst.idx.msk $0xffff, v28;
	v20 =	vor.u32 v50, v27;
	v24 =	vor.u32 v18, v57;
	v57 =	vld [tilespmem:$0x1FF50]  }
0x287: {  	v29 =	vld.idx.msk [tilespmem:v34+s12+$0x0], $0xffff  }
0x288: {  	v23 =	vld.idx.msk [tilespmem:v23+s12+$0x0], $0xffff  }
0x289: {  	v22 =	vld.idx.msk [tilespmem:v22+s12+$0x0], $0xffff  }
0x28a: {  	v15 =	vld.idx.msk [tilespmem:v15+s12+$0x0], $0xffff  }
0x28b: {  	v20 =	vld.idx.msk [tilespmem:v20+s12+$0x0], $0xffff  }
0x28c: {  	v19 =	vor.u32 v19, v11;
	v56 =	vor.u32 v57, v51;
	v51 =	vld [tilespmem:$0x1FF10]  }
0x28d: {  	v21 =	vor.u32 v21, v17;
	v31 =	vor.u32 v57, v61;
	v61 =	vld [tilespmem:$0x1FF80]  }
0x28e: {  	[tilespmem:v24+s15+$0x0] =	vst.idx.msk $0xffff, v25;
	v24 =	vld [tilespmem:$0x1FF80]  }
0x28f: {  	v28 =	vand.u32 $0x3F8, v31;
	v31 =	vor.u32 v57, v37;
	v37 =	vld [tilespmem:$0x1FE90]  }
0x290: {  	v0 =	vor.u32 v57, v0;
	v2 =	vor.u32 v57, v2;
	v57 =	vld [tilespmem:$0x1FF90]  }
0x291: {  	v32 =	vor.u32 v50, v38;
	[tilespmem:v19+s15+$0x0] =	vst.idx.msk $0xffff, v29;
	v29 =	vld [tilespmem:$0x1FF80]  }
0x292: {  	v0 =	vand.u32 $0x3F8, v0;
	v31 =	vand.u32 $0x3F8, v31;
	[tilespmem:v21+s15+$0x0] =	vst.idx.msk $0xffff, v23;
	v21 =	vld [tilespmem:$0x1FF80]  }
0x293: {  	v23 =	vand.u32 $0x3F8, v56;
	v10 =	vor.u32 v0, v10;
	v56 =	vor.u32 v28, v62;
	v62 =	vld [tilespmem:$0x1FFD0]  }
0x294: {  	v9 =	vor.u32 v0, v9;
	v8 =	vor.u32 v0, v8;
	v0 =	vor.u32 v0, v11;
	v11 =	vld [tilespmem:$0x1FDA0]  }
0x295: {  	v19 =	vor.u32 v50, v45;
	v34 =	vor.u32 v31, v49;
	v49 =	vld [tilespmem:$0x1FF00]  }
0x296: {  	v30 =	vor.u32 v30, v52;
	v33 =	vor.u32 v28, v63;
	v5 =	vor.u32 v23, v5;
	v32 =	vld.idx.msk [tilespmem:v32+s12+$0x0], $0xffff  }
0x297: {  	v4 =	vor.u32 v23, v4;
	v3 =	vor.u32 v23, v3;
	v6 =	vor.u32 v23, v6;
	v23 =	vld [tilespmem:$0x1FE10]  }
0x298: {  	v35 =	vor.u32 v61, v27;
	v61 =	vor.u32 v31, v26;
	v26 =	vld [tilespmem:$0x1FE40]  }
0x299: {  	v16 =	vor.u32 v31, v16;
	v7 =	vor.u32 v31, v7;
	v31 =	vld [tilespmem:$0x1FD40]  }
0x29a: {  	v19 =	vld.idx.msk [tilespmem:v19+s12+$0x0], $0xffff  }
0x29b: {  	[tilespmem:v33+s15+$0x0] =	vst.idx.msk $0xffff, v22;
	v22 =	vld.idx.msk [tilespmem:v30+s12+$0x0], $0xffff  }
0x29c: {  	v33 =	vld [tilespmem:$0x1FF80]  }
0x29d: {  	v29 =	vor.u32 v29, v58;
	[tilespmem:v34+s15+$0x0] =	vst.idx.msk $0xffff, v15;
	v34 =	vld [tilespmem:$0x1FE60]  }
0x29e: {  	v21 =	vor.u32 v21, v1;
	v15 =	vld [tilespmem:$0x1FF90]  }
0x29f: {  	[tilespmem:v5+s15+$0x0] =	vst.idx.msk $0xffff, v20;
	v5 =	vld [tilespmem:$0x1FF90]  }
0x2a0: {  	v2 =	vand.u32 $0x3F8, v2;
	[tilespmem:v10+s15+$0x0] =	vst.idx.msk $0xffff, v32;
	v32 =	vld [tilespmem:$0x1FD50]  }
0x2a1: {  	v14 =	vor.u32 v2, v14;
	v10 =	vld [tilespmem:$0x1FF90]  }
0x2a2: {  	v24 =	vor.u32 v24, v38;
	v29 =	vld.idx.msk [tilespmem:v29+s12+$0x0], $0xffff  }
0x2a3: {  	v25 =	vor.u32 v18, v55;
	v20 =	vld.idx.msk [tilespmem:v21+s12+$0x0], $0xffff  }
0x2a4: {  	v21 =	vld.idx.msk [tilespmem:v35+s12+$0x0], $0xffff  }
0x2a5: {  	v30 =	vor.u32 v33, v45;
	v35 =	vld [tilespmem:$0x1FE70]  }
0x2a6: {  	[tilespmem:v14+s15+$0x0] =	vst.idx.msk $0xffff, v19;
	v14 =	vld [tilespmem:$0x1FF90]  }
0x2a7: {  	v19 =	vld.idx.msk [tilespmem:v24+s12+$0x0], $0xffff  }
0x2a8: {  	[tilespmem:v25+s15+$0x0] =	vst.idx.msk $0xffff, v22;
	v22 =	vld [tilespmem:$0x1FF90]  }
0x2a9: {  	v33 =	vld [tilespmem:$0x1FD60]  }
0x2aa: {  	v15 =	vor.u32 v15, v52;
	v24 =	vld.idx.msk [tilespmem:v30+s12+$0x0], $0xffff  }
0x2ab: {  	v5 =	vor.u32 v5, v58;
	v30 =	vld [tilespmem:$0x1FD20]  }
0x2ac: {  	v10 =	vor.u32 v10, v1;
	[tilespmem:v16+s15+$0x0] =	vst.idx.msk $0xffff, v20;
	v16 =	vld [tilespmem:$0x1FFA0]  }
0x2ad: {  	v20 =	vor.u32 v28, v60;
	v60 =	vld [tilespmem:$0x1FF40]  }
0x2ae: {  	v14 =	vor.u32 v14, v27;
	[tilespmem:v4+s15+$0x0] =	vst.idx.msk $0xffff, v21;
	v21 =	vld [tilespmem:$0x1FDF0]  }
0x2af: {  	v12 =	vor.u32 v2, v12;
	[tilespmem:v56+s15+$0x0] =	vst.idx.msk $0xffff, v29;
	v15 =	vld.idx.msk [tilespmem:v15+s12+$0x0], $0xffff  }
0x2b0: {  	v22 =	vor.u32 v22, v38;
	v5 =	vld.idx.msk [tilespmem:v5+s12+$0x0], $0xffff  }
0x2b1: {  	v10 =	vld.idx.msk [tilespmem:v10+s12+$0x0], $0xffff  }
0x2b2: {  	v25 =	vor.u32 v18, v54;
	v16 =	vor.u32 v16, v52;
	v52 =	vld [tilespmem:$0x1FFA0]  }
0x2b3: {  	v29 =	vor.u32 v57, v45;
	[tilespmem:v9+s15+$0x0] =	vst.idx.msk $0xffff, v19;
	v9 =	vld.idx.msk [tilespmem:v14+s12+$0x0], $0xffff  }
0x2b4: {  	[tilespmem:v12+s15+$0x0] =	vst.idx.msk $0xffff, v24;
	v24 =	vld [tilespmem:$0x1FE20]  }
0x2b5: {  	v14 =	vld.idx.msk [tilespmem:v22+s12+$0x0], $0xffff  }
0x2b6: {  	v22 =	vld [tilespmem:$0x1FE00]  }
0x2b7: {  	[tilespmem:v25+s15+$0x0] =	vst.idx.msk $0xffff, v15;
	v25 =	vld [tilespmem:$0x1FE30]  }
0x2b8: {  	v19 =	vld.idx.msk [tilespmem:v29+s12+$0x0], $0xffff  }
0x2b9: {  	[tilespmem:v20+s15+$0x0] =	vst.idx.msk $0xffff, v5;
	v20 =	vld [tilespmem:$0x1FDE0]  }
0x2ba: {  	v5 =	vor.u32 v18, v53;
	v53 =	vld [tilespmem:$0x1FFC0]  }
0x2bb: {  	[tilespmem:v7+s15+$0x0] =	vst.idx.msk $0xffff, v10;
	v7 =	vor.u32 v28, v59;
	v59 =	vld [tilespmem:$0x1FF30]  }
0x2bc: {  	v28 =	vld [tilespmem:$0x1FD00]  }
0x2bd: {  	v13 =	vor.u32 v2, v13;
	v4 =	vor.u32 v52, v58;
	v58 =	vld [tilespmem:$0x1FFE0]  }
0x2be: {  	v12 =	vor.u32 v52, v27;
	v27 =	vld [tilespmem:$0x1FE50]  }
0x2bf: {  	v1 =	vor.u32 v52, v1;
	v15 =	vor.u32 v52, v38;
	v38 =	vld [tilespmem:$0x1FEB0]  }
0x2c0: {  	v16 =	vld.idx.msk [tilespmem:v16+s12+$0x0], $0xffff  }
0x2c1: {  	v18 =	vor.u32 v52, v45;
	v45 =	vld [tilespmem:$0x1FEF0]  }
0x2c2: {  	[tilespmem:v13+s15+$0x0] =	vst.idx.msk $0xffff, v19;
	v19 =	vld [tilespmem:$0x1FDD0]  }
0x2c3: {  	v4 =	vld.idx.msk [tilespmem:v4+s12+$0x0], $0xffff  }
0x2c4: {  	[tilespmem:v3+s15+$0x0] =	vst.idx.msk $0xffff, v9;
	v1 =	vld.idx.msk [tilespmem:v1+s12+$0x0], $0xffff  }
0x2c5: {  	[tilespmem:v8+s15+$0x0] =	vst.idx.msk $0xffff, v14;
	v8 =	vld.idx.msk [tilespmem:v12+s12+$0x0], $0xffff  }
0x2c6: {  	v9 =	vld.idx.msk [tilespmem:v15+s12+$0x0], $0xffff  }
0x2c7: {  	v15 =	vld [tilespmem:$0x1FF70]  }
0x2c8: {  	p2 =	por p1, p1;
	v2 =	vor.u32 v2, v17;
	[tilespmem:v5+s15+$0x0] =	vst.idx.msk $0xffff, v16;
	v5 =	vld.idx.msk [tilespmem:v18+s12+$0x0], $0xffff  }
.Ltmp0:
0x2c9: {  	v16 =	vld [tilespmem:$0x1FFB0];
	[tilespmem:v7+s15+$0x0] =	vst.idx.msk $0xffff, v4;
	(pc) =	sbr.rel @p2 .LBB2_3-.Ltmp0, $4  }
0x2ca: {  	v18 =	vld [tilespmem:$0x1FDC0];
	[tilespmem:v61+s15+$0x0] =	vst.idx.msk $0xffff, v1  }
0x2cb: {  	v7 =	vld [tilespmem:$0x1FDB0];
	[tilespmem:v6+s15+$0x0] =	vst.idx.msk $0xffff, v8  }
0x2cc: {  	v6 =	vld [tilespmem:$0x1FD80];
	[tilespmem:v0+s15+$0x0] =	vst.idx.msk $0xffff, v9  }
0x2cd: {  	p1 =	por $0x0, $0x0;
	s24 =	simm.s32 $0x8;
	v63 =	vmov v50;
	v29 =	vlaneseq.u32;
	v9 =	vld [tilespmem:$0x1FD90];
	[tilespmem:v2+s15+$0x0] =	vst.idx.msk $0xffff, v5  }
0x2ce: {  	p1 =	seq.s32 s23, $0x63  }
0x2cf: {  	s24 =	sshll.u32 @!p1 s23, $0x8  }
0x2d0: {  	s25 =	sor.u32 s6, s25;
	s24 =	sand.u32 @!p1 $0x3FFFFF00, s24  }
0x2d1: {  	s28 =	simm.s32 @!p1 $0x80;
	s29 =	simm.s32 @!p1 $0x6400;
	s26 =	sadd.s32 @!p1 $0x100, s24  }
0x2d2: {  	[tilespmem:s29], [sflag:$0x1] =	stream.indirect.gather @!p1 [hbm4b:s4+s28], $0x40, s26, s28, $0xb8;
	[tilespmem:$0xE400] =	vst v63  }
0x2d3: {  	s31 =	sadd.s32 s1, s25  }
0x2d4: {  	[hbm4b:s31+s16] =	stream.strided.scatter [tilespmem:s15], [sflag:$0x3], $0x2000, s17, s16, $0x38;
	[tilespmem:$0xE400] =	vst v63  }
0x2d5: {  	_ =	swait.ge [sflag:s18], $0x2000  }
0x2d6: {  	[sflag:s18] =	ssyncset.done $0x0  }
0x2d7: {  	s26 =	simm.s32 @!p0 $0x4;
	[sflag:s18] =	ssyncadd.s32 $0xFFFFE000  }
0x2d8: {  	_ =	swait.ge @!p0 [sflag:s26], $0x2000  }
0x2d9: {  	[sflag:s26] =	ssyncset.done @!p0 $0x0  }
0x2da: {  	[sflag:s26] =	ssyncadd.s32 @!p0 $0xFFFFE000;
	s26 =	simm.s32 $0x0;
	p0 =	por $0x1, $0x1  }
.LBB2_5:
0x2db: {  	v1 =	vadd.s32 s26, v29  }
0x2dc: {  	v3 =	vld [tilespmem:$0x1FCF0];
	v0 =	vshll.u32 v1, $0x6  }
0x2dd: {  	v8 =	vand.u32 $0x3C0, v0  }
0x2de: {  	v2 =	vor.u32 v29, v8;
	_ =	sdelay $0x2  }
0x2df: {  	v3 =	vadd.s32 s26, v3  }
0x2e0: {  	v3 =	vand.u32 $0x388, v3  }
0x2e1: {  	v4 =	vor.u32 v28, v3;
	v2 =	vld.idx.msk [tilespmem:v2+s13+$0x0], $0xffff  }
0x2e2: {  	v5 =	vor.u32 v41, v8;
	_ =	sdelay $0x3  }
0x2e3: {  	[tilespmem:v4+s19+$0x0] =	vst.idx.msk $0xffff, v2  }
0x2e4: {  	v4 =	vor.u32 v30, v3;
	v2 =	vld.idx.msk [tilespmem:v5+s13+$0x0], $0xffff  }
0x2e5: {  	v5 =	vor.u32 v46, v8;
	_ =	sdelay $0x3  }
0x2e6: {  	[tilespmem:v4+s19+$0x0] =	vst.idx.msk $0xffff, v2  }
0x2e7: {  	v4 =	vor.u32 v31, v3;
	v2 =	vld.idx.msk [tilespmem:v5+s13+$0x0], $0xffff  }
0x2e8: {  	v5 =	vor.u32 v6, v8;
	_ =	sdelay $0x3  }
0x2e9: {  	[tilespmem:v4+s19+$0x0] =	vst.idx.msk $0xffff, v2  }
0x2ea: {  	v3 =	vor.u32 v33, v3;
	v2 =	vld.idx.msk [tilespmem:v5+s13+$0x0], $0xffff  }
0x2eb: {  	v4 =	vor.u32 v7, v0;
	_ =	sdelay $0x2  }
0x2ec: {  	v5 =	vor.u32 v48, v1  }
0x2ed: {  	v10 =	vand.u32 $0x398, v5;
	[tilespmem:v3+s19+$0x0] =	vst.idx.msk $0xffff, v2  }
0x2ee: {  	v57 =	vor.u32 v28, v10;
	v2 =	vld.idx.msk [tilespmem:v4+s13+$0x0], $0xffff  }
0x2ef: {  	v4 =	vor.u32 v9, v0  }
0x2f0: {  	s28 =	sor.u32 $0x1, s26  }
0x2f1: {  	v6 =	vadd.s32 s28, v29  }
0x2f2: {  	v9 =	vand.u32 $0xF, v6  }
0x2f3: {  	[tilespmem:v57+s19+$0x0] =	vst.idx.msk $0xffff, v2;
	v2 =	vshll.u32 v9, $0x6  }
0x2f4: {  	v5 =	vor.u32 v11, v0;
	v3 =	vld.idx.msk [tilespmem:v4+s13+$0x0], $0xffff;
	v4 =	vor.u32 v30, v10;
	v11 =	vor.u32 v29, v2;
	_ =	sdelay $0x2  }
0x2f5: {  	v12 =	vand.u32 $0x7, v6;
	v61 =	vor.u32 v32, v9  }
0x2f6: {  	v7 =	vor.u32 v15, v12;
	v14 =	vand.u32 $0x388, v61  }
0x2f7: {  	[tilespmem:v4+s19+$0x0] =	vst.idx.msk $0xffff, v3;
	v63 =	vld.idx.msk [tilespmem:v11+s13+$0x0], $0xffff;
	v4 =	vor.u32 v14, v7  }
0x2f8: {  	v11 =	vor.u32 v41, v2;
	_ =	sdelay $0x3  }
0x2f9: {  	v13 =	vld.idx.msk [tilespmem:v5+s13+$0x0], $0xffff;
	v5 =	vor.u32 v16, v12;
	[tilespmem:v4+s19+$0x0] =	vst.idx.msk $0xffff, v63  }
0x2fa: {  	v4 =	vor.u32 v14, v5;
	v3 =	vld.idx.msk [tilespmem:v11+s13+$0x0], $0xffff  }
0x2fb: {  	v11 =	vor.u32 v46, v2;
	_ =	sdelay $0x1  }
0x2fc: {  	v15 =	vld [tilespmem:$0x1FD80];
	_ =	sdelay $0x1  }
0x2fd: {  	[tilespmem:v4+s19+$0x0] =	vst.idx.msk $0xffff, v3;
	v4 =	vor.u32 v53, v12  }
0x2fe: {  	v3 =	vld.idx.msk [tilespmem:v11+s13+$0x0], $0xffff;
	v11 =	vor.u32 v14, v4;
	_ =	sdelay $0x1  }
0x2ff: {  	v15 =	vor.u32 v15, v2;
	_ =	sdelay $0x2  }
0x300: {  	[tilespmem:v11+s19+$0x0] =	vst.idx.msk $0xffff, v3;
	v3 =	vor.u32 v62, v12  }
0x301: {  	v12 =	vor.u32 v14, v3;
	v14 =	vld [tilespmem:$0x1FDB0]  }
0x302: {  	v11 =	vld.idx.msk [tilespmem:v15+s13+$0x0], $0xffff;
	_ =	sdelay $0x3  }
0x303: {  	v15 =	vor.u32 v48, v6;
	v14 =	vor.u32 v14, v2  }
0x304: {  	[tilespmem:v12+s19+$0x0] =	vst.idx.msk $0xffff, v11;
	v11 =	vand.u32 $0x398, v15;
	v15 =	vld [tilespmem:$0x1FD90];
	_ =	sdelay $0x3  }
0x305: {  	v12 =	vld.idx.msk [tilespmem:v14+s13+$0x0], $0xffff;
	v14 =	vor.u32 v11, v7  }
0x306: {  	v15 =	vor.u32 v15, v2;
	_ =	sdelay $0x3  }
0x307: {  	[tilespmem:v14+s19+$0x0] =	vst.idx.msk $0xffff, v12  }
0x308: {  	v12 =	vld.idx.msk [tilespmem:v15+s13+$0x0], $0xffff  }
0x309: {  	v15 =	vld [tilespmem:$0x1FDA0];
	_ =	sdelay $0x3  }
0x30a: {  	v17 =	vld [tilespmem:$0x1FFF0];
	v14 =	vor.u32 v11, v5  }
0x30b: {  	v15 =	vor.u32 v15, v2;
	_ =	sdelay $0x2  }
0x30c: {  	v16 =	vor.u32 v31, v10  }
0x30d: {  	v17 =	vor.u32 v17, v0;
	[tilespmem:v14+s19+$0x0] =	vst.idx.msk $0xffff, v12  }
0x30e: {  	v12 =	vld.idx.msk [tilespmem:v15+s13+$0x0], $0xffff  }
0x30f: {  	v15 =	vld [tilespmem:$0x1FFF0];
	_ =	sdelay $0x1  }
0x310: {  	[tilespmem:v16+s19+$0x0] =	vst.idx.msk $0xffff, v13  }
0x311: {  	v10 =	vor.u32 v33, v10;
	v13 =	vld.idx.msk [tilespmem:v17+s13+$0x0], $0xffff  }
0x312: {  	v16 =	vor.u32 v20, v8;
	v14 =	vor.u32 v11, v4  }
0x313: {  	v15 =	vor.u32 v15, v2;
	_ =	sdelay $0x1  }
0x314: {  	v17 =	vadd.s32 s26, v18  }
0x315: {  	[tilespmem:v10+s19+$0x0] =	vst.idx.msk $0xffff, v13;
	v10 =	vand.u32 $0x3A8, v17  }
0x316: {  	v13 =	vld.idx.msk [tilespmem:v16+s13+$0x0], $0xffff;
	v16 =	vor.u32 v28, v10;
	[tilespmem:v14+s19+$0x0] =	vst.idx.msk $0xffff, v12  }
0x317: {  	v17 =	vor.u32 v21, v8;
	v11 =	vor.u32 v11, v3;
	v12 =	vld.idx.msk [tilespmem:v15+s13+$0x0], $0xffff  }
0x318: {  	v14 =	vor.u32 v20, v2;
	_ =	sdelay $0x2  }
0x319: {  	[tilespmem:v16+s19+$0x0] =	vst.idx.msk $0xffff, v13;
	v16 =	vor.u32 v19, v9  }
0x31a: {  	v13 =	vld.idx.msk [tilespmem:v17+s13+$0x0], $0xffff;
	v15 =	vor.u32 v30, v10;
	[tilespmem:v11+s19+$0x0] =	vst.idx.msk $0xffff, v12;
	v11 =	vand.u32 $0x3A8, v16  }
0x31b: {  	v17 =	vor.u32 v22, v8;
	v12 =	vld.idx.msk [tilespmem:v14+s13+$0x0], $0xffff;
	v14 =	vor.u32 v11, v7  }
0x31c: {  	v16 =	vor.u32 v21, v2;
	_ =	sdelay $0x2  }
0x31d: {  	[tilespmem:v15+s19+$0x0] =	vst.idx.msk $0xffff, v13  }
0x31e: {  	v15 =	vor.u32 v31, v10;
	v13 =	vld.idx.msk [tilespmem:v17+s13+$0x0], $0xffff;
	[tilespmem:v14+s19+$0x0] =	vst.idx.msk $0xffff, v12  }
0x31f: {  	v17 =	vor.u32 v23, v8;
	v14 =	vor.u32 v11, v5;
	v12 =	vld.idx.msk [tilespmem:v16+s13+$0x0], $0xffff  }
0x320: {  	v16 =	vor.u32 v22, v2;
	_ =	sdelay $0x2  }
0x321: {  	[tilespmem:v15+s19+$0x0] =	vst.idx.msk $0xffff, v13  }
0x322: {  	v10 =	vor.u32 v33, v10;
	v13 =	vld.idx.msk [tilespmem:v17+s13+$0x0], $0xffff;
	[tilespmem:v14+s19+$0x0] =	vst.idx.msk $0xffff, v12  }
0x323: {  	v15 =	vor.u32 v25, v0;
	v14 =	vor.u32 v11, v4;
	v12 =	vld.idx.msk [tilespmem:v16+s13+$0x0], $0xffff  }
0x324: {  	v16 =	vor.u32 v23, v2;
	_ =	sdelay $0x1  }
0x325: {  	v17 =	vor.u32 v24, v1  }
0x326: {  	[tilespmem:v10+s19+$0x0] =	vst.idx.msk $0xffff, v13;
	v10 =	vand.u32 $0x3B8, v17  }
0x327: {  	v13 =	vld.idx.msk [tilespmem:v15+s13+$0x0], $0xffff;
	v15 =	vor.u32 v28, v10;
	[tilespmem:v14+s19+$0x0] =	vst.idx.msk $0xffff, v12  }
0x328: {  	v17 =	vor.u32 v26, v0;
	v11 =	vor.u32 v11, v3;
	v12 =	vld.idx.msk [tilespmem:v16+s13+$0x0], $0xffff  }
0x329: {  	v14 =	vor.u32 v25, v2;
	_ =	sdelay $0x2  }
0x32a: {  	[tilespmem:v15+s19+$0x0] =	vst.idx.msk $0xffff, v13;
	v16 =	vor.u32 v24, v6  }
0x32b: {  	v15 =	vor.u32 v30, v10;
	v13 =	vld.idx.msk [tilespmem:v17+s13+$0x0], $0xffff;
	[tilespmem:v11+s19+$0x0] =	vst.idx.msk $0xffff, v12;
	v11 =	vand.u32 $0x3B8, v16  }
0x32c: {  	v17 =	vor.u32 v27, v0;
	v12 =	vld.idx.msk [tilespmem:v14+s13+$0x0], $0xffff;
	v14 =	vor.u32 v11, v7  }
0x32d: {  	v16 =	vor.u32 v26, v2;
	_ =	sdelay $0x2  }
0x32e: {  	[tilespmem:v15+s19+$0x0] =	vst.idx.msk $0xffff, v13  }
0x32f: {  	v15 =	vor.u32 v31, v10;
	v13 =	vld.idx.msk [tilespmem:v17+s13+$0x0], $0xffff;
	[tilespmem:v14+s19+$0x0] =	vst.idx.msk $0xffff, v12  }
0x330: {  	v17 =	vor.u32 v34, v0;
	v14 =	vor.u32 v11, v5;
	v12 =	vld.idx.msk [tilespmem:v16+s13+$0x0], $0xffff  }
0x331: {  	v16 =	vor.u32 v27, v2;
	_ =	sdelay $0x2  }
0x332: {  	[tilespmem:v15+s19+$0x0] =	vst.idx.msk $0xffff, v13  }
0x333: {  	v10 =	vor.u32 v33, v10;
	v13 =	vld.idx.msk [tilespmem:v17+s13+$0x0], $0xffff;
	[tilespmem:v14+s19+$0x0] =	vst.idx.msk $0xffff, v12  }
0x334: {  	v15 =	vor.u32 v37, v8;
	v14 =	vor.u32 v11, v4;
	v12 =	vld.idx.msk [tilespmem:v16+s13+$0x0], $0xffff  }
0x335: {  	v16 =	vor.u32 v34, v2;
	_ =	sdelay $0x2  }
0x336: {  	s29 =	sor.u32 $0x2, s26;
	[tilespmem:v10+s19+$0x0] =	vst.idx.msk $0xffff, v13  }
0x337: {  	v24 =	vadd.s32 s29, v29;
	v13 =	vld.idx.msk [tilespmem:v15+s13+$0x0], $0xffff;
	[tilespmem:v14+s19+$0x0] =	vst.idx.msk $0xffff, v12  }
0x338: {  	v11 =	vor.u32 v11, v3;
	v15 =	vand.u32 $0xF, v24;
	v12 =	vld.idx.msk [tilespmem:v16+s13+$0x0], $0xffff  }
0x339: {  	v21 =	vld [tilespmem:$0x1FF70];
	v52 =	vshll.u32 v15, $0x6  }
0x33a: {  	v17 =	vadd.s32 s26, v35;
	v16 =	vor.u32 v29, v52  }
0x33b: {  	v10 =	vand.u32 $0x3C8, v17  }
0x33c: {  	v18 =	vor.u32 v38, v8;
	v19 =	vor.u32 v36, v9;
	v17 =	vor.u32 v28, v10  }
0x33d: {  	[tilespmem:v11+s19+$0x0] =	vst.idx.msk $0xffff, v12;
	v11 =	vand.u32 $0x3C8, v19;
	v12 =	vor.u32 v32, v15;
	v19 =	vand.u32 $0x7, v24  }
0x33e: {  	v14 =	vor.u32 v37, v2;
	v12 =	vand.u32 $0x388, v12;
	v57 =	vor.u32 v21, v19  }
0x33f: {  	v16 =	vld.idx.msk [tilespmem:v16+s13+$0x0], $0xffff;
	v22 =	vor.u32 v12, v57;
	_ =	sdelay $0x1  }
0x340: {  	[tilespmem:v17+s19+$0x0] =	vst.idx.msk $0xffff, v13  }
0x341: {  	v17 =	vor.u32 v30, v10;
	v13 =	vld.idx.msk [tilespmem:v18+s13+$0x0], $0xffff  }
0x342: {  	v18 =	vor.u32 v47, v8;
	v14 =	vld.idx.msk [tilespmem:v14+s13+$0x0], $0xffff;
	v20 =	vor.u32 v11, v7  }
0x343: {  	v21 =	vor.u32 v38, v2;
	[tilespmem:v22+s19+$0x0] =	vst.idx.msk $0xffff, v16;
	v16 =	vld [tilespmem:$0x1FFB0]  }
0x344: {  	v23 =	vor.u32 v41, v52;
	_ =	sdelay $0x1  }
0x345: {  	[tilespmem:v17+s19+$0x0] =	vst.idx.msk $0xffff, v13  }
0x346: {  	v13 =	vld.idx.msk [tilespmem:v18+s13+$0x0], $0xffff;
	[tilespmem:v20+s19+$0x0] =	vst.idx.msk $0xffff, v14  }
0x347: {  	v17 =	vor.u32 v31, v10;
	v14 =	vld.idx.msk [tilespmem:v21+s13+$0x0], $0xffff;
	v55 =	vor.u32 v16, v19  }
0x348: {  	v18 =	vor.u32 v39, v8;
	v21 =	vld.idx.msk [tilespmem:v23+s13+$0x0], $0xffff;
	v22 =	vor.u32 v12, v55  }
0x349: {  	v20 =	vor.u32 v11, v5;
	v23 =	vor.u32 v46, v52;
	_ =	sdelay $0x2  }
0x34a: {  	[tilespmem:v17+s19+$0x0] =	vst.idx.msk $0xffff, v13  }
0x34b: {  	v13 =	vld.idx.msk [tilespmem:v18+s13+$0x0], $0xffff;
	v16 =	vor.u32 v47, v2;
	[tilespmem:v22+s19+$0x0] =	vst.idx.msk $0xffff, v21  }
0x34c: {  	v10 =	vor.u32 v33, v10;
	[tilespmem:v20+s19+$0x0] =	vst.idx.msk $0xffff, v14;
	v20 =	vld.idx.msk [tilespmem:v23+s13+$0x0], $0xffff  }
0x34d: {  	v17 =	vor.u32 v42, v0;
	v23 =	vld [tilespmem:$0x1FD80];
	_ =	sdelay $0x2  }
0x34e: {  	v54 =	vor.u32 v53, v19;
	v14 =	vld.idx.msk [tilespmem:v16+s13+$0x0], $0xffff;
	v16 =	vor.u32 v11, v4;
	v22 =	vor.u32 v40, v1  }
0x34f: {  	v18 =	vor.u32 v39, v2;
	[tilespmem:v10+s19+$0x0] =	vst.idx.msk $0xffff, v13;
	v21 =	vor.u32 v12, v54;
	v10 =	vand.u32 $0x3D8, v22  }
0x350: {  	v13 =	vld.idx.msk [tilespmem:v17+s13+$0x0], $0xffff;
	v17 =	vor.u32 v28, v10;
	v23 =	vor.u32 v23, v52  }
0x351: {  	v53 =	vor.u32 v62, v19;
	v19 =	vld [tilespmem:$0x1FDB0];
	v22 =	vor.u32 v43, v0;
	_ =	sdelay $0x1  }
0x352: {  	[tilespmem:v16+s19+$0x0] =	vst.idx.msk $0xffff, v14  }
0x353: {  	v11 =	vor.u32 v11, v3;
	v14 =	vld.idx.msk [tilespmem:v18+s13+$0x0], $0xffff;
	[tilespmem:v21+s19+$0x0] =	vst.idx.msk $0xffff, v20  }
0x354: {  	v12 =	vor.u32 v12, v53;
	[tilespmem:v17+s19+$0x0] =	vst.idx.msk $0xffff, v13;
	v18 =	vld.idx.msk [tilespmem:v23+s13+$0x0], $0xffff  }
0x355: {  	v19 =	vor.u32 v19, v52;
	v13 =	vld.idx.msk [tilespmem:v22+s13+$0x0], $0xffff  }
0x356: {  	v22 =	vld [tilespmem:$0x1FD90];
	_ =	sdelay $0x1  }
0x357: {  	v16 =	vor.u32 v42, v2;
	[tilespmem:v11+s19+$0x0] =	vst.idx.msk $0xffff, v14;
	v14 =	vor.u32 v48, v24;
	v23 =	vld [tilespmem:$0x1FCE0]  }
0x358: {  	[tilespmem:v12+s19+$0x0] =	vst.idx.msk $0xffff, v18;
	v12 =	vand.u32 $0x398, v14  }
0x359: {  	v18 =	vld.idx.msk [tilespmem:v19+s13+$0x0], $0xffff;
	v19 =	vor.u32 v12, v57  }
0x35a: {  	v20 =	vor.u32 v40, v6;
	v22 =	vor.u32 v22, v52  }
0x35b: {  	v17 =	vor.u32 v30, v10;
	v11 =	vand.u32 $0x3D8, v20  }
0x35c: {  	v16 =	vld.idx.msk [tilespmem:v16+s13+$0x0], $0xffff;
	v20 =	vor.u32 v11, v7;
	v21 =	vor.u32 v23, v0  }
0x35d: {  	v14 =	vor.u32 v43, v2  }
0x35e: {  	[tilespmem:v19+s19+$0x0] =	vst.idx.msk $0xffff, v18  }
0x35f: {  	v19 =	vld.idx.msk [tilespmem:v22+s13+$0x0], $0xffff  }
0x360: {  	[tilespmem:v17+s19+$0x0] =	vst.idx.msk $0xffff, v13;
	v22 =	vld [tilespmem:$0x1FDA0]  }
0x361: {  	v17 =	vor.u32 v31, v10;
	[tilespmem:v20+s19+$0x0] =	vst.idx.msk $0xffff, v16;
	v13 =	vld.idx.msk [tilespmem:v21+s13+$0x0], $0xffff  }
0x362: {  	v16 =	vor.u32 v11, v5;
	v21 =	vor.u32 v45, v0;
	v14 =	vld.idx.msk [tilespmem:v14+s13+$0x0], $0xffff  }
0x363: {  	v18 =	vor.u32 v23, v2  }
0x364: {  	v20 =	vor.u32 v12, v55  }
0x365: {  	v22 =	vor.u32 v22, v52  }
0x366: {  	[tilespmem:v17+s19+$0x0] =	vst.idx.msk $0xffff, v13  }
0x367: {  	v10 =	vor.u32 v33, v10;
	[tilespmem:v16+s19+$0x0] =	vst.idx.msk $0xffff, v14;
	v13 =	vld.idx.msk [tilespmem:v21+s13+$0x0], $0xffff  }
0x368: {  	v17 =	vor.u32 v44, v8;
	v16 =	vor.u32 v11, v4;
	v14 =	vld.idx.msk [tilespmem:v18+s13+$0x0], $0xffff  }
0x369: {  	v18 =	vor.u32 v45, v2;
	[tilespmem:v20+s19+$0x0] =	vst.idx.msk $0xffff, v19  }
0x36a: {  	v19 =	vld.idx.msk [tilespmem:v22+s13+$0x0], $0xffff  }
0x36b: {  	v21 =	vadd.s32 s26, v49;
	v22 =	vld [tilespmem:$0x1FFF0]  }
0x36c: {  	[tilespmem:v10+s19+$0x0] =	vst.idx.msk $0xffff, v13;
	v10 =	vand.u32 $0x3E8, v21  }
0x36d: {  	[tilespmem:v16+s19+$0x0] =	vst.idx.msk $0xffff, v14;
	v13 =	vld.idx.msk [tilespmem:v17+s13+$0x0], $0xffff;
	v17 =	vor.u32 v28, v10  }
0x36e: {  	v11 =	vor.u32 v11, v3;
	v21 =	vor.u32 v58, v8;
	v14 =	vld.idx.msk [tilespmem:v18+s13+$0x0], $0xffff  }
0x36f: {  	s30 =	sor.u32 $0x3, s26;
	v20 =	vor.u32 v12, v54  }
0x370: {  	v61 =	vadd.s32 s30, v29;
	v22 =	vor.u32 v22, v52  }
0x371: {  	v56 =	vand.u32 $0xF, v61  }
0x372: {  	v25 =	vld [tilespmem:$0x1FF70];
	v58 =	vshll.u32 v56, $0x6;
	[tilespmem:v17+s19+$0x0] =	vst.idx.msk $0xffff, v13  }
0x373: {  	v13 =	vor.u32 v30, v10;
	[tilespmem:v11+s19+$0x0] =	vst.idx.msk $0xffff, v14;
	v14 =	vor.u32 v29, v58;
	v17 =	vld.idx.msk [tilespmem:v21+s13+$0x0], $0xffff  }
0x374: {  	v16 =	vor.u32 v44, v2;
	[tilespmem:v20+s19+$0x0] =	vst.idx.msk $0xffff, v19  }
0x375: {  	v12 =	vor.u32 v12, v53;
	v18 =	vld.idx.msk [tilespmem:v22+s13+$0x0], $0xffff  }
0x376: {  	v35 =	vmov v24;
	v24 =	vand.u32 $0x7, v61;
	v23 =	vor.u32 v32, v56  }
0x377: {  	v9 =	vor.u32 v51, v9;
	v63 =	vor.u32 v25, v24;
	v23 =	vand.u32 $0x388, v23;
	v19 =	vld [tilespmem:$0x1FDE0]  }
0x378: {  	v9 =	vand.u32 $0x3E8, v9;
	[tilespmem:v13+s19+$0x0] =	vst.idx.msk $0xffff, v17;
	v13 =	vld.idx.msk [tilespmem:v14+s13+$0x0], $0xffff;
	v14 =	vor.u32 v23, v63  }
0x379: {  	v16 =	vld.idx.msk [tilespmem:v16+s13+$0x0], $0xffff;
	v21 =	vor.u32 v9, v7  }
0x37a: {  	[tilespmem:v12+s19+$0x0] =	vst.idx.msk $0xffff, v18;
	v12 =	vld [tilespmem:$0x1FFE0]  }
0x37b: {  	v11 =	vld [tilespmem:$0x1FDD0]  }
0x37c: {  	v20 =	vor.u32 v59, v8  }
0x37d: {  	v19 =	vor.u32 v19, v52;
	[tilespmem:v14+s19+$0x0] =	vst.idx.msk $0xffff, v13;
	v13 =	vld [tilespmem:$0x1FFB0]  }
0x37e: {  	[tilespmem:v21+s19+$0x0] =	vst.idx.msk $0xffff, v16;
	v16 =	vor.u32 v41, v58  }
0x37f: {  	v12 =	vor.u32 v12, v2  }
0x380: {  	v11 =	vor.u32 v11, v15;
	v22 =	vld [tilespmem:$0x1FDF0]  }
0x381: {  	v11 =	vand.u32 $0x3A8, v11;
	v17 =	vld.idx.msk [tilespmem:v20+s13+$0x0], $0xffff;
	v20 =	vor.u32 v31, v10  }
0x382: {  	v18 =	vld.idx.msk [tilespmem:v19+s13+$0x0], $0xffff;
	v19 =	vor.u32 v11, v57;
	v62 =	vor.u32 v13, v24  }
0x383: {  	v13 =	vld.idx.msk [tilespmem:v16+s13+$0x0], $0xffff;
	v14 =	vor.u32 v23, v62  }
0x384: {  	v8 =	vor.u32 v60, v8;
	v21 =	vor.u32 v9, v5;
	v12 =	vld.idx.msk [tilespmem:v12+s13+$0x0], $0xffff  }
0x385: {  	v22 =	vor.u32 v22, v52  }
0x386: {  	v25 =	vld [tilespmem:$0x1FE00];
	[tilespmem:v20+s19+$0x0] =	vst.idx.msk $0xffff, v17  }
0x387: {  	[tilespmem:v19+s19+$0x0] =	vst.idx.msk $0xffff, v18;
	v18 =	vor.u32 v59, v2  }
0x388: {  	[tilespmem:v14+s19+$0x0] =	vst.idx.msk $0xffff, v13;
	v13 =	vld [tilespmem:$0x1FFC0]  }
0x389: {  	v10 =	vor.u32 v33, v10;
	v8 =	vld.idx.msk [tilespmem:v8+s13+$0x0], $0xffff;
	[tilespmem:v21+s19+$0x0] =	vst.idx.msk $0xffff, v12;
	v12 =	vor.u32 v46, v58  }
0x38a: {  	v19 =	vld.idx.msk [tilespmem:v22+s13+$0x0], $0xffff;
	v22 =	vor.u32 v11, v55  }
0x38b: {  	v25 =	vor.u32 v25, v52;
	v21 =	vld [tilespmem:$0x1FE10]  }
0x38c: {  	v17 =	vor.u32 v9, v4;
	v16 =	vld.idx.msk [tilespmem:v18+s13+$0x0], $0xffff  }
0x38d: {  	v18 =	vor.u32 v60, v2;
	v60 =	vor.u32 v13, v24;
	v13 =	vld [tilespmem:$0x1FF50]  }
0x38e: {  	[tilespmem:v10+s19+$0x0] =	vst.idx.msk $0xffff, v8;
	v10 =	vor.u32 v23, v60;
	v8 =	vld.idx.msk [tilespmem:v12+s13+$0x0], $0xffff  }
0x38f: {  	[tilespmem:v22+s19+$0x0] =	vst.idx.msk $0xffff, v19  }
0x390: {  	v20 =	vor.u32 v11, v54;
	v19 =	vld.idx.msk [tilespmem:v25+s13+$0x0], $0xffff  }
0x391: {  	v21 =	vor.u32 v21, v52;
	v12 =	vld [tilespmem:$0x1FD80];
	[tilespmem:v17+s19+$0x0] =	vst.idx.msk $0xffff, v16  }
0x392: {  	v9 =	vor.u32 v9, v3;
	v1 =	vor.u32 v13, v1;
	v13 =	vld.idx.msk [tilespmem:v18+s13+$0x0], $0xffff  }
0x393: {  	[tilespmem:v10+s19+$0x0] =	vst.idx.msk $0xffff, v8;
	v8 =	vld [tilespmem:$0x1FFD0];
	_ =	sdelay $0x1  }
0x394: {  	[tilespmem:v20+s19+$0x0] =	vst.idx.msk $0xffff, v19;
	v19 =	vld [tilespmem:$0x1FE30]  }
0x395: {  	v16 =	vld.idx.msk [tilespmem:v21+s13+$0x0], $0xffff  }
0x396: {  	v11 =	vor.u32 v11, v53;
	[tilespmem:v9+s19+$0x0] =	vst.idx.msk $0xffff, v13;
	v9 =	vld [tilespmem:$0x1FE20]  }
0x397: {  	v12 =	vor.u32 v12, v58;
	v59 =	vor.u32 v8, v24;
	v8 =	vld [tilespmem:$0x1FF50];
	_ =	sdelay $0x1  }
0x398: {  	v19 =	vor.u32 v19, v52  }
0x399: {  	v42 =	vor.u32 v50, v2;
	v20 =	vld [tilespmem:$0x1FF80]  }
0x39a: {  	v22 =	vor.u32 v50, v0;
	[tilespmem:v11+s19+$0x0] =	vst.idx.msk $0xffff, v16;
	v11 =	vld [tilespmem:$0x1FF80]  }
0x39b: {  	v9 =	vor.u32 v9, v35;
	v6 =	vor.u32 v8, v6;
	v8 =	vld.idx.msk [tilespmem:v12+s13+$0x0], $0xffff  }
0x39c: {  	v9 =	vand.u32 $0x3B8, v9;
	v12 =	vld [tilespmem:$0x1FDB0]  }
0x39d: {  	v13 =	vld.idx.msk [tilespmem:v19+s13+$0x0], $0xffff;
	v16 =	vor.u32 v9, v57;
	v6 =	vand.u32 $0x3F8, v6  }
0x39e: {  	v14 =	vand.u32 $0x3F8, v1;
	v1 =	vld.idx.msk [tilespmem:v42+s13+$0x0], $0xffff;
	v7 =	vor.u32 v6, v7  }
0x39f: {  	v17 =	vld.idx.msk [tilespmem:v22+s13+$0x0], $0xffff;
	v18 =	vor.u32 v28, v14;
	v11 =	vor.u32 v11, v2  }
0x3a0: {  	v10 =	vor.u32 v23, v59  }
0x3a1: {  	v12 =	vor.u32 v12, v58  }
0x3a2: {  	v43 =	vld [tilespmem:$0x1FD90];
	v20 =	vor.u32 v20, v0;
	[tilespmem:v16+s19+$0x0] =	vst.idx.msk $0xffff, v13  }
0x3a3: {  	v16 =	vld [tilespmem:$0x1FF90];
	[tilespmem:v7+s19+$0x0] =	vst.idx.msk $0xffff, v1  }
0x3a4: {  	[tilespmem:v18+s19+$0x0] =	vst.idx.msk $0xffff, v17;
	v18 =	vor.u32 v48, v61;
	v5 =	vor.u32 v6, v5;
	v11 =	vld.idx.msk [tilespmem:v11+s13+$0x0], $0xffff  }
0x3a5: {  	v21 =	vld [tilespmem:$0x1FF90];
	[tilespmem:v10+s19+$0x0] =	vst.idx.msk $0xffff, v8;
	v8 =	vand.u32 $0x398, v18  }
0x3a6: {  	v10 =	vld.idx.msk [tilespmem:v12+s13+$0x0], $0xffff;
	v12 =	vor.u32 v8, v63  }
0x3a7: {  	v17 =	vld.idx.msk [tilespmem:v20+s13+$0x0], $0xffff;
	v7 =	vor.u32 v43, v58  }
0x3a8: {  	s31 =	sor.u32 $0x4, s26;
	v24 =	vld [tilespmem:$0x1FF70];
	v16 =	vor.u32 v16, v2  }
0x3a9: {  	v37 =	vadd.s32 s31, v29;
	v20 =	vor.u32 v26, v52;
	v19 =	vor.u32 v30, v14;
	[tilespmem:v5+s19+$0x0] =	vst.idx.msk $0xffff, v11;
	v5 =	vld [tilespmem:$0x1FDA0]  }
0x3aa: {  	v21 =	vor.u32 v21, v0;
	v18 =	vand.u32 $0xF, v37  }
0x3ab: {  	v1 =	vshll.u32 v18, $0x6;
	[tilespmem:v12+s19+$0x0] =	vst.idx.msk $0xffff, v10  }
0x3ac: {  	v23 =	vor.u32 v8, v62;
	v13 =	vor.u32 v29, v1;
	v12 =	vand.u32 $0x7, v37;
	v7 =	vld.idx.msk [tilespmem:v7+s13+$0x0], $0xffff  }
0x3ad: {  	v4 =	vor.u32 v6, v4;
	v49 =	vor.u32 v24, v12;
	v24 =	vld.idx.msk [tilespmem:v16+s13+$0x0], $0xffff  }
0x3ae: {  	[tilespmem:v19+s19+$0x0] =	vst.idx.msk $0xffff, v17;
	v17 =	vld.idx.msk [tilespmem:v20+s13+$0x0], $0xffff;
	v5 =	vor.u32 v5, v58  }
0x3af: {  	v20 =	vld.idx.msk [tilespmem:v21+s13+$0x0], $0xffff;
	v10 =	vor.u32 v32, v18  }
0x3b0: {  	v19 =	vor.u32 v9, v55;
	v10 =	vand.u32 $0x388, v10;
	v16 =	vld [tilespmem:$0x1FFA0]  }
0x3b1: {  	v11 =	vld.idx.msk [tilespmem:v13+s13+$0x0], $0xffff;
	v13 =	vor.u32 v10, v49;
	[tilespmem:v23+s19+$0x0] =	vst.idx.msk $0xffff, v7  }
0x3b2: {  	v21 =	vor.u32 v27, v52;
	[tilespmem:v4+s19+$0x0] =	vst.idx.msk $0xffff, v24;
	v4 =	vld [tilespmem:$0x1FFF0]  }
0x3b3: {  	v7 =	vor.u32 v8, v60;
	v5 =	vld.idx.msk [tilespmem:v5+s13+$0x0], $0xffff  }
0x3b4: {  	v22 =	vor.u32 v31, v14  }
0x3b5: {  	[tilespmem:v19+s19+$0x0] =	vst.idx.msk $0xffff, v17;
	v0 =	vor.u32 v16, v0;
	v16 =	vld [tilespmem:$0x1FFA0]  }
0x3b6: {  	v17 =	vor.u32 v41, v1;
	[tilespmem:v13+s19+$0x0] =	vst.idx.msk $0xffff, v11;
	v11 =	vld [tilespmem:$0x1FFB0]  }
0x3b7: {  	v3 =	vor.u32 v6, v3;
	v19 =	vld.idx.msk [tilespmem:v21+s13+$0x0], $0xffff;
	v4 =	vor.u32 v4, v58  }
0x3b8: {  	v47 =	vmov v15;
	v6 =	vor.u32 v9, v53;
	v21 =	vor.u32 v9, v54;
	[tilespmem:v7+s19+$0x0] =	vst.idx.msk $0xffff, v5;
	v5 =	vld [tilespmem:$0x1FDE0]  }
0x3b9: {  	v45 =	vld [tilespmem:$0x1FD80];
	[tilespmem:v22+s19+$0x0] =	vst.idx.msk $0xffff, v20;
	v20 =	vor.u32 v34, v52;
	v9 =	vor.u32 v36, v47  }
0x3ba: {  	v22 =	vand.u32 $0x3C8, v9;
	v9 =	vld [tilespmem:$0x1FDD0]  }
0x3bb: {  	v2 =	vor.u32 v16, v2;
	v16 =	vor.u32 v11, v12;
	v11 =	vld.idx.msk [tilespmem:v17+s13+$0x0], $0xffff  }
0x3bc: {  	v44 =	vor.u32 v46, v1;
	v13 =	vor.u32 v10, v16;
	v4 =	vld.idx.msk [tilespmem:v4+s13+$0x0], $0xffff  }
0x3bd: {  	[tilespmem:v21+s19+$0x0] =	vst.idx.msk $0xffff, v19;
	v8 =	vor.u32 v8, v59;
	v25 =	vor.u32 v5, v58;
	v5 =	vld [tilespmem:$0x1FFC0]  }
0x3be: {  	v21 =	vld.idx.msk [tilespmem:v20+s13+$0x0], $0xffff  }
0x3bf: {  	s29 =	sor.u32 $0x5, s26;
	v17 =	vld.idx.msk [tilespmem:v0+s13+$0x0], $0xffff  }
0x3c0: {  	v51 =	vadd.s32 s29, v29;
	v9 =	vor.u32 v9, v56;
	v2 =	vld.idx.msk [tilespmem:v2+s13+$0x0], $0xffff  }
0x3c1: {  	v14 =	vor.u32 v33, v14;
	v20 =	vand.u32 $0xF, v51;
	v23 =	vand.u32 $0x3A8, v9;
	[tilespmem:v13+s19+$0x0] =	vst.idx.msk $0xffff, v11;
	v13 =	vld [tilespmem:$0x1FFD0]  }
0x3c2: {  	v9 =	vld.idx.msk [tilespmem:v44+s13+$0x0], $0xffff;
	[tilespmem:v8+s19+$0x0] =	vst.idx.msk $0xffff, v4;
	v4 =	vor.u32 v32, v20;
	v7 =	vor.u32 v5, v12  }
0x3c3: {  	v28 =	vand.u32 $0x388, v4;
	v4 =	vld [tilespmem:$0x1FF70];
	v5 =	vor.u32 v10, v7  }
0x3c4: {  	s31 =	sor.u32 $0x7, s26;
	v19 =	vld [tilespmem:$0x1FE90];
	[tilespmem:v6+s19+$0x0] =	vst.idx.msk $0xffff, v21  }
0x3c5: {  	v27 =	vshll.u32 v20, $0x6;
	[tilespmem:v3+s19+$0x0] =	vst.idx.msk $0xffff, v2;
	v2 =	vadd.s32 s31, v29  }
0x3c6: {  	[tilespmem:v14+s19+$0x0] =	vst.idx.msk $0xffff, v17;
	v17 =	vand.u32 $0x7, v51;
	v11 =	vor.u32 v45, v1;
	v21 =	vand.u32 $0xF, v2  }
0x3c7: {  	s30 =	sor.u32 $0x6, s26;
	v26 =	vor.u32 v13, v12;
	v12 =	vor.u32 v29, v27;
	v45 =	vshll.u32 v21, $0x6  }
0x3c8: {  	v0 =	vadd.s32 s30, v29;
	[tilespmem:v5+s19+$0x0] =	vst.idx.msk $0xffff, v9;
	v5 =	vor.u32 v4, v17;
	v4 =	vor.u32 v29, v45  }
0x3c9: {  	v24 =	vor.u32 v19, v52;
	v6 =	vld [tilespmem:$0x1FDB0];
	v19 =	vand.u32 $0xF, v0  }
0x3ca: {  	v25 =	vld.idx.msk [tilespmem:v25+s13+$0x0], $0xffff;
	v3 =	vor.u32 v10, v26;
	v10 =	vor.u32 v32, v19  }
0x3cb: {  	v30 =	vand.u32 $0x388, v10;
	v10 =	vld [tilespmem:$0x1FF70]  }
0x3cc: {  	[tilespmem:$0x1FCB0] =	vst v35;
	v8 =	vld.idx.msk [tilespmem:v12+s13+$0x0], $0xffff  }
0x3cd: {  	[tilespmem:$0x1FCA0] =	vst v15;
	v15 =	vmov v35;
	v35 =	vor.u32 v23, v63;
	v38 =	vshll.u32 v19, $0x6;
	v39 =	vld.idx.msk [tilespmem:v4+s13+$0x0], $0xffff  }
0x3ce: {  	v13 =	vor.u32 v29, v38;
	v9 =	vor.u32 v28, v5;
	v4 =	vld [tilespmem:$0x1FFB0]  }
0x3cf: {  	v12 =	vor.u32 v41, v27;
	v11 =	vld.idx.msk [tilespmem:v11+s13+$0x0], $0xffff  }
0x3d0: {  	v14 =	vor.u32 v32, v21  }
0x3d1: {  	v34 =	vand.u32 $0x388, v14;
	v14 =	vld [tilespmem:$0x1FF70]  }
0x3d2: {  	v6 =	vor.u32 v6, v1;
	v33 =	vor.u32 v41, v38;
	[tilespmem:v35+s19+$0x0] =	vst.idx.msk $0xffff, v25;
	v25 =	vld [tilespmem:$0x1FDF0];
	v29 =	vand.u32 $0x7, v0  }
0x3d3: {  	v13 =	vld.idx.msk [tilespmem:v13+s13+$0x0], $0xffff;
	v10 =	vor.u32 v10, v29;
	[tilespmem:v9+s19+$0x0] =	vst.idx.msk $0xffff, v8;
	v4 =	vor.u32 v4, v17  }
0x3d4: {  	v8 =	vor.u32 v41, v45;
	[tilespmem:v3+s19+$0x0] =	vst.idx.msk $0xffff, v11;
	v3 =	vld.idx.msk [tilespmem:v12+s13+$0x0], $0xffff;
	v41 =	vor.u32 v28, v4  }
0x3d5: {  	v32 =	vand.u32 $0x7, v2;
	v31 =	vor.u32 v30, v10;
	v12 =	vld [tilespmem:$0x1FD90]  }
0x3d6: {  	v14 =	vor.u32 v14, v32  }
0x3d7: {  	v47 =	vor.u32 v48, v37;
	v24 =	vld.idx.msk [tilespmem:v24+s13+$0x0], $0xffff;
	v40 =	vor.u32 v34, v14;
	v25 =	vor.u32 v25, v58  }
0x3d8: {  	v36 =	vand.u32 $0x398, v47;
	v6 =	vld.idx.msk [tilespmem:v6+s13+$0x0], $0xffff  }
0x3d9: {  	v42 =	vor.u32 v46, v27;
	v11 =	vor.u32 v36, v49;
	[tilespmem:v41+s19+$0x0] =	vst.idx.msk $0xffff, v3;
	v41 =	vld [tilespmem:$0x1FFC0]  }
0x3da: {  	v9 =	vld [tilespmem:$0x1FFB0];
	[tilespmem:v31+s19+$0x0] =	vst.idx.msk $0xffff, v13;
	v13 =	vor.u32 v12, v1  }
0x3db: {  	v33 =	vld.idx.msk [tilespmem:v33+s13+$0x0], $0xffff  }
0x3dc: {  	v25 =	vld.idx.msk [tilespmem:v25+s13+$0x0], $0xffff;
	[tilespmem:v40+s19+$0x0] =	vst.idx.msk $0xffff, v39  }
0x3dd: {  	v35 =	vld.idx.msk [tilespmem:v8+s13+$0x0], $0xffff  }
0x3de: {  	v31 =	vor.u32 v22, v57;
	[tilespmem:v11+s19+$0x0] =	vst.idx.msk $0xffff, v6;
	v6 =	vld.idx.msk [tilespmem:v42+s13+$0x0], $0xffff;
	v3 =	vor.u32 v41, v17  }
0x3df: {  	v9 =	vor.u32 v9, v29;
	v42 =	vld.idx.msk [tilespmem:v13+s13+$0x0], $0xffff;
	v41 =	vor.u32 v28, v3  }
0x3e0: {  	v43 =	vor.u32 v30, v9;
	v13 =	vld [tilespmem:$0x1FDA0]  }
0x3e1: {  	v8 =	vld [tilespmem:$0x1FD80]  }
0x3e2: {  	v12 =	vld [tilespmem:$0x1FFB0];
	v11 =	vor.u32 v36, v16  }
0x3e3: {  	v48 =	vor.u32 v46, v38;
	[tilespmem:v31+s19+$0x0] =	vst.idx.msk $0xffff, v24;
	v24 =	vld [tilespmem:$0x1FE00]  }
0x3e4: {  	[tilespmem:v41+s19+$0x0] =	vst.idx.msk $0xffff, v6;
	v6 =	vld [tilespmem:$0x1FFD0]  }
0x3e5: {  	[tilespmem:v43+s19+$0x0] =	vst.idx.msk $0xffff, v33;
	v43 =	vor.u32 v13, v1;
	v13 =	vld [tilespmem:$0x1FD80]  }
0x3e6: {  	v40 =	vor.u32 v46, v45;
	v46 =	vor.u32 v8, v27;
	v8 =	vld [tilespmem:$0x1FFC0]  }
0x3e7: {  	[tilespmem:v11+s19+$0x0] =	vst.idx.msk $0xffff, v42;
	v11 =	vld [tilespmem:$0x1FDB0]  }
0x3e8: {  	v12 =	vor.u32 v12, v32;
	v44 =	vld.idx.msk [tilespmem:v48+s13+$0x0], $0xffff  }
0x3e9: {  	v39 =	vor.u32 v34, v12;
	v6 =	vor.u32 v6, v17;
	v17 =	vld [tilespmem:$0x1FD80]  }
0x3ea: {  	v48 =	vor.u32 v13, v38;
	v13 =	vld [tilespmem:$0x1FFC0]  }
0x3eb: {  	v33 =	vor.u32 v23, v62;
	v8 =	vor.u32 v8, v29;
	v42 =	vld.idx.msk [tilespmem:v43+s13+$0x0], $0xffff  }
0x3ec: {  	v24 =	vor.u32 v24, v58;
	v47 =	vor.u32 v30, v8;
	v43 =	vor.u32 v11, v27;
	v11 =	vld [tilespmem:$0x1FFD0];
	_ =	sdelay $0x1  }
0x3ed: {  	[tilespmem:v39+s19+$0x0] =	vst.idx.msk $0xffff, v35;
	v39 =	vor.u32 v17, v45;
	v17 =	vld [tilespmem:$0x1FFF0]  }
0x3ee: {  	v13 =	vor.u32 v13, v32  }
0x3ef: {  	[tilespmem:v33+s19+$0x0] =	vst.idx.msk $0xffff, v25;
	v31 =	vld.idx.msk [tilespmem:v40+s13+$0x0], $0xffff;
	v35 =	vor.u32 v34, v13  }
0x3f0: {  	v24 =	vld.idx.msk [tilespmem:v24+s13+$0x0], $0xffff;
	[tilespmem:v47+s19+$0x0] =	vst.idx.msk $0xffff, v44;
	v11 =	vor.u32 v11, v29  }
0x3f1: {  	v29 =	vld.idx.msk [tilespmem:v48+s13+$0x0], $0xffff;
	v30 =	vor.u32 v30, v11  }
0x3f2: {  	v25 =	vor.u32 v17, v1;
	v17 =	vld [tilespmem:$0x1FDB0]  }
0x3f3: {  	v41 =	vld.idx.msk [tilespmem:v46+s13+$0x0], $0xffff  }
0x3f4: {  	v48 =	vld [tilespmem:$0x1FD70];
	v28 =	vor.u32 v28, v6;
	[tilespmem:v35+s19+$0x0] =	vst.idx.msk $0xffff, v31  }
0x3f5: {  	v40 =	vor.u32 v36, v7;
	v47 =	vld [tilespmem:$0x1FE10]  }
0x3f6: {  	[tilespmem:v30+s19+$0x0] =	vst.idx.msk $0xffff, v29;
	v30 =	vld [tilespmem:$0x1FEB0]  }
0x3f7: {  	v33 =	vor.u32 v17, v38;
	v17 =	vld [tilespmem:$0x1FFD0]  }
0x3f8: {  	v31 =	vor.u32 v23, v60;
	v35 =	vld.idx.msk [tilespmem:v39+s13+$0x0], $0xffff  }
0x3f9: {  	[tilespmem:v28+s19+$0x0] =	vst.idx.msk $0xffff, v41;
	v44 =	vld [tilespmem:$0x1FDB0]  }
0x3fa: {  	v46 =	vor.u32 v48, v51;
	[tilespmem:v40+s19+$0x0] =	vst.idx.msk $0xffff, v42;
	v40 =	vld.idx.msk [tilespmem:v43+s13+$0x0], $0xffff  }
0x3fb: {  	v28 =	vand.u32 $0x398, v46;
	v46 =	vor.u32 v48, v0;
	v39 =	vor.u32 v47, v58;
	v47 =	vld [tilespmem:$0x1FD90]  }
0x3fc: {  	v29 =	vand.u32 $0x398, v46;
	v46 =	vld [tilespmem:$0x1FD90];
	v30 =	vor.u32 v30, v52;
	v17 =	vor.u32 v17, v32  }
0x3fd: {  	[tilespmem:v31+s19+$0x0] =	vst.idx.msk $0xffff, v24;
	v24 =	vld [tilespmem:$0x1FDE0];
	v34 =	vor.u32 v34, v17  }
0x3fe: {  	v42 =	vor.u32 v29, v10;
	v33 =	vld.idx.msk [tilespmem:v33+s13+$0x0], $0xffff  }
0x3ff: {  	v25 =	vld.idx.msk [tilespmem:v25+s13+$0x0], $0xffff  }
0x400: {  	v41 =	vor.u32 v28, v5;
	v43 =	vor.u32 v47, v27;
	v47 =	vld [tilespmem:$0x1FE30]  }
0x401: {  	v36 =	vor.u32 v36, v26;
	v32 =	vor.u32 v44, v45;
	v44 =	vor.u32 v48, v2;
	v30 =	vld.idx.msk [tilespmem:v30+s13+$0x0], $0xffff  }
0x402: {  	v24 =	vor.u32 v24, v1;
	[tilespmem:v34+s19+$0x0] =	vst.idx.msk $0xffff, v35;
	v34 =	vand.u32 $0x398, v44;
	v44 =	vld [tilespmem:$0x1FD90]  }
0x403: {  	[tilespmem:v42+s19+$0x0] =	vst.idx.msk $0xffff, v33;
	v42 =	vld [tilespmem:$0x1FDA0]  }
0x404: {  	v46 =	vor.u32 v46, v38;
	v35 =	vld.idx.msk [tilespmem:v39+s13+$0x0], $0xffff  }
0x405: {  	v23 =	vor.u32 v23, v59;
	[tilespmem:v41+s19+$0x0] =	vst.idx.msk $0xffff, v40;
	v41 =	vor.u32 v47, v58;
	v47 =	vld [tilespmem:$0x1FDD0]  }
0x406: {  	[tilespmem:v36+s19+$0x0] =	vst.idx.msk $0xffff, v25;
	v31 =	vld.idx.msk [tilespmem:v32+s13+$0x0], $0xffff;
	v32 =	vor.u32 v34, v14  }
0x407: {  	v24 =	vld.idx.msk [tilespmem:v24+s13+$0x0], $0xffff;
	v39 =	vor.u32 v44, v45  }
0x408: {  	v43 =	vld.idx.msk [tilespmem:v43+s13+$0x0], $0xffff  }
0x409: {  	v36 =	vld.idx.msk [tilespmem:v46+s13+$0x0], $0xffff;
	v44 =	vor.u32 v28, v4  }
0x40a: {  	v40 =	vor.u32 v22, v55;
	v47 =	vor.u32 v47, v18;
	[tilespmem:v23+s19+$0x0] =	vst.idx.msk $0xffff, v35;
	v23 =	vld [tilespmem:$0x1FDF0]  }
0x40b: {  	v25 =	vand.u32 $0x3A8, v47;
	v47 =	vld [tilespmem:$0x1FDA0];
	[tilespmem:v32+s19+$0x0] =	vst.idx.msk $0xffff, v31  }
0x40c: {  	v31 =	vld.idx.msk [tilespmem:v39+s13+$0x0], $0xffff  }
0x40d: {  	v33 =	vor.u32 v42, v27;
	v42 =	vor.u32 v29, v9;
	v39 =	vld [tilespmem:$0x1FE20]  }
0x40e: {  	[tilespmem:v44+s19+$0x0] =	vst.idx.msk $0xffff, v43;
	v44 =	vld [tilespmem:$0x1FDA0]  }
0x40f: {  	[tilespmem:v40+s19+$0x0] =	vst.idx.msk $0xffff, v30;
	v30 =	vld [tilespmem:$0x1FE00];
	v46 =	vor.u32 v25, v49  }
0x410: {  	v32 =	vor.u32 v34, v12;
	v43 =	vld [tilespmem:$0x1FEA0]  }
0x411: {  	v41 =	vld.idx.msk [tilespmem:v41+s13+$0x0], $0xffff;
	v47 =	vor.u32 v47, v38  }
0x412: {  	[tilespmem:v42+s19+$0x0] =	vst.idx.msk $0xffff, v36;
	v42 =	vld [tilespmem:$0x1FFF0];
	v23 =	vor.u32 v23, v1  }
0x413: {  	v33 =	vld.idx.msk [tilespmem:v33+s13+$0x0], $0xffff;
	v35 =	vor.u32 v39, v61;
	v39 =	vor.u32 v44, v45;
	v44 =	vor.u32 v28, v3  }
0x414: {  	[tilespmem:v46+s19+$0x0] =	vst.idx.msk $0xffff, v24;
	v24 =	vld [tilespmem:$0x1FE40]  }
0x415: {  	v43 =	vor.u32 v43, v52;
	[tilespmem:v32+s19+$0x0] =	vst.idx.msk $0xffff, v31;
	v32 =	vld [tilespmem:$0x1FFF0]  }
0x416: {  	v35 =	vand.u32 $0x3B8, v35;
	v46 =	vld.idx.msk [tilespmem:v47+s13+$0x0], $0xffff;
	v47 =	vor.u32 v29, v8  }
0x417: {  	v42 =	vor.u32 v42, v27;
	v23 =	vld.idx.msk [tilespmem:v23+s13+$0x0], $0xffff;
	v36 =	vor.u32 v35, v63  }
0x418: {  	v31 =	vor.u32 v25, v16;
	[tilespmem:v44+s19+$0x0] =	vst.idx.msk $0xffff, v33;
	v44 =	vld [tilespmem:$0x1FFF0]  }
0x419: {  	v39 =	vld.idx.msk [tilespmem:v39+s13+$0x0], $0xffff  }
0x41a: {  	v40 =	vor.u32 v34, v13;
	v32 =	vor.u32 v32, v38;
	v43 =	vld.idx.msk [tilespmem:v43+s13+$0x0], $0xffff  }
0x41b: {  	v33 =	vor.u32 v22, v54;
	[tilespmem:v47+s19+$0x0] =	vst.idx.msk $0xffff, v46;
	v46 =	vld [tilespmem:$0x1FE10]  }
0x41c: {  	v28 =	vor.u32 v28, v6;
	[tilespmem:v36+s19+$0x0] =	vst.idx.msk $0xffff, v41;
	v36 =	vld.idx.msk [tilespmem:v42+s13+$0x0], $0xffff  }
0x41d: {  	[tilespmem:v31+s19+$0x0] =	vst.idx.msk $0xffff, v23;
	v31 =	vld [tilespmem:$0x1FDE0];
	v44 =	vor.u32 v44, v45  }
0x41e: {  	v41 =	vld [tilespmem:$0x1FDE0]  }
0x41f: {  	v30 =	vor.u32 v30, v1;
	v23 =	vld.idx.msk [tilespmem:v32+s13+$0x0], $0xffff;
	[tilespmem:v40+s19+$0x0] =	vst.idx.msk $0xffff, v39  }
0x420: {  	[tilespmem:v33+s19+$0x0] =	vst.idx.msk $0xffff, v43;
	v43 =	vld [tilespmem:$0x1FDD0]  }
0x421: {  	v24 =	vor.u32 v24, v58;
	[tilespmem:v28+s19+$0x0] =	vst.idx.msk $0xffff, v36;
	v36 =	vor.u32 v46, v1;
	v46 =	vld [tilespmem:$0x1FDD0]  }
0x422: {  	v29 =	vor.u32 v29, v11;
	v33 =	vld.idx.msk [tilespmem:v44+s13+$0x0], $0xffff  }
0x423: {  	v44 =	vld [tilespmem:$0x1FDE0]  }
0x424: {  	v34 =	vor.u32 v34, v17;
	v30 =	vld.idx.msk [tilespmem:v30+s13+$0x0], $0xffff  }
0x425: {  	v47 =	vld [tilespmem:$0x1FDD0]  }
0x426: {  	v24 =	vld.idx.msk [tilespmem:v24+s13+$0x0], $0xffff;
	v31 =	vor.u32 v31, v38;
	v39 =	vor.u32 v25, v7  }
0x427: {  	v41 =	vor.u32 v41, v27;
	v32 =	vor.u32 v43, v20;
	[tilespmem:v29+s19+$0x0] =	vst.idx.msk $0xffff, v23;
	v29 =	vld [tilespmem:$0x1FEC0]  }
0x428: {  	v28 =	vand.u32 $0x3A8, v32;
	v46 =	vor.u32 v46, v21;
	v32 =	vor.u32 v44, v45;
	v44 =	vld [tilespmem:$0x1FDF0]  }
0x429: {  	[tilespmem:v34+s19+$0x0] =	vst.idx.msk $0xffff, v33;
	v33 =	vand.u32 $0x3A8, v46;
	v46 =	vld [tilespmem:$0x1FE50]  }
0x42a: {  	v42 =	vor.u32 v47, v19;
	v47 =	vld [tilespmem:$0x1FDF0];
	v43 =	vor.u32 v35, v62  }
0x42b: {  	v31 =	vld.idx.msk [tilespmem:v31+s13+$0x0], $0xffff  }
0x42c: {  	[tilespmem:v39+s19+$0x0] =	vst.idx.msk $0xffff, v30;
	v40 =	vld.idx.msk [tilespmem:v41+s13+$0x0], $0xffff;
	v41 =	vor.u32 v28, v5;
	v29 =	vor.u32 v29, v52  }
0x42d: {  	v23 =	vand.u32 $0x3A8, v42;
	v36 =	vld.idx.msk [tilespmem:v36+s13+$0x0], $0xffff;
	v44 =	vor.u32 v44, v27  }
0x42e: {  	v42 =	vor.u32 v23, v10;
	v34 =	vor.u32 v46, v58;
	v46 =	vld [tilespmem:$0x1FDF0]  }
0x42f: {  	v47 =	vor.u32 v47, v38;
	[tilespmem:v43+s19+$0x0] =	vst.idx.msk $0xffff, v24;
	v24 =	vld [tilespmem:$0x1FE30]  }
0x430: {  	v30 =	vld.idx.msk [tilespmem:v32+s13+$0x0], $0xffff  }
0x431: {  	[tilespmem:v41+s19+$0x0] =	vst.idx.msk $0xffff, v40;
	v29 =	vld.idx.msk [tilespmem:v29+s13+$0x0], $0xffff  }
0x432: {  	v25 =	vor.u32 v25, v26;
	v40 =	vld.idx.msk [tilespmem:v44+s13+$0x0], $0xffff  }
0x433: {  	v22 =	vor.u32 v22, v53;
	[tilespmem:v42+s19+$0x0] =	vst.idx.msk $0xffff, v31;
	v39 =	vor.u32 v46, v45;
	v46 =	vld [tilespmem:$0x1FE00]  }
0x434: {  	v24 =	vor.u32 v24, v1;
	v44 =	vld.idx.msk [tilespmem:v47+s13+$0x0], $0xffff  }
0x435: {  	v32 =	vor.u32 v33, v14;
	v47 =	vld [tilespmem:$0x1FE20];
	_ =	sdelay $0x1  }
0x436: {  	[tilespmem:v25+s19+$0x0] =	vst.idx.msk $0xffff, v36  }
0x437: {  	[tilespmem:v22+s19+$0x0] =	vst.idx.msk $0xffff, v29;
	v22 =	vld [tilespmem:$0x1FE40]  }
0x438: {  	v41 =	vor.u32 v28, v4;
	v24 =	vld.idx.msk [tilespmem:v24+s13+$0x0], $0xffff  }
0x439: {  	[tilespmem:v32+s19+$0x0] =	vst.idx.msk $0xffff, v30;
	v43 =	vor.u32 v46, v27;
	v46 =	vld [tilespmem:$0x1FE60];
	v47 =	vor.u32 v47, v37  }
0x43a: {  	v36 =	vor.u32 v33, v12;
	v32 =	vld.idx.msk [tilespmem:v39+s13+$0x0], $0xffff;
	v25 =	vand.u32 $0x3B8, v47  }
0x43b: {  	v47 =	vld [tilespmem:$0x1FE00];
	v39 =	vor.u32 v25, v49  }
0x43c: {  	v34 =	vld.idx.msk [tilespmem:v34+s13+$0x0], $0xffff;
	v22 =	vor.u32 v22, v1  }
0x43d: {  	v30 =	vld [tilespmem:$0x1FE00];
	[tilespmem:v41+s19+$0x0] =	vst.idx.msk $0xffff, v40  }
0x43e: {  	v42 =	vor.u32 v46, v58;
	v46 =	vor.u32 v23, v9;
	v29 =	vld.idx.msk [tilespmem:v43+s13+$0x0], $0xffff  }
0x43f: {  	v31 =	vor.u32 v35, v60;
	[tilespmem:v36+s19+$0x0] =	vst.idx.msk $0xffff, v32;
	v36 =	vld [tilespmem:$0x1FE90]  }
0x440: {  	v40 =	vor.u32 v47, v45;
	v47 =	vld [tilespmem:$0x1FE10];
	[tilespmem:v39+s19+$0x0] =	vst.idx.msk $0xffff, v24  }
0x441: {  	v39 =	vld.idx.msk [tilespmem:v22+s13+$0x0], $0xffff  }
0x442: {  	v22 =	vld [tilespmem:$0x1FE10]  }
0x443: {  	v41 =	vor.u32 v28, v3;
	[tilespmem:v46+s19+$0x0] =	vst.idx.msk $0xffff, v44;
	v46 =	vld [tilespmem:$0x1FE50]  }
0x444: {  	v30 =	vor.u32 v30, v38;
	[tilespmem:v31+s19+$0x0] =	vst.idx.msk $0xffff, v34;
	v44 =	vld [tilespmem:$0x1FEE0]  }
0x445: {  	v34 =	vld.idx.msk [tilespmem:v42+s13+$0x0], $0xffff  }
0x446: {  	v43 =	vor.u32 v47, v27;
	v47 =	vld [tilespmem:$0x1FE10]  }
0x447: {  	v32 =	vor.u32 v36, v58;
	v24 =	vld.idx.msk [tilespmem:v40+s13+$0x0], $0xffff  }
0x448: {  	v36 =	vor.u32 v33, v13;
	[tilespmem:v41+s19+$0x0] =	vst.idx.msk $0xffff, v29;
	v41 =	vor.u32 v46, v1;
	v46 =	vld [tilespmem:$0x1FE30]  }
0x449: {  	v30 =	vld.idx.msk [tilespmem:v30+s13+$0x0], $0xffff;
	v29 =	vor.u32 v22, v45  }
0x44a: {  	v40 =	vor.u32 v25, v16;
	v22 =	vld [tilespmem:$0x1FED0];
	v44 =	vor.u32 v44, v52  }
0x44b: {  	v31 =	vor.u32 v23, v8;
	v43 =	vld.idx.msk [tilespmem:v43+s13+$0x0], $0xffff  }
0x44c: {  	v28 =	vor.u32 v28, v6;
	v42 =	vor.u32 v47, v38;
	v47 =	vld [tilespmem:$0x1FE80]  }
0x44d: {  	[tilespmem:v36+s19+$0x0] =	vst.idx.msk $0xffff, v24;
	v24 =	vld [tilespmem:$0x1FE20];
	v46 =	vor.u32 v46, v27  }
0x44e: {  	v29 =	vld.idx.msk [tilespmem:v29+s13+$0x0], $0xffff  }
0x44f: {  	[tilespmem:v40+s19+$0x0] =	vst.idx.msk $0xffff, v39;
	v44 =	vld.idx.msk [tilespmem:v44+s13+$0x0], $0xffff  }
0x450: {  	[tilespmem:v31+s19+$0x0] =	vst.idx.msk $0xffff, v30;
	v36 =	vld.idx.msk [tilespmem:v41+s13+$0x0], $0xffff  }
0x451: {  	v35 =	vor.u32 v35, v59;
	v31 =	vld.idx.msk [tilespmem:v42+s13+$0x0], $0xffff;
	[tilespmem:v28+s19+$0x0] =	vst.idx.msk $0xffff, v43  }
0x452: {  	v23 =	vor.u32 v23, v11;
	v39 =	vld.idx.msk [tilespmem:v46+s13+$0x0], $0xffff  }
0x453: {  	v46 =	vld [tilespmem:$0x1FE20]  }
0x454: {  	v42 =	vld [tilespmem:$0x1FE30]  }
0x455: {  	v28 =	vld [tilespmem:$0x1FE30]  }
0x456: {  	[tilespmem:v35+s19+$0x0] =	vst.idx.msk $0xffff, v34;
	v22 =	vor.u32 v22, v15;
	v34 =	vor.u32 v47, v56;
	v47 =	vld [tilespmem:$0x1FE40]  }
0x457: {  	v33 =	vor.u32 v33, v17;
	v22 =	vand.u32 $0x3D8, v22;
	[tilespmem:v23+s19+$0x0] =	vst.idx.msk $0xffff, v31;
	v31 =	vld [tilespmem:$0x1FE60]  }
0x458: {  	v30 =	vor.u32 v22, v57;
	v24 =	vor.u32 v24, v51;
	v41 =	vor.u32 v46, v0;
	v46 =	vld [tilespmem:$0x1FE20]  }
0x459: {  	v24 =	vand.u32 $0x3B8, v24  }
0x45a: {  	v40 =	vor.u32 v24, v5;
	v35 =	vor.u32 v42, v38  }
0x45b: {  	v32 =	vld.idx.msk [tilespmem:v32+s13+$0x0], $0xffff;
	v42 =	vor.u32 v25, v7;
	v43 =	vor.u32 v47, v27  }
0x45c: {  	[tilespmem:v33+s19+$0x0] =	vst.idx.msk $0xffff, v29;
	v29 =	vld [tilespmem:$0x1FE40];
	v28 =	vor.u32 v28, v45  }
0x45d: {  	[tilespmem:v30+s19+$0x0] =	vst.idx.msk $0xffff, v44;
	v30 =	vld [tilespmem:$0x1FEB0];
	v31 =	vor.u32 v31, v1;
	v46 =	vor.u32 v46, v2  }
0x45e: {  	v23 =	vand.u32 $0x3B8, v41;
	v33 =	vand.u32 $0x3B8, v46;
	v46 =	vld [tilespmem:$0x1FE40]  }
0x45f: {  	[tilespmem:v40+s19+$0x0] =	vst.idx.msk $0xffff, v39;
	v35 =	vld.idx.msk [tilespmem:v35+s13+$0x0], $0xffff;
	v41 =	vor.u32 v23, v10  }
0x460: {  	[tilespmem:v42+s19+$0x0] =	vst.idx.msk $0xffff, v36;
	v36 =	vld.idx.msk [tilespmem:v43+s13+$0x0], $0xffff;
	v42 =	vor.u32 v24, v4  }
0x461: {  	v29 =	vor.u32 v29, v38;
	v28 =	vld.idx.msk [tilespmem:v28+s13+$0x0], $0xffff  }
0x462: {  	v34 =	vand.u32 $0x3C8, v34;
	v31 =	vld.idx.msk [tilespmem:v31+s13+$0x0], $0xffff;
	v44 =	vor.u32 v33, v14  }
0x463: {  	v47 =	vor.u32 v34, v63;
	v39 =	vor.u32 v46, v45;
	v46 =	vld [tilespmem:$0x1FF20]  }
0x464: {  	v30 =	vor.u32 v30, v58;
	[tilespmem:v41+s19+$0x0] =	vst.idx.msk $0xffff, v35;
	v41 =	vld [tilespmem:$0x1FE90]  }
0x465: {  	[tilespmem:v42+s19+$0x0] =	vst.idx.msk $0xffff, v36;
	v42 =	vld [tilespmem:$0x1FE80]  }
0x466: {  	v29 =	vld.idx.msk [tilespmem:v29+s13+$0x0], $0xffff  }
0x467: {  	v35 =	vor.u32 v23, v9;
	[tilespmem:v44+s19+$0x0] =	vst.idx.msk $0xffff, v28;
	v44 =	vld [tilespmem:$0x1FEA0]  }
0x468: {  	v25 =	vor.u32 v25, v26;
	[tilespmem:v47+s19+$0x0] =	vst.idx.msk $0xffff, v32;
	v40 =	vor.u32 v46, v52;
	v46 =	vld [tilespmem:$0x1FE50]  }
0x469: {  	v30 =	vld.idx.msk [tilespmem:v30+s13+$0x0], $0xffff;
	v32 =	vor.u32 v41, v1  }
0x46a: {  	v36 =	vor.u32 v42, v18;
	v42 =	vld [tilespmem:$0x1FE50]  }
0x46b: {  	v47 =	vor.u32 v33, v12;
	v39 =	vld.idx.msk [tilespmem:v39+s13+$0x0], $0xffff  }
0x46c: {  	v41 =	vor.u32 v34, v62;
	[tilespmem:v35+s19+$0x0] =	vst.idx.msk $0xffff, v29;
	v29 =	vld [tilespmem:$0x1FE60]  }
0x46d: {  	[tilespmem:v25+s19+$0x0] =	vst.idx.msk $0xffff, v31;
	v44 =	vor.u32 v44, v58;
	v43 =	vor.u32 v46, v27;
	v46 =	vld [tilespmem:$0x1FE50]  }
0x46e: {  	v32 =	vld.idx.msk [tilespmem:v32+s13+$0x0], $0xffff  }
0x46f: {  	v28 =	vor.u32 v22, v55;
	v40 =	vld.idx.msk [tilespmem:v40+s13+$0x0], $0xffff  }
0x470: {  	[tilespmem:v47+s19+$0x0] =	vst.idx.msk $0xffff, v39;
	v47 =	vld [tilespmem:$0x1FE60]  }
0x471: {  	v42 =	vor.u32 v42, v45;
	[tilespmem:v41+s19+$0x0] =	vst.idx.msk $0xffff, v30;
	v30 =	vld [tilespmem:$0x1FEB0]  }
0x472: {  	v44 =	vld.idx.msk [tilespmem:v44+s13+$0x0], $0xffff;
	v46 =	vor.u32 v46, v38  }
0x473: {  	v25 =	vand.u32 $0x3C8, v36;
	v36 =	vor.u32 v24, v3;
	v31 =	vld.idx.msk [tilespmem:v43+s13+$0x0], $0xffff  }
0x474: {  	v43 =	vor.u32 v25, v49;
	[tilespmem:v28+s19+$0x0] =	vst.idx.msk $0xffff, v40;
	v28 =	vld [tilespmem:$0x1FEC0]  }
0x475: {  	v39 =	vor.u32 v47, v38;
	v47 =	vld [tilespmem:$0x1FE90]  }
0x476: {  	v29 =	vor.u32 v29, v27;
	v40 =	vld.idx.msk [tilespmem:v42+s13+$0x0], $0xffff  }
0x477: {  	v30 =	vor.u32 v30, v1;
	v35 =	vld.idx.msk [tilespmem:v46+s13+$0x0], $0xffff  }
0x478: {  	v46 =	vor.u32 v34, v60;
	[tilespmem:v36+s19+$0x0] =	vst.idx.msk $0xffff, v31;
	v31 =	vld [tilespmem:$0x1FE60]  }
0x479: {  	v42 =	vor.u32 v33, v13;
	[tilespmem:v43+s19+$0x0] =	vst.idx.msk $0xffff, v32;
	v43 =	vld [tilespmem:$0x1FEA0]  }
0x47a: {  	v41 =	vor.u32 v23, v8;
	v36 =	vor.u32 v47, v27;
	v47 =	vld [tilespmem:$0x1FE80]  }
0x47b: {  	v29 =	vld.idx.msk [tilespmem:v29+s13+$0x0], $0xffff  }
0x47c: {  	v28 =	vor.u32 v28, v58;
	v30 =	vld.idx.msk [tilespmem:v30+s13+$0x0], $0xffff  }
0x47d: {  	v24 =	vor.u32 v24, v6;
	[tilespmem:v46+s19+$0x0] =	vst.idx.msk $0xffff, v44;
	v46 =	vld [tilespmem:$0x1FCE0]  }
0x47e: {  	v32 =	vor.u32 v25, v16;
	[tilespmem:v42+s19+$0x0] =	vst.idx.msk $0xffff, v40;
	v44 =	vld [tilespmem:$0x1FE90]  }
0x47f: {  	[tilespmem:v41+s19+$0x0] =	vst.idx.msk $0xffff, v35;
	v42 =	vor.u32 v47, v20;
	v47 =	vld [tilespmem:$0x1FEB0]  }
0x480: {  	v31 =	vor.u32 v31, v45;
	v39 =	vld.idx.msk [tilespmem:v39+s13+$0x0], $0xffff  }
0x481: {  	v35 =	vor.u32 v43, v1;
	v28 =	vld.idx.msk [tilespmem:v28+s13+$0x0], $0xffff  }
0x482: {  	v23 =	vor.u32 v23, v11;
	[tilespmem:v24+s19+$0x0] =	vst.idx.msk $0xffff, v29;
	v24 =	vand.u32 $0x3C8, v42;
	v40 =	vor.u32 v46, v52;
	v46 =	vld [tilespmem:$0x1FE80]  }
0x483: {  	[tilespmem:v32+s19+$0x0] =	vst.idx.msk $0xffff, v30;
	v30 =	vld.idx.msk [tilespmem:v36+s13+$0x0], $0xffff;
	v32 =	vor.u32 v24, v5  }
0x484: {  	v29 =	vld [tilespmem:$0x1FE90];
	v41 =	vor.u32 v44, v38  }
0x485: {  	v31 =	vld.idx.msk [tilespmem:v31+s13+$0x0], $0xffff  }
0x486: {  	v35 =	vld.idx.msk [tilespmem:v35+s13+$0x0], $0xffff  }
0x487: {  	v34 =	vor.u32 v34, v59;
	v44 =	vld [tilespmem:$0x1FEE0];
	[tilespmem:v23+s19+$0x0] =	vst.idx.msk $0xffff, v39;
	v36 =	vor.u32 v46, v19  }
0x488: {  	v33 =	vor.u32 v33, v17;
	[tilespmem:v32+s19+$0x0] =	vst.idx.msk $0xffff, v30;
	v30 =	vld [tilespmem:$0x1FED0];
	v23 =	vand.u32 $0x3C8, v36  }
0x489: {  	v39 =	vld.idx.msk [tilespmem:v41+s13+$0x0], $0xffff;
	v41 =	vor.u32 v23, v10  }
0x48a: {  	v42 =	vor.u32 v47, v27;
	v46 =	vld [tilespmem:$0x1FE80]  }
0x48b: {  	v47 =	vld [tilespmem:$0x1FEC0]  }
0x48c: {  	v29 =	vor.u32 v29, v45;
	[tilespmem:v34+s19+$0x0] =	vst.idx.msk $0xffff, v28;
	v32 =	vld [tilespmem:$0x1FEB0]  }
0x48d: {  	[tilespmem:v33+s19+$0x0] =	vst.idx.msk $0xffff, v31;
	v40 =	vld.idx.msk [tilespmem:v40+s13+$0x0], $0xffff;
	v36 =	vor.u32 v44, v58  }
0x48e: {  	v33 =	vor.u32 v22, v54;
	v30 =	vor.u32 v30, v61;
	[tilespmem:v41+s19+$0x0] =	vst.idx.msk $0xffff, v39;
	v41 =	vld [tilespmem:$0x1FEA0]  }
0x48f: {  	v44 =	vor.u32 v25, v7;
	v28 =	vand.u32 $0x3D8, v30;
	v30 =	vld.idx.msk [tilespmem:v42+s13+$0x0], $0xffff;
	v43 =	vor.u32 v46, v21  }
0x490: {  	v34 =	vor.u32 v24, v4;
	v46 =	vld [tilespmem:$0x1FEB0];
	v31 =	vand.u32 $0x3C8, v43  }
0x491: {  	v29 =	vld.idx.msk [tilespmem:v29+s13+$0x0], $0xffff;
	v43 =	vor.u32 v47, v1;
	v47 =	vor.u32 v31, v14  }
0x492: {  	v36 =	vld.idx.msk [tilespmem:v36+s13+$0x0], $0xffff;
	v39 =	vor.u32 v28, v63  }
0x493: {  	[tilespmem:v33+s19+$0x0] =	vst.idx.msk $0xffff, v40;
	v41 =	vor.u32 v41, v27  }
0x494: {  	[tilespmem:v44+s19+$0x0] =	vst.idx.msk $0xffff, v35;
	v44 =	vld [tilespmem:$0x1FEF0]  }
0x495: {  	v40 =	vld [tilespmem:$0x1FF20];
	[tilespmem:v34+s19+$0x0] =	vst.idx.msk $0xffff, v30;
	v46 =	vor.u32 v46, v38  }
0x496: {  	[tilespmem:v47+s19+$0x0] =	vst.idx.msk $0xffff, v29;
	v47 =	vld [tilespmem:$0x1FEA0]  }
0x497: {  	v32 =	vor.u32 v32, v45;
	[tilespmem:v39+s19+$0x0] =	vst.idx.msk $0xffff, v36;
	v39 =	vld [tilespmem:$0x1FEE0]  }
0x498: {  	v36 =	vld.idx.msk [tilespmem:v41+s13+$0x0], $0xffff  }
0x499: {  	v35 =	vor.u32 v44, v52;
	v41 =	vld [tilespmem:$0x1FEC0]  }
0x49a: {  	v44 =	vor.u32 v23, v9;
	v42 =	vld.idx.msk [tilespmem:v46+s13+$0x0], $0xffff  }
0x49b: {  	v25 =	vor.u32 v25, v26;
	v29 =	vld.idx.msk [tilespmem:v43+s13+$0x0], $0xffff;
	v43 =	vor.u32 v47, v38  }
0x49c: {  	v33 =	vor.u32 v40, v58;
	v40 =	vor.u32 v31, v12;
	v32 =	vld.idx.msk [tilespmem:v32+s13+$0x0], $0xffff  }
0x49d: {  	v34 =	vor.u32 v39, v1;
	v39 =	vor.u32 v24, v3  }
0x49e: {  	v22 =	vor.u32 v22, v53;
	v35 =	vld.idx.msk [tilespmem:v35+s13+$0x0], $0xffff;
	v41 =	vor.u32 v41, v27  }
0x49f: {  	[tilespmem:v44+s19+$0x0] =	vst.idx.msk $0xffff, v42;
	v44 =	vld [tilespmem:$0x1FEC0]  }
0x4a0: {  	[tilespmem:v25+s19+$0x0] =	vst.idx.msk $0xffff, v29;
	v25 =	vld.idx.msk [tilespmem:v43+s13+$0x0], $0xffff  }
0x4a1: {  	[tilespmem:v40+s19+$0x0] =	vst.idx.msk $0xffff, v32;
	v43 =	vld [tilespmem:$0x1FED0]  }
0x4a2: {  	v30 =	vor.u32 v47, v45;
	v40 =	vld [tilespmem:$0x1FCE0];
	[tilespmem:v39+s19+$0x0] =	vst.idx.msk $0xffff, v36  }
0x4a3: {  	v29 =	vor.u32 v23, v8;
	[tilespmem:v22+s19+$0x0] =	vst.idx.msk $0xffff, v35;
	v35 =	vld.idx.msk [tilespmem:v41+s13+$0x0], $0xffff  }
0x4a4: {  	v44 =	vor.u32 v44, v38;
	v41 =	vld [tilespmem:$0x1FEE0]  }
0x4a5: {  	v33 =	vld.idx.msk [tilespmem:v33+s13+$0x0], $0xffff  }
0x4a6: {  	v39 =	vld [tilespmem:$0x1FEC0];
	v43 =	vor.u32 v43, v37  }
0x4a7: {  	v30 =	vld.idx.msk [tilespmem:v30+s13+$0x0], $0xffff;
	v32 =	vor.u32 v40, v58;
	v40 =	vand.u32 $0x3D8, v43;
	v43 =	vor.u32 v31, v13  }
0x4a8: {  	v24 =	vor.u32 v24, v6;
	v34 =	vld.idx.msk [tilespmem:v34+s13+$0x0], $0xffff;
	[tilespmem:v29+s19+$0x0] =	vst.idx.msk $0xffff, v25  }
0x4a9: {  	v36 =	vor.u32 v40, v49;
	v25 =	vld.idx.msk [tilespmem:v44+s13+$0x0], $0xffff;
	v41 =	vor.u32 v41, v27  }
0x4aa: {  	v44 =	vld [tilespmem:$0x1FED0]  }
0x4ab: {  	v22 =	vld [tilespmem:$0x1FF20];
	v39 =	vor.u32 v39, v45  }
0x4ac: {  	v42 =	vor.u32 v28, v62;
	[tilespmem:v43+s19+$0x0] =	vst.idx.msk $0xffff, v30;
	v30 =	vld [tilespmem:$0x1FED0]  }
0x4ad: {  	[tilespmem:v24+s19+$0x0] =	vst.idx.msk $0xffff, v35;
	v43 =	vld [tilespmem:$0x1FEF0]  }
0x4ae: {  	[tilespmem:v36+s19+$0x0] =	vst.idx.msk $0xffff, v34;
	v36 =	vld.idx.msk [tilespmem:v41+s13+$0x0], $0xffff  }
0x4af: {  	v41 =	vor.u32 v44, v0;
	v44 =	vld [tilespmem:$0x1FED0]  }
0x4b0: {  	v31 =	vor.u32 v31, v17;
	v34 =	vld.idx.msk [tilespmem:v39+s13+$0x0], $0xffff  }
0x4b1: {  	[tilespmem:v42+s19+$0x0] =	vst.idx.msk $0xffff, v33;
	v42 =	vld [tilespmem:$0x1FEE0];
	v22 =	vor.u32 v22, v1  }
0x4b2: {  	v15 =	vld [tilespmem:$0x1FCA0];
	v23 =	vor.u32 v23, v11;
	v30 =	vor.u32 v30, v51  }
0x4b3: {  	v29 =	vld.idx.msk [tilespmem:v32+s13+$0x0], $0xffff;
	v24 =	vand.u32 $0x3D8, v30  }
0x4b4: {  	v35 =	vor.u32 v43, v58;
	v43 =	vld [tilespmem:$0x1FF20];
	v39 =	vor.u32 v24, v5;
	v44 =	vor.u32 v44, v2  }
0x4b5: {  	[tilespmem:v31+s19+$0x0] =	vst.idx.msk $0xffff, v34;
	v34 =	vand.u32 $0x3D8, v44;
	v44 =	vld [tilespmem:$0x1FF10]  }
0x4b6: {  	v33 =	vor.u32 v42, v38;
	v22 =	vld.idx.msk [tilespmem:v22+s13+$0x0], $0xffff  }
0x4b7: {  	v32 =	vor.u32 v28, v60;
	[tilespmem:v23+s19+$0x0] =	vst.idx.msk $0xffff, v25;
	v25 =	vld [tilespmem:$0x1FCE0]  }
0x4b8: {  	v30 =	vld [tilespmem:$0x1FEE0]  }
0x4b9: {  	v42 =	vor.u32 v40, v16;
	v43 =	vor.u32 v43, v27;
	[tilespmem:v39+s19+$0x0] =	vst.idx.msk $0xffff, v36;
	v39 =	vld [tilespmem:$0x1FF20]  }
0x4ba: {  	v15 =	vor.u32 v44, v15;
	v44 =	vld [tilespmem:$0x1FF60]  }
0x4bb: {  	v33 =	vld.idx.msk [tilespmem:v33+s13+$0x0], $0xffff;
	v23 =	vand.u32 $0x3D8, v41  }
0x4bc: {  	[tilespmem:v32+s19+$0x0] =	vst.idx.msk $0xffff, v29;
	v41 =	vor.u32 v23, v10;
	v31 =	vld [tilespmem:$0x1FF20]  }
0x4bd: {  	v32 =	vld.idx.msk [tilespmem:v35+s13+$0x0], $0xffff  }
0x4be: {  	[tilespmem:v42+s19+$0x0] =	vst.idx.msk $0xffff, v22;
	v30 =	vor.u32 v30, v45;
	v22 =	vld.idx.msk [tilespmem:v43+s13+$0x0], $0xffff  }
0x4bf: {  	v35 =	vor.u32 v39, v45;
	v39 =	vor.u32 v24, v4;
	v36 =	vor.u32 v44, v52;
	v44 =	vld [tilespmem:$0x1FCE0]  }
0x4c0: {  	v46 =	vld [tilespmem:$0x1FD30];
	v25 =	vor.u32 v25, v1  }
0x4c1: {  	v28 =	vor.u32 v28, v59;
	[tilespmem:v41+s19+$0x0] =	vst.idx.msk $0xffff, v33;
	v41 =	vld [tilespmem:$0x1FEF0]  }
0x4c2: {  	v31 =	vor.u32 v31, v38;
	v43 =	vld [tilespmem:$0x1FCE0]  }
0x4c3: {  	v29 =	vld.idx.msk [tilespmem:v30+s13+$0x0], $0xffff;
	v30 =	vor.u32 v34, v14  }
0x4c4: {  	[tilespmem:v39+s19+$0x0] =	vst.idx.msk $0xffff, v22;
	v39 =	vor.u32 v44, v45;
	v44 =	vld [tilespmem:$0x1FF10]  }
0x4c5: {  	v25 =	vld.idx.msk [tilespmem:v25+s13+$0x0], $0xffff  }
0x4c6: {  	[tilespmem:v28+s19+$0x0] =	vst.idx.msk $0xffff, v32;
	v28 =	vld [tilespmem:$0x1FF60]  }
0x4c7: {  	v31 =	vld.idx.msk [tilespmem:v31+s13+$0x0], $0xffff  }
0x4c8: {  	v42 =	vor.u32 v40, v7;
	v43 =	vor.u32 v43, v27;
	[tilespmem:v30+s19+$0x0] =	vst.idx.msk $0xffff, v29;
	v30 =	vld [tilespmem:$0x1FCE0]  }
0x4c9: {  	v44 =	vor.u32 v44, v56;
	v56 =	vld [tilespmem:$0x1FEF0]  }
0x4ca: {  	v33 =	vor.u32 v41, v1;
	v32 =	vld.idx.msk [tilespmem:v35+s13+$0x0], $0xffff  }
0x4cb: {  	v41 =	vor.u32 v23, v9;
	v28 =	vor.u32 v28, v58;
	v22 =	vld [tilespmem:$0x1FFE0]  }
0x4cc: {  	v15 =	vand.u32 $0x3E8, v15;
	v35 =	vor.u32 v34, v12;
	v36 =	vld.idx.msk [tilespmem:v36+s13+$0x0], $0xffff  }
0x4cd: {  	[tilespmem:v42+s19+$0x0] =	vst.idx.msk $0xffff, v25;
	v29 =	vor.u32 v15, v57;
	v25 =	vld.idx.msk [tilespmem:v43+s13+$0x0], $0xffff  }
0x4ce: {  	v43 =	vor.u32 v56, v27;
	v56 =	vld [tilespmem:$0x1FEF0]  }
0x4cf: {  	v42 =	vor.u32 v24, v3;
	v33 =	vld.idx.msk [tilespmem:v33+s13+$0x0], $0xffff  }
0x4d0: {  	[tilespmem:v41+s19+$0x0] =	vst.idx.msk $0xffff, v31;
	v28 =	vld.idx.msk [tilespmem:v28+s13+$0x0], $0xffff  }
0x4d1: {  	v30 =	vor.u32 v30, v38;
	[tilespmem:v35+s19+$0x0] =	vst.idx.msk $0xffff, v32;
	v31 =	vand.u32 $0x3E8, v44;
	v44 =	vld [tilespmem:$0x1FF60]  }
0x4d2: {  	v22 =	vor.u32 v22, v52;
	[tilespmem:v29+s19+$0x0] =	vst.idx.msk $0xffff, v36;
	v29 =	vld [tilespmem:$0x1FFE0]  }
0x4d3: {  	v36 =	vld.idx.msk [tilespmem:v39+s13+$0x0], $0xffff;
	v35 =	vor.u32 v56, v38;
	v56 =	vor.u32 v34, v13  }
0x4d4: {  	[tilespmem:v42+s19+$0x0] =	vst.idx.msk $0xffff, v25;
	v25 =	vld [tilespmem:$0x1FF10]  }
0x4d5: {  	v42 =	vld [tilespmem:$0x1FEE0];
	v32 =	vor.u32 v31, v63  }
0x4d6: {  	v30 =	vld.idx.msk [tilespmem:v30+s13+$0x0], $0xffff;
	v41 =	vor.u32 v44, v1;
	v44 =	vor.u32 v23, v8  }
0x4d7: {  	v40 =	vor.u32 v40, v26;
	v22 =	vld.idx.msk [tilespmem:v22+s13+$0x0], $0xffff  }
0x4d8: {  	[tilespmem:v56+s19+$0x0] =	vst.idx.msk $0xffff, v36;
	v56 =	vld [tilespmem:$0x1FF60]  }
0x4d9: {  	v18 =	vor.u32 v25, v18;
	v25 =	vld [tilespmem:$0x1FEF0]  }
0x4da: {  	[tilespmem:v32+s19+$0x0] =	vst.idx.msk $0xffff, v28;
	v28 =	vld [tilespmem:$0x1FFE0]  }
0x4db: {  	[tilespmem:v44+s19+$0x0] =	vst.idx.msk $0xffff, v30;
	v44 =	vld [tilespmem:$0x1FF60]  }
0x4dc: {  	[tilespmem:v40+s19+$0x0] =	vst.idx.msk $0xffff, v33;
	v29 =	vor.u32 v29, v58;
	v33 =	vld.idx.msk [tilespmem:v43+s13+$0x0], $0xffff  }
0x4dd: {  	v36 =	vor.u32 v56, v38;
	v56 =	vld [tilespmem:$0x1FF10]  }
0x4de: {  	v43 =	vld [tilespmem:$0x1FF20]  }
0x4df: {  	v18 =	vand.u32 $0x3E8, v18;
	v25 =	vor.u32 v25, v45;
	v40 =	vld.idx.msk [tilespmem:v41+s13+$0x0], $0xffff  }
0x4e0: {  	v30 =	vor.u32 v18, v49;
	v41 =	vor.u32 v44, v27;
	v44 =	vld [tilespmem:$0x1FF30]  }
0x4e1: {  	v29 =	vld.idx.msk [tilespmem:v29+s13+$0x0], $0xffff;
	v28 =	vor.u32 v28, v1  }
0x4e2: {  	v24 =	vor.u32 v24, v6;
	v20 =	vor.u32 v56, v20;
	v56 =	vld [tilespmem:$0x1FF10]  }
0x4e3: {  	v23 =	vor.u32 v23, v11;
	v32 =	vld.idx.msk [tilespmem:v35+s13+$0x0], $0xffff  }
0x4e4: {  	v35 =	vor.u32 v15, v55;
	v25 =	vld.idx.msk [tilespmem:v25+s13+$0x0], $0xffff  }
0x4e5: {  	v34 =	vor.u32 v34, v17;
	[tilespmem:v30+s19+$0x0] =	vst.idx.msk $0xffff, v40;
	v39 =	vor.u32 v44, v52;
	v44 =	vld [tilespmem:$0x1FF60]  }
0x4e6: {  	v28 =	vld.idx.msk [tilespmem:v28+s13+$0x0], $0xffff  }
0x4e7: {  	[tilespmem:v24+s19+$0x0] =	vst.idx.msk $0xffff, v33;
	v19 =	vor.u32 v56, v19;
	v56 =	vld [tilespmem:$0x1FF10]  }
0x4e8: {  	v24 =	vor.u32 v31, v62;
	[tilespmem:v23+s19+$0x0] =	vst.idx.msk $0xffff, v32;
	v23 =	vld [tilespmem:$0x1FF30]  }
0x4e9: {  	[tilespmem:v35+s19+$0x0] =	vst.idx.msk $0xffff, v22;
	v22 =	vld [tilespmem:$0x1FF30]  }
0x4ea: {  	[tilespmem:v34+s19+$0x0] =	vst.idx.msk $0xffff, v25;
	v25 =	vor.u32 v18, v16;
	v20 =	vand.u32 $0x3E8, v20;
	v33 =	vor.u32 v44, v45;
	v44 =	vld [tilespmem:$0x1FFE0]  }
0x4eb: {  	v30 =	vld.idx.msk [tilespmem:v41+s13+$0x0], $0xffff;
	v40 =	vor.u32 v20, v5  }
0x4ec: {  	v21 =	vor.u32 v56, v21;
	v56 =	vld [tilespmem:$0x1FFE0]  }
0x4ed: {  	[tilespmem:v24+s19+$0x0] =	vst.idx.msk $0xffff, v29;
	v24 =	vld [tilespmem:$0x1FF40];
	v23 =	vor.u32 v23, v58  }
0x4ee: {  	v32 =	vld.idx.msk [tilespmem:v36+s13+$0x0], $0xffff  }
0x4ef: {  	v39 =	vld.idx.msk [tilespmem:v39+s13+$0x0], $0xffff;
	[tilespmem:v25+s19+$0x0] =	vst.idx.msk $0xffff, v28;
	v41 =	vor.u32 v44, v27  }
0x4f0: {  	v25 =	vld [tilespmem:$0x1FF40];
	[tilespmem:v40+s19+$0x0] =	vst.idx.msk $0xffff, v30;
	v30 =	vor.u32 v15, v54  }
0x4f1: {  	v34 =	vor.u32 v56, v38;
	v56 =	vld [tilespmem:$0x1FFE0]  }
0x4f2: {  	v22 =	vor.u32 v22, v1;
	v23 =	vld.idx.msk [tilespmem:v23+s13+$0x0], $0xffff;
	v19 =	vand.u32 $0x3E8, v19  }
0x4f3: {  	v33 =	vld.idx.msk [tilespmem:v33+s13+$0x0], $0xffff;
	v36 =	vor.u32 v19, v10;
	v21 =	vand.u32 $0x3E8, v21  }
0x4f4: {  	v24 =	vor.u32 v24, v52;
	v29 =	vld.idx.msk [tilespmem:v41+s13+$0x0], $0xffff;
	v35 =	vor.u32 v21, v14  }
0x4f5: {  	v41 =	vor.u32 v20, v4;
	[tilespmem:v30+s19+$0x0] =	vst.idx.msk $0xffff, v39;
	v30 =	vld [tilespmem:$0x1FF40]  }
0x4f6: {  	v40 =	vor.u32 v56, v45;
	v56 =	vld [tilespmem:$0x1FF30]  }
0x4f7: {  	v22 =	vld.idx.msk [tilespmem:v22+s13+$0x0], $0xffff  }
0x4f8: {  	v44 =	vld [tilespmem:$0x1FF60];
	[tilespmem:v36+s19+$0x0] =	vst.idx.msk $0xffff, v32;
	v32 =	vor.u32 v31, v60  }
0x4f9: {  	v25 =	vor.u32 v25, v58;
	v24 =	vld.idx.msk [tilespmem:v24+s13+$0x0], $0xffff;
	[tilespmem:v35+s19+$0x0] =	vst.idx.msk $0xffff, v33;
	v33 =	vor.u32 v18, v7  }
0x4fa: {  	[tilespmem:v41+s19+$0x0] =	vst.idx.msk $0xffff, v29;
	v41 =	vld [tilespmem:$0x1FD10];
	v30 =	vor.u32 v30, v1  }
0x4fb: {  	v36 =	vor.u32 v56, v27;
	v56 =	vld [tilespmem:$0x1FF30]  }
0x4fc: {  	v28 =	vld.idx.msk [tilespmem:v34+s13+$0x0], $0xffff;
	v34 =	vor.u32 v19, v9  }
0x4fd: {  	v29 =	vld [tilespmem:$0x1FF30];
	[tilespmem:v32+s19+$0x0] =	vst.idx.msk $0xffff, v23  }
0x4fe: {  	v25 =	vld.idx.msk [tilespmem:v25+s13+$0x0], $0xffff;
	[tilespmem:v33+s19+$0x0] =	vst.idx.msk $0xffff, v22  }
0x4ff: {  	v18 =	vor.u32 v18, v26;
	v30 =	vld.idx.msk [tilespmem:v30+s13+$0x0], $0xffff  }
0x500: {  	v39 =	vld.idx.msk [tilespmem:v40+s13+$0x0], $0xffff;
	v35 =	vor.u32 v56, v38  }
0x501: {  	[tilespmem:v34+s19+$0x0] =	vst.idx.msk $0xffff, v28;
	v28 =	vor.u32 v31, v59;
	v31 =	vld [tilespmem:$0x1FF40];
	v56 =	vor.u32 v21, v12  }
0x502: {  	v32 =	vor.u32 v20, v3;
	v23 =	vld.idx.msk [tilespmem:v36+s13+$0x0], $0xffff  }
0x503: {  	v15 =	vor.u32 v15, v53;
	v29 =	vor.u32 v29, v45;
	v40 =	vld [tilespmem:$0x1FED0]  }
0x504: {  	[tilespmem:v18+s19+$0x0] =	vst.idx.msk $0xffff, v30;
	v18 =	vld [tilespmem:$0x1FF50]  }
0x505: {  	v22 =	vld.idx.msk [tilespmem:v35+s13+$0x0], $0xffff  }
0x506: {  	v31 =	vor.u32 v31, v27;
	[tilespmem:v56+s19+$0x0] =	vst.idx.msk $0xffff, v39;
	v56 =	vld [tilespmem:$0x1FF40]  }
0x507: {  	[tilespmem:v32+s19+$0x0] =	vst.idx.msk $0xffff, v23;
	v23 =	vld [tilespmem:$0x1FF40]  }
0x508: {  	[tilespmem:v15+s19+$0x0] =	vst.idx.msk $0xffff, v24;
	v15 =	vld.idx.msk [tilespmem:v29+s13+$0x0], $0xffff  }
0x509: {  	v33 =	vor.u32 v19, v8;
	[tilespmem:v28+s19+$0x0] =	vst.idx.msk $0xffff, v25;
	v25 =	vor.u32 v50, v52;
	v29 =	vld [tilespmem:$0x1FCB0]  }
0x50a: {  	v24 =	vor.u32 v21, v13;
	v30 =	vld [tilespmem:$0x1FF80]  }
0x50b: {  	v20 =	vor.u32 v20, v6;
	v28 =	vld.idx.msk [tilespmem:v31+s13+$0x0], $0xffff  }
0x50c: {  	v36 =	vld [tilespmem:$0x1FE80];
	v34 =	vor.u32 v56, v38  }
0x50d: {  	v39 =	vld [tilespmem:$0x1FEC0];
	v23 =	vor.u32 v23, v45  }
0x50e: {  	v25 =	vld.idx.msk [tilespmem:v25+s13+$0x0], $0xffff;
	[tilespmem:v33+s19+$0x0] =	vst.idx.msk $0xffff, v22;
	v22 =	vor.u32 v50, v58;
	v18 =	vor.u32 v18, v29  }
0x50f: {  	v33 =	vld [tilespmem:$0x1FF80];
	[tilespmem:v24+s19+$0x0] =	vst.idx.msk $0xffff, v15;
	v15 =	vor.u32 v50, v1;
	v18 =	vand.u32 $0x3F8, v18  }
0x510: {  	[tilespmem:v20+s19+$0x0] =	vst.idx.msk $0xffff, v28;
	v20 =	vor.u32 v50, v27;
	v24 =	vor.u32 v18, v57;
	v57 =	vld [tilespmem:$0x1FF50]  }
0x511: {  	v29 =	vld.idx.msk [tilespmem:v34+s13+$0x0], $0xffff  }
0x512: {  	v23 =	vld.idx.msk [tilespmem:v23+s13+$0x0], $0xffff  }
0x513: {  	v22 =	vld.idx.msk [tilespmem:v22+s13+$0x0], $0xffff  }
0x514: {  	v19 =	vor.u32 v19, v11;
	v15 =	vld.idx.msk [tilespmem:v15+s13+$0x0], $0xffff  }
0x515: {  	v21 =	vor.u32 v21, v17;
	v20 =	vld.idx.msk [tilespmem:v20+s13+$0x0], $0xffff  }
0x516: {  	v31 =	vor.u32 v57, v61;
	v61 =	vor.u32 v57, v51;
	v51 =	vld [tilespmem:$0x1FF10]  }
0x517: {  	[tilespmem:v24+s19+$0x0] =	vst.idx.msk $0xffff, v25;
	v24 =	vld [tilespmem:$0x1FF80]  }
0x518: {  	v28 =	vand.u32 $0x3F8, v31;
	v31 =	vor.u32 v57, v37;
	v37 =	vld [tilespmem:$0x1FE90]  }
0x519: {  	[tilespmem:v19+s19+$0x0] =	vst.idx.msk $0xffff, v29;
	v29 =	vld [tilespmem:$0x1FF80]  }
0x51a: {  	v30 =	vor.u32 v30, v52;
	v32 =	vor.u32 v50, v38;
	[tilespmem:v21+s19+$0x0] =	vst.idx.msk $0xffff, v23;
	v21 =	vld [tilespmem:$0x1FF80]  }
0x51b: {  	v0 =	vor.u32 v57, v0;
	v2 =	vor.u32 v57, v2;
	v56 =	vor.u32 v28, v63;
	v63 =	vld [tilespmem:$0x1FF80]  }
0x51c: {  	v0 =	vand.u32 $0x3F8, v0;
	v31 =	vand.u32 $0x3F8, v31;
	v57 =	vor.u32 v28, v62;
	v62 =	vld [tilespmem:$0x1FFD0]  }
0x51d: {  	v19 =	vor.u32 v50, v45;
	v23 =	vand.u32 $0x3F8, v61;
	v10 =	vor.u32 v0, v10;
	v61 =	vld [tilespmem:$0x1FF90]  }
0x51e: {  	v9 =	vor.u32 v0, v9;
	v8 =	vor.u32 v0, v8;
	v0 =	vor.u32 v0, v11;
	v11 =	vld [tilespmem:$0x1FDA0]  }
0x51f: {  	v34 =	vor.u32 v31, v49;
	v49 =	vld [tilespmem:$0x1FF00]  }
0x520: {  	v5 =	vor.u32 v23, v5;
	v32 =	vld.idx.msk [tilespmem:v32+s13+$0x0], $0xffff  }
0x521: {  	v4 =	vor.u32 v23, v4;
	v3 =	vor.u32 v23, v3;
	v6 =	vor.u32 v23, v6;
	v23 =	vld [tilespmem:$0x1FE10]  }
0x522: {  	v19 =	vld.idx.msk [tilespmem:v19+s13+$0x0], $0xffff  }
0x523: {  	[tilespmem:v56+s19+$0x0] =	vst.idx.msk $0xffff, v22;
	v22 =	vld.idx.msk [tilespmem:v30+s13+$0x0], $0xffff  }
0x524: {  	v30 =	vor.u32 v33, v45;
	v33 =	vld [tilespmem:$0x1FD60]  }
0x525: {  	v35 =	vor.u32 v63, v27;
	v63 =	vor.u32 v31, v26;
	v26 =	vld [tilespmem:$0x1FE40]  }
0x526: {  	v16 =	vor.u32 v31, v16;
	v7 =	vor.u32 v31, v7;
	v31 =	vld [tilespmem:$0x1FD40]  }
0x527: {  	v29 =	vor.u32 v29, v58;
	[tilespmem:v34+s19+$0x0] =	vst.idx.msk $0xffff, v15;
	v34 =	vld [tilespmem:$0x1FE60]  }
0x528: {  	v21 =	vor.u32 v21, v1;
	v15 =	vld [tilespmem:$0x1FF90]  }
0x529: {  	[tilespmem:v5+s19+$0x0] =	vst.idx.msk $0xffff, v20;
	v5 =	vld [tilespmem:$0x1FF90]  }
0x52a: {  	v2 =	vand.u32 $0x3F8, v2;
	[tilespmem:v10+s19+$0x0] =	vst.idx.msk $0xffff, v32;
	v32 =	vld [tilespmem:$0x1FD50]  }
0x52b: {  	v14 =	vor.u32 v2, v14;
	v10 =	vld [tilespmem:$0x1FF90]  }
0x52c: {  	v24 =	vor.u32 v24, v38;
	v29 =	vld.idx.msk [tilespmem:v29+s13+$0x0], $0xffff  }
0x52d: {  	v25 =	vor.u32 v18, v55;
	v20 =	vld.idx.msk [tilespmem:v21+s13+$0x0], $0xffff  }
0x52e: {  	v21 =	vld.idx.msk [tilespmem:v35+s13+$0x0], $0xffff  }
0x52f: {  	v35 =	vld [tilespmem:$0x1FE70]  }
0x530: {  	[tilespmem:v14+s19+$0x0] =	vst.idx.msk $0xffff, v19;
	v14 =	vld [tilespmem:$0x1FF90]  }
0x531: {  	v19 =	vld.idx.msk [tilespmem:v24+s13+$0x0], $0xffff  }
0x532: {  	[tilespmem:v25+s19+$0x0] =	vst.idx.msk $0xffff, v22;
	v22 =	vld [tilespmem:$0x1FF90]  }
0x533: {  	v15 =	vor.u32 v15, v52;
	v24 =	vld.idx.msk [tilespmem:v30+s13+$0x0], $0xffff  }
0x534: {  	v5 =	vor.u32 v5, v58;
	v30 =	vld [tilespmem:$0x1FD20]  }
0x535: {  	v10 =	vor.u32 v10, v1;
	[tilespmem:v16+s19+$0x0] =	vst.idx.msk $0xffff, v20;
	v16 =	vld [tilespmem:$0x1FFA0]  }
0x536: {  	v12 =	vor.u32 v2, v12;
	v20 =	vor.u32 v28, v60;
	v60 =	vld [tilespmem:$0x1FF40]  }
0x537: {  	[tilespmem:v4+s19+$0x0] =	vst.idx.msk $0xffff, v21;
	v21 =	vld [tilespmem:$0x1FDF0]  }
0x538: {  	v14 =	vor.u32 v14, v27;
	[tilespmem:v57+s19+$0x0] =	vst.idx.msk $0xffff, v29;
	v15 =	vld.idx.msk [tilespmem:v15+s13+$0x0], $0xffff  }
0x539: {  	v22 =	vor.u32 v22, v38;
	v5 =	vld.idx.msk [tilespmem:v5+s13+$0x0], $0xffff  }
0x53a: {  	v10 =	vld.idx.msk [tilespmem:v10+s13+$0x0], $0xffff  }
0x53b: {  	v29 =	vor.u32 v61, v45;
	[tilespmem:v12+s19+$0x0] =	vst.idx.msk $0xffff, v24;
	v24 =	vld [tilespmem:$0x1FE20]  }
0x53c: {  	v25 =	vor.u32 v18, v54;
	v16 =	vor.u32 v16, v52;
	v52 =	vld [tilespmem:$0x1FFA0]  }
0x53d: {  	[tilespmem:v9+s19+$0x0] =	vst.idx.msk $0xffff, v19;
	v9 =	vld.idx.msk [tilespmem:v14+s13+$0x0], $0xffff  }
0x53e: {  	v14 =	vld.idx.msk [tilespmem:v22+s13+$0x0], $0xffff  }
0x53f: {  	v22 =	vld [tilespmem:$0x1FE00]  }
0x540: {  	v19 =	vld.idx.msk [tilespmem:v29+s13+$0x0], $0xffff  }
0x541: {  	[tilespmem:v25+s19+$0x0] =	vst.idx.msk $0xffff, v15;
	v25 =	vld [tilespmem:$0x1FE30]  }
0x542: {  	[tilespmem:v20+s19+$0x0] =	vst.idx.msk $0xffff, v5;
	v20 =	vld [tilespmem:$0x1FDE0]  }
0x543: {  	v5 =	vor.u32 v18, v53;
	v53 =	vld [tilespmem:$0x1FFC0]  }
0x544: {  	[tilespmem:v7+s19+$0x0] =	vst.idx.msk $0xffff, v10;
	v7 =	vor.u32 v28, v59;
	v59 =	vld [tilespmem:$0x1FF30]  }
0x545: {  	v28 =	vld [tilespmem:$0x1FD00]  }
0x546: {  	v13 =	vor.u32 v2, v13;
	v4 =	vor.u32 v52, v58;
	v58 =	vld [tilespmem:$0x1FFE0]  }
0x547: {  	v12 =	vor.u32 v52, v27;
	v27 =	vld [tilespmem:$0x1FE50]  }
0x548: {  	v1 =	vor.u32 v52, v1;
	v15 =	vor.u32 v52, v38;
	v38 =	vld [tilespmem:$0x1FEB0]  }
0x549: {  	v16 =	vld.idx.msk [tilespmem:v16+s13+$0x0], $0xffff  }
0x54a: {  	v18 =	vor.u32 v52, v45;
	v45 =	vld [tilespmem:$0x1FEF0]  }
0x54b: {  	[tilespmem:v13+s19+$0x0] =	vst.idx.msk $0xffff, v19;
	v19 =	vld [tilespmem:$0x1FDD0]  }
0x54c: {  	v4 =	vld.idx.msk [tilespmem:v4+s13+$0x0], $0xffff  }
0x54d: {  	[tilespmem:v3+s19+$0x0] =	vst.idx.msk $0xffff, v9;
	v1 =	vld.idx.msk [tilespmem:v1+s13+$0x0], $0xffff  }
0x54e: {  	[tilespmem:v8+s19+$0x0] =	vst.idx.msk $0xffff, v14;
	v8 =	vld.idx.msk [tilespmem:v12+s13+$0x0], $0xffff  }
0x54f: {  	v9 =	vld.idx.msk [tilespmem:v15+s13+$0x0], $0xffff  }
0x550: {  	v15 =	vld [tilespmem:$0x1FF70]  }
0x551: {  	p2 =	por p0, p0;
	v2 =	vor.u32 v2, v17;
	[tilespmem:v5+s19+$0x0] =	vst.idx.msk $0xffff, v16;
	v5 =	vld.idx.msk [tilespmem:v18+s13+$0x0], $0xffff  }
.Ltmp1:
0x552: {  	v16 =	vld [tilespmem:$0x1FFB0];
	[tilespmem:v7+s19+$0x0] =	vst.idx.msk $0xffff, v4;
	(pc) =	sbr.rel @p2 .LBB2_5-.Ltmp1, $4  }
0x553: {  	v18 =	vld [tilespmem:$0x1FDC0];
	[tilespmem:v63+s19+$0x0] =	vst.idx.msk $0xffff, v1  }
0x554: {  	v7 =	vld [tilespmem:$0x1FDB0];
	[tilespmem:v6+s19+$0x0] =	vst.idx.msk $0xffff, v8  }
0x555: {  	v6 =	vld [tilespmem:$0x1FD80];
	[tilespmem:v0+s19+$0x0] =	vst.idx.msk $0xffff, v9  }
0x556: {  	p0 =	por $0x0, $0x0;
	s26 =	simm.s32 $0x8;
	v29 =	vlaneseq.u32;
	v9 =	vld [tilespmem:$0x1FD90];
	[tilespmem:v2+s19+$0x0] =	vst.idx.msk $0xffff, v5  }
0x557: {  	s23 =	sadd.s32 $0x1, s23  }
0x558: {  	p0 =	sne.s32 s23, $0x64  }
.Ltmp2:
0x559: {  	_ = 	snop;
	(pc) =	sbr.rel @p0 .LBB2_2-.Ltmp2, $4  }
0x55a: {  	s24 =	sadd.s32 @!p1 $0x180, s24;
	s26 =	simm.s32 @!p1 $0x80;
	s28 =	simm.s32 @!p1 $0x8400  }
0x55b: {  	[tilespmem:s28], [sflag:$0x2] =	stream.indirect.gather @!p1 [hbm4b:s4+s26], $0x40, s24, s26, $0xb8;
	[tilespmem:$0xE400] =	vst v63  }
0x55c: {  	s31 =	sadd.s32 s25, s7  }
0x55d: {  	v63 =	vmov v50;
	[hbm4b:s31+s16] =	stream.strided.scatter [tilespmem:s19], [sflag:$0x4], $0x2000, s17, s16, $0x38;
	[tilespmem:$0xE400] =	vst v63  }
0x55e: {  	s22 =	sadd.s32 $0x1, s22  }
0x55f: {  	_ =	swait.ge [sflag:s20], $0x2000;
	p0 =	sne.s32 s22, s8  }
.Ltmp3:
0x560: {  	[sflag:s20] =	ssyncset.done $0x0;
	(pc) =	sbr.rel @p0 .LBB2_1-.Ltmp3, $4  }
0x561: {  	[sflag:s20] =	ssyncadd.s32 $0xFFFFE000  }
0x562: {  	_ =	swait.ge [sflag:s21], $0x2000  }
0x563: {  	[sflag:s21] =	ssyncset.done $0x0  }
0x564: {  	[sflag:s21] =	ssyncadd.s32 $0xFFFFE000  }
0x565: {  	_ =	sfence.sel $0x180000  }
0x566: {  	[bflag:$0x0] =	sbarrier.arrive $0xFFFF  }
0x567: {  	p0 =	sne.s32 s2, $0x0;
	_ =	strace $0x9000004A  }
0x568: {  	s0 =	sadd.s32 @!p0 $0x100000, s0;
	[bflag:$0x2] =	sbarrier.arrive $0xFFFF  }
0x569: {  	[sflag:s0] =	ssyncadd.tile.s32 @!p0 $0x1;
	_ =	shalt  }
.Lfunc_end2:
_tile_overlayer_lowered:
.L_overlay_start_2:
0x56a: {  	(tag) =	ssettag $0x2  }
0x56b: {  	s0 =	rddreg [dreg:$0x0];
	s2 =	stileid.u32  }
0x56c: {  	s1 =	rddreg [dreg:$0x1];
	p0 =	sne.s32 s2, $0x0  }
0x56d: {  	s3 =	rddreg [dreg:$0x2];
	[bflag:$0x3] =	sbarrier.arrive $0xFFFF;
	s2 =	simm.s32 @!p0 $0x1C05  }
0x56e: {  	[timem:s3], [sflag:s2] =	dma.local @!p0 [hbm:s0], s1  }
0x56f: {  	s0 =	simm.s32 @!p0 $0x5  }
0x570: {  	_ =	swait.ge @!p0 [sflag:s0], s1  }
0x571: {  	s1 =	ssub.s32 @!p0 $0x0, s1;
	[sflag:s0] =	ssyncset.done @!p0 $0x0  }
0x572: {  	[sflag:s0] =	ssyncadd.s32 @!p0 s1  }
0x573: {  	[bflag:$0x3] =	sbarrier.arrive $0xFFFF  }
0x574: {  	_ =	shalt  }

</sc_bundles>
